<compile_context>
chip_gen: v7x
topology: tpu7x:2x2x1
jax: 0.10.2.dev20260603
libtpu: 0.0.44.dev20260713+nightly
codegen_flags: <defaults>
</compile_context>

<pallas_src>
import functools

import jax
import jax.numpy as jnp
from jax import lax
from jax.experimental import pallas as pl
from jax.experimental.pallas import tpu as pltpu
from jax.experimental.pallas import tpu_sc as plsc

BATCH = 16384
FIELDS = 26
EMBEDDING_SIZE = 32
CARD = 1000000

NC = 2
NS = 16
NW = NC * NS

D = EMBEDDING_SIZE
W4 = CARD // 4
BPW = BATCH // NW
CB = 128
NCB = BPW // CB
NCHUNK = FIELDS * NCB
NBUF = 4
L = 16
assert BPW * NW == BATCH and (NCHUNK - 4) % 2 == 0


def _gather_kernel(idxt_hbm, w4_hbm, out_hbm, idxt_v, g_v, rows4_v, fbuf_v,
                   gsem0, gsem1, osem0, osem1):
    wid = lax.axis_index("s") * NC + lax.axis_index("c")
    b0 = wid * BPW
    pltpu.sync_copy(idxt_hbm.at[:, pl.ds(b0, BPW)], idxt_v)

    gsems = (gsem0, gsem1)
    osems = (osem0, osem1)

    def prep_gather(j, slot):
        f = j // NCB
        cb = lax.rem(j, NCB)
        for t in range(CB // L):
            g_v[slot, pl.ds(t * L, L)] = lax.shift_right_logical(
                idxt_v[f, pl.ds(cb * CB + t * L, L)], 2)

    def gather_chunk(slot, par):
        return pltpu.make_async_copy(
            w4_hbm.at[g_v.at[slot]], rows4_v.at[slot], gsems[par])

    def out_chunk(j, eslot, par):
        f = j // NCB
        cb = lax.rem(j, NCB)
        return pltpu.make_async_copy(
            fbuf_v.at[eslot],
            out_hbm.at[f, :, pl.ds(b0 + cb * CB, CB)], osems[par])

    lanes = lax.iota(jnp.int32, L)

    def extract(j, slot, eslot):
        f = j // NCB
        cb = lax.rem(j, NCB)
        rslot = rows4_v.at[slot]

        def grp(t, _):
            o = t * L
            r = idxt_v[f, pl.ds(cb * CB + o, L)]
            col0 = lax.bitwise_and(r, 3) * D
            row = lanes + o
            for e in range(D):
                vals = plsc.load_gather(rslot, [row, col0 + e])
                fbuf_v[eslot, e, pl.ds(o, L)] = vals
            return 0

        lax.fori_loop(0, CB // L, grp, 0)

    for j in (0, 1):
        prep_gather(j, j)
        gather_chunk(j, j).start()

    for j in (0, 1):
        gather_chunk(j, j % 2).wait()
        prep_gather(j + 2, j + 2)
        gather_chunk(j + 2, j % 2).start()
        extract(j, j, j % 2)
        out_chunk(j, j % 2, j % 2).start()

    def step(j, par):
        slot = lax.rem(j, NBUF)
        gather_chunk(slot, par).wait()
        out_chunk(j - 2, par, par).wait()
        nslot = lax.rem(j + 2, NBUF)
        prep_gather(j + 2, nslot)
        gather_chunk(nslot, par).start()
        extract(j, slot, par)
        out_chunk(j, par, par).start()

    def body(i, _):
        j = 2 + 2 * i
        step(j, 0)
        step(j + 1, 1)
        return 0

    lax.fori_loop(0, (NCHUNK - 4) // 2, body, 0)

    for j in (NCHUNK - 2, NCHUNK - 1):
        gather_chunk(j % NBUF, j % 2).wait()
        out_chunk(j - 2, j % 2, j % 2).wait()
        extract(j, j % NBUF, j % 2)
        out_chunk(j, j % 2, j % 2).start()
    for j in (NCHUNK - 2, NCHUNK - 1):
        out_chunk(j, j % 2, j % 2).wait()


@jax.jit
def kernel(inputs, weight):
    idxt = inputs.astype(jnp.int32).T
    w4 = weight.reshape(W4, 4 * D)
    mesh = plsc.VectorSubcoreMesh(core_axis_name="c", subcore_axis_name="s")
    out = pl.kernel(
        _gather_kernel,
        out_type=jax.ShapeDtypeStruct((FIELDS, D, BATCH), jnp.float32),
        mesh=mesh,
        scratch_types=[
            pltpu.VMEM((FIELDS, BPW), jnp.int32),
            pltpu.VMEM((NBUF, CB), jnp.int32),
            pltpu.VMEM((NBUF, CB, 4 * D), jnp.float32),
            pltpu.VMEM((2, D, CB), jnp.float32),
            pltpu.SemaphoreType.DMA,
            pltpu.SemaphoreType.DMA,
            pltpu.SemaphoreType.DMA,
            pltpu.SemaphoreType.DMA,
        ],
        compiler_params=pltpu.CompilerParams(needs_layout_passes=False),
    )(idxt, w4)
    return out.transpose(2, 0, 1)

# --- scband reference (transcript-rebuilt; emitter-appended) ---
"""Pipeline reference for scband-sparse-feature-layer-7834020348520 (READ-ONLY COPY).

The authoritative reference and input builder live on the scoring server;
editing this copy changes nothing except your own understanding.
"""

import jax, jax.numpy as jnp
import numpy as np

CARDINALITY = 1000000
EMBEDDING_SIZE = 32
BATCH = 16384
FIELDS = 26


def setup_inputs(seed: int = 0) -> dict:
    key = jax.random.key(seed)
    k_idx, k_w = jax.random.split(key)
    inputs = jax.random.randint(k_idx, (BATCH, FIELDS), 0, CARDINALITY, dtype=jnp.int64 if jax.config.jax_enable_x64 else jnp.int32)
    # nn.Embedding default init: N(0, 1)
    weight = jax.random.normal(k_w, (CARDINALITY, EMBEDDING_SIZE), dtype=jnp.float32)
    return {"inputs": inputs, "weight": weight}


def reference(inputs, weight):
    # SparseFeatureLayer.forward: embedding lookup
    embeddings = jnp.take(weight, inputs, axis=0)
    return embeddings

if __name__ == "__main__":
    import jax
    _d = setup_inputs()
    print(jax.jit(kernel)(*tuple(_d.values())))

</pallas_src>

<mosaic_0001>
#map = affine_map<(d0, d1) -> (0, 0)>
#map1 = affine_map<(d0, d1) -> (0, 0, 0)>
module attributes {stable_mosaic.version = 14 : i64} {
  func.func @_gather_kernel(%arg0: i32, %arg1: i32, %arg2: memref<26x16384xi32, #tpu.memory_space<hbm>>, %arg3: memref<250000x128xf32, #tpu.memory_space<hbm>>, %arg4: memref<26x32x16384xf32, #tpu.memory_space<hbm>>, %arg5: memref<26x512xi32, #tpu.memory_space<vmem>>, %arg6: memref<4x128xi32, #tpu.memory_space<vmem>>, %arg7: memref<4x128x128xf32, #tpu.memory_space<vmem>>, %arg8: memref<2x32x128xf32, #tpu.memory_space<vmem>>, %arg9: memref<!tpu.dma_semaphore, #tpu.memory_space<semaphore_mem>>, %arg10: memref<!tpu.dma_semaphore, #tpu.memory_space<semaphore_mem>>, %arg11: memref<!tpu.dma_semaphore, #tpu.memory_space<semaphore_mem>>, %arg12: memref<!tpu.dma_semaphore, #tpu.memory_space<semaphore_mem>>) attributes {dimension_semantics = [#tpu.dimension_semantics<core_parallel>, #tpu.dimension_semantics<subcore_parallel>], iteration_bounds = array<i64: 2, 16>, scalar_prefetch = 0 : i64, scratch_operands = 8 : i64, tpu.core_type = #tpu.core_type<sc_vector_subcore>, window_params = [{transform_indices = #map}, {transform_indices = #map}, {transform_indices = #map1}]} {
    %mul3A = arith.constant 2 : i32
    %mul3A_0 = arith.muli %arg1, %mul3A : i32
    %add3A = arith.addi %mul3A_0, %arg0 : i32
    %mul3A_1 = arith.constant 512 : i32
    %mul3A_2 = arith.muli %add3A, %mul3A_1 : i32
    "tpu.region"() ({
      %run_scoped3A = tpu.sem_alloc : memref<!tpu.dma_semaphore, #tpu.memory_space<semaphore_mem>>
      %dma_start3A_811 = arith.constant 0 : i32
      %dma_start3A_812 = tpu.memref_slice %arg2[%dma_start3A_811, %mul3A_2] : memref<26x16384xi32, #tpu.memory_space<hbm>> -> memref<26x512xi32, #tpu.memory_space<hbm>>
      %dma_start3A_813 = arith.constant 0 : i32
      %dma_start3A_814 = tpu.memref_slice %arg2[%dma_start3A_813, %mul3A_2] : memref<26x16384xi32, #tpu.memory_space<hbm>> -> memref<26x512xi32, #tpu.memory_space<hbm>>
      tpu.enqueue_dma source(%dma_start3A_814 : memref<26x512xi32, #tpu.memory_space<hbm>>) target(%arg5 : memref<26x512xi32, #tpu.memory_space<vmem>>) target_semaphore(%run_scoped3A : memref<!tpu.dma_semaphore, #tpu.memory_space<semaphore_mem>>)
      %dma_wait3A_815 = arith.constant 0 : i32
      %dma_wait3A_816 = tpu.memref_slice %arg2[%dma_wait3A_815, %mul3A_2] : memref<26x16384xi32, #tpu.memory_space<hbm>> -> memref<26x512xi32, #tpu.memory_space<hbm>>
      %dma_wait3A_817 = arith.constant 0 : i32
      %dma_wait3A_818 = tpu.memref_slice %arg2[%dma_wait3A_817, %mul3A_2] : memref<26x16384xi32, #tpu.memory_space<hbm>> -> memref<26x512xi32, #tpu.memory_space<hbm>>
      tpu.wait_dma2 semaphore(%run_scoped3A : memref<!tpu.dma_semaphore, #tpu.memory_space<semaphore_mem>>) src(%dma_wait3A_818 : memref<26x512xi32, #tpu.memory_space<hbm>>) dst(%arg5 : memref<26x512xi32, #tpu.memory_space<vmem>>)
      tpu.yield
    }) : () -> ()
    %iota3A = tpu.iota {dimensions = array<i32: 0>} : vector<16xi32>
    %rem3A = arith.constant 0 : i32
    %rem3A_3 = arith.constant 4 : i32
    %rem3A_4 = arith.remsi %rem3A, %rem3A_3 : i32
    %mul3A_5 = arith.constant 128 : i32
    %mul3A_6 = arith.muli %rem3A_4, %mul3A_5 : i32
    %add3A_7 = arith.constant 0 : i32
    %add3A_8 = arith.addi %mul3A_6, %add3A_7 : i32
    %get3A = arith.constant 0 : i32
    %get3A_9 = arith.index_cast %get3A : i32 to index
    %get3A_10 = arith.index_cast %add3A_8 : i32 to index
    %get3A_11 = tpu.vector_load %arg5[%get3A_9, %get3A_10] {strides = array<i32>} : memref<26x512xi32, #tpu.memory_space<vmem>>, vector<16xi32>,
    %shift_right_logical3A = arith.constant 2 : i32
    %shift_right_logical3A_12 = vector.broadcast %shift_right_logical3A : i32 to vector<16xi32>
    %shift_right_logical3A_13 = arith.shrui %get3A_11, %shift_right_logical3A_12 : vector<16xi32>
    %swap3A = arith.constant 0 : i32
    %swap3A_14 = arith.index_cast %swap3A : i32 to index
    %swap3A_15 = arith.constant 0 : index
    %swap3A_16 = tpu.vector_load %arg6[%swap3A_14, %swap3A_15] {strides = array<i32>} : memref<4x128xi32, #tpu.memory_space<vmem>>, vector<16xi32>,
    tpu.vector_store %arg6[%swap3A_14, %swap3A_15], %shift_right_logical3A_13 {strides = array<i32>} : memref<4x128xi32, #tpu.memory_space<vmem>>, vector<16xi32>,
    %mul3A_17 = arith.constant 128 : i32
    %mul3A_18 = arith.muli %rem3A_4, %mul3A_17 : i32
    %add3A_19 = arith.constant 16 : i32
    %add3A_20 = arith.addi %mul3A_18, %add3A_19 : i32
    %get3A_21 = arith.constant 0 : i32
    %get3A_22 = arith.index_cast %get3A_21 : i32 to index
    %get3A_23 = arith.index_cast %add3A_20 : i32 to index
    %get3A_24 = tpu.vector_load %arg5[%get3A_22, %get3A_23] {strides = array<i32>} : memref<26x512xi32, #tpu.memory_space<vmem>>, vector<16xi32>,
    %shift_right_logical3A_25 = arith.constant 2 : i32
    %shift_right_logical3A_26 = vector.broadcast %shift_right_logical3A_25 : i32 to vector<16xi32>
    %shift_right_logical3A_27 = arith.shrui %get3A_24, %shift_right_logical3A_26 : vector<16xi32>
    %swap3A_28 = arith.constant 0 : i32
    %swap3A_29 = arith.index_cast %swap3A_28 : i32 to index
    %swap3A_30 = arith.constant 16 : index
    %swap3A_31 = tpu.vector_load %arg6[%swap3A_29, %swap3A_30] {strides = array<i32>} : memref<4x128xi32, #tpu.memory_space<vmem>>, vector<16xi32>,
    tpu.vector_store %arg6[%swap3A_29, %swap3A_30], %shift_right_logical3A_27 {strides = array<i32>} : memref<4x128xi32, #tpu.memory_space<vmem>>, vector<16xi32>,
    %mul3A_32 = arith.constant 128 : i32
    %mul3A_33 = arith.muli %rem3A_4, %mul3A_32 : i32
    %add3A_34 = arith.constant 32 : i32
    %add3A_35 = arith.addi %mul3A_33, %add3A_34 : i32
    %get3A_36 = arith.constant 0 : i32
    %get3A_37 = arith.index_cast %get3A_36 : i32 to index
    %get3A_38 = arith.index_cast %add3A_35 : i32 to index
    %get3A_39 = tpu.vector_load %arg5[%get3A_37, %get3A_38] {strides = array<i32>} : memref<26x512xi32, #tpu.memory_space<vmem>>, vector<16xi32>,
    %shift_right_logical3A_40 = arith.constant 2 : i32
    %shift_right_logical3A_41 = vector.broadcast %shift_right_logical3A_40 : i32 to vector<16xi32>
    %shift_right_logical3A_42 = arith.shrui %get3A_39, %shift_right_logical3A_41 : vector<16xi32>
    %swap3A_43 = arith.constant 0 : i32
    %swap3A_44 = arith.index_cast %swap3A_43 : i32 to index
    %swap3A_45 = arith.constant 32 : index
    %swap3A_46 = tpu.vector_load %arg6[%swap3A_44, %swap3A_45] {strides = array<i32>} : memref<4x128xi32, #tpu.memory_space<vmem>>, vector<16xi32>,
    tpu.vector_store %arg6[%swap3A_44, %swap3A_45], %shift_right_logical3A_42 {strides = array<i32>} : memref<4x128xi32, #tpu.memory_space<vmem>>, vector<16xi32>,
    %mul3A_47 = arith.constant 128 : i32
    %mul3A_48 = arith.muli %rem3A_4, %mul3A_47 : i32
    %add3A_49 = arith.constant 48 : i32
    %add3A_50 = arith.addi %mul3A_48, %add3A_49 : i32
    %get3A_51 = arith.constant 0 : i32
    %get3A_52 = arith.index_cast %get3A_51 : i32 to index
    %get3A_53 = arith.index_cast %add3A_50 : i32 to index
    %get3A_54 = tpu.vector_load %arg5[%get3A_52, %get3A_53] {strides = array<i32>} : memref<26x512xi32, #tpu.memory_space<vmem>>, vector<16xi32>,
    %shift_right_logical3A_55 = arith.constant 2 : i32
    %shift_right_logical3A_56 = vector.broadcast %shift_right_logical3A_55 : i32 to vector<16xi32>
    %shift_right_logical3A_57 = arith.shrui %get3A_54, %shift_right_logical3A_56 : vector<16xi32>
    %swap3A_58 = arith.constant 0 : i32
    %swap3A_59 = arith.index_cast %swap3A_58 : i32 to index
    %swap3A_60 = arith.constant 48 : index
    %swap3A_61 = tpu.vector_load %arg6[%swap3A_59, %swap3A_60] {strides = array<i32>} : memref<4x128xi32, #tpu.memory_space<vmem>>, vector<16xi32>,
    tpu.vector_store %arg6[%swap3A_59, %swap3A_60], %shift_right_logical3A_57 {strides = array<i32>} : memref<4x128xi32, #tpu.memory_space<vmem>>, vector<16xi32>,
    %mul3A_62 = arith.constant 128 : i32
    %mul3A_63 = arith.muli %rem3A_4, %mul3A_62 : i32
    %add3A_64 = arith.constant 64 : i32
    %add3A_65 = arith.addi %mul3A_63, %add3A_64 : i32
    %get3A_66 = arith.constant 0 : i32
    %get3A_67 = arith.index_cast %get3A_66 : i32 to index
    %get3A_68 = arith.index_cast %add3A_65 : i32 to index
    %get3A_69 = tpu.vector_load %arg5[%get3A_67, %get3A_68] {strides = array<i32>} : memref<26x512xi32, #tpu.memory_space<vmem>>, vector<16xi32>,
    %shift_right_logical3A_70 = arith.constant 2 : i32
    %shift_right_logical3A_71 = vector.broadcast %shift_right_logical3A_70 : i32 to vector<16xi32>
    %shift_right_logical3A_72 = arith.shrui %get3A_69, %shift_right_logical3A_71 : vector<16xi32>
    %swap3A_73 = arith.constant 0 : i32
    %swap3A_74 = arith.index_cast %swap3A_73 : i32 to index
    %swap3A_75 = arith.constant 64 : index
    %swap3A_76 = tpu.vector_load %arg6[%swap3A_74, %swap3A_75] {strides = array<i32>} : memref<4x128xi32, #tpu.memory_space<vmem>>, vector<16xi32>,
    tpu.vector_store %arg6[%swap3A_74, %swap3A_75], %shift_right_logical3A_72 {strides = array<i32>} : memref<4x128xi32, #tpu.memory_space<vmem>>, vector<16xi32>,
    %mul3A_77 = arith.constant 128 : i32
    %mul3A_78 = arith.muli %rem3A_4, %mul3A_77 : i32
    %add3A_79 = arith.constant 80 : i32
    %add3A_80 = arith.addi %mul3A_78, %add3A_79 : i32
    %get3A_81 = arith.constant 0 : i32
    %get3A_82 = arith.index_cast %get3A_81 : i32 to index
    %get3A_83 = arith.index_cast %add3A_80 : i32 to index
    %get3A_84 = tpu.vector_load %arg5[%get3A_82, %get3A_83] {strides = array<i32>} : memref<26x512xi32, #tpu.memory_space<vmem>>, vector<16xi32>,
    %shift_right_logical3A_85 = arith.constant 2 : i32
    %shift_right_logical3A_86 = vector.broadcast %shift_right_logical3A_85 : i32 to vector<16xi32>
    %shift_right_logical3A_87 = arith.shrui %get3A_84, %shift_right_logical3A_86 : vector<16xi32>
    %swap3A_88 = arith.constant 0 : i32
    %swap3A_89 = arith.index_cast %swap3A_88 : i32 to index
    %swap3A_90 = arith.constant 80 : index
    %swap3A_91 = tpu.vector_load %arg6[%swap3A_89, %swap3A_90] {strides = array<i32>} : memref<4x128xi32, #tpu.memory_space<vmem>>, vector<16xi32>,
    tpu.vector_store %arg6[%swap3A_89, %swap3A_90], %shift_right_logical3A_87 {strides = array<i32>} : memref<4x128xi32, #tpu.memory_space<vmem>>, vector<16xi32>,
    %mul3A_92 = arith.constant 128 : i32
    %mul3A_93 = arith.muli %rem3A_4, %mul3A_92 : i32
    %add3A_94 = arith.constant 96 : i32
    %add3A_95 = arith.addi %mul3A_93, %add3A_94 : i32
    %get3A_96 = arith.constant 0 : i32
    %get3A_97 = arith.index_cast %get3A_96 : i32 to index
    %get3A_98 = arith.index_cast %add3A_95 : i32 to index
    %get3A_99 = tpu.vector_load %arg5[%get3A_97, %get3A_98] {strides = array<i32>} : memref<26x512xi32, #tpu.memory_space<vmem>>, vector<16xi32>,
    %shift_right_logical3A_100 = arith.constant 2 : i32
    %shift_right_logical3A_101 = vector.broadcast %shift_right_logical3A_100 : i32 to vector<16xi32>
    %shift_right_logical3A_102 = arith.shrui %get3A_99, %shift_right_logical3A_101 : vector<16xi32>
    %swap3A_103 = arith.constant 0 : i32
    %swap3A_104 = arith.index_cast %swap3A_103 : i32 to index
    %swap3A_105 = arith.constant 96 : index
    %swap3A_106 = tpu.vector_load %arg6[%swap3A_104, %swap3A_105] {strides = array<i32>} : memref<4x128xi32, #tpu.memory_space<vmem>>, vector<16xi32>,
    tpu.vector_store %arg6[%swap3A_104, %swap3A_105], %shift_right_logical3A_102 {strides = array<i32>} : memref<4x128xi32, #tpu.memory_space<vmem>>, vector<16xi32>,
    %mul3A_107 = arith.constant 128 : i32
    %mul3A_108 = arith.muli %rem3A_4, %mul3A_107 : i32
    %add3A_109 = arith.constant 112 : i32
    %add3A_110 = arith.addi %mul3A_108, %add3A_109 : i32
    %get3A_111 = arith.constant 0 : i32
    %get3A_112 = arith.index_cast %get3A_111 : i32 to index
    %get3A_113 = arith.index_cast %add3A_110 : i32 to index
    %get3A_114 = tpu.vector_load %arg5[%get3A_112, %get3A_113] {strides = array<i32>} : memref<26x512xi32, #tpu.memory_space<vmem>>, vector<16xi32>,
    %shift_right_logical3A_115 = arith.constant 2 : i32
    %shift_right_logical3A_116 = vector.broadcast %shift_right_logical3A_115 : i32 to vector<16xi32>
    %shift_right_logical3A_117 = arith.shrui %get3A_114, %shift_right_logical3A_116 : vector<16xi32>
    %swap3A_118 = arith.constant 0 : i32
    %swap3A_119 = arith.index_cast %swap3A_118 : i32 to index
    %swap3A_120 = arith.constant 112 : index
    %swap3A_121 = tpu.vector_load %arg6[%swap3A_119, %swap3A_120] {strides = array<i32>} : memref<4x128xi32, #tpu.memory_space<vmem>>, vector<16xi32>,
    tpu.vector_store %arg6[%swap3A_119, %swap3A_120], %shift_right_logical3A_117 {strides = array<i32>} : memref<4x128xi32, #tpu.memory_space<vmem>>, vector<16xi32>,
    %dma_start3A = arith.constant 0 : i32
    %dma_start3A_122 = arith.constant 0 : i32
    %dma_start3A_123 = arith.constant 0 : i32
    %dma_start3A_124 = arith.constant 0 : i32
    %dma_start3A_125 = tpu.memref_slice %arg7[%dma_start3A_122, %dma_start3A_123, %dma_start3A_124] : memref<4x128x128xf32, #tpu.memory_space<vmem>> -> memref<1x128x128xf32, #tpu.memory_space<vmem>>
    %dma_start3A_126 = tpu.memref_squeeze %dma_start3A_125 : memref<1x128x128xf32, #tpu.memory_space<vmem>> -> memref<128x128xf32, #tpu.memory_space<vmem>>
    %dma_start3A_127 = arith.constant 0 : i32
    %dma_start3A_128 = tpu.memref_slice %arg6[%dma_start3A, %dma_start3A_127] : memref<4x128xi32, #tpu.memory_space<vmem>> -> memref<1x128xi32, #tpu.memory_space<vmem>>
    %dma_start3A_129 = tpu.memref_squeeze %dma_start3A_128 : memref<1x128xi32, #tpu.memory_space<vmem>> -> memref<128xi32, #tpu.memory_space<vmem>>
    %dma_start3A_130 = arith.constant 0 : i32
    %dma_start3A_131 = arith.constant 0 : i32
    %dma_start3A_132 = tpu.memref_slice %arg3[%dma_start3A_130, %dma_start3A_131] : memref<250000x128xf32, #tpu.memory_space<hbm>> -> memref<250000x128xf32, #tpu.memory_space<hbm>>
    tpu.enqueue_indirect_dma source(%dma_start3A_132 : memref<250000x128xf32, #tpu.memory_space<hbm>>) target(%dma_start3A_126 : memref<128x128xf32, #tpu.memory_space<vmem>>) offsets(%dma_start3A_129 : memref<128xi32, #tpu.memory_space<vmem>>) semaphore(%arg9 : memref<!tpu.dma_semaphore, #tpu.memory_space<semaphore_mem>>)
    %rem3A_133 = arith.constant 1 : i32
    %rem3A_134 = arith.constant 4 : i32
    %rem3A_135 = arith.remsi %rem3A_133, %rem3A_134 : i32
    %mul3A_136 = arith.constant 128 : i32
    %mul3A_137 = arith.muli %rem3A_135, %mul3A_136 : i32
    %add3A_138 = arith.constant 0 : i32
    %add3A_139 = arith.addi %mul3A_137, %add3A_138 : i32
    %get3A_140 = arith.constant 0 : i32
    %get3A_141 = arith.index_cast %get3A_140 : i32 to index
    %get3A_142 = arith.index_cast %add3A_139 : i32 to index
    %get3A_143 = tpu.vector_load %arg5[%get3A_141, %get3A_142] {strides = array<i32>} : memref<26x512xi32, #tpu.memory_space<vmem>>, vector<16xi32>,
    %shift_right_logical3A_144 = arith.constant 2 : i32
    %shift_right_logical3A_145 = vector.broadcast %shift_right_logical3A_144 : i32 to vector<16xi32>
    %shift_right_logical3A_146 = arith.shrui %get3A_143, %shift_right_logical3A_145 : vector<16xi32>
    %swap3A_147 = arith.constant 1 : i32
    %swap3A_148 = arith.index_cast %swap3A_147 : i32 to index
    %swap3A_149 = arith.constant 0 : index
    %swap3A_150 = tpu.vector_load %arg6[%swap3A_148, %swap3A_149] {strides = array<i32>} : memref<4x128xi32, #tpu.memory_space<vmem>>, vector<16xi32>,
    tpu.vector_store %arg6[%swap3A_148, %swap3A_149], %shift_right_logical3A_146 {strides = array<i32>} : memref<4x128xi32, #tpu.memory_space<vmem>>, vector<16xi32>,
    %mul3A_151 = arith.constant 128 : i32
    %mul3A_152 = arith.muli %rem3A_135, %mul3A_151 : i32
    %add3A_153 = arith.constant 16 : i32
    %add3A_154 = arith.addi %mul3A_152, %add3A_153 : i32
    %get3A_155 = arith.constant 0 : i32
    %get3A_156 = arith.index_cast %get3A_155 : i32 to index
    %get3A_157 = arith.index_cast %add3A_154 : i32 to index
    %get3A_158 = tpu.vector_load %arg5[%get3A_156, %get3A_157] {strides = array<i32>} : memref<26x512xi32, #tpu.memory_space<vmem>>, vector<16xi32>,
    %shift_right_logical3A_159 = arith.constant 2 : i32
    %shift_right_logical3A_160 = vector.broadcast %shift_right_logical3A_159 : i32 to vector<16xi32>
    %shift_right_logical3A_161 = arith.shrui %get3A_158, %shift_right_logical3A_160 : vector<16xi32>
    %swap3A_162 = arith.constant 1 : i32
    %swap3A_163 = arith.index_cast %swap3A_162 : i32 to index
    %swap3A_164 = arith.constant 16 : index
    %swap3A_165 = tpu.vector_load %arg6[%swap3A_163, %swap3A_164] {strides = array<i32>} : memref<4x128xi32, #tpu.memory_space<vmem>>, vector<16xi32>,
    tpu.vector_store %arg6[%swap3A_163, %swap3A_164], %shift_right_logical3A_161 {strides = array<i32>} : memref<4x128xi32, #tpu.memory_space<vmem>>, vector<16xi32>,
    %mul3A_166 = arith.constant 128 : i32
    %mul3A_167 = arith.muli %rem3A_135, %mul3A_166 : i32
    %add3A_168 = arith.constant 32 : i32
    %add3A_169 = arith.addi %mul3A_167, %add3A_168 : i32
    %get3A_170 = arith.constant 0 : i32
    %get3A_171 = arith.index_cast %get3A_170 : i32 to index
    %get3A_172 = arith.index_cast %add3A_169 : i32 to index
    %get3A_173 = tpu.vector_load %arg5[%get3A_171, %get3A_172] {strides = array<i32>} : memref<26x512xi32, #tpu.memory_space<vmem>>, vector<16xi32>,
    %shift_right_logical3A_174 = arith.constant 2 : i32
    %shift_right_logical3A_175 = vector.broadcast %shift_right_logical3A_174 : i32 to vector<16xi32>
    %shift_right_logical3A_176 = arith.shrui %get3A_173, %shift_right_logical3A_175 : vector<16xi32>
    %swap3A_177 = arith.constant 1 : i32
    %swap3A_178 = arith.index_cast %swap3A_177 : i32 to index
    %swap3A_179 = arith.constant 32 : index
    %swap3A_180 = tpu.vector_load %arg6[%swap3A_178, %swap3A_179] {strides = array<i32>} : memref<4x128xi32, #tpu.memory_space<vmem>>, vector<16xi32>,
    tpu.vector_store %arg6[%swap3A_178, %swap3A_179], %shift_right_logical3A_176 {strides = array<i32>} : memref<4x128xi32, #tpu.memory_space<vmem>>, vector<16xi32>,
    %mul3A_181 = arith.constant 128 : i32
    %mul3A_182 = arith.muli %rem3A_135, %mul3A_181 : i32
    %add3A_183 = arith.constant 48 : i32
    %add3A_184 = arith.addi %mul3A_182, %add3A_183 : i32
    %get3A_185 = arith.constant 0 : i32
    %get3A_186 = arith.index_cast %get3A_185 : i32 to index
    %get3A_187 = arith.index_cast %add3A_184 : i32 to index
    %get3A_188 = tpu.vector_load %arg5[%get3A_186, %get3A_187] {strides = array<i32>} : memref<26x512xi32, #tpu.memory_space<vmem>>, vector<16xi32>,
    %shift_right_logical3A_189 = arith.constant 2 : i32
    %shift_right_logical3A_190 = vector.broadcast %shift_right_logical3A_189 : i32 to vector<16xi32>
    %shift_right_logical3A_191 = arith.shrui %get3A_188, %shift_right_logical3A_190 : vector<16xi32>
    %swap3A_192 = arith.constant 1 : i32
    %swap3A_193 = arith.index_cast %swap3A_192 : i32 to index
    %swap3A_194 = arith.constant 48 : index
    %swap3A_195 = tpu.vector_load %arg6[%swap3A_193, %swap3A_194] {strides = array<i32>} : memref<4x128xi32, #tpu.memory_space<vmem>>, vector<16xi32>,
    tpu.vector_store %arg6[%swap3A_193, %swap3A_194], %shift_right_logical3A_191 {strides = array<i32>} : memref<4x128xi32, #tpu.memory_space<vmem>>, vector<16xi32>,
    %mul3A_196 = arith.constant 128 : i32
    %mul3A_197 = arith.muli %rem3A_135, %mul3A_196 : i32
    %add3A_198 = arith.constant 64 : i32
    %add3A_199 = arith.addi %mul3A_197, %add3A_198 : i32
    %get3A_200 = arith.constant 0 : i32
    %get3A_201 = arith.index_cast %get3A_200 : i32 to index
    %get3A_202 = arith.index_cast %add3A_199 : i32 to index
    %get3A_203 = tpu.vector_load %arg5[%get3A_201, %get3A_202] {strides = array<i32>} : memref<26x512xi32, #tpu.memory_space<vmem>>, vector<16xi32>,
    %shift_right_logical3A_204 = arith.constant 2 : i32
    %shift_right_logical3A_205 = vector.broadcast %shift_right_logical3A_204 : i32 to vector<16xi32>
    %shift_right_logical3A_206 = arith.shrui %get3A_203, %shift_right_logical3A_205 : vector<16xi32>
    %swap3A_207 = arith.constant 1 : i32
    %swap3A_208 = arith.index_cast %swap3A_207 : i32 to index
    %swap3A_209 = arith.constant 64 : index
    %swap3A_210 = tpu.vector_load %arg6[%swap3A_208, %swap3A_209] {strides = array<i32>} : memref<4x128xi32, #tpu.memory_space<vmem>>, vector<16xi32>,
    tpu.vector_store %arg6[%swap3A_208, %swap3A_209], %shift_right_logical3A_206 {strides = array<i32>} : memref<4x128xi32, #tpu.memory_space<vmem>>, vector<16xi32>,
    %mul3A_211 = arith.constant 128 : i32
    %mul3A_212 = arith.muli %rem3A_135, %mul3A_211 : i32
    %add3A_213 = arith.constant 80 : i32
    %add3A_214 = arith.addi %mul3A_212, %add3A_213 : i32
    %get3A_215 = arith.constant 0 : i32
    %get3A_216 = arith.index_cast %get3A_215 : i32 to index
    %get3A_217 = arith.index_cast %add3A_214 : i32 to index
    %get3A_218 = tpu.vector_load %arg5[%get3A_216, %get3A_217] {strides = array<i32>} : memref<26x512xi32, #tpu.memory_space<vmem>>, vector<16xi32>,
    %shift_right_logical3A_219 = arith.constant 2 : i32
    %shift_right_logical3A_220 = vector.broadcast %shift_right_logical3A_219 : i32 to vector<16xi32>
    %shift_right_logical3A_221 = arith.shrui %get3A_218, %shift_right_logical3A_220 : vector<16xi32>
    %swap3A_222 = arith.constant 1 : i32
    %swap3A_223 = arith.index_cast %swap3A_222 : i32 to index
    %swap3A_224 = arith.constant 80 : index
    %swap3A_225 = tpu.vector_load %arg6[%swap3A_223, %swap3A_224] {strides = array<i32>} : memref<4x128xi32, #tpu.memory_space<vmem>>, vector<16xi32>,
    tpu.vector_store %arg6[%swap3A_223, %swap3A_224], %shift_right_logical3A_221 {strides = array<i32>} : memref<4x128xi32, #tpu.memory_space<vmem>>, vector<16xi32>,
    %mul3A_226 = arith.constant 128 : i32
    %mul3A_227 = arith.muli %rem3A_135, %mul3A_226 : i32
    %add3A_228 = arith.constant 96 : i32
    %add3A_229 = arith.addi %mul3A_227, %add3A_228 : i32
    %get3A_230 = arith.constant 0 : i32
    %get3A_231 = arith.index_cast %get3A_230 : i32 to index
    %get3A_232 = arith.index_cast %add3A_229 : i32 to index
    %get3A_233 = tpu.vector_load %arg5[%get3A_231, %get3A_232] {strides = array<i32>} : memref<26x512xi32, #tpu.memory_space<vmem>>, vector<16xi32>,
    %shift_right_logical3A_234 = arith.constant 2 : i32
    %shift_right_logical3A_235 = vector.broadcast %shift_right_logical3A_234 : i32 to vector<16xi32>
    %shift_right_logical3A_236 = arith.shrui %get3A_233, %shift_right_logical3A_235 : vector<16xi32>
    %swap3A_237 = arith.constant 1 : i32
    %swap3A_238 = arith.index_cast %swap3A_237 : i32 to index
    %swap3A_239 = arith.constant 96 : index
    %swap3A_240 = tpu.vector_load %arg6[%swap3A_238, %swap3A_239] {strides = array<i32>} : memref<4x128xi32, #tpu.memory_space<vmem>>, vector<16xi32>,
    tpu.vector_store %arg6[%swap3A_238, %swap3A_239], %shift_right_logical3A_236 {strides = array<i32>} : memref<4x128xi32, #tpu.memory_space<vmem>>, vector<16xi32>,
    %mul3A_241 = arith.constant 128 : i32
    %mul3A_242 = arith.muli %rem3A_135, %mul3A_241 : i32
    %add3A_243 = arith.constant 112 : i32
    %add3A_244 = arith.addi %mul3A_242, %add3A_243 : i32
    %get3A_245 = arith.constant 0 : i32
    %get3A_246 = arith.index_cast %get3A_245 : i32 to index
    %get3A_247 = arith.index_cast %add3A_244 : i32 to index
    %get3A_248 = tpu.vector_load %arg5[%get3A_246, %get3A_247] {strides = array<i32>} : memref<26x512xi32, #tpu.memory_space<vmem>>, vector<16xi32>,
    %shift_right_logical3A_249 = arith.constant 2 : i32
    %shift_right_logical3A_250 = vector.broadcast %shift_right_logical3A_249 : i32 to vector<16xi32>
    %shift_right_logical3A_251 = arith.shrui %get3A_248, %shift_right_logical3A_250 : vector<16xi32>
    %swap3A_252 = arith.constant 1 : i32
    %swap3A_253 = arith.index_cast %swap3A_252 : i32 to index
    %swap3A_254 = arith.constant 112 : index
    %swap3A_255 = tpu.vector_load %arg6[%swap3A_253, %swap3A_254] {strides = array<i32>} : memref<4x128xi32, #tpu.memory_space<vmem>>, vector<16xi32>,
    tpu.vector_store %arg6[%swap3A_253, %swap3A_254], %shift_right_logical3A_251 {strides = array<i32>} : memref<4x128xi32, #tpu.memory_space<vmem>>, vector<16xi32>,
    %dma_start3A_256 = arith.constant 1 : i32
    %dma_start3A_257 = arith.constant 1 : i32
    %dma_start3A_258 = arith.constant 0 : i32
    %dma_start3A_259 = arith.constant 0 : i32
    %dma_start3A_260 = tpu.memref_slice %arg7[%dma_start3A_257, %dma_start3A_258, %dma_start3A_259] : memref<4x128x128xf32, #tpu.memory_space<vmem>> -> memref<1x128x128xf32, #tpu.memory_space<vmem>>
    %dma_start3A_261 = tpu.memref_squeeze %dma_start3A_260 : memref<1x128x128xf32, #tpu.memory_space<vmem>> -> memref<128x128xf32, #tpu.memory_space<vmem>>
    %dma_start3A_262 = arith.constant 0 : i32
    %dma_start3A_263 = tpu.memref_slice %arg6[%dma_start3A_256, %dma_start3A_262] : memref<4x128xi32, #tpu.memory_space<vmem>> -> memref<1x128xi32, #tpu.memory_space<vmem>>
    %dma_start3A_264 = tpu.memref_squeeze %dma_start3A_263 : memref<1x128xi32, #tpu.memory_space<vmem>> -> memref<128xi32, #tpu.memory_space<vmem>>
    %dma_start3A_265 = arith.constant 0 : i32
    %dma_start3A_266 = arith.constant 0 : i32
    %dma_start3A_267 = tpu.memref_slice %arg3[%dma_start3A_265, %dma_start3A_266] : memref<250000x128xf32, #tpu.memory_space<hbm>> -> memref<250000x128xf32, #tpu.memory_space<hbm>>
    tpu.enqueue_indirect_dma source(%dma_start3A_267 : memref<250000x128xf32, #tpu.memory_space<hbm>>) target(%dma_start3A_261 : memref<128x128xf32, #tpu.memory_space<vmem>>) offsets(%dma_start3A_264 : memref<128xi32, #tpu.memory_space<vmem>>) semaphore(%arg10 : memref<!tpu.dma_semaphore, #tpu.memory_space<semaphore_mem>>)
    %dma_wait3A = arith.constant 0 : i32
    %dma_wait3A_268 = arith.constant 0 : i32
    %dma_wait3A_269 = arith.constant 0 : i32
    %dma_wait3A_270 = arith.constant 0 : i32
    %dma_wait3A_271 = tpu.memref_slice %arg7[%dma_wait3A_268, %dma_wait3A_269, %dma_wait3A_270] : memref<4x128x128xf32, #tpu.memory_space<vmem>> -> memref<1x128x128xf32, #tpu.memory_space<vmem>>
    %dma_wait3A_272 = tpu.memref_squeeze %dma_wait3A_271 : memref<1x128x128xf32, #tpu.memory_space<vmem>> -> memref<128x128xf32, #tpu.memory_space<vmem>>
    %dma_wait3A_273 = arith.constant 0 : i32
    %dma_wait3A_274 = tpu.memref_slice %arg6[%dma_wait3A, %dma_wait3A_273] : memref<4x128xi32, #tpu.memory_space<vmem>> -> memref<1x128xi32, #tpu.memory_space<vmem>>
    %dma_wait3A_275 = tpu.memref_squeeze %dma_wait3A_274 : memref<1x128xi32, #tpu.memory_space<vmem>> -> memref<128xi32, #tpu.memory_space<vmem>>
    %dma_wait3A_276 = arith.constant 0 : i32
    %dma_wait3A_277 = arith.constant 0 : i32
    %dma_wait3A_278 = tpu.memref_slice %arg3[%dma_wait3A_276, %dma_wait3A_277] : memref<250000x128xf32, #tpu.memory_space<hbm>> -> memref<250000x128xf32, #tpu.memory_space<hbm>>
    tpu.wait_indirect_dma semaphore(%arg9 : memref<!tpu.dma_semaphore, #tpu.memory_space<semaphore_mem>>) src(%dma_wait3A_278 : memref<250000x128xf32, #tpu.memory_space<hbm>>) dst(%dma_wait3A_272 : memref<128x128xf32, #tpu.memory_space<vmem>>)
    %rem3A_279 = arith.constant 2 : i32
    %rem3A_280 = arith.constant 4 : i32
    %rem3A_281 = arith.remsi %rem3A_279, %rem3A_280 : i32
    %mul3A_282 = arith.constant 128 : i32
    %mul3A_283 = arith.muli %rem3A_281, %mul3A_282 : i32
    %add3A_284 = arith.constant 0 : i32
    %add3A_285 = arith.addi %mul3A_283, %add3A_284 : i32
    %get3A_286 = arith.constant 0 : i32
    %get3A_287 = arith.index_cast %get3A_286 : i32 to index
    %get3A_288 = arith.index_cast %add3A_285 : i32 to index
    %get3A_289 = tpu.vector_load %arg5[%get3A_287, %get3A_288] {strides = array<i32>} : memref<26x512xi32, #tpu.memory_space<vmem>>, vector<16xi32>,
    %shift_right_logical3A_290 = arith.constant 2 : i32
    %shift_right_logical3A_291 = vector.broadcast %shift_right_logical3A_290 : i32 to vector<16xi32>
    %shift_right_logical3A_292 = arith.shrui %get3A_289, %shift_right_logical3A_291 : vector<16xi32>
    %swap3A_293 = arith.constant 2 : i32
    %swap3A_294 = arith.index_cast %swap3A_293 : i32 to index
    %swap3A_295 = arith.constant 0 : index
    %swap3A_296 = tpu.vector_load %arg6[%swap3A_294, %swap3A_295] {strides = array<i32>} : memref<4x128xi32, #tpu.memory_space<vmem>>, vector<16xi32>,
    tpu.vector_store %arg6[%swap3A_294, %swap3A_295], %shift_right_logical3A_292 {strides = array<i32>} : memref<4x128xi32, #tpu.memory_space<vmem>>, vector<16xi32>,
    %mul3A_297 = arith.constant 128 : i32
    %mul3A_298 = arith.muli %rem3A_281, %mul3A_297 : i32
    %add3A_299 = arith.constant 16 : i32
    %add3A_300 = arith.addi %mul3A_298, %add3A_299 : i32
    %get3A_301 = arith.constant 0 : i32
    %get3A_302 = arith.index_cast %get3A_301 : i32 to index
    %get3A_303 = arith.index_cast %add3A_300 : i32 to index
    %get3A_304 = tpu.vector_load %arg5[%get3A_302, %get3A_303] {strides = array<i32>} : memref<26x512xi32, #tpu.memory_space<vmem>>, vector<16xi32>,
    %shift_right_logical3A_305 = arith.constant 2 : i32
    %shift_right_logical3A_306 = vector.broadcast %shift_right_logical3A_305 : i32 to vector<16xi32>
    %shift_right_logical3A_307 = arith.shrui %get3A_304, %shift_right_logical3A_306 : vector<16xi32>
    %swap3A_308 = arith.constant 2 : i32
    %swap3A_309 = arith.index_cast %swap3A_308 : i32 to index
    %swap3A_310 = arith.constant 16 : index
    %swap3A_311 = tpu.vector_load %arg6[%swap3A_309, %swap3A_310] {strides = array<i32>} : memref<4x128xi32, #tpu.memory_space<vmem>>, vector<16xi32>,
    tpu.vector_store %arg6[%swap3A_309, %swap3A_310], %shift_right_logical3A_307 {strides = array<i32>} : memref<4x128xi32, #tpu.memory_space<vmem>>, vector<16xi32>,
    %mul3A_312 = arith.constant 128 : i32
    %mul3A_313 = arith.muli %rem3A_281, %mul3A_312 : i32
    %add3A_314 = arith.constant 32 : i32
    %add3A_315 = arith.addi %mul3A_313, %add3A_314 : i32
    %get3A_316 = arith.constant 0 : i32
    %get3A_317 = arith.index_cast %get3A_316 : i32 to index
    %get3A_318 = arith.index_cast %add3A_315 : i32 to index
    %get3A_319 = tpu.vector_load %arg5[%get3A_317, %get3A_318] {strides = array<i32>} : memref<26x512xi32, #tpu.memory_space<vmem>>, vector<16xi32>,
    %shift_right_logical3A_320 = arith.constant 2 : i32
    %shift_right_logical3A_321 = vector.broadcast %shift_right_logical3A_320 : i32 to vector<16xi32>
    %shift_right_logical3A_322 = arith.shrui %get3A_319, %shift_right_logical3A_321 : vector<16xi32>
    %swap3A_323 = arith.constant 2 : i32
    %swap3A_324 = arith.index_cast %swap3A_323 : i32 to index
    %swap3A_325 = arith.constant 32 : index
    %swap3A_326 = tpu.vector_load %arg6[%swap3A_324, %swap3A_325] {strides = array<i32>} : memref<4x128xi32, #tpu.memory_space<vmem>>, vector<16xi32>,
    tpu.vector_store %arg6[%swap3A_324, %swap3A_325], %shift_right_logical3A_322 {strides = array<i32>} : memref<4x128xi32, #tpu.memory_space<vmem>>, vector<16xi32>,
    %mul3A_327 = arith.constant 128 : i32
    %mul3A_328 = arith.muli %rem3A_281, %mul3A_327 : i32
    %add3A_329 = arith.constant 48 : i32
    %add3A_330 = arith.addi %mul3A_328, %add3A_329 : i32
    %get3A_331 = arith.constant 0 : i32
    %get3A_332 = arith.index_cast %get3A_331 : i32 to index
    %get3A_333 = arith.index_cast %add3A_330 : i32 to index
    %get3A_334 = tpu.vector_load %arg5[%get3A_332, %get3A_333] {strides = array<i32>} : memref<26x512xi32, #tpu.memory_space<vmem>>, vector<16xi32>,
    %shift_right_logical3A_335 = arith.constant 2 : i32
    %shift_right_logical3A_336 = vector.broadcast %shift_right_logical3A_335 : i32 to vector<16xi32>
    %shift_right_logical3A_337 = arith.shrui %get3A_334, %shift_right_logical3A_336 : vector<16xi32>
    %swap3A_338 = arith.constant 2 : i32
    %swap3A_339 = arith.index_cast %swap3A_338 : i32 to index
    %swap3A_340 = arith.constant 48 : index
    %swap3A_341 = tpu.vector_load %arg6[%swap3A_339, %swap3A_340] {strides = array<i32>} : memref<4x128xi32, #tpu.memory_space<vmem>>, vector<16xi32>,
    tpu.vector_store %arg6[%swap3A_339, %swap3A_340], %shift_right_logical3A_337 {strides = array<i32>} : memref<4x128xi32, #tpu.memory_space<vmem>>, vector<16xi32>,
    %mul3A_342 = arith.constant 128 : i32
    %mul3A_343 = arith.muli %rem3A_281, %mul3A_342 : i32
    %add3A_344 = arith.constant 64 : i32
    %add3A_345 = arith.addi %mul3A_343, %add3A_344 : i32
    %get3A_346 = arith.constant 0 : i32
    %get3A_347 = arith.index_cast %get3A_346 : i32 to index
    %get3A_348 = arith.index_cast %add3A_345 : i32 to index
    %get3A_349 = tpu.vector_load %arg5[%get3A_347, %get3A_348] {strides = array<i32>} : memref<26x512xi32, #tpu.memory_space<vmem>>, vector<16xi32>,
    %shift_right_logical3A_350 = arith.constant 2 : i32
    %shift_right_logical3A_351 = vector.broadcast %shift_right_logical3A_350 : i32 to vector<16xi32>
    %shift_right_logical3A_352 = arith.shrui %get3A_349, %shift_right_logical3A_351 : vector<16xi32>
    %swap3A_353 = arith.constant 2 : i32
    %swap3A_354 = arith.index_cast %swap3A_353 : i32 to index
    %swap3A_355 = arith.constant 64 : index
    %swap3A_356 = tpu.vector_load %arg6[%swap3A_354, %swap3A_355] {strides = array<i32>} : memref<4x128xi32, #tpu.memory_space<vmem>>, vector<16xi32>,
    tpu.vector_store %arg6[%swap3A_354, %swap3A_355], %shift_right_logical3A_352 {strides = array<i32>} : memref<4x128xi32, #tpu.memory_space<vmem>>, vector<16xi32>,
    %mul3A_357 = arith.constant 128 : i32
    %mul3A_358 = arith.muli %rem3A_281, %mul3A_357 : i32
    %add3A_359 = arith.constant 80 : i32
    %add3A_360 = arith.addi %mul3A_358, %add3A_359 : i32
    %get3A_361 = arith.constant 0 : i32
    %get3A_362 = arith.index_cast %get3A_361 : i32 to index
    %get3A_363 = arith.index_cast %add3A_360 : i32 to index
    %get3A_364 = tpu.vector_load %arg5[%get3A_362, %get3A_363] {strides = array<i32>} : memref<26x512xi32, #tpu.memory_space<vmem>>, vector<16xi32>,
    %shift_right_logical3A_365 = arith.constant 2 : i32
    %shift_right_logical3A_366 = vector.broadcast %shift_right_logical3A_365 : i32 to vector<16xi32>
    %shift_right_logical3A_367 = arith.shrui %get3A_364, %shift_right_logical3A_366 : vector<16xi32>
    %swap3A_368 = arith.constant 2 : i32
    %swap3A_369 = arith.index_cast %swap3A_368 : i32 to index
    %swap3A_370 = arith.constant 80 : index
    %swap3A_371 = tpu.vector_load %arg6[%swap3A_369, %swap3A_370] {strides = array<i32>} : memref<4x128xi32, #tpu.memory_space<vmem>>, vector<16xi32>,
    tpu.vector_store %arg6[%swap3A_369, %swap3A_370], %shift_right_logical3A_367 {strides = array<i32>} : memref<4x128xi32, #tpu.memory_space<vmem>>, vector<16xi32>,
    %mul3A_372 = arith.constant 128 : i32
    %mul3A_373 = arith.muli %rem3A_281, %mul3A_372 : i32
    %add3A_374 = arith.constant 96 : i32
    %add3A_375 = arith.addi %mul3A_373, %add3A_374 : i32
    %get3A_376 = arith.constant 0 : i32
    %get3A_377 = arith.index_cast %get3A_376 : i32 to index
    %get3A_378 = arith.index_cast %add3A_375 : i32 to index
    %get3A_379 = tpu.vector_load %arg5[%get3A_377, %get3A_378] {strides = array<i32>} : memref<26x512xi32, #tpu.memory_space<vmem>>, vector<16xi32>,
    %shift_right_logical3A_380 = arith.constant 2 : i32
    %shift_right_logical3A_381 = vector.broadcast %shift_right_logical3A_380 : i32 to vector<16xi32>
    %shift_right_logical3A_382 = arith.shrui %get3A_379, %shift_right_logical3A_381 : vector<16xi32>
    %swap3A_383 = arith.constant 2 : i32
    %swap3A_384 = arith.index_cast %swap3A_383 : i32 to index
    %swap3A_385 = arith.constant 96 : index
    %swap3A_386 = tpu.vector_load %arg6[%swap3A_384, %swap3A_385] {strides = array<i32>} : memref<4x128xi32, #tpu.memory_space<vmem>>, vector<16xi32>,
    tpu.vector_store %arg6[%swap3A_384, %swap3A_385], %shift_right_logical3A_382 {strides = array<i32>} : memref<4x128xi32, #tpu.memory_space<vmem>>, vector<16xi32>,
    %mul3A_387 = arith.constant 128 : i32
    %mul3A_388 = arith.muli %rem3A_281, %mul3A_387 : i32
    %add3A_389 = arith.constant 112 : i32
    %add3A_390 = arith.addi %mul3A_388, %add3A_389 : i32
    %get3A_391 = arith.constant 0 : i32
    %get3A_392 = arith.index_cast %get3A_391 : i32 to index
    %get3A_393 = arith.index_cast %add3A_390 : i32 to index
    %get3A_394 = tpu.vector_load %arg5[%get3A_392, %get3A_393] {strides = array<i32>} : memref<26x512xi32, #tpu.memory_space<vmem>>, vector<16xi32>,
    %shift_right_logical3A_395 = arith.constant 2 : i32
    %shift_right_logical3A_396 = vector.broadcast %shift_right_logical3A_395 : i32 to vector<16xi32>
    %shift_right_logical3A_397 = arith.shrui %get3A_394, %shift_right_logical3A_396 : vector<16xi32>
    %swap3A_398 = arith.constant 2 : i32
    %swap3A_399 = arith.index_cast %swap3A_398 : i32 to index
    %swap3A_400 = arith.constant 112 : index
    %swap3A_401 = tpu.vector_load %arg6[%swap3A_399, %swap3A_400] {strides = array<i32>} : memref<4x128xi32, #tpu.memory_space<vmem>>, vector<16xi32>,
    tpu.vector_store %arg6[%swap3A_399, %swap3A_400], %shift_right_logical3A_397 {strides = array<i32>} : memref<4x128xi32, #tpu.memory_space<vmem>>, vector<16xi32>,
    %dma_start3A_402 = arith.constant 2 : i32
    %dma_start3A_403 = arith.constant 2 : i32
    %dma_start3A_404 = arith.constant 0 : i32
    %dma_start3A_405 = arith.constant 0 : i32
    %dma_start3A_406 = tpu.memref_slice %arg7[%dma_start3A_403, %dma_start3A_404, %dma_start3A_405] : memref<4x128x128xf32, #tpu.memory_space<vmem>> -> memref<1x128x128xf32, #tpu.memory_space<vmem>>
    %dma_start3A_407 = tpu.memref_squeeze %dma_start3A_406 : memref<1x128x128xf32, #tpu.memory_space<vmem>> -> memref<128x128xf32, #tpu.memory_space<vmem>>
    %dma_start3A_408 = arith.constant 0 : i32
    %dma_start3A_409 = tpu.memref_slice %arg6[%dma_start3A_402, %dma_start3A_408] : memref<4x128xi32, #tpu.memory_space<vmem>> -> memref<1x128xi32, #tpu.memory_space<vmem>>
    %dma_start3A_410 = tpu.memref_squeeze %dma_start3A_409 : memref<1x128xi32, #tpu.memory_space<vmem>> -> memref<128xi32, #tpu.memory_space<vmem>>
    %dma_start3A_411 = arith.constant 0 : i32
    %dma_start3A_412 = arith.constant 0 : i32
    %dma_start3A_413 = tpu.memref_slice %arg3[%dma_start3A_411, %dma_start3A_412] : memref<250000x128xf32, #tpu.memory_space<hbm>> -> memref<250000x128xf32, #tpu.memory_space<hbm>>
    tpu.enqueue_indirect_dma source(%dma_start3A_413 : memref<250000x128xf32, #tpu.memory_space<hbm>>) target(%dma_start3A_407 : memref<128x128xf32, #tpu.memory_space<vmem>>) offsets(%dma_start3A_410 : memref<128xi32, #tpu.memory_space<vmem>>) semaphore(%arg9 : memref<!tpu.dma_semaphore, #tpu.memory_space<semaphore_mem>>)
    %rem3A_414 = arith.constant 0 : i32
    %rem3A_415 = arith.constant 4 : i32
    %rem3A_416 = arith.remsi %rem3A_414, %rem3A_415 : i32
    %scan3A = arith.constant 0 : i32
    %scan3A_417 = arith.constant 0 : i32
    %scan3A_418 = arith.constant 0 : i32
    %scan3A_419 = arith.constant 8 : i32
    %scan3A_420 = arith.addi %scan3A_418, %scan3A_419 : i32
    %scan3A_421 = arith.constant 1 : i32
    %scan3A_422 = scf.for %scan3A_811 = %scan3A_418 to %scan3A_420 step %scan3A_421 iter_args(%scan3A_812 = %scan3A_417) -> (i32)  : i32 {
      %mul3A_813 = arith.constant 16 : i32
      %mul3A_814 = arith.muli %scan3A_811, %mul3A_813 : i32
      %mul3A_815 = arith.constant 128 : i32
      %mul3A_816 = arith.muli %rem3A_416, %mul3A_815 : i32
      %add3A_817 = arith.addi %mul3A_816, %mul3A_814 : i32
      %get3A_818 = arith.constant 0 : i32
      %get3A_819 = arith.index_cast %get3A_818 : i32 to index
      %get3A_820 = arith.index_cast %add3A_817 : i32 to index
      %get3A_821 = tpu.vector_load %arg5[%get3A_819, %get3A_820] {strides = array<i32>} : memref<26x512xi32, #tpu.memory_space<vmem>>, vector<16xi32>,
      %and3A = arith.constant 3 : i32
      %and3A_822 = vector.broadcast %and3A : i32 to vector<16xi32>
      %and3A_823 = arith.andi %get3A_821, %and3A_822 : vector<16xi32>
      %mul3A_824 = arith.constant 32 : i32
      %mul3A_825 = vector.broadcast %mul3A_824 : i32 to vector<16xi32>
      %mul3A_826 = arith.muli %and3A_823, %mul3A_825 : vector<16xi32>
      %add3A_827 = vector.broadcast %mul3A_814 : i32 to vector<16xi32>
      %add3A_828 = arith.addi %iota3A, %add3A_827 : vector<16xi32>
      %add3A_829 = arith.constant 0 : i32
      %add3A_830 = vector.broadcast %add3A_829 : i32 to vector<16xi32>
      %add3A_831 = arith.addi %mul3A_826, %add3A_830 : vector<16xi32>
      %gather3A = arith.constant 0 : i32
      %gather3A_832 = arith.constant 0 : i32
      %gather3A_833 = tpu.memref_slice %arg7[%scan3A, %gather3A, %gather3A_832] : memref<4x128x128xf32, #tpu.memory_space<vmem>> -> memref<1x128x128xf32, #tpu.memory_space<vmem>>
      %gather3A_834 = tpu.memref_squeeze %gather3A_833 : memref<1x128x128xf32, #tpu.memory_space<vmem>> -> memref<128x128xf32, #tpu.memory_space<vmem>>
      %gather3A_835 = tpu.vector_load_idx %gather3A_834[%add3A_828, %add3A_831] : memref<128x128xf32, #tpu.memory_space<vmem>>[vector<16xi32>, vector<16xi32>], vector<16xf32>,
      %swap3A_836 = arith.constant 0 : i32
      %swap3A_837 = arith.constant 0 : i32
      %swap3A_838 = arith.index_cast %swap3A_836 : i32 to index
      %swap3A_839 = arith.index_cast %swap3A_837 : i32 to index
      %swap3A_840 = arith.index_cast %mul3A_814 : i32 to index
      %swap3A_841 = tpu.vector_load %arg8[%swap3A_838, %swap3A_839, %swap3A_840] {strides = array<i32>} : memref<2x32x128xf32, #tpu.memory_space<vmem>>, vector<16xf32>,
      tpu.vector_store %arg8[%swap3A_838, %swap3A_839, %swap3A_840], %gather3A_835 {strides = array<i32>} : memref<2x32x128xf32, #tpu.memory_space<vmem>>, vector<16xf32>,
      %add3A_842 = arith.constant 1 : i32
      %add3A_843 = vector.broadcast %add3A_842 : i32 to vector<16xi32>
      %add3A_844 = arith.addi %mul3A_826, %add3A_843 : vector<16xi32>
      %gather3A_845 = arith.constant 0 : i32
      %gather3A_846 = arith.constant 0 : i32
      %gather3A_847 = tpu.memref_slice %arg7[%scan3A, %gather3A_845, %gather3A_846] : memref<4x128x128xf32, #tpu.memory_space<vmem>> -> memref<1x128x128xf32, #tpu.memory_space<vmem>>
      %gather3A_848 = tpu.memref_squeeze %gather3A_847 : memref<1x128x128xf32, #tpu.memory_space<vmem>> -> memref<128x128xf32, #tpu.memory_space<vmem>>
      %gather3A_849 = tpu.vector_load_idx %gather3A_848[%add3A_828, %add3A_844] : memref<128x128xf32, #tpu.memory_space<vmem>>[vector<16xi32>, vector<16xi32>], vector<16xf32>,
      %swap3A_850 = arith.constant 0 : i32
      %swap3A_851 = arith.constant 1 : i32
      %swap3A_852 = arith.index_cast %swap3A_850 : i32 to index
      %swap3A_853 = arith.index_cast %swap3A_851 : i32 to index
      %swap3A_854 = arith.index_cast %mul3A_814 : i32 to index
      %swap3A_855 = tpu.vector_load %arg8[%swap3A_852, %swap3A_853, %swap3A_854] {strides = array<i32>} : memref<2x32x128xf32, #tpu.memory_space<vmem>>, vector<16xf32>,
      tpu.vector_store %arg8[%swap3A_852, %swap3A_853, %swap3A_854], %gather3A_849 {strides = array<i32>} : memref<2x32x128xf32, #tpu.memory_space<vmem>>, vector<16xf32>,
      %add3A_856 = arith.constant 2 : i32
      %add3A_857 = vector.broadcast %add3A_856 : i32 to vector<16xi32>
      %add3A_858 = arith.addi %mul3A_826, %add3A_857 : vector<16xi32>
      %gather3A_859 = arith.constant 0 : i32
      %gather3A_860 = arith.constant 0 : i32
      %gather3A_861 = tpu.memref_slice %arg7[%scan3A, %gather3A_859, %gather3A_860] : memref<4x128x128xf32, #tpu.memory_space<vmem>> -> memref<1x128x128xf32, #tpu.memory_space<vmem>>
      %gather3A_862 = tpu.memref_squeeze %gather3A_861 : memref<1x128x128xf32, #tpu.memory_space<vmem>> -> memref<128x128xf32, #tpu.memory_space<vmem>>
      %gather3A_863 = tpu.vector_load_idx %gather3A_862[%add3A_828, %add3A_858] : memref<128x128xf32, #tpu.memory_space<vmem>>[vector<16xi32>, vector<16xi32>], vector<16xf32>,
      %swap3A_864 = arith.constant 0 : i32
      %swap3A_865 = arith.constant 2 : i32
      %swap3A_866 = arith.index_cast %swap3A_864 : i32 to index
      %swap3A_867 = arith.index_cast %swap3A_865 : i32 to index
      %swap3A_868 = arith.index_cast %mul3A_814 : i32 to index
      %swap3A_869 = tpu.vector_load %arg8[%swap3A_866, %swap3A_867, %swap3A_868] {strides = array<i32>} : memref<2x32x128xf32, #tpu.memory_space<vmem>>, vector<16xf32>,
      tpu.vector_store %arg8[%swap3A_866, %swap3A_867, %swap3A_868], %gather3A_863 {strides = array<i32>} : memref<2x32x128xf32, #tpu.memory_space<vmem>>, vector<16xf32>,
      %add3A_870 = arith.constant 3 : i32
      %add3A_871 = vector.broadcast %add3A_870 : i32 to vector<16xi32>
      %add3A_872 = arith.addi %mul3A_826, %add3A_871 : vector<16xi32>
      %gather3A_873 = arith.constant 0 : i32
      %gather3A_874 = arith.constant 0 : i32
      %gather3A_875 = tpu.memref_slice %arg7[%scan3A, %gather3A_873, %gather3A_874] : memref<4x128x128xf32, #tpu.memory_space<vmem>> -> memref<1x128x128xf32, #tpu.memory_space<vmem>>
      %gather3A_876 = tpu.memref_squeeze %gather3A_875 : memref<1x128x128xf32, #tpu.memory_space<vmem>> -> memref<128x128xf32, #tpu.memory_space<vmem>>
      %gather3A_877 = tpu.vector_load_idx %gather3A_876[%add3A_828, %add3A_872] : memref<128x128xf32, #tpu.memory_space<vmem>>[vector<16xi32>, vector<16xi32>], vector<16xf32>,
      %swap3A_878 = arith.constant 0 : i32
      %swap3A_879 = arith.constant 3 : i32
      %swap3A_880 = arith.index_cast %swap3A_878 : i32 to index
      %swap3A_881 = arith.index_cast %swap3A_879 : i32 to index
      %swap3A_882 = arith.index_cast %mul3A_814 : i32 to index
      %swap3A_883 = tpu.vector_load %arg8[%swap3A_880, %swap3A_881, %swap3A_882] {strides = array<i32>} : memref<2x32x128xf32, #tpu.memory_space<vmem>>, vector<16xf32>,
      tpu.vector_store %arg8[%swap3A_880, %swap3A_881, %swap3A_882], %gather3A_877 {strides = array<i32>} : memref<2x32x128xf32, #tpu.memory_space<vmem>>, vector<16xf32>,
      %add3A_884 = arith.constant 4 : i32
      %add3A_885 = vector.broadcast %add3A_884 : i32 to vector<16xi32>
      %add3A_886 = arith.addi %mul3A_826, %add3A_885 : vector<16xi32>
      %gather3A_887 = arith.constant 0 : i32
      %gather3A_888 = arith.constant 0 : i32
      %gather3A_889 = tpu.memref_slice %arg7[%scan3A, %gather3A_887, %gather3A_888] : memref<4x128x128xf32, #tpu.memory_space<vmem>> -> memref<1x128x128xf32, #tpu.memory_space<vmem>>
      %gather3A_890 = tpu.memref_squeeze %gather3A_889 : memref<1x128x128xf32, #tpu.memory_space<vmem>> -> memref<128x128xf32, #tpu.memory_space<vmem>>
      %gather3A_891 = tpu.vector_load_idx %gather3A_890[%add3A_828, %add3A_886] : memref<128x128xf32, #tpu.memory_space<vmem>>[vector<16xi32>, vector<16xi32>], vector<16xf32>,
      %swap3A_892 = arith.constant 0 : i32
      %swap3A_893 = arith.constant 4 : i32
      %swap3A_894 = arith.index_cast %swap3A_892 : i32 to index
      %swap3A_895 = arith.index_cast %swap3A_893 : i32 to index
      %swap3A_896 = arith.index_cast %mul3A_814 : i32 to index
      %swap3A_897 = tpu.vector_load %arg8[%swap3A_894, %swap3A_895, %swap3A_896] {strides = array<i32>} : memref<2x32x128xf32, #tpu.memory_space<vmem>>, vector<16xf32>,
      tpu.vector_store %arg8[%swap3A_894, %swap3A_895, %swap3A_896], %gather3A_891 {strides = array<i32>} : memref<2x32x128xf32, #tpu.memory_space<vmem>>, vector<16xf32>,
      %add3A_898 = arith.constant 5 : i32
      %add3A_899 = vector.broadcast %add3A_898 : i32 to vector<16xi32>
      %add3A_900 = arith.addi %mul3A_826, %add3A_899 : vector<16xi32>
      %gather3A_901 = arith.constant 0 : i32
      %gather3A_902 = arith.constant 0 : i32
      %gather3A_903 = tpu.memref_slice %arg7[%scan3A, %gather3A_901, %gather3A_902] : memref<4x128x128xf32, #tpu.memory_space<vmem>> -> memref<1x128x128xf32, #tpu.memory_space<vmem>>
      %gather3A_904 = tpu.memref_squeeze %gather3A_903 : memref<1x128x128xf32, #tpu.memory_space<vmem>> -> memref<128x128xf32, #tpu.memory_space<vmem>>
      %gather3A_905 = tpu.vector_load_idx %gather3A_904[%add3A_828, %add3A_900] : memref<128x128xf32, #tpu.memory_space<vmem>>[vector<16xi32>, vector<16xi32>], vector<16xf32>,
      %swap3A_906 = arith.constant 0 : i32
      %swap3A_907 = arith.constant 5 : i32
      %swap3A_908 = arith.index_cast %swap3A_906 : i32 to index
      %swap3A_909 = arith.index_cast %swap3A_907 : i32 to index
      %swap3A_910 = arith.index_cast %mul3A_814 : i32 to index
      %swap3A_911 = tpu.vector_load %arg8[%swap3A_908, %swap3A_909, %swap3A_910] {strides = array<i32>} : memref<2x32x128xf32, #tpu.memory_space<vmem>>, vector<16xf32>,
      tpu.vector_store %arg8[%swap3A_908, %swap3A_909, %swap3A_910], %gather3A_905 {strides = array<i32>} : memref<2x32x128xf32, #tpu.memory_space<vmem>>, vector<16xf32>,
      %add3A_912 = arith.constant 6 : i32
      %add3A_913 = vector.broadcast %add3A_912 : i32 to vector<16xi32>
      %add3A_914 = arith.addi %mul3A_826, %add3A_913 : vector<16xi32>
      %gather3A_915 = arith.constant 0 : i32
      %gather3A_916 = arith.constant 0 : i32
      %gather3A_917 = tpu.memref_slice %arg7[%scan3A, %gather3A_915, %gather3A_916] : memref<4x128x128xf32, #tpu.memory_space<vmem>> -> memref<1x128x128xf32, #tpu.memory_space<vmem>>
      %gather3A_918 = tpu.memref_squeeze %gather3A_917 : memref<1x128x128xf32, #tpu.memory_space<vmem>> -> memref<128x128xf32, #tpu.memory_space<vmem>>
      %gather3A_919 = tpu.vector_load_idx %gather3A_918[%add3A_828, %add3A_914] : memref<128x128xf32, #tpu.memory_space<vmem>>[vector<16xi32>, vector<16xi32>], vector<16xf32>,
      %swap3A_920 = arith.constant 0 : i32
      %swap3A_921 = arith.constant 6 : i32
      %swap3A_922 = arith.index_cast %swap3A_920 : i32 to index
      %swap3A_923 = arith.index_cast %swap3A_921 : i32 to index
      %swap3A_924 = arith.index_cast %mul3A_814 : i32 to index
      %swap3A_925 = tpu.vector_load %arg8[%swap3A_922, %swap3A_923, %swap3A_924] {strides = array<i32>} : memref<2x32x128xf32, #tpu.memory_space<vmem>>, vector<16xf32>,
      tpu.vector_store %arg8[%swap3A_922, %swap3A_923, %swap3A_924], %gather3A_919 {strides = array<i32>} : memref<2x32x128xf32, #tpu.memory_space<vmem>>, vector<16xf32>,
      %add3A_926 = arith.constant 7 : i32
      %add3A_927 = vector.broadcast %add3A_926 : i32 to vector<16xi32>
      %add3A_928 = arith.addi %mul3A_826, %add3A_927 : vector<16xi32>
      %gather3A_929 = arith.constant 0 : i32
      %gather3A_930 = arith.constant 0 : i32
      %gather3A_931 = tpu.memref_slice %arg7[%scan3A, %gather3A_929, %gather3A_930] : memref<4x128x128xf32, #tpu.memory_space<vmem>> -> memref<1x128x128xf32, #tpu.memory_space<vmem>>
      %gather3A_932 = tpu.memref_squeeze %gather3A_931 : memref<1x128x128xf32, #tpu.memory_space<vmem>> -> memref<128x128xf32, #tpu.memory_space<vmem>>
      %gather3A_933 = tpu.vector_load_idx %gather3A_932[%add3A_828, %add3A_928] : memref<128x128xf32, #tpu.memory_space<vmem>>[vector<16xi32>, vector<16xi32>], vector<16xf32>,
      %swap3A_934 = arith.constant 0 : i32
      %swap3A_935 = arith.constant 7 : i32
      %swap3A_936 = arith.index_cast %swap3A_934 : i32 to index
      %swap3A_937 = arith.index_cast %swap3A_935 : i32 to index
      %swap3A_938 = arith.index_cast %mul3A_814 : i32 to index
      %swap3A_939 = tpu.vector_load %arg8[%swap3A_936, %swap3A_937, %swap3A_938] {strides = array<i32>} : memref<2x32x128xf32, #tpu.memory_space<vmem>>, vector<16xf32>,
      tpu.vector_store %arg8[%swap3A_936, %swap3A_937, %swap3A_938], %gather3A_933 {strides = array<i32>} : memref<2x32x128xf32, #tpu.memory_space<vmem>>, vector<16xf32>,
      %add3A_940 = arith.constant 8 : i32
      %add3A_941 = vector.broadcast %add3A_940 : i32 to vector<16xi32>
      %add3A_942 = arith.addi %mul3A_826, %add3A_941 : vector<16xi32>
      %gather3A_943 = arith.constant 0 : i32
      %gather3A_944 = arith.constant 0 : i32
      %gather3A_945 = tpu.memref_slice %arg7[%scan3A, %gather3A_943, %gather3A_944] : memref<4x128x128xf32, #tpu.memory_space<vmem>> -> memref<1x128x128xf32, #tpu.memory_space<vmem>>
      %gather3A_946 = tpu.memref_squeeze %gather3A_945 : memref<1x128x128xf32, #tpu.memory_space<vmem>> -> memref<128x128xf32, #tpu.memory_space<vmem>>
      %gather3A_947 = tpu.vector_load_idx %gather3A_946[%add3A_828, %add3A_942] : memref<128x128xf32, #tpu.memory_space<vmem>>[vector<16xi32>, vector<16xi32>], vector<16xf32>,
      %swap3A_948 = arith.constant 0 : i32
      %swap3A_949 = arith.constant 8 : i32
      %swap3A_950 = arith.index_cast %swap3A_948 : i32 to index
      %swap3A_951 = arith.index_cast %swap3A_949 : i32 to index
      %swap3A_952 = arith.index_cast %mul3A_814 : i32 to index
      %swap3A_953 = tpu.vector_load %arg8[%swap3A_950, %swap3A_951, %swap3A_952] {strides = array<i32>} : memref<2x32x128xf32, #tpu.memory_space<vmem>>, vector<16xf32>,
      tpu.vector_store %arg8[%swap3A_950, %swap3A_951, %swap3A_952], %gather3A_947 {strides = array<i32>} : memref<2x32x128xf32, #tpu.memory_space<vmem>>, vector<16xf32>,
      %add3A_954 = arith.constant 9 : i32
      %add3A_955 = vector.broadcast %add3A_954 : i32 to vector<16xi32>
      %add3A_956 = arith.addi %mul3A_826, %add3A_955 : vector<16xi32>
      %gather3A_957 = arith.constant 0 : i32
      %gather3A_958 = arith.constant 0 : i32
      %gather3A_959 = tpu.memref_slice %arg7[%scan3A, %gather3A_957, %gather3A_958] : memref<4x128x128xf32, #tpu.memory_space<vmem>> -> memref<1x128x128xf32, #tpu.memory_space<vmem>>
      %gather3A_960 = tpu.memref_squeeze %gather3A_959 : memref<1x128x128xf32, #tpu.memory_space<vmem>> -> memref<128x128xf32, #tpu.memory_space<vmem>>
      %gather3A_961 = tpu.vector_load_idx %gather3A_960[%add3A_828, %add3A_956] : memref<128x128xf32, #tpu.memory_space<vmem>>[vector<16xi32>, vector<16xi32>], vector<16xf32>,
      %swap3A_962 = arith.constant 0 : i32
      %swap3A_963 = arith.constant 9 : i32
      %swap3A_964 = arith.index_cast %swap3A_962 : i32 to index
      %swap3A_965 = arith.index_cast %swap3A_963 : i32 to index
      %swap3A_966 = arith.index_cast %mul3A_814 : i32 to index
      %swap3A_967 = tpu.vector_load %arg8[%swap3A_964, %swap3A_965, %swap3A_966] {strides = array<i32>} : memref<2x32x128xf32, #tpu.memory_space<vmem>>, vector<16xf32>,
      tpu.vector_store %arg8[%swap3A_964, %swap3A_965, %swap3A_966], %gather3A_961 {strides = array<i32>} : memref<2x32x128xf32, #tpu.memory_space<vmem>>, vector<16xf32>,
      %add3A_968 = arith.constant 10 : i32
      %add3A_969 = vector.broadcast %add3A_968 : i32 to vector<16xi32>
      %add3A_970 = arith.addi %mul3A_826, %add3A_969 : vector<16xi32>
      %gather3A_971 = arith.constant 0 : i32
      %gather3A_972 = arith.constant 0 : i32
      %gather3A_973 = tpu.memref_slice %arg7[%scan3A, %gather3A_971, %gather3A_972] : memref<4x128x128xf32, #tpu.memory_space<vmem>> -> memref<1x128x128xf32, #tpu.memory_space<vmem>>
      %gather3A_974 = tpu.memref_squeeze %gather3A_973 : memref<1x128x128xf32, #tpu.memory_space<vmem>> -> memref<128x128xf32, #tpu.memory_space<vmem>>
      %gather3A_975 = tpu.vector_load_idx %gather3A_974[%add3A_828, %add3A_970] : memref<128x128xf32, #tpu.memory_space<vmem>>[vector<16xi32>, vector<16xi32>], vector<16xf32>,
      %swap3A_976 = arith.constant 0 : i32
      %swap3A_977 = arith.constant 10 : i32
      %swap3A_978 = arith.index_cast %swap3A_976 : i32 to index
      %swap3A_979 = arith.index_cast %swap3A_977 : i32 to index
      %swap3A_980 = arith.index_cast %mul3A_814 : i32 to index
      %swap3A_981 = tpu.vector_load %arg8[%swap3A_978, %swap3A_979, %swap3A_980] {strides = array<i32>} : memref<2x32x128xf32, #tpu.memory_space<vmem>>, vector<16xf32>,
      tpu.vector_store %arg8[%swap3A_978, %swap3A_979, %swap3A_980], %gather3A_975 {strides = array<i32>} : memref<2x32x128xf32, #tpu.memory_space<vmem>>, vector<16xf32>,
      %add3A_982 = arith.constant 11 : i32
      %add3A_983 = vector.broadcast %add3A_982 : i32 to vector<16xi32>
      %add3A_984 = arith.addi %mul3A_826, %add3A_983 : vector<16xi32>
      %gather3A_985 = arith.constant 0 : i32
      %gather3A_986 = arith.constant 0 : i32
      %gather3A_987 = tpu.memref_slice %arg7[%scan3A, %gather3A_985, %gather3A_986] : memref<4x128x128xf32, #tpu.memory_space<vmem>> -> memref<1x128x128xf32, #tpu.memory_space<vmem>>
      %gather3A_988 = tpu.memref_squeeze %gather3A_987 : memref<1x128x128xf32, #tpu.memory_space<vmem>> -> memref<128x128xf32, #tpu.memory_space<vmem>>
      %gather3A_989 = tpu.vector_load_idx %gather3A_988[%add3A_828, %add3A_984] : memref<128x128xf32, #tpu.memory_space<vmem>>[vector<16xi32>, vector<16xi32>], vector<16xf32>,
      %swap3A_990 = arith.constant 0 : i32
      %swap3A_991 = arith.constant 11 : i32
      %swap3A_992 = arith.index_cast %swap3A_990 : i32 to index
      %swap3A_993 = arith.index_cast %swap3A_991 : i32 to index
      %swap3A_994 = arith.index_cast %mul3A_814 : i32 to index
      %swap3A_995 = tpu.vector_load %arg8[%swap3A_992, %swap3A_993, %swap3A_994] {strides = array<i32>} : memref<2x32x128xf32, #tpu.memory_space<vmem>>, vector<16xf32>,
      tpu.vector_store %arg8[%swap3A_992, %swap3A_993, %swap3A_994], %gather3A_989 {strides = array<i32>} : memref<2x32x128xf32, #tpu.memory_space<vmem>>, vector<16xf32>,
      %add3A_996 = arith.constant 12 : i32
      %add3A_997 = vector.broadcast %add3A_996 : i32 to vector<16xi32>
      %add3A_998 = arith.addi %mul3A_826, %add3A_997 : vector<16xi32>
      %gather3A_999 = arith.constant 0 : i32
      %gather3A_1000 = arith.constant 0 : i32
      %gather3A_1001 = tpu.memref_slice %arg7[%scan3A, %gather3A_999, %gather3A_1000] : memref<4x128x128xf32, #tpu.memory_space<vmem>> -> memref<1x128x128xf32, #tpu.memory_space<vmem>>
      %gather3A_1002 = tpu.memref_squeeze %gather3A_1001 : memref<1x128x128xf32, #tpu.memory_space<vmem>> -> memref<128x128xf32, #tpu.memory_space<vmem>>
      %gather3A_1003 = tpu.vector_load_idx %gather3A_1002[%add3A_828, %add3A_998] : memref<128x128xf32, #tpu.memory_space<vmem>>[vector<16xi32>, vector<16xi32>], vector<16xf32>,
      %swap3A_1004 = arith.constant 0 : i32
      %swap3A_1005 = arith.constant 12 : i32
      %swap3A_1006 = arith.index_cast %swap3A_1004 : i32 to index
      %swap3A_1007 = arith.index_cast %swap3A_1005 : i32 to index
      %swap3A_1008 = arith.index_cast %mul3A_814 : i32 to index
      %swap3A_1009 = tpu.vector_load %arg8[%swap3A_1006, %swap3A_1007, %swap3A_1008] {strides = array<i32>} : memref<2x32x128xf32, #tpu.memory_space<vmem>>, vector<16xf32>,
      tpu.vector_store %arg8[%swap3A_1006, %swap3A_1007, %swap3A_1008], %gather3A_1003 {strides = array<i32>} : memref<2x32x128xf32, #tpu.memory_space<vmem>>, vector<16xf32>,
      %add3A_1010 = arith.constant 13 : i32
      %add3A_1011 = vector.broadcast %add3A_1010 : i32 to vector<16xi32>
      %add3A_1012 = arith.addi %mul3A_826, %add3A_1011 : vector<16xi32>
      %gather3A_1013 = arith.constant 0 : i32
      %gather3A_1014 = arith.constant 0 : i32
      %gather3A_1015 = tpu.memref_slice %arg7[%scan3A, %gather3A_1013, %gather3A_1014] : memref<4x128x128xf32, #tpu.memory_space<vmem>> -> memref<1x128x128xf32, #tpu.memory_space<vmem>>
      %gather3A_1016 = tpu.memref_squeeze %gather3A_1015 : memref<1x128x128xf32, #tpu.memory_space<vmem>> -> memref<128x128xf32, #tpu.memory_space<vmem>>
      %gather3A_1017 = tpu.vector_load_idx %gather3A_1016[%add3A_828, %add3A_1012] : memref<128x128xf32, #tpu.memory_space<vmem>>[vector<16xi32>, vector<16xi32>], vector<16xf32>,
      %swap3A_1018 = arith.constant 0 : i32
      %swap3A_1019 = arith.constant 13 : i32
      %swap3A_1020 = arith.index_cast %swap3A_1018 : i32 to index
      %swap3A_1021 = arith.index_cast %swap3A_1019 : i32 to index
      %swap3A_1022 = arith.index_cast %mul3A_814 : i32 to index
      %swap3A_1023 = tpu.vector_load %arg8[%swap3A_1020, %swap3A_1021, %swap3A_1022] {strides = array<i32>} : memref<2x32x128xf32, #tpu.memory_space<vmem>>, vector<16xf32>,
      tpu.vector_store %arg8[%swap3A_1020, %swap3A_1021, %swap3A_1022], %gather3A_1017 {strides = array<i32>} : memref<2x32x128xf32, #tpu.memory_space<vmem>>, vector<16xf32>,
      %add3A_1024 = arith.constant 14 : i32
      %add3A_1025 = vector.broadcast %add3A_1024 : i32 to vector<16xi32>
      %add3A_1026 = arith.addi %mul3A_826, %add3A_1025 : vector<16xi32>
      %gather3A_1027 = arith.constant 0 : i32
      %gather3A_1028 = arith.constant 0 : i32
      %gather3A_1029 = tpu.memref_slice %arg7[%scan3A, %gather3A_1027, %gather3A_1028] : memref<4x128x128xf32, #tpu.memory_space<vmem>> -> memref<1x128x128xf32, #tpu.memory_space<vmem>>
      %gather3A_1030 = tpu.memref_squeeze %gather3A_1029 : memref<1x128x128xf32, #tpu.memory_space<vmem>> -> memref<128x128xf32, #tpu.memory_space<vmem>>
      %gather3A_1031 = tpu.vector_load_idx %gather3A_1030[%add3A_828, %add3A_1026] : memref<128x128xf32, #tpu.memory_space<vmem>>[vector<16xi32>, vector<16xi32>], vector<16xf32>,
      %swap3A_1032 = arith.constant 0 : i32
      %swap3A_1033 = arith.constant 14 : i32
      %swap3A_1034 = arith.index_cast %swap3A_1032 : i32 to index
      %swap3A_1035 = arith.index_cast %swap3A_1033 : i32 to index
      %swap3A_1036 = arith.index_cast %mul3A_814 : i32 to index
      %swap3A_1037 = tpu.vector_load %arg8[%swap3A_1034, %swap3A_1035, %swap3A_1036] {strides = array<i32>} : memref<2x32x128xf32, #tpu.memory_space<vmem>>, vector<16xf32>,
      tpu.vector_store %arg8[%swap3A_1034, %swap3A_1035, %swap3A_1036], %gather3A_1031 {strides = array<i32>} : memref<2x32x128xf32, #tpu.memory_space<vmem>>, vector<16xf32>,
      %add3A_1038 = arith.constant 15 : i32
      %add3A_1039 = vector.broadcast %add3A_1038 : i32 to vector<16xi32>
      %add3A_1040 = arith.addi %mul3A_826, %add3A_1039 : vector<16xi32>
      %gather3A_1041 = arith.constant 0 : i32
      %gather3A_1042 = arith.constant 0 : i32
      %gather3A_1043 = tpu.memref_slice %arg7[%scan3A, %gather3A_1041, %gather3A_1042] : memref<4x128x128xf32, #tpu.memory_space<vmem>> -> memref<1x128x128xf32, #tpu.memory_space<vmem>>
      %gather3A_1044 = tpu.memref_squeeze %gather3A_1043 : memref<1x128x128xf32, #tpu.memory_space<vmem>> -> memref<128x128xf32, #tpu.memory_space<vmem>>
      %gather3A_1045 = tpu.vector_load_idx %gather3A_1044[%add3A_828, %add3A_1040] : memref<128x128xf32, #tpu.memory_space<vmem>>[vector<16xi32>, vector<16xi32>], vector<16xf32>,
      %swap3A_1046 = arith.constant 0 : i32
      %swap3A_1047 = arith.constant 15 : i32
      %swap3A_1048 = arith.index_cast %swap3A_1046 : i32 to index
      %swap3A_1049 = arith.index_cast %swap3A_1047 : i32 to index
      %swap3A_1050 = arith.index_cast %mul3A_814 : i32 to index
      %swap3A_1051 = tpu.vector_load %arg8[%swap3A_1048, %swap3A_1049, %swap3A_1050] {strides = array<i32>} : memref<2x32x128xf32, #tpu.memory_space<vmem>>, vector<16xf32>,
      tpu.vector_store %arg8[%swap3A_1048, %swap3A_1049, %swap3A_1050], %gather3A_1045 {strides = array<i32>} : memref<2x32x128xf32, #tpu.memory_space<vmem>>, vector<16xf32>,
      %add3A_1052 = arith.constant 16 : i32
      %add3A_1053 = vector.broadcast %add3A_1052 : i32 to vector<16xi32>
      %add3A_1054 = arith.addi %mul3A_826, %add3A_1053 : vector<16xi32>
      %gather3A_1055 = arith.constant 0 : i32
      %gather3A_1056 = arith.constant 0 : i32
      %gather3A_1057 = tpu.memref_slice %arg7[%scan3A, %gather3A_1055, %gather3A_1056] : memref<4x128x128xf32, #tpu.memory_space<vmem>> -> memref<1x128x128xf32, #tpu.memory_space<vmem>>
      %gather3A_1058 = tpu.memref_squeeze %gather3A_1057 : memref<1x128x128xf32, #tpu.memory_space<vmem>> -> memref<128x128xf32, #tpu.memory_space<vmem>>
      %gather3A_1059 = tpu.vector_load_idx %gather3A_1058[%add3A_828, %add3A_1054] : memref<128x128xf32, #tpu.memory_space<vmem>>[vector<16xi32>, vector<16xi32>], vector<16xf32>,
      %swap3A_1060 = arith.constant 0 : i32
      %swap3A_1061 = arith.constant 16 : i32
      %swap3A_1062 = arith.index_cast %swap3A_1060 : i32 to index
      %swap3A_1063 = arith.index_cast %swap3A_1061 : i32 to index
      %swap3A_1064 = arith.index_cast %mul3A_814 : i32 to index
      %swap3A_1065 = tpu.vector_load %arg8[%swap3A_1062, %swap3A_1063, %swap3A_1064] {strides = array<i32>} : memref<2x32x128xf32, #tpu.memory_space<vmem>>, vector<16xf32>,
      tpu.vector_store %arg8[%swap3A_1062, %swap3A_1063, %swap3A_1064], %gather3A_1059 {strides = array<i32>} : memref<2x32x128xf32, #tpu.memory_space<vmem>>, vector<16xf32>,
      %add3A_1066 = arith.constant 17 : i32
      %add3A_1067 = vector.broadcast %add3A_1066 : i32 to vector<16xi32>
      %add3A_1068 = arith.addi %mul3A_826, %add3A_1067 : vector<16xi32>
      %gather3A_1069 = arith.constant 0 : i32
      %gather3A_1070 = arith.constant 0 : i32
      %gather3A_1071 = tpu.memref_slice %arg7[%scan3A, %gather3A_1069, %gather3A_1070] : memref<4x128x128xf32, #tpu.memory_space<vmem>> -> memref<1x128x128xf32, #tpu.memory_space<vmem>>
      %gather3A_1072 = tpu.memref_squeeze %gather3A_1071 : memref<1x128x128xf32, #tpu.memory_space<vmem>> -> memref<128x128xf32, #tpu.memory_space<vmem>>
      %gather3A_1073 = tpu.vector_load_idx %gather3A_1072[%add3A_828, %add3A_1068] : memref<128x128xf32, #tpu.memory_space<vmem>>[vector<16xi32>, vector<16xi32>], vector<16xf32>,
      %swap3A_1074 = arith.constant 0 : i32
      %swap3A_1075 = arith.constant 17 : i32
      %swap3A_1076 = arith.index_cast %swap3A_1074 : i32 to index
      %swap3A_1077 = arith.index_cast %swap3A_1075 : i32 to index
      %swap3A_1078 = arith.index_cast %mul3A_814 : i32 to index
      %swap3A_1079 = tpu.vector_load %arg8[%swap3A_1076, %swap3A_1077, %swap3A_1078] {strides = array<i32>} : memref<2x32x128xf32, #tpu.memory_space<vmem>>, vector<16xf32>,
      tpu.vector_store %arg8[%swap3A_1076, %swap3A_1077, %swap3A_1078], %gather3A_1073 {strides = array<i32>} : memref<2x32x128xf32, #tpu.memory_space<vmem>>, vector<16xf32>,
      %add3A_1080 = arith.constant 18 : i32
      %add3A_1081 = vector.broadcast %add3A_1080 : i32 to vector<16xi32>
      %add3A_1082 = arith.addi %mul3A_826, %add3A_1081 : vector<16xi32>
      %gather3A_1083 = arith.constant 0 : i32
      %gather3A_1084 = arith.constant 0 : i32
      %gather3A_1085 = tpu.memref_slice %arg7[%scan3A, %gather3A_1083, %gather3A_1084] : memref<4x128x128xf32, #tpu.memory_space<vmem>> -> memref<1x128x128xf32, #tpu.memory_space<vmem>>
      %gather3A_1086 = tpu.memref_squeeze %gather3A_1085 : memref<1x128x128xf32, #tpu.memory_space<vmem>> -> memref<128x128xf32, #tpu.memory_space<vmem>>
      %gather3A_1087 = tpu.vector_load_idx %gather3A_1086[%add3A_828, %add3A_1082] : memref<128x128xf32, #tpu.memory_space<vmem>>[vector<16xi32>, vector<16xi32>], vector<16xf32>,
      %swap3A_1088 = arith.constant 0 : i32
      %swap3A_1089 = arith.constant 18 : i32
      %swap3A_1090 = arith.index_cast %swap3A_1088 : i32 to index
      %swap3A_1091 = arith.index_cast %swap3A_1089 : i32 to index
      %swap3A_1092 = arith.index_cast %mul3A_814 : i32 to index
      %swap3A_1093 = tpu.vector_load %arg8[%swap3A_1090, %swap3A_1091, %swap3A_1092] {strides = array<i32>} : memref<2x32x128xf32, #tpu.memory_space<vmem>>, vector<16xf32>,
      tpu.vector_store %arg8[%swap3A_1090, %swap3A_1091, %swap3A_1092], %gather3A_1087 {strides = array<i32>} : memref<2x32x128xf32, #tpu.memory_space<vmem>>, vector<16xf32>,
      %add3A_1094 = arith.constant 19 : i32
      %add3A_1095 = vector.broadcast %add3A_1094 : i32 to vector<16xi32>
      %add3A_1096 = arith.addi %mul3A_826, %add3A_1095 : vector<16xi32>
      %gather3A_1097 = arith.constant 0 : i32
      %gather3A_1098 = arith.constant 0 : i32
      %gather3A_1099 = tpu.memref_slice %arg7[%scan3A, %gather3A_1097, %gather3A_1098] : memref<4x128x128xf32, #tpu.memory_space<vmem>> -> memref<1x128x128xf32, #tpu.memory_space<vmem>>
      %gather3A_1100 = tpu.memref_squeeze %gather3A_1099 : memref<1x128x128xf32, #tpu.memory_space<vmem>> -> memref<128x128xf32, #tpu.memory_space<vmem>>
      %gather3A_1101 = tpu.vector_load_idx %gather3A_1100[%add3A_828, %add3A_1096] : memref<128x128xf32, #tpu.memory_space<vmem>>[vector<16xi32>, vector<16xi32>], vector<16xf32>,
      %swap3A_1102 = arith.constant 0 : i32
      %swap3A_1103 = arith.constant 19 : i32
      %swap3A_1104 = arith.index_cast %swap3A_1102 : i32 to index
      %swap3A_1105 = arith.index_cast %swap3A_1103 : i32 to index
      %swap3A_1106 = arith.index_cast %mul3A_814 : i32 to index
      %swap3A_1107 = tpu.vector_load %arg8[%swap3A_1104, %swap3A_1105, %swap3A_1106] {strides = array<i32>} : memref<2x32x128xf32, #tpu.memory_space<vmem>>, vector<16xf32>,
      tpu.vector_store %arg8[%swap3A_1104, %swap3A_1105, %swap3A_1106], %gather3A_1101 {strides = array<i32>} : memref<2x32x128xf32, #tpu.memory_space<vmem>>, vector<16xf32>,
      %add3A_1108 = arith.constant 20 : i32
      %add3A_1109 = vector.broadcast %add3A_1108 : i32 to vector<16xi32>
      %add3A_1110 = arith.addi %mul3A_826, %add3A_1109 : vector<16xi32>
      %gather3A_1111 = arith.constant 0 : i32
      %gather3A_1112 = arith.constant 0 : i32
      %gather3A_1113 = tpu.memref_slice %arg7[%scan3A, %gather3A_1111, %gather3A_1112] : memref<4x128x128xf32, #tpu.memory_space<vmem>> -> memref<1x128x128xf32, #tpu.memory_space<vmem>>
      %gather3A_1114 = tpu.memref_squeeze %gather3A_1113 : memref<1x128x128xf32, #tpu.memory_space<vmem>> -> memref<128x128xf32, #tpu.memory_space<vmem>>
      %gather3A_1115 = tpu.vector_load_idx %gather3A_1114[%add3A_828, %add3A_1110] : memref<128x128xf32, #tpu.memory_space<vmem>>[vector<16xi32>, vector<16xi32>], vector<16xf32>,
      %swap3A_1116 = arith.constant 0 : i32
      %swap3A_1117 = arith.constant 20 : i32
      %swap3A_1118 = arith.index_cast %swap3A_1116 : i32 to index
      %swap3A_1119 = arith.index_cast %swap3A_1117 : i32 to index
      %swap3A_1120 = arith.index_cast %mul3A_814 : i32 to index
      %swap3A_1121 = tpu.vector_load %arg8[%swap3A_1118, %swap3A_1119, %swap3A_1120] {strides = array<i32>} : memref<2x32x128xf32, #tpu.memory_space<vmem>>, vector<16xf32>,
      tpu.vector_store %arg8[%swap3A_1118, %swap3A_1119, %swap3A_1120], %gather3A_1115 {strides = array<i32>} : memref<2x32x128xf32, #tpu.memory_space<vmem>>, vector<16xf32>,
      %add3A_1122 = arith.constant 21 : i32
      %add3A_1123 = vector.broadcast %add3A_1122 : i32 to vector<16xi32>
      %add3A_1124 = arith.addi %mul3A_826, %add3A_1123 : vector<16xi32>
      %gather3A_1125 = arith.constant 0 : i32
      %gather3A_1126 = arith.constant 0 : i32
      %gather3A_1127 = tpu.memref_slice %arg7[%scan3A, %gather3A_1125, %gather3A_1126] : memref<4x128x128xf32, #tpu.memory_space<vmem>> -> memref<1x128x128xf32, #tpu.memory_space<vmem>>
      %gather3A_1128 = tpu.memref_squeeze %gather3A_1127 : memref<1x128x128xf32, #tpu.memory_space<vmem>> -> memref<128x128xf32, #tpu.memory_space<vmem>>
      %gather3A_1129 = tpu.vector_load_idx %gather3A_1128[%add3A_828, %add3A_1124] : memref<128x128xf32, #tpu.memory_space<vmem>>[vector<16xi32>, vector<16xi32>], vector<16xf32>,
      %swap3A_1130 = arith.constant 0 : i32
      %swap3A_1131 = arith.constant 21 : i32
      %swap3A_1132 = arith.index_cast %swap3A_1130 : i32 to index
      %swap3A_1133 = arith.index_cast %swap3A_1131 : i32 to index
      %swap3A_1134 = arith.index_cast %mul3A_814 : i32 to index
      %swap3A_1135 = tpu.vector_load %arg8[%swap3A_1132, %swap3A_1133, %swap3A_1134] {strides = array<i32>} : memref<2x32x128xf32, #tpu.memory_space<vmem>>, vector<16xf32>,
      tpu.vector_store %arg8[%swap3A_1132, %swap3A_1133, %swap3A_1134], %gather3A_1129 {strides = array<i32>} : memref<2x32x128xf32, #tpu.memory_space<vmem>>, vector<16xf32>,
      %add3A_1136 = arith.constant 22 : i32
      %add3A_1137 = vector.broadcast %add3A_1136 : i32 to vector<16xi32>
      %add3A_1138 = arith.addi %mul3A_826, %add3A_1137 : vector<16xi32>
      %gather3A_1139 = arith.constant 0 : i32
      %gather3A_1140 = arith.constant 0 : i32
      %gather3A_1141 = tpu.memref_slice %arg7[%scan3A, %gather3A_1139, %gather3A_1140] : memref<4x128x128xf32, #tpu.memory_space<vmem>> -> memref<1x128x128xf32, #tpu.memory_space<vmem>>
      %gather3A_1142 = tpu.memref_squeeze %gather3A_1141 : memref<1x128x128xf32, #tpu.memory_space<vmem>> -> memref<128x128xf32, #tpu.memory_space<vmem>>
      %gather3A_1143 = tpu.vector_load_idx %gather3A_1142[%add3A_828, %add3A_1138] : memref<128x128xf32, #tpu.memory_space<vmem>>[vector<16xi32>, vector<16xi32>], vector<16xf32>,
      %swap3A_1144 = arith.constant 0 : i32
      %swap3A_1145 = arith.constant 22 : i32
      %swap3A_1146 = arith.index_cast %swap3A_1144 : i32 to index
      %swap3A_1147 = arith.index_cast %swap3A_1145 : i32 to index
      %swap3A_1148 = arith.index_cast %mul3A_814 : i32 to index
      %swap3A_1149 = tpu.vector_load %arg8[%swap3A_1146, %swap3A_1147, %swap3A_1148] {strides = array<i32>} : memref<2x32x128xf32, #tpu.memory_space<vmem>>, vector<16xf32>,
      tpu.vector_store %arg8[%swap3A_1146, %swap3A_1147, %swap3A_1148], %gather3A_1143 {strides = array<i32>} : memref<2x32x128xf32, #tpu.memory_space<vmem>>, vector<16xf32>,
      %add3A_1150 = arith.constant 23 : i32
      %add3A_1151 = vector.broadcast %add3A_1150 : i32 to vector<16xi32>
      %add3A_1152 = arith.addi %mul3A_826, %add3A_1151 : vector<16xi32>
      %gather3A_1153 = arith.constant 0 : i32
      %gather3A_1154 = arith.constant 0 : i32
      %gather3A_1155 = tpu.memref_slice %arg7[%scan3A, %gather3A_1153, %gather3A_1154] : memref<4x128x128xf32, #tpu.memory_space<vmem>> -> memref<1x128x128xf32, #tpu.memory_space<vmem>>
      %gather3A_1156 = tpu.memref_squeeze %gather3A_1155 : memref<1x128x128xf32, #tpu.memory_space<vmem>> -> memref<128x128xf32, #tpu.memory_space<vmem>>
      %gather3A_1157 = tpu.vector_load_idx %gather3A_1156[%add3A_828, %add3A_1152] : memref<128x128xf32, #tpu.memory_space<vmem>>[vector<16xi32>, vector<16xi32>], vector<16xf32>,
      %swap3A_1158 = arith.constant 0 : i32
      %swap3A_1159 = arith.constant 23 : i32
      %swap3A_1160 = arith.index_cast %swap3A_1158 : i32 to index
      %swap3A_1161 = arith.index_cast %swap3A_1159 : i32 to index
      %swap3A_1162 = arith.index_cast %mul3A_814 : i32 to index
      %swap3A_1163 = tpu.vector_load %arg8[%swap3A_1160, %swap3A_1161, %swap3A_1162] {strides = array<i32>} : memref<2x32x128xf32, #tpu.memory_space<vmem>>, vector<16xf32>,
      tpu.vector_store %arg8[%swap3A_1160, %swap3A_1161, %swap3A_1162], %gather3A_1157 {strides = array<i32>} : memref<2x32x128xf32, #tpu.memory_space<vmem>>, vector<16xf32>,
      %add3A_1164 = arith.constant 24 : i32
      %add3A_1165 = vector.broadcast %add3A_1164 : i32 to vector<16xi32>
      %add3A_1166 = arith.addi %mul3A_826, %add3A_1165 : vector<16xi32>
      %gather3A_1167 = arith.constant 0 : i32
      %gather3A_1168 = arith.constant 0 : i32
      %gather3A_1169 = tpu.memref_slice %arg7[%scan3A, %gather3A_1167, %gather3A_1168] : memref<4x128x128xf32, #tpu.memory_space<vmem>> -> memref<1x128x128xf32, #tpu.memory_space<vmem>>
      %gather3A_1170 = tpu.memref_squeeze %gather3A_1169 : memref<1x128x128xf32, #tpu.memory_space<vmem>> -> memref<128x128xf32, #tpu.memory_space<vmem>>
      %gather3A_1171 = tpu.vector_load_idx %gather3A_1170[%add3A_828, %add3A_1166] : memref<128x128xf32, #tpu.memory_space<vmem>>[vector<16xi32>, vector<16xi32>], vector<16xf32>,
      %swap3A_1172 = arith.constant 0 : i32
      %swap3A_1173 = arith.constant 24 : i32
      %swap3A_1174 = arith.index_cast %swap3A_1172 : i32 to index
      %swap3A_1175 = arith.index_cast %swap3A_1173 : i32 to index
      %swap3A_1176 = arith.index_cast %mul3A_814 : i32 to index
      %swap3A_1177 = tpu.vector_load %arg8[%swap3A_1174, %swap3A_1175, %swap3A_1176] {strides = array<i32>} : memref<2x32x128xf32, #tpu.memory_space<vmem>>, vector<16xf32>,
      tpu.vector_store %arg8[%swap3A_1174, %swap3A_1175, %swap3A_1176], %gather3A_1171 {strides = array<i32>} : memref<2x32x128xf32, #tpu.memory_space<vmem>>, vector<16xf32>,
      %add3A_1178 = arith.constant 25 : i32
      %add3A_1179 = vector.broadcast %add3A_1178 : i32 to vector<16xi32>
      %add3A_1180 = arith.addi %mul3A_826, %add3A_1179 : vector<16xi32>
      %gather3A_1181 = arith.constant 0 : i32
      %gather3A_1182 = arith.constant 0 : i32
      %gather3A_1183 = tpu.memref_slice %arg7[%scan3A, %gather3A_1181, %gather3A_1182] : memref<4x128x128xf32, #tpu.memory_space<vmem>> -> memref<1x128x128xf32, #tpu.memory_space<vmem>>
      %gather3A_1184 = tpu.memref_squeeze %gather3A_1183 : memref<1x128x128xf32, #tpu.memory_space<vmem>> -> memref<128x128xf32, #tpu.memory_space<vmem>>
      %gather3A_1185 = tpu.vector_load_idx %gather3A_1184[%add3A_828, %add3A_1180] : memref<128x128xf32, #tpu.memory_space<vmem>>[vector<16xi32>, vector<16xi32>], vector<16xf32>,
      %swap3A_1186 = arith.constant 0 : i32
      %swap3A_1187 = arith.constant 25 : i32
      %swap3A_1188 = arith.index_cast %swap3A_1186 : i32 to index
      %swap3A_1189 = arith.index_cast %swap3A_1187 : i32 to index
      %swap3A_1190 = arith.index_cast %mul3A_814 : i32 to index
      %swap3A_1191 = tpu.vector_load %arg8[%swap3A_1188, %swap3A_1189, %swap3A_1190] {strides = array<i32>} : memref<2x32x128xf32, #tpu.memory_space<vmem>>, vector<16xf32>,
      tpu.vector_store %arg8[%swap3A_1188, %swap3A_1189, %swap3A_1190], %gather3A_1185 {strides = array<i32>} : memref<2x32x128xf32, #tpu.memory_space<vmem>>, vector<16xf32>,
      %add3A_1192 = arith.constant 26 : i32
      %add3A_1193 = vector.broadcast %add3A_1192 : i32 to vector<16xi32>
      %add3A_1194 = arith.addi %mul3A_826, %add3A_1193 : vector<16xi32>
      %gather3A_1195 = arith.constant 0 : i32
      %gather3A_1196 = arith.constant 0 : i32
      %gather3A_1197 = tpu.memref_slice %arg7[%scan3A, %gather3A_1195, %gather3A_1196] : memref<4x128x128xf32, #tpu.memory_space<vmem>> -> memref<1x128x128xf32, #tpu.memory_space<vmem>>
      %gather3A_1198 = tpu.memref_squeeze %gather3A_1197 : memref<1x128x128xf32, #tpu.memory_space<vmem>> -> memref<128x128xf32, #tpu.memory_space<vmem>>
      %gather3A_1199 = tpu.vector_load_idx %gather3A_1198[%add3A_828, %add3A_1194] : memref<128x128xf32, #tpu.memory_space<vmem>>[vector<16xi32>, vector<16xi32>], vector<16xf32>,
      %swap3A_1200 = arith.constant 0 : i32
      %swap3A_1201 = arith.constant 26 : i32
      %swap3A_1202 = arith.index_cast %swap3A_1200 : i32 to index
      %swap3A_1203 = arith.index_cast %swap3A_1201 : i32 to index
      %swap3A_1204 = arith.index_cast %mul3A_814 : i32 to index
      %swap3A_1205 = tpu.vector_load %arg8[%swap3A_1202, %swap3A_1203, %swap3A_1204] {strides = array<i32>} : memref<2x32x128xf32, #tpu.memory_space<vmem>>, vector<16xf32>,
      tpu.vector_store %arg8[%swap3A_1202, %swap3A_1203, %swap3A_1204], %gather3A_1199 {strides = array<i32>} : memref<2x32x128xf32, #tpu.memory_space<vmem>>, vector<16xf32>,
      %add3A_1206 = arith.constant 27 : i32
      %add3A_1207 = vector.broadcast %add3A_1206 : i32 to vector<16xi32>
      %add3A_1208 = arith.addi %mul3A_826, %add3A_1207 : vector<16xi32>
      %gather3A_1209 = arith.constant 0 : i32
      %gather3A_1210 = arith.constant 0 : i32
      %gather3A_1211 = tpu.memref_slice %arg7[%scan3A, %gather3A_1209, %gather3A_1210] : memref<4x128x128xf32, #tpu.memory_space<vmem>> -> memref<1x128x128xf32, #tpu.memory_space<vmem>>
      %gather3A_1212 = tpu.memref_squeeze %gather3A_1211 : memref<1x128x128xf32, #tpu.memory_space<vmem>> -> memref<128x128xf32, #tpu.memory_space<vmem>>
      %gather3A_1213 = tpu.vector_load_idx %gather3A_1212[%add3A_828, %add3A_1208] : memref<128x128xf32, #tpu.memory_space<vmem>>[vector<16xi32>, vector<16xi32>], vector<16xf32>,
      %swap3A_1214 = arith.constant 0 : i32
      %swap3A_1215 = arith.constant 27 : i32
      %swap3A_1216 = arith.index_cast %swap3A_1214 : i32 to index
      %swap3A_1217 = arith.index_cast %swap3A_1215 : i32 to index
      %swap3A_1218 = arith.index_cast %mul3A_814 : i32 to index
      %swap3A_1219 = tpu.vector_load %arg8[%swap3A_1216, %swap3A_1217, %swap3A_1218] {strides = array<i32>} : memref<2x32x128xf32, #tpu.memory_space<vmem>>, vector<16xf32>,
      tpu.vector_store %arg8[%swap3A_1216, %swap3A_1217, %swap3A_1218], %gather3A_1213 {strides = array<i32>} : memref<2x32x128xf32, #tpu.memory_space<vmem>>, vector<16xf32>,
      %add3A_1220 = arith.constant 28 : i32
      %add3A_1221 = vector.broadcast %add3A_1220 : i32 to vector<16xi32>
      %add3A_1222 = arith.addi %mul3A_826, %add3A_1221 : vector<16xi32>
      %gather3A_1223 = arith.constant 0 : i32
      %gather3A_1224 = arith.constant 0 : i32
      %gather3A_1225 = tpu.memref_slice %arg7[%scan3A, %gather3A_1223, %gather3A_1224] : memref<4x128x128xf32, #tpu.memory_space<vmem>> -> memref<1x128x128xf32, #tpu.memory_space<vmem>>
      %gather3A_1226 = tpu.memref_squeeze %gather3A_1225 : memref<1x128x128xf32, #tpu.memory_space<vmem>> -> memref<128x128xf32, #tpu.memory_space<vmem>>
      %gather3A_1227 = tpu.vector_load_idx %gather3A_1226[%add3A_828, %add3A_1222] : memref<128x128xf32, #tpu.memory_space<vmem>>[vector<16xi32>, vector<16xi32>], vector<16xf32>,
      %swap3A_1228 = arith.constant 0 : i32
      %swap3A_1229 = arith.constant 28 : i32
      %swap3A_1230 = arith.index_cast %swap3A_1228 : i32 to index
      %swap3A_1231 = arith.index_cast %swap3A_1229 : i32 to index
      %swap3A_1232 = arith.index_cast %mul3A_814 : i32 to index
      %swap3A_1233 = tpu.vector_load %arg8[%swap3A_1230, %swap3A_1231, %swap3A_1232] {strides = array<i32>} : memref<2x32x128xf32, #tpu.memory_space<vmem>>, vector<16xf32>,
      tpu.vector_store %arg8[%swap3A_1230, %swap3A_1231, %swap3A_1232], %gather3A_1227 {strides = array<i32>} : memref<2x32x128xf32, #tpu.memory_space<vmem>>, vector<16xf32>,
      %add3A_1234 = arith.constant 29 : i32
      %add3A_1235 = vector.broadcast %add3A_1234 : i32 to vector<16xi32>
      %add3A_1236 = arith.addi %mul3A_826, %add3A_1235 : vector<16xi32>
      %gather3A_1237 = arith.constant 0 : i32
      %gather3A_1238 = arith.constant 0 : i32
      %gather3A_1239 = tpu.memref_slice %arg7[%scan3A, %gather3A_1237, %gather3A_1238] : memref<4x128x128xf32, #tpu.memory_space<vmem>> -> memref<1x128x128xf32, #tpu.memory_space<vmem>>
      %gather3A_1240 = tpu.memref_squeeze %gather3A_1239 : memref<1x128x128xf32, #tpu.memory_space<vmem>> -> memref<128x128xf32, #tpu.memory_space<vmem>>
      %gather3A_1241 = tpu.vector_load_idx %gather3A_1240[%add3A_828, %add3A_1236] : memref<128x128xf32, #tpu.memory_space<vmem>>[vector<16xi32>, vector<16xi32>], vector<16xf32>,
      %swap3A_1242 = arith.constant 0 : i32
      %swap3A_1243 = arith.constant 29 : i32
      %swap3A_1244 = arith.index_cast %swap3A_1242 : i32 to index
      %swap3A_1245 = arith.index_cast %swap3A_1243 : i32 to index
      %swap3A_1246 = arith.index_cast %mul3A_814 : i32 to index
      %swap3A_1247 = tpu.vector_load %arg8[%swap3A_1244, %swap3A_1245, %swap3A_1246] {strides = array<i32>} : memref<2x32x128xf32, #tpu.memory_space<vmem>>, vector<16xf32>,
      tpu.vector_store %arg8[%swap3A_1244, %swap3A_1245, %swap3A_1246], %gather3A_1241 {strides = array<i32>} : memref<2x32x128xf32, #tpu.memory_space<vmem>>, vector<16xf32>,
      %add3A_1248 = arith.constant 30 : i32
      %add3A_1249 = vector.broadcast %add3A_1248 : i32 to vector<16xi32>
      %add3A_1250 = arith.addi %mul3A_826, %add3A_1249 : vector<16xi32>
      %gather3A_1251 = arith.constant 0 : i32
      %gather3A_1252 = arith.constant 0 : i32
      %gather3A_1253 = tpu.memref_slice %arg7[%scan3A, %gather3A_1251, %gather3A_1252] : memref<4x128x128xf32, #tpu.memory_space<vmem>> -> memref<1x128x128xf32, #tpu.memory_space<vmem>>
      %gather3A_1254 = tpu.memref_squeeze %gather3A_1253 : memref<1x128x128xf32, #tpu.memory_space<vmem>> -> memref<128x128xf32, #tpu.memory_space<vmem>>
      %gather3A_1255 = tpu.vector_load_idx %gather3A_1254[%add3A_828, %add3A_1250] : memref<128x128xf32, #tpu.memory_space<vmem>>[vector<16xi32>, vector<16xi32>], vector<16xf32>,
      %swap3A_1256 = arith.constant 0 : i32
      %swap3A_1257 = arith.constant 30 : i32
      %swap3A_1258 = arith.index_cast %swap3A_1256 : i32 to index
      %swap3A_1259 = arith.index_cast %swap3A_1257 : i32 to index
      %swap3A_1260 = arith.index_cast %mul3A_814 : i32 to index
      %swap3A_1261 = tpu.vector_load %arg8[%swap3A_1258, %swap3A_1259, %swap3A_1260] {strides = array<i32>} : memref<2x32x128xf32, #tpu.memory_space<vmem>>, vector<16xf32>,
      tpu.vector_store %arg8[%swap3A_1258, %swap3A_1259, %swap3A_1260], %gather3A_1255 {strides = array<i32>} : memref<2x32x128xf32, #tpu.memory_space<vmem>>, vector<16xf32>,
      %add3A_1262 = arith.constant 31 : i32
      %add3A_1263 = vector.broadcast %add3A_1262 : i32 to vector<16xi32>
      %add3A_1264 = arith.addi %mul3A_826, %add3A_1263 : vector<16xi32>
      %gather3A_1265 = arith.constant 0 : i32
      %gather3A_1266 = arith.constant 0 : i32
      %gather3A_1267 = tpu.memref_slice %arg7[%scan3A, %gather3A_1265, %gather3A_1266] : memref<4x128x128xf32, #tpu.memory_space<vmem>> -> memref<1x128x128xf32, #tpu.memory_space<vmem>>
      %gather3A_1268 = tpu.memref_squeeze %gather3A_1267 : memref<1x128x128xf32, #tpu.memory_space<vmem>> -> memref<128x128xf32, #tpu.memory_space<vmem>>
      %gather3A_1269 = tpu.vector_load_idx %gather3A_1268[%add3A_828, %add3A_1264] : memref<128x128xf32, #tpu.memory_space<vmem>>[vector<16xi32>, vector<16xi32>], vector<16xf32>,
      %swap3A_1270 = arith.constant 0 : i32
      %swap3A_1271 = arith.constant 31 : i32
      %swap3A_1272 = arith.index_cast %swap3A_1270 : i32 to index
      %swap3A_1273 = arith.index_cast %swap3A_1271 : i32 to index
      %swap3A_1274 = arith.index_cast %mul3A_814 : i32 to index
      %swap3A_1275 = tpu.vector_load %arg8[%swap3A_1272, %swap3A_1273, %swap3A_1274] {strides = array<i32>} : memref<2x32x128xf32, #tpu.memory_space<vmem>>, vector<16xf32>,
      tpu.vector_store %arg8[%swap3A_1272, %swap3A_1273, %swap3A_1274], %gather3A_1269 {strides = array<i32>} : memref<2x32x128xf32, #tpu.memory_space<vmem>>, vector<16xf32>,
      %scan3A_1276 = arith.constant 0 : i32
      scf.yield %scan3A_1276 : i32
    }
    %scan3A_423 = arith.constant 8 : i32
    %rem3A_424 = arith.constant 0 : i32
    %rem3A_425 = arith.constant 4 : i32
    %rem3A_426 = arith.remsi %rem3A_424, %rem3A_425 : i32
    %mul3A_427 = arith.constant 128 : i32
    %mul3A_428 = arith.muli %rem3A_426, %mul3A_427 : i32
    %add3A_429 = arith.addi %mul3A_2, %mul3A_428 : i32
    %dma_start3A_430 = arith.constant 0 : i32
    %dma_start3A_431 = arith.constant 0 : i32
    %dma_start3A_432 = arith.constant 0 : i32
    %dma_start3A_433 = arith.constant 0 : i32
    %dma_start3A_434 = tpu.memref_slice %arg8[%dma_start3A_430, %dma_start3A_432, %dma_start3A_433] : memref<2x32x128xf32, #tpu.memory_space<vmem>> -> memref<1x32x128xf32, #tpu.memory_space<vmem>>
    %dma_start3A_435 = tpu.memref_squeeze %dma_start3A_434 : memref<1x32x128xf32, #tpu.memory_space<vmem>> -> memref<32x128xf32, #tpu.memory_space<vmem>>
    %dma_start3A_436 = arith.constant 0 : i32
    %dma_start3A_437 = tpu.memref_slice %arg4[%dma_start3A_431, %dma_start3A_436, %add3A_429] : memref<26x32x16384xf32, #tpu.memory_space<hbm>> -> memref<1x32x128xf32, #tpu.memory_space<hbm>>
    %dma_start3A_438 = tpu.memref_squeeze %dma_start3A_437 : memref<1x32x128xf32, #tpu.memory_space<hbm>> -> memref<32x128xf32, #tpu.memory_space<hbm>>
    %dma_start3A_439 = arith.constant 0 : i32
    %dma_start3A_440 = tpu.memref_slice %arg4[%dma_start3A_431, %dma_start3A_439, %add3A_429] : memref<26x32x16384xf32, #tpu.memory_space<hbm>> -> memref<1x32x128xf32, #tpu.memory_space<hbm>>
    %dma_start3A_441 = tpu.memref_squeeze %dma_start3A_440 : memref<1x32x128xf32, #tpu.memory_space<hbm>> -> memref<32x128xf32, #tpu.memory_space<hbm>>
    %dma_start3A_442 = arith.constant 0 : i32
    %dma_start3A_443 = arith.constant 0 : i32
    %dma_start3A_444 = tpu.memref_slice %arg8[%dma_start3A_430, %dma_start3A_442, %dma_start3A_443] : memref<2x32x128xf32, #tpu.memory_space<vmem>> -> memref<1x32x128xf32, #tpu.memory_space<vmem>>
    %dma_start3A_445 = tpu.memref_squeeze %dma_start3A_444 : memref<1x32x128xf32, #tpu.memory_space<vmem>> -> memref<32x128xf32, #tpu.memory_space<vmem>>
    tpu.enqueue_dma source(%dma_start3A_445 : memref<32x128xf32, #tpu.memory_space<vmem>>) target(%dma_start3A_441 : memref<32x128xf32, #tpu.memory_space<hbm>>) target_semaphore(%arg11 : memref<!tpu.dma_semaphore, #tpu.memory_space<semaphore_mem>>)
    %dma_wait3A_446 = arith.constant 1 : i32
    %dma_wait3A_447 = arith.constant 1 : i32
    %dma_wait3A_448 = arith.constant 0 : i32
    %dma_wait3A_449 = arith.constant 0 : i32
    %dma_wait3A_450 = tpu.memref_slice %arg7[%dma_wait3A_447, %dma_wait3A_448, %dma_wait3A_449] : memref<4x128x128xf32, #tpu.memory_space<vmem>> -> memref<1x128x128xf32, #tpu.memory_space<vmem>>
    %dma_wait3A_451 = tpu.memref_squeeze %dma_wait3A_450 : memref<1x128x128xf32, #tpu.memory_space<vmem>> -> memref<128x128xf32, #tpu.memory_space<vmem>>
    %dma_wait3A_452 = arith.constant 0 : i32
    %dma_wait3A_453 = tpu.memref_slice %arg6[%dma_wait3A_446, %dma_wait3A_452] : memref<4x128xi32, #tpu.memory_space<vmem>> -> memref<1x128xi32, #tpu.memory_space<vmem>>
    %dma_wait3A_454 = tpu.memref_squeeze %dma_wait3A_453 : memref<1x128xi32, #tpu.memory_space<vmem>> -> memref<128xi32, #tpu.memory_space<vmem>>
    %dma_wait3A_455 = arith.constant 0 : i32
    %dma_wait3A_456 = arith.constant 0 : i32
    %dma_wait3A_457 = tpu.memref_slice %arg3[%dma_wait3A_455, %dma_wait3A_456] : memref<250000x128xf32, #tpu.memory_space<hbm>> -> memref<250000x128xf32, #tpu.memory_space<hbm>>
    tpu.wait_indirect_dma semaphore(%arg10 : memref<!tpu.dma_semaphore, #tpu.memory_space<semaphore_mem>>) src(%dma_wait3A_457 : memref<250000x128xf32, #tpu.memory_space<hbm>>) dst(%dma_wait3A_451 : memref<128x128xf32, #tpu.memory_space<vmem>>)
    %rem3A_458 = arith.constant 3 : i32
    %rem3A_459 = arith.constant 4 : i32
    %rem3A_460 = arith.remsi %rem3A_458, %rem3A_459 : i32
    %mul3A_461 = arith.constant 128 : i32
    %mul3A_462 = arith.muli %rem3A_460, %mul3A_461 : i32
    %add3A_463 = arith.constant 0 : i32
    %add3A_464 = arith.addi %mul3A_462, %add3A_463 : i32
    %get3A_465 = arith.constant 0 : i32
    %get3A_466 = arith.index_cast %get3A_465 : i32 to index
    %get3A_467 = arith.index_cast %add3A_464 : i32 to index
    %get3A_468 = tpu.vector_load %arg5[%get3A_466, %get3A_467] {strides = array<i32>} : memref<26x512xi32, #tpu.memory_space<vmem>>, vector<16xi32>,
    %shift_right_logical3A_469 = arith.constant 2 : i32
    %shift_right_logical3A_470 = vector.broadcast %shift_right_logical3A_469 : i32 to vector<16xi32>
    %shift_right_logical3A_471 = arith.shrui %get3A_468, %shift_right_logical3A_470 : vector<16xi32>
    %swap3A_472 = arith.constant 3 : i32
    %swap3A_473 = arith.index_cast %swap3A_472 : i32 to index
    %swap3A_474 = arith.constant 0 : index
    %swap3A_475 = tpu.vector_load %arg6[%swap3A_473, %swap3A_474] {strides = array<i32>} : memref<4x128xi32, #tpu.memory_space<vmem>>, vector<16xi32>,
    tpu.vector_store %arg6[%swap3A_473, %swap3A_474], %shift_right_logical3A_471 {strides = array<i32>} : memref<4x128xi32, #tpu.memory_space<vmem>>, vector<16xi32>,
    %mul3A_476 = arith.constant 128 : i32
    %mul3A_477 = arith.muli %rem3A_460, %mul3A_476 : i32
    %add3A_478 = arith.constant 16 : i32
    %add3A_479 = arith.addi %mul3A_477, %add3A_478 : i32
    %get3A_480 = arith.constant 0 : i32
    %get3A_481 = arith.index_cast %get3A_480 : i32 to index
    %get3A_482 = arith.index_cast %add3A_479 : i32 to index
    %get3A_483 = tpu.vector_load %arg5[%get3A_481, %get3A_482] {strides = array<i32>} : memref<26x512xi32, #tpu.memory_space<vmem>>, vector<16xi32>,
    %shift_right_logical3A_484 = arith.constant 2 : i32
    %shift_right_logical3A_485 = vector.broadcast %shift_right_logical3A_484 : i32 to vector<16xi32>
    %shift_right_logical3A_486 = arith.shrui %get3A_483, %shift_right_logical3A_485 : vector<16xi32>
    %swap3A_487 = arith.constant 3 : i32
    %swap3A_488 = arith.index_cast %swap3A_487 : i32 to index
    %swap3A_489 = arith.constant 16 : index
    %swap3A_490 = tpu.vector_load %arg6[%swap3A_488, %swap3A_489] {strides = array<i32>} : memref<4x128xi32, #tpu.memory_space<vmem>>, vector<16xi32>,
    tpu.vector_store %arg6[%swap3A_488, %swap3A_489], %shift_right_logical3A_486 {strides = array<i32>} : memref<4x128xi32, #tpu.memory_space<vmem>>, vector<16xi32>,
    %mul3A_491 = arith.constant 128 : i32
    %mul3A_492 = arith.muli %rem3A_460, %mul3A_491 : i32
    %add3A_493 = arith.constant 32 : i32
    %add3A_494 = arith.addi %mul3A_492, %add3A_493 : i32
    %get3A_495 = arith.constant 0 : i32
    %get3A_496 = arith.index_cast %get3A_495 : i32 to index
    %get3A_497 = arith.index_cast %add3A_494 : i32 to index
    %get3A_498 = tpu.vector_load %arg5[%get3A_496, %get3A_497] {strides = array<i32>} : memref<26x512xi32, #tpu.memory_space<vmem>>, vector<16xi32>,
    %shift_right_logical3A_499 = arith.constant 2 : i32
    %shift_right_logical3A_500 = vector.broadcast %shift_right_logical3A_499 : i32 to vector<16xi32>
    %shift_right_logical3A_501 = arith.shrui %get3A_498, %shift_right_logical3A_500 : vector<16xi32>
    %swap3A_502 = arith.constant 3 : i32
    %swap3A_503 = arith.index_cast %swap3A_502 : i32 to index
    %swap3A_504 = arith.constant 32 : index
    %swap3A_505 = tpu.vector_load %arg6[%swap3A_503, %swap3A_504] {strides = array<i32>} : memref<4x128xi32, #tpu.memory_space<vmem>>, vector<16xi32>,
    tpu.vector_store %arg6[%swap3A_503, %swap3A_504], %shift_right_logical3A_501 {strides = array<i32>} : memref<4x128xi32, #tpu.memory_space<vmem>>, vector<16xi32>,
    %mul3A_506 = arith.constant 128 : i32
    %mul3A_507 = arith.muli %rem3A_460, %mul3A_506 : i32
    %add3A_508 = arith.constant 48 : i32
    %add3A_509 = arith.addi %mul3A_507, %add3A_508 : i32
    %get3A_510 = arith.constant 0 : i32
    %get3A_511 = arith.index_cast %get3A_510 : i32 to index
    %get3A_512 = arith.index_cast %add3A_509 : i32 to index
    %get3A_513 = tpu.vector_load %arg5[%get3A_511, %get3A_512] {strides = array<i32>} : memref<26x512xi32, #tpu.memory_space<vmem>>, vector<16xi32>,
    %shift_right_logical3A_514 = arith.constant 2 : i32
    %shift_right_logical3A_515 = vector.broadcast %shift_right_logical3A_514 : i32 to vector<16xi32>
    %shift_right_logical3A_516 = arith.shrui %get3A_513, %shift_right_logical3A_515 : vector<16xi32>
    %swap3A_517 = arith.constant 3 : i32
    %swap3A_518 = arith.index_cast %swap3A_517 : i32 to index
    %swap3A_519 = arith.constant 48 : index
    %swap3A_520 = tpu.vector_load %arg6[%swap3A_518, %swap3A_519] {strides = array<i32>} : memref<4x128xi32, #tpu.memory_space<vmem>>, vector<16xi32>,
    tpu.vector_store %arg6[%swap3A_518, %swap3A_519], %shift_right_logical3A_516 {strides = array<i32>} : memref<4x128xi32, #tpu.memory_space<vmem>>, vector<16xi32>,
    %mul3A_521 = arith.constant 128 : i32
    %mul3A_522 = arith.muli %rem3A_460, %mul3A_521 : i32
    %add3A_523 = arith.constant 64 : i32
    %add3A_524 = arith.addi %mul3A_522, %add3A_523 : i32
    %get3A_525 = arith.constant 0 : i32
    %get3A_526 = arith.index_cast %get3A_525 : i32 to index
    %get3A_527 = arith.index_cast %add3A_524 : i32 to index
    %get3A_528 = tpu.vector_load %arg5[%get3A_526, %get3A_527] {strides = array<i32>} : memref<26x512xi32, #tpu.memory_space<vmem>>, vector<16xi32>,
    %shift_right_logical3A_529 = arith.constant 2 : i32
    %shift_right_logical3A_530 = vector.broadcast %shift_right_logical3A_529 : i32 to vector<16xi32>
    %shift_right_logical3A_531 = arith.shrui %get3A_528, %shift_right_logical3A_530 : vector<16xi32>
    %swap3A_532 = arith.constant 3 : i32
    %swap3A_533 = arith.index_cast %swap3A_532 : i32 to index
    %swap3A_534 = arith.constant 64 : index
    %swap3A_535 = tpu.vector_load %arg6[%swap3A_533, %swap3A_534] {strides = array<i32>} : memref<4x128xi32, #tpu.memory_space<vmem>>, vector<16xi32>,
    tpu.vector_store %arg6[%swap3A_533, %swap3A_534], %shift_right_logical3A_531 {strides = array<i32>} : memref<4x128xi32, #tpu.memory_space<vmem>>, vector<16xi32>,
    %mul3A_536 = arith.constant 128 : i32
    %mul3A_537 = arith.muli %rem3A_460, %mul3A_536 : i32
    %add3A_538 = arith.constant 80 : i32
    %add3A_539 = arith.addi %mul3A_537, %add3A_538 : i32
    %get3A_540 = arith.constant 0 : i32
    %get3A_541 = arith.index_cast %get3A_540 : i32 to index
    %get3A_542 = arith.index_cast %add3A_539 : i32 to index
    %get3A_543 = tpu.vector_load %arg5[%get3A_541, %get3A_542] {strides = array<i32>} : memref<26x512xi32, #tpu.memory_space<vmem>>, vector<16xi32>,
    %shift_right_logical3A_544 = arith.constant 2 : i32
    %shift_right_logical3A_545 = vector.broadcast %shift_right_logical3A_544 : i32 to vector<16xi32>
    %shift_right_logical3A_546 = arith.shrui %get3A_543, %shift_right_logical3A_545 : vector<16xi32>
    %swap3A_547 = arith.constant 3 : i32
    %swap3A_548 = arith.index_cast %swap3A_547 : i32 to index
    %swap3A_549 = arith.constant 80 : index
    %swap3A_550 = tpu.vector_load %arg6[%swap3A_548, %swap3A_549] {strides = array<i32>} : memref<4x128xi32, #tpu.memory_space<vmem>>, vector<16xi32>,
    tpu.vector_store %arg6[%swap3A_548, %swap3A_549], %shift_right_logical3A_546 {strides = array<i32>} : memref<4x128xi32, #tpu.memory_space<vmem>>, vector<16xi32>,
    %mul3A_551 = arith.constant 128 : i32
    %mul3A_552 = arith.muli %rem3A_460, %mul3A_551 : i32
    %add3A_553 = arith.constant 96 : i32
    %add3A_554 = arith.addi %mul3A_552, %add3A_553 : i32
    %get3A_555 = arith.constant 0 : i32
    %get3A_556 = arith.index_cast %get3A_555 : i32 to index
    %get3A_557 = arith.index_cast %add3A_554 : i32 to index
    %get3A_558 = tpu.vector_load %arg5[%get3A_556, %get3A_557] {strides = array<i32>} : memref<26x512xi32, #tpu.memory_space<vmem>>, vector<16xi32>,
    %shift_right_logical3A_559 = arith.constant 2 : i32
    %shift_right_logical3A_560 = vector.broadcast %shift_right_logical3A_559 : i32 to vector<16xi32>
    %shift_right_logical3A_561 = arith.shrui %get3A_558, %shift_right_logical3A_560 : vector<16xi32>
    %swap3A_562 = arith.constant 3 : i32
    %swap3A_563 = arith.index_cast %swap3A_562 : i32 to index
    %swap3A_564 = arith.constant 96 : index
    %swap3A_565 = tpu.vector_load %arg6[%swap3A_563, %swap3A_564] {strides = array<i32>} : memref<4x128xi32, #tpu.memory_space<vmem>>, vector<16xi32>,
    tpu.vector_store %arg6[%swap3A_563, %swap3A_564], %shift_right_logical3A_561 {strides = array<i32>} : memref<4x128xi32, #tpu.memory_space<vmem>>, vector<16xi32>,
    %mul3A_566 = arith.constant 128 : i32
    %mul3A_567 = arith.muli %rem3A_460, %mul3A_566 : i32
    %add3A_568 = arith.constant 112 : i32
    %add3A_569 = arith.addi %mul3A_567, %add3A_568 : i32
    %get3A_570 = arith.constant 0 : i32
    %get3A_571 = arith.index_cast %get3A_570 : i32 to index
    %get3A_572 = arith.index_cast %add3A_569 : i32 to index
    %get3A_573 = tpu.vector_load %arg5[%get3A_571, %get3A_572] {strides = array<i32>} : memref<26x512xi32, #tpu.memory_space<vmem>>, vector<16xi32>,
    %shift_right_logical3A_574 = arith.constant 2 : i32
    %shift_right_logical3A_575 = vector.broadcast %shift_right_logical3A_574 : i32 to vector<16xi32>
    %shift_right_logical3A_576 = arith.shrui %get3A_573, %shift_right_logical3A_575 : vector<16xi32>
    %swap3A_577 = arith.constant 3 : i32
    %swap3A_578 = arith.index_cast %swap3A_577 : i32 to index
    %swap3A_579 = arith.constant 112 : index
    %swap3A_580 = tpu.vector_load %arg6[%swap3A_578, %swap3A_579] {strides = array<i32>} : memref<4x128xi32, #tpu.memory_space<vmem>>, vector<16xi32>,
    tpu.vector_store %arg6[%swap3A_578, %swap3A_579], %shift_right_logical3A_576 {strides = array<i32>} : memref<4x128xi32, #tpu.memory_space<vmem>>, vector<16xi32>,
    %dma_start3A_581 = arith.constant 3 : i32
    %dma_start3A_582 = arith.constant 3 : i32
    %dma_start3A_583 = arith.constant 0 : i32
    %dma_start3A_584 = arith.constant 0 : i32
    %dma_start3A_585 = tpu.memref_slice %arg7[%dma_start3A_582, %dma_start3A_583, %dma_start3A_584] : memref<4x128x128xf32, #tpu.memory_space<vmem>> -> memref<1x128x128xf32, #tpu.memory_space<vmem>>
    %dma_start3A_586 = tpu.memref_squeeze %dma_start3A_585 : memref<1x128x128xf32, #tpu.memory_space<vmem>> -> memref<128x128xf32, #tpu.memory_space<vmem>>
    %dma_start3A_587 = arith.constant 0 : i32
    %dma_start3A_588 = tpu.memref_slice %arg6[%dma_start3A_581, %dma_start3A_587] : memref<4x128xi32, #tpu.memory_space<vmem>> -> memref<1x128xi32, #tpu.memory_space<vmem>>
    %dma_start3A_589 = tpu.memref_squeeze %dma_start3A_588 : memref<1x128xi32, #tpu.memory_space<vmem>> -> memref<128xi32, #tpu.memory_space<vmem>>
    %dma_start3A_590 = arith.constant 0 : i32
    %dma_start3A_591 = arith.constant 0 : i32
    %dma_start3A_592 = tpu.memref_slice %arg3[%dma_start3A_590, %dma_start3A_591] : memref<250000x128xf32, #tpu.memory_space<hbm>> -> memref<250000x128xf32, #tpu.memory_space<hbm>>
    tpu.enqueue_indirect_dma source(%dma_start3A_592 : memref<250000x128xf32, #tpu.memory_space<hbm>>) target(%dma_start3A_586 : memref<128x128xf32, #tpu.memory_space<vmem>>) offsets(%dma_start3A_589 : memref<128xi32, #tpu.memory_space<vmem>>) semaphore(%arg10 : memref<!tpu.dma_semaphore, #tpu.memory_space<semaphore_mem>>)
    %rem3A_593 = arith.constant 1 : i32
    %rem3A_594 = arith.constant 4 : i32
    %rem3A_595 = arith.remsi %rem3A_593, %rem3A_594 : i32
    %scan3A_596 = arith.constant 1 : i32
    %scan3A_597 = arith.constant 0 : i32
    %scan3A_598 = arith.constant 0 : i32
    %scan3A_599 = arith.constant 8 : i32
    %scan3A_600 = arith.addi %scan3A_598, %scan3A_599 : i32
    %scan3A_601 = arith.constant 1 : i32
    %scan3A_602 = scf.for %scan3A_811 = %scan3A_598 to %scan3A_600 step %scan3A_601 iter_args(%scan3A_812 = %scan3A_597) -> (i32)  : i32 {
      %mul3A_813 = arith.constant 16 : i32
      %mul3A_814 = arith.muli %scan3A_811, %mul3A_813 : i32
      %mul3A_815 = arith.constant 128 : i32
      %mul3A_816 = arith.muli %rem3A_595, %mul3A_815 : i32
      %add3A_817 = arith.addi %mul3A_816, %mul3A_814 : i32
      %get3A_818 = arith.constant 0 : i32
      %get3A_819 = arith.index_cast %get3A_818 : i32 to index
      %get3A_820 = arith.index_cast %add3A_817 : i32 to index
      %get3A_821 = tpu.vector_load %arg5[%get3A_819, %get3A_820] {strides = array<i32>} : memref<26x512xi32, #tpu.memory_space<vmem>>, vector<16xi32>,
      %and3A = arith.constant 3 : i32
      %and3A_822 = vector.broadcast %and3A : i32 to vector<16xi32>
      %and3A_823 = arith.andi %get3A_821, %and3A_822 : vector<16xi32>
      %mul3A_824 = arith.constant 32 : i32
      %mul3A_825 = vector.broadcast %mul3A_824 : i32 to vector<16xi32>
      %mul3A_826 = arith.muli %and3A_823, %mul3A_825 : vector<16xi32>
      %add3A_827 = vector.broadcast %mul3A_814 : i32 to vector<16xi32>
      %add3A_828 = arith.addi %iota3A, %add3A_827 : vector<16xi32>
      %add3A_829 = arith.constant 0 : i32
      %add3A_830 = vector.broadcast %add3A_829 : i32 to vector<16xi32>
      %add3A_831 = arith.addi %mul3A_826, %add3A_830 : vector<16xi32>
      %gather3A = arith.constant 0 : i32
      %gather3A_832 = arith.constant 0 : i32
      %gather3A_833 = tpu.memref_slice %arg7[%scan3A_596, %gather3A, %gather3A_832] : memref<4x128x128xf32, #tpu.memory_space<vmem>> -> memref<1x128x128xf32, #tpu.memory_space<vmem>>
      %gather3A_834 = tpu.memref_squeeze %gather3A_833 : memref<1x128x128xf32, #tpu.memory_space<vmem>> -> memref<128x128xf32, #tpu.memory_space<vmem>>
      %gather3A_835 = tpu.vector_load_idx %gather3A_834[%add3A_828, %add3A_831] : memref<128x128xf32, #tpu.memory_space<vmem>>[vector<16xi32>, vector<16xi32>], vector<16xf32>,
      %swap3A_836 = arith.constant 1 : i32
      %swap3A_837 = arith.constant 0 : i32
      %swap3A_838 = arith.index_cast %swap3A_836 : i32 to index
      %swap3A_839 = arith.index_cast %swap3A_837 : i32 to index
      %swap3A_840 = arith.index_cast %mul3A_814 : i32 to index
      %swap3A_841 = tpu.vector_load %arg8[%swap3A_838, %swap3A_839, %swap3A_840] {strides = array<i32>} : memref<2x32x128xf32, #tpu.memory_space<vmem>>, vector<16xf32>,
      tpu.vector_store %arg8[%swap3A_838, %swap3A_839, %swap3A_840], %gather3A_835 {strides = array<i32>} : memref<2x32x128xf32, #tpu.memory_space<vmem>>, vector<16xf32>,
      %add3A_842 = arith.constant 1 : i32
      %add3A_843 = vector.broadcast %add3A_842 : i32 to vector<16xi32>
      %add3A_844 = arith.addi %mul3A_826, %add3A_843 : vector<16xi32>
      %gather3A_845 = arith.constant 0 : i32
      %gather3A_846 = arith.constant 0 : i32
      %gather3A_847 = tpu.memref_slice %arg7[%scan3A_596, %gather3A_845, %gather3A_846] : memref<4x128x128xf32, #tpu.memory_space<vmem>> -> memref<1x128x128xf32, #tpu.memory_space<vmem>>
      %gather3A_848 = tpu.memref_squeeze %gather3A_847 : memref<1x128x128xf32, #tpu.memory_space<vmem>> -> memref<128x128xf32, #tpu.memory_space<vmem>>
      %gather3A_849 = tpu.vector_load_idx %gather3A_848[%add3A_828, %add3A_844] : memref<128x128xf32, #tpu.memory_space<vmem>>[vector<16xi32>, vector<16xi32>], vector<16xf32>,
      %swap3A_850 = arith.constant 1 : i32
      %swap3A_851 = arith.constant 1 : i32
      %swap3A_852 = arith.index_cast %swap3A_850 : i32 to index
      %swap3A_853 = arith.index_cast %swap3A_851 : i32 to index
      %swap3A_854 = arith.index_cast %mul3A_814 : i32 to index
      %swap3A_855 = tpu.vector_load %arg8[%swap3A_852, %swap3A_853, %swap3A_854] {strides = array<i32>} : memref<2x32x128xf32, #tpu.memory_space<vmem>>, vector<16xf32>,
      tpu.vector_store %arg8[%swap3A_852, %swap3A_853, %swap3A_854], %gather3A_849 {strides = array<i32>} : memref<2x32x128xf32, #tpu.memory_space<vmem>>, vector<16xf32>,
      %add3A_856 = arith.constant 2 : i32
      %add3A_857 = vector.broadcast %add3A_856 : i32 to vector<16xi32>
      %add3A_858 = arith.addi %mul3A_826, %add3A_857 : vector<16xi32>
      %gather3A_859 = arith.constant 0 : i32
      %gather3A_860 = arith.constant 0 : i32
      %gather3A_861 = tpu.memref_slice %arg7[%scan3A_596, %gather3A_859, %gather3A_860] : memref<4x128x128xf32, #tpu.memory_space<vmem>> -> memref<1x128x128xf32, #tpu.memory_space<vmem>>
      %gather3A_862 = tpu.memref_squeeze %gather3A_861 : memref<1x128x128xf32, #tpu.memory_space<vmem>> -> memref<128x128xf32, #tpu.memory_space<vmem>>
      %gather3A_863 = tpu.vector_load_idx %gather3A_862[%add3A_828, %add3A_858] : memref<128x128xf32, #tpu.memory_space<vmem>>[vector<16xi32>, vector<16xi32>], vector<16xf32>,
      %swap3A_864 = arith.constant 1 : i32
      %swap3A_865 = arith.constant 2 : i32
      %swap3A_866 = arith.index_cast %swap3A_864 : i32 to index
      %swap3A_867 = arith.index_cast %swap3A_865 : i32 to index
      %swap3A_868 = arith.index_cast %mul3A_814 : i32 to index
      %swap3A_869 = tpu.vector_load %arg8[%swap3A_866, %swap3A_867, %swap3A_868] {strides = array<i32>} : memref<2x32x128xf32, #tpu.memory_space<vmem>>, vector<16xf32>,
      tpu.vector_store %arg8[%swap3A_866, %swap3A_867, %swap3A_868], %gather3A_863 {strides = array<i32>} : memref<2x32x128xf32, #tpu.memory_space<vmem>>, vector<16xf32>,
      %add3A_870 = arith.constant 3 : i32
      %add3A_871 = vector.broadcast %add3A_870 : i32 to vector<16xi32>
      %add3A_872 = arith.addi %mul3A_826, %add3A_871 : vector<16xi32>
      %gather3A_873 = arith.constant 0 : i32
      %gather3A_874 = arith.constant 0 : i32
      %gather3A_875 = tpu.memref_slice %arg7[%scan3A_596, %gather3A_873, %gather3A_874] : memref<4x128x128xf32, #tpu.memory_space<vmem>> -> memref<1x128x128xf32, #tpu.memory_space<vmem>>
      %gather3A_876 = tpu.memref_squeeze %gather3A_875 : memref<1x128x128xf32, #tpu.memory_space<vmem>> -> memref<128x128xf32, #tpu.memory_space<vmem>>
      %gather3A_877 = tpu.vector_load_idx %gather3A_876[%add3A_828, %add3A_872] : memref<128x128xf32, #tpu.memory_space<vmem>>[vector<16xi32>, vector<16xi32>], vector<16xf32>,
      %swap3A_878 = arith.constant 1 : i32
      %swap3A_879 = arith.constant 3 : i32
      %swap3A_880 = arith.index_cast %swap3A_878 : i32 to index
      %swap3A_881 = arith.index_cast %swap3A_879 : i32 to index
      %swap3A_882 = arith.index_cast %mul3A_814 : i32 to index
      %swap3A_883 = tpu.vector_load %arg8[%swap3A_880, %swap3A_881, %swap3A_882] {strides = array<i32>} : memref<2x32x128xf32, #tpu.memory_space<vmem>>, vector<16xf32>,
      tpu.vector_store %arg8[%swap3A_880, %swap3A_881, %swap3A_882], %gather3A_877 {strides = array<i32>} : memref<2x32x128xf32, #tpu.memory_space<vmem>>, vector<16xf32>,
      %add3A_884 = arith.constant 4 : i32
      %add3A_885 = vector.broadcast %add3A_884 : i32 to vector<16xi32>
      %add3A_886 = arith.addi %mul3A_826, %add3A_885 : vector<16xi32>
      %gather3A_887 = arith.constant 0 : i32
      %gather3A_888 = arith.constant 0 : i32
      %gather3A_889 = tpu.memref_slice %arg7[%scan3A_596, %gather3A_887, %gather3A_888] : memref<4x128x128xf32, #tpu.memory_space<vmem>> -> memref<1x128x128xf32, #tpu.memory_space<vmem>>
      %gather3A_890 = tpu.memref_squeeze %gather3A_889 : memref<1x128x128xf32, #tpu.memory_space<vmem>> -> memref<128x128xf32, #tpu.memory_space<vmem>>
      %gather3A_891 = tpu.vector_load_idx %gather3A_890[%add3A_828, %add3A_886] : memref<128x128xf32, #tpu.memory_space<vmem>>[vector<16xi32>, vector<16xi32>], vector<16xf32>,
      %swap3A_892 = arith.constant 1 : i32
      %swap3A_893 = arith.constant 4 : i32
      %swap3A_894 = arith.index_cast %swap3A_892 : i32 to index
      %swap3A_895 = arith.index_cast %swap3A_893 : i32 to index
      %swap3A_896 = arith.index_cast %mul3A_814 : i32 to index
      %swap3A_897 = tpu.vector_load %arg8[%swap3A_894, %swap3A_895, %swap3A_896] {strides = array<i32>} : memref<2x32x128xf32, #tpu.memory_space<vmem>>, vector<16xf32>,
      tpu.vector_store %arg8[%swap3A_894, %swap3A_895, %swap3A_896], %gather3A_891 {strides = array<i32>} : memref<2x32x128xf32, #tpu.memory_space<vmem>>, vector<16xf32>,
      %add3A_898 = arith.constant 5 : i32
      %add3A_899 = vector.broadcast %add3A_898 : i32 to vector<16xi32>
      %add3A_900 = arith.addi %mul3A_826, %add3A_899 : vector<16xi32>
      %gather3A_901 = arith.constant 0 : i32
      %gather3A_902 = arith.constant 0 : i32
      %gather3A_903 = tpu.memref_slice %arg7[%scan3A_596, %gather3A_901, %gather3A_902] : memref<4x128x128xf32, #tpu.memory_space<vmem>> -> memref<1x128x128xf32, #tpu.memory_space<vmem>>
      %gather3A_904 = tpu.memref_squeeze %gather3A_903 : memref<1x128x128xf32, #tpu.memory_space<vmem>> -> memref<128x128xf32, #tpu.memory_space<vmem>>
      %gather3A_905 = tpu.vector_load_idx %gather3A_904[%add3A_828, %add3A_900] : memref<128x128xf32, #tpu.memory_space<vmem>>[vector<16xi32>, vector<16xi32>], vector<16xf32>,
      %swap3A_906 = arith.constant 1 : i32
      %swap3A_907 = arith.constant 5 : i32
      %swap3A_908 = arith.index_cast %swap3A_906 : i32 to index
      %swap3A_909 = arith.index_cast %swap3A_907 : i32 to index
      %swap3A_910 = arith.index_cast %mul3A_814 : i32 to index
      %swap3A_911 = tpu.vector_load %arg8[%swap3A_908, %swap3A_909, %swap3A_910] {strides = array<i32>} : memref<2x32x128xf32, #tpu.memory_space<vmem>>, vector<16xf32>,
      tpu.vector_store %arg8[%swap3A_908, %swap3A_909, %swap3A_910], %gather3A_905 {strides = array<i32>} : memref<2x32x128xf32, #tpu.memory_space<vmem>>, vector<16xf32>,
      %add3A_912 = arith.constant 6 : i32
      %add3A_913 = vector.broadcast %add3A_912 : i32 to vector<16xi32>
      %add3A_914 = arith.addi %mul3A_826, %add3A_913 : vector<16xi32>
      %gather3A_915 = arith.constant 0 : i32
      %gather3A_916 = arith.constant 0 : i32
      %gather3A_917 = tpu.memref_slice %arg7[%scan3A_596, %gather3A_915, %gather3A_916] : memref<4x128x128xf32, #tpu.memory_space<vmem>> -> memref<1x128x128xf32, #tpu.memory_space<vmem>>
      %gather3A_918 = tpu.memref_squeeze %gather3A_917 : memref<1x128x128xf32, #tpu.memory_space<vmem>> -> memref<128x128xf32, #tpu.memory_space<vmem>>
      %gather3A_919 = tpu.vector_load_idx %gather3A_918[%add3A_828, %add3A_914] : memref<128x128xf32, #tpu.memory_space<vmem>>[vector<16xi32>, vector<16xi32>], vector<16xf32>,
      %swap3A_920 = arith.constant 1 : i32
      %swap3A_921 = arith.constant 6 : i32
      %swap3A_922 = arith.index_cast %swap3A_920 : i32 to index
      %swap3A_923 = arith.index_cast %swap3A_921 : i32 to index
      %swap3A_924 = arith.index_cast %mul3A_814 : i32 to index
      %swap3A_925 = tpu.vector_load %arg8[%swap3A_922, %swap3A_923, %swap3A_924] {strides = array<i32>} : memref<2x32x128xf32, #tpu.memory_space<vmem>>, vector<16xf32>,
      tpu.vector_store %arg8[%swap3A_922, %swap3A_923, %swap3A_924], %gather3A_919 {strides = array<i32>} : memref<2x32x128xf32, #tpu.memory_space<vmem>>, vector<16xf32>,
      %add3A_926 = arith.constant 7 : i32
      %add3A_927 = vector.broadcast %add3A_926 : i32 to vector<16xi32>
      %add3A_928 = arith.addi %mul3A_826, %add3A_927 : vector<16xi32>
      %gather3A_929 = arith.constant 0 : i32
      %gather3A_930 = arith.constant 0 : i32
      %gather3A_931 = tpu.memref_slice %arg7[%scan3A_596, %gather3A_929, %gather3A_930] : memref<4x128x128xf32, #tpu.memory_space<vmem>> -> memref<1x128x128xf32, #tpu.memory_space<vmem>>
      %gather3A_932 = tpu.memref_squeeze %gather3A_931 : memref<1x128x128xf32, #tpu.memory_space<vmem>> -> memref<128x128xf32, #tpu.memory_space<vmem>>
      %gather3A_933 = tpu.vector_load_idx %gather3A_932[%add3A_828, %add3A_928] : memref<128x128xf32, #tpu.memory_space<vmem>>[vector<16xi32>, vector<16xi32>], vector<16xf32>,
      %swap3A_934 = arith.constant 1 : i32
      %swap3A_935 = arith.constant 7 : i32
      %swap3A_936 = arith.index_cast %swap3A_934 : i32 to index
      %swap3A_937 = arith.index_cast %swap3A_935 : i32 to index
      %swap3A_938 = arith.index_cast %mul3A_814 : i32 to index
      %swap3A_939 = tpu.vector_load %arg8[%swap3A_936, %swap3A_937, %swap3A_938] {strides = array<i32>} : memref<2x32x128xf32, #tpu.memory_space<vmem>>, vector<16xf32>,
      tpu.vector_store %arg8[%swap3A_936, %swap3A_937, %swap3A_938], %gather3A_933 {strides = array<i32>} : memref<2x32x128xf32, #tpu.memory_space<vmem>>, vector<16xf32>,
      %add3A_940 = arith.constant 8 : i32
      %add3A_941 = vector.broadcast %add3A_940 : i32 to vector<16xi32>
      %add3A_942 = arith.addi %mul3A_826, %add3A_941 : vector<16xi32>
      %gather3A_943 = arith.constant 0 : i32
      %gather3A_944 = arith.constant 0 : i32
      %gather3A_945 = tpu.memref_slice %arg7[%scan3A_596, %gather3A_943, %gather3A_944] : memref<4x128x128xf32, #tpu.memory_space<vmem>> -> memref<1x128x128xf32, #tpu.memory_space<vmem>>
      %gather3A_946 = tpu.memref_squeeze %gather3A_945 : memref<1x128x128xf32, #tpu.memory_space<vmem>> -> memref<128x128xf32, #tpu.memory_space<vmem>>
      %gather3A_947 = tpu.vector_load_idx %gather3A_946[%add3A_828, %add3A_942] : memref<128x128xf32, #tpu.memory_space<vmem>>[vector<16xi32>, vector<16xi32>], vector<16xf32>,
      %swap3A_948 = arith.constant 1 : i32
      %swap3A_949 = arith.constant 8 : i32
      %swap3A_950 = arith.index_cast %swap3A_948 : i32 to index
      %swap3A_951 = arith.index_cast %swap3A_949 : i32 to index
      %swap3A_952 = arith.index_cast %mul3A_814 : i32 to index
      %swap3A_953 = tpu.vector_load %arg8[%swap3A_950, %swap3A_951, %swap3A_952] {strides = array<i32>} : memref<2x32x128xf32, #tpu.memory_space<vmem>>, vector<16xf32>,
      tpu.vector_store %arg8[%swap3A_950, %swap3A_951, %swap3A_952], %gather3A_947 {strides = array<i32>} : memref<2x32x128xf32, #tpu.memory_space<vmem>>, vector<16xf32>,
      %add3A_954 = arith.constant 9 : i32
      %add3A_955 = vector.broadcast %add3A_954 : i32 to vector<16xi32>
      %add3A_956 = arith.addi %mul3A_826, %add3A_955 : vector<16xi32>
      %gather3A_957 = arith.constant 0 : i32
      %gather3A_958 = arith.constant 0 : i32
      %gather3A_959 = tpu.memref_slice %arg7[%scan3A_596, %gather3A_957, %gather3A_958] : memref<4x128x128xf32, #tpu.memory_space<vmem>> -> memref<1x128x128xf32, #tpu.memory_space<vmem>>
      %gather3A_960 = tpu.memref_squeeze %gather3A_959 : memref<1x128x128xf32, #tpu.memory_space<vmem>> -> memref<128x128xf32, #tpu.memory_space<vmem>>
      %gather3A_961 = tpu.vector_load_idx %gather3A_960[%add3A_828, %add3A_956] : memref<128x128xf32, #tpu.memory_space<vmem>>[vector<16xi32>, vector<16xi32>], vector<16xf32>,
      %swap3A_962 = arith.constant 1 : i32
      %swap3A_963 = arith.constant 9 : i32
      %swap3A_964 = arith.index_cast %swap3A_962 : i32 to index
      %swap3A_965 = arith.index_cast %swap3A_963 : i32 to index
      %swap3A_966 = arith.index_cast %mul3A_814 : i32 to index
      %swap3A_967 = tpu.vector_load %arg8[%swap3A_964, %swap3A_965, %swap3A_966] {strides = array<i32>} : memref<2x32x128xf32, #tpu.memory_space<vmem>>, vector<16xf32>,
      tpu.vector_store %arg8[%swap3A_964, %swap3A_965, %swap3A_966], %gather3A_961 {strides = array<i32>} : memref<2x32x128xf32, #tpu.memory_space<vmem>>, vector<16xf32>,
      %add3A_968 = arith.constant 10 : i32
      %add3A_969 = vector.broadcast %add3A_968 : i32 to vector<16xi32>
      %add3A_970 = arith.addi %mul3A_826, %add3A_969 : vector<16xi32>
      %gather3A_971 = arith.constant 0 : i32
      %gather3A_972 = arith.constant 0 : i32
      %gather3A_973 = tpu.memref_slice %arg7[%scan3A_596, %gather3A_971, %gather3A_972] : memref<4x128x128xf32, #tpu.memory_space<vmem>> -> memref<1x128x128xf32, #tpu.memory_space<vmem>>
      %gather3A_974 = tpu.memref_squeeze %gather3A_973 : memref<1x128x128xf32, #tpu.memory_space<vmem>> -> memref<128x128xf32, #tpu.memory_space<vmem>>
      %gather3A_975 = tpu.vector_load_idx %gather3A_974[%add3A_828, %add3A_970] : memref<128x128xf32, #tpu.memory_space<vmem>>[vector<16xi32>, vector<16xi32>], vector<16xf32>,
      %swap3A_976 = arith.constant 1 : i32
      %swap3A_977 = arith.constant 10 : i32
      %swap3A_978 = arith.index_cast %swap3A_976 : i32 to index
      %swap3A_979 = arith.index_cast %swap3A_977 : i32 to index
      %swap3A_980 = arith.index_cast %mul3A_814 : i32 to index
      %swap3A_981 = tpu.vector_load %arg8[%swap3A_978, %swap3A_979, %swap3A_980] {strides = array<i32>} : memref<2x32x128xf32, #tpu.memory_space<vmem>>, vector<16xf32>,
      tpu.vector_store %arg8[%swap3A_978, %swap3A_979, %swap3A_980], %gather3A_975 {strides = array<i32>} : memref<2x32x128xf32, #tpu.memory_space<vmem>>, vector<16xf32>,
      %add3A_982 = arith.constant 11 : i32
      %add3A_983 = vector.broadcast %add3A_982 : i32 to vector<16xi32>
      %add3A_984 = arith.addi %mul3A_826, %add3A_983 : vector<16xi32>
      %gather3A_985 = arith.constant 0 : i32
      %gather3A_986 = arith.constant 0 : i32
      %gather3A_987 = tpu.memref_slice %arg7[%scan3A_596, %gather3A_985, %gather3A_986] : memref<4x128x128xf32, #tpu.memory_space<vmem>> -> memref<1x128x128xf32, #tpu.memory_space<vmem>>
      %gather3A_988 = tpu.memref_squeeze %gather3A_987 : memref<1x128x128xf32, #tpu.memory_space<vmem>> -> memref<128x128xf32, #tpu.memory_space<vmem>>
      %gather3A_989 = tpu.vector_load_idx %gather3A_988[%add3A_828, %add3A_984] : memref<128x128xf32, #tpu.memory_space<vmem>>[vector<16xi32>, vector<16xi32>], vector<16xf32>,
      %swap3A_990 = arith.constant 1 : i32
      %swap3A_991 = arith.constant 11 : i32
      %swap3A_992 = arith.index_cast %swap3A_990 : i32 to index
      %swap3A_993 = arith.index_cast %swap3A_991 : i32 to index
      %swap3A_994 = arith.index_cast %mul3A_814 : i32 to index
      %swap3A_995 = tpu.vector_load %arg8[%swap3A_992, %swap3A_993, %swap3A_994] {strides = array<i32>} : memref<2x32x128xf32, #tpu.memory_space<vmem>>, vector<16xf32>,
      tpu.vector_store %arg8[%swap3A_992, %swap3A_993, %swap3A_994], %gather3A_989 {strides = array<i32>} : memref<2x32x128xf32, #tpu.memory_space<vmem>>, vector<16xf32>,
      %add3A_996 = arith.constant 12 : i32
      %add3A_997 = vector.broadcast %add3A_996 : i32 to vector<16xi32>
      %add3A_998 = arith.addi %mul3A_826, %add3A_997 : vector<16xi32>
      %gather3A_999 = arith.constant 0 : i32
      %gather3A_1000 = arith.constant 0 : i32
      %gather3A_1001 = tpu.memref_slice %arg7[%scan3A_596, %gather3A_999, %gather3A_1000] : memref<4x128x128xf32, #tpu.memory_space<vmem>> -> memref<1x128x128xf32, #tpu.memory_space<vmem>>
      %gather3A_1002 = tpu.memref_squeeze %gather3A_1001 : memref<1x128x128xf32, #tpu.memory_space<vmem>> -> memref<128x128xf32, #tpu.memory_space<vmem>>
      %gather3A_1003 = tpu.vector_load_idx %gather3A_1002[%add3A_828, %add3A_998] : memref<128x128xf32, #tpu.memory_space<vmem>>[vector<16xi32>, vector<16xi32>], vector<16xf32>,
      %swap3A_1004 = arith.constant 1 : i32
      %swap3A_1005 = arith.constant 12 : i32
      %swap3A_1006 = arith.index_cast %swap3A_1004 : i32 to index
      %swap3A_1007 = arith.index_cast %swap3A_1005 : i32 to index
      %swap3A_1008 = arith.index_cast %mul3A_814 : i32 to index
      %swap3A_1009 = tpu.vector_load %arg8[%swap3A_1006, %swap3A_1007, %swap3A_1008] {strides = array<i32>} : memref<2x32x128xf32, #tpu.memory_space<vmem>>, vector<16xf32>,
      tpu.vector_store %arg8[%swap3A_1006, %swap3A_1007, %swap3A_1008], %gather3A_1003 {strides = array<i32>} : memref<2x32x128xf32, #tpu.memory_space<vmem>>, vector<16xf32>,
      %add3A_1010 = arith.constant 13 : i32
      %add3A_1011 = vector.broadcast %add3A_1010 : i32 to vector<16xi32>
      %add3A_1012 = arith.addi %mul3A_826, %add3A_1011 : vector<16xi32>
      %gather3A_1013 = arith.constant 0 : i32
      %gather3A_1014 = arith.constant 0 : i32
      %gather3A_1015 = tpu.memref_slice %arg7[%scan3A_596, %gather3A_1013, %gather3A_1014] : memref<4x128x128xf32, #tpu.memory_space<vmem>> -> memref<1x128x128xf32, #tpu.memory_space<vmem>>
      %gather3A_1016 = tpu.memref_squeeze %gather3A_1015 : memref<1x128x128xf32, #tpu.memory_space<vmem>> -> memref<128x128xf32, #tpu.memory_space<vmem>>
      %gather3A_1017 = tpu.vector_load_idx %gather3A_1016[%add3A_828, %add3A_1012] : memref<128x128xf32, #tpu.memory_space<vmem>>[vector<16xi32>, vector<16xi32>], vector<16xf32>,
      %swap3A_1018 = arith.constant 1 : i32
      %swap3A_1019 = arith.constant 13 : i32
      %swap3A_1020 = arith.index_cast %swap3A_1018 : i32 to index
      %swap3A_1021 = arith.index_cast %swap3A_1019 : i32 to index
      %swap3A_1022 = arith.index_cast %mul3A_814 : i32 to index
      %swap3A_1023 = tpu.vector_load %arg8[%swap3A_1020, %swap3A_1021, %swap3A_1022] {strides = array<i32>} : memref<2x32x128xf32, #tpu.memory_space<vmem>>, vector<16xf32>,
      tpu.vector_store %arg8[%swap3A_1020, %swap3A_1021, %swap3A_1022], %gather3A_1017 {strides = array<i32>} : memref<2x32x128xf32, #tpu.memory_space<vmem>>, vector<16xf32>,
      %add3A_1024 = arith.constant 14 : i32
      %add3A_1025 = vector.broadcast %add3A_1024 : i32 to vector<16xi32>
      %add3A_1026 = arith.addi %mul3A_826, %add3A_1025 : vector<16xi32>
      %gather3A_1027 = arith.constant 0 : i32
      %gather3A_1028 = arith.constant 0 : i32
      %gather3A_1029 = tpu.memref_slice %arg7[%scan3A_596, %gather3A_1027, %gather3A_1028] : memref<4x128x128xf32, #tpu.memory_space<vmem>> -> memref<1x128x128xf32, #tpu.memory_space<vmem>>
      %gather3A_1030 = tpu.memref_squeeze %gather3A_1029 : memref<1x128x128xf32, #tpu.memory_space<vmem>> -> memref<128x128xf32, #tpu.memory_space<vmem>>
      %gather3A_1031 = tpu.vector_load_idx %gather3A_1030[%add3A_828, %add3A_1026] : memref<128x128xf32, #tpu.memory_space<vmem>>[vector<16xi32>, vector<16xi32>], vector<16xf32>,
      %swap3A_1032 = arith.constant 1 : i32
      %swap3A_1033 = arith.constant 14 : i32
      %swap3A_1034 = arith.index_cast %swap3A_1032 : i32 to index
      %swap3A_1035 = arith.index_cast %swap3A_1033 : i32 to index
      %swap3A_1036 = arith.index_cast %mul3A_814 : i32 to index
      %swap3A_1037 = tpu.vector_load %arg8[%swap3A_1034, %swap3A_1035, %swap3A_1036] {strides = array<i32>} : memref<2x32x128xf32, #tpu.memory_space<vmem>>, vector<16xf32>,
      tpu.vector_store %arg8[%swap3A_1034, %swap3A_1035, %swap3A_1036], %gather3A_1031 {strides = array<i32>} : memref<2x32x128xf32, #tpu.memory_space<vmem>>, vector<16xf32>,
      %add3A_1038 = arith.constant 15 : i32
      %add3A_1039 = vector.broadcast %add3A_1038 : i32 to vector<16xi32>
      %add3A_1040 = arith.addi %mul3A_826, %add3A_1039 : vector<16xi32>
      %gather3A_1041 = arith.constant 0 : i32
      %gather3A_1042 = arith.constant 0 : i32
      %gather3A_1043 = tpu.memref_slice %arg7[%scan3A_596, %gather3A_1041, %gather3A_1042] : memref<4x128x128xf32, #tpu.memory_space<vmem>> -> memref<1x128x128xf32, #tpu.memory_space<vmem>>
      %gather3A_1044 = tpu.memref_squeeze %gather3A_1043 : memref<1x128x128xf32, #tpu.memory_space<vmem>> -> memref<128x128xf32, #tpu.memory_space<vmem>>
      %gather3A_1045 = tpu.vector_load_idx %gather3A_1044[%add3A_828, %add3A_1040] : memref<128x128xf32, #tpu.memory_space<vmem>>[vector<16xi32>, vector<16xi32>], vector<16xf32>,
      %swap3A_1046 = arith.constant 1 : i32
      %swap3A_1047 = arith.constant 15 : i32
      %swap3A_1048 = arith.index_cast %swap3A_1046 : i32 to index
      %swap3A_1049 = arith.index_cast %swap3A_1047 : i32 to index
      %swap3A_1050 = arith.index_cast %mul3A_814 : i32 to index
      %swap3A_1051 = tpu.vector_load %arg8[%swap3A_1048, %swap3A_1049, %swap3A_1050] {strides = array<i32>} : memref<2x32x128xf32, #tpu.memory_space<vmem>>, vector<16xf32>,
      tpu.vector_store %arg8[%swap3A_1048, %swap3A_1049, %swap3A_1050], %gather3A_1045 {strides = array<i32>} : memref<2x32x128xf32, #tpu.memory_space<vmem>>, vector<16xf32>,
      %add3A_1052 = arith.constant 16 : i32
      %add3A_1053 = vector.broadcast %add3A_1052 : i32 to vector<16xi32>
      %add3A_1054 = arith.addi %mul3A_826, %add3A_1053 : vector<16xi32>
      %gather3A_1055 = arith.constant 0 : i32
      %gather3A_1056 = arith.constant 0 : i32
      %gather3A_1057 = tpu.memref_slice %arg7[%scan3A_596, %gather3A_1055, %gather3A_1056] : memref<4x128x128xf32, #tpu.memory_space<vmem>> -> memref<1x128x128xf32, #tpu.memory_space<vmem>>
      %gather3A_1058 = tpu.memref_squeeze %gather3A_1057 : memref<1x128x128xf32, #tpu.memory_space<vmem>> -> memref<128x128xf32, #tpu.memory_space<vmem>>
      %gather3A_1059 = tpu.vector_load_idx %gather3A_1058[%add3A_828, %add3A_1054] : memref<128x128xf32, #tpu.memory_space<vmem>>[vector<16xi32>, vector<16xi32>], vector<16xf32>,
      %swap3A_1060 = arith.constant 1 : i32
      %swap3A_1061 = arith.constant 16 : i32
      %swap3A_1062 = arith.index_cast %swap3A_1060 : i32 to index
      %swap3A_1063 = arith.index_cast %swap3A_1061 : i32 to index
      %swap3A_1064 = arith.index_cast %mul3A_814 : i32 to index
      %swap3A_1065 = tpu.vector_load %arg8[%swap3A_1062, %swap3A_1063, %swap3A_1064] {strides = array<i32>} : memref<2x32x128xf32, #tpu.memory_space<vmem>>, vector<16xf32>,
      tpu.vector_store %arg8[%swap3A_1062, %swap3A_1063, %swap3A_1064], %gather3A_1059 {strides = array<i32>} : memref<2x32x128xf32, #tpu.memory_space<vmem>>, vector<16xf32>,
      %add3A_1066 = arith.constant 17 : i32
      %add3A_1067 = vector.broadcast %add3A_1066 : i32 to vector<16xi32>
      %add3A_1068 = arith.addi %mul3A_826, %add3A_1067 : vector<16xi32>
      %gather3A_1069 = arith.constant 0 : i32
      %gather3A_1070 = arith.constant 0 : i32
      %gather3A_1071 = tpu.memref_slice %arg7[%scan3A_596, %gather3A_1069, %gather3A_1070] : memref<4x128x128xf32, #tpu.memory_space<vmem>> -> memref<1x128x128xf32, #tpu.memory_space<vmem>>
      %gather3A_1072 = tpu.memref_squeeze %gather3A_1071 : memref<1x128x128xf32, #tpu.memory_space<vmem>> -> memref<128x128xf32, #tpu.memory_space<vmem>>
      %gather3A_1073 = tpu.vector_load_idx %gather3A_1072[%add3A_828, %add3A_1068] : memref<128x128xf32, #tpu.memory_space<vmem>>[vector<16xi32>, vector<16xi32>], vector<16xf32>,
      %swap3A_1074 = arith.constant 1 : i32
      %swap3A_1075 = arith.constant 17 : i32
      %swap3A_1076 = arith.index_cast %swap3A_1074 : i32 to index
      %swap3A_1077 = arith.index_cast %swap3A_1075 : i32 to index
      %swap3A_1078 = arith.index_cast %mul3A_814 : i32 to index
      %swap3A_1079 = tpu.vector_load %arg8[%swap3A_1076, %swap3A_1077, %swap3A_1078] {strides = array<i32>} : memref<2x32x128xf32, #tpu.memory_space<vmem>>, vector<16xf32>,
      tpu.vector_store %arg8[%swap3A_1076, %swap3A_1077, %swap3A_1078], %gather3A_1073 {strides = array<i32>} : memref<2x32x128xf32, #tpu.memory_space<vmem>>, vector<16xf32>,
      %add3A_1080 = arith.constant 18 : i32
      %add3A_1081 = vector.broadcast %add3A_1080 : i32 to vector<16xi32>
      %add3A_1082 = arith.addi %mul3A_826, %add3A_1081 : vector<16xi32>
      %gather3A_1083 = arith.constant 0 : i32
      %gather3A_1084 = arith.constant 0 : i32
      %gather3A_1085 = tpu.memref_slice %arg7[%scan3A_596, %gather3A_1083, %gather3A_1084] : memref<4x128x128xf32, #tpu.memory_space<vmem>> -> memref<1x128x128xf32, #tpu.memory_space<vmem>>
      %gather3A_1086 = tpu.memref_squeeze %gather3A_1085 : memref<1x128x128xf32, #tpu.memory_space<vmem>> -> memref<128x128xf32, #tpu.memory_space<vmem>>
      %gather3A_1087 = tpu.vector_load_idx %gather3A_1086[%add3A_828, %add3A_1082] : memref<128x128xf32, #tpu.memory_space<vmem>>[vector<16xi32>, vector<16xi32>], vector<16xf32>,
      %swap3A_1088 = arith.constant 1 : i32
      %swap3A_1089 = arith.constant 18 : i32
      %swap3A_1090 = arith.index_cast %swap3A_1088 : i32 to index
      %swap3A_1091 = arith.index_cast %swap3A_1089 : i32 to index
      %swap3A_1092 = arith.index_cast %mul3A_814 : i32 to index
      %swap3A_1093 = tpu.vector_load %arg8[%swap3A_1090, %swap3A_1091, %swap3A_1092] {strides = array<i32>} : memref<2x32x128xf32, #tpu.memory_space<vmem>>, vector<16xf32>,
      tpu.vector_store %arg8[%swap3A_1090, %swap3A_1091, %swap3A_1092], %gather3A_1087 {strides = array<i32>} : memref<2x32x128xf32, #tpu.memory_space<vmem>>, vector<16xf32>,
      %add3A_1094 = arith.constant 19 : i32
      %add3A_1095 = vector.broadcast %add3A_1094 : i32 to vector<16xi32>
      %add3A_1096 = arith.addi %mul3A_826, %add3A_1095 : vector<16xi32>
      %gather3A_1097 = arith.constant 0 : i32
      %gather3A_1098 = arith.constant 0 : i32
      %gather3A_1099 = tpu.memref_slice %arg7[%scan3A_596, %gather3A_1097, %gather3A_1098] : memref<4x128x128xf32, #tpu.memory_space<vmem>> -> memref<1x128x128xf32, #tpu.memory_space<vmem>>
      %gather3A_1100 = tpu.memref_squeeze %gather3A_1099 : memref<1x128x128xf32, #tpu.memory_space<vmem>> -> memref<128x128xf32, #tpu.memory_space<vmem>>
      %gather3A_1101 = tpu.vector_load_idx %gather3A_1100[%add3A_828, %add3A_1096] : memref<128x128xf32, #tpu.memory_space<vmem>>[vector<16xi32>, vector<16xi32>], vector<16xf32>,
      %swap3A_1102 = arith.constant 1 : i32
      %swap3A_1103 = arith.constant 19 : i32
      %swap3A_1104 = arith.index_cast %swap3A_1102 : i32 to index
      %swap3A_1105 = arith.index_cast %swap3A_1103 : i32 to index
      %swap3A_1106 = arith.index_cast %mul3A_814 : i32 to index
      %swap3A_1107 = tpu.vector_load %arg8[%swap3A_1104, %swap3A_1105, %swap3A_1106] {strides = array<i32>} : memref<2x32x128xf32, #tpu.memory_space<vmem>>, vector<16xf32>,
      tpu.vector_store %arg8[%swap3A_1104, %swap3A_1105, %swap3A_1106], %gather3A_1101 {strides = array<i32>} : memref<2x32x128xf32, #tpu.memory_space<vmem>>, vector<16xf32>,
      %add3A_1108 = arith.constant 20 : i32
      %add3A_1109 = vector.broadcast %add3A_1108 : i32 to vector<16xi32>
      %add3A_1110 = arith.addi %mul3A_826, %add3A_1109 : vector<16xi32>
      %gather3A_1111 = arith.constant 0 : i32
      %gather3A_1112 = arith.constant 0 : i32
      %gather3A_1113 = tpu.memref_slice %arg7[%scan3A_596, %gather3A_1111, %gather3A_1112] : memref<4x128x128xf32, #tpu.memory_space<vmem>> -> memref<1x128x128xf32, #tpu.memory_space<vmem>>
      %gather3A_1114 = tpu.memref_squeeze %gather3A_1113 : memref<1x128x128xf32, #tpu.memory_space<vmem>> -> memref<128x128xf32, #tpu.memory_space<vmem>>
      %gather3A_1115 = tpu.vector_load_idx %gather3A_1114[%add3A_828, %add3A_1110] : memref<128x128xf32, #tpu.memory_space<vmem>>[vector<16xi32>, vector<16xi32>], vector<16xf32>,
      %swap3A_1116 = arith.constant 1 : i32
      %swap3A_1117 = arith.constant 20 : i32
      %swap3A_1118 = arith.index_cast %swap3A_1116 : i32 to index
      %swap3A_1119 = arith.index_cast %swap3A_1117 : i32 to index
      %swap3A_1120 = arith.index_cast %mul3A_814 : i32 to index
      %swap3A_1121 = tpu.vector_load %arg8[%swap3A_1118, %swap3A_1119, %swap3A_1120] {strides = array<i32>} : memref<2x32x128xf32, #tpu.memory_space<vmem>>, vector<16xf32>,
      tpu.vector_store %arg8[%swap3A_1118, %swap3A_1119, %swap3A_1120], %gather3A_1115 {strides = array<i32>} : memref<2x32x128xf32, #tpu.memory_space<vmem>>, vector<16xf32>,
      %add3A_1122 = arith.constant 21 : i32
      %add3A_1123 = vector.broadcast %add3A_1122 : i32 to vector<16xi32>
      %add3A_1124 = arith.addi %mul3A_826, %add3A_1123 : vector<16xi32>
      %gather3A_1125 = arith.constant 0 : i32
      %gather3A_1126 = arith.constant 0 : i32
      %gather3A_1127 = tpu.memref_slice %arg7[%scan3A_596, %gather3A_1125, %gather3A_1126] : memref<4x128x128xf32, #tpu.memory_space<vmem>> -> memref<1x128x128xf32, #tpu.memory_space<vmem>>
      %gather3A_1128 = tpu.memref_squeeze %gather3A_1127 : memref<1x128x128xf32, #tpu.memory_space<vmem>> -> memref<128x128xf32, #tpu.memory_space<vmem>>
      %gather3A_1129 = tpu.vector_load_idx %gather3A_1128[%add3A_828, %add3A_1124] : memref<128x128xf32, #tpu.memory_space<vmem>>[vector<16xi32>, vector<16xi32>], vector<16xf32>,
      %swap3A_1130 = arith.constant 1 : i32
      %swap3A_1131 = arith.constant 21 : i32
      %swap3A_1132 = arith.index_cast %swap3A_1130 : i32 to index
      %swap3A_1133 = arith.index_cast %swap3A_1131 : i32 to index
      %swap3A_1134 = arith.index_cast %mul3A_814 : i32 to index
      %swap3A_1135 = tpu.vector_load %arg8[%swap3A_1132, %swap3A_1133, %swap3A_1134] {strides = array<i32>} : memref<2x32x128xf32, #tpu.memory_space<vmem>>, vector<16xf32>,
      tpu.vector_store %arg8[%swap3A_1132, %swap3A_1133, %swap3A_1134], %gather3A_1129 {strides = array<i32>} : memref<2x32x128xf32, #tpu.memory_space<vmem>>, vector<16xf32>,
      %add3A_1136 = arith.constant 22 : i32
      %add3A_1137 = vector.broadcast %add3A_1136 : i32 to vector<16xi32>
      %add3A_1138 = arith.addi %mul3A_826, %add3A_1137 : vector<16xi32>
      %gather3A_1139 = arith.constant 0 : i32
      %gather3A_1140 = arith.constant 0 : i32
      %gather3A_1141 = tpu.memref_slice %arg7[%scan3A_596, %gather3A_1139, %gather3A_1140] : memref<4x128x128xf32, #tpu.memory_space<vmem>> -> memref<1x128x128xf32, #tpu.memory_space<vmem>>
      %gather3A_1142 = tpu.memref_squeeze %gather3A_1141 : memref<1x128x128xf32, #tpu.memory_space<vmem>> -> memref<128x128xf32, #tpu.memory_space<vmem>>
      %gather3A_1143 = tpu.vector_load_idx %gather3A_1142[%add3A_828, %add3A_1138] : memref<128x128xf32, #tpu.memory_space<vmem>>[vector<16xi32>, vector<16xi32>], vector<16xf32>,
      %swap3A_1144 = arith.constant 1 : i32
      %swap3A_1145 = arith.constant 22 : i32
      %swap3A_1146 = arith.index_cast %swap3A_1144 : i32 to index
      %swap3A_1147 = arith.index_cast %swap3A_1145 : i32 to index
      %swap3A_1148 = arith.index_cast %mul3A_814 : i32 to index
      %swap3A_1149 = tpu.vector_load %arg8[%swap3A_1146, %swap3A_1147, %swap3A_1148] {strides = array<i32>} : memref<2x32x128xf32, #tpu.memory_space<vmem>>, vector<16xf32>,
      tpu.vector_store %arg8[%swap3A_1146, %swap3A_1147, %swap3A_1148], %gather3A_1143 {strides = array<i32>} : memref<2x32x128xf32, #tpu.memory_space<vmem>>, vector<16xf32>,
      %add3A_1150 = arith.constant 23 : i32
      %add3A_1151 = vector.broadcast %add3A_1150 : i32 to vector<16xi32>
      %add3A_1152 = arith.addi %mul3A_826, %add3A_1151 : vector<16xi32>
      %gather3A_1153 = arith.constant 0 : i32
      %gather3A_1154 = arith.constant 0 : i32
      %gather3A_1155 = tpu.memref_slice %arg7[%scan3A_596, %gather3A_1153, %gather3A_1154] : memref<4x128x128xf32, #tpu.memory_space<vmem>> -> memref<1x128x128xf32, #tpu.memory_space<vmem>>
      %gather3A_1156 = tpu.memref_squeeze %gather3A_1155 : memref<1x128x128xf32, #tpu.memory_space<vmem>> -> memref<128x128xf32, #tpu.memory_space<vmem>>
      %gather3A_1157 = tpu.vector_load_idx %gather3A_1156[%add3A_828, %add3A_1152] : memref<128x128xf32, #tpu.memory_space<vmem>>[vector<16xi32>, vector<16xi32>], vector<16xf32>,
      %swap3A_1158 = arith.constant 1 : i32
      %swap3A_1159 = arith.constant 23 : i32
      %swap3A_1160 = arith.index_cast %swap3A_1158 : i32 to index
      %swap3A_1161 = arith.index_cast %swap3A_1159 : i32 to index
      %swap3A_1162 = arith.index_cast %mul3A_814 : i32 to index
      %swap3A_1163 = tpu.vector_load %arg8[%swap3A_1160, %swap3A_1161, %swap3A_1162] {strides = array<i32>} : memref<2x32x128xf32, #tpu.memory_space<vmem>>, vector<16xf32>,
      tpu.vector_store %arg8[%swap3A_1160, %swap3A_1161, %swap3A_1162], %gather3A_1157 {strides = array<i32>} : memref<2x32x128xf32, #tpu.memory_space<vmem>>, vector<16xf32>,
      %add3A_1164 = arith.constant 24 : i32
      %add3A_1165 = vector.broadcast %add3A_1164 : i32 to vector<16xi32>
      %add3A_1166 = arith.addi %mul3A_826, %add3A_1165 : vector<16xi32>
      %gather3A_1167 = arith.constant 0 : i32
      %gather3A_1168 = arith.constant 0 : i32
      %gather3A_1169 = tpu.memref_slice %arg7[%scan3A_596, %gather3A_1167, %gather3A_1168] : memref<4x128x128xf32, #tpu.memory_space<vmem>> -> memref<1x128x128xf32, #tpu.memory_space<vmem>>
      %gather3A_1170 = tpu.memref_squeeze %gather3A_1169 : memref<1x128x128xf32, #tpu.memory_space<vmem>> -> memref<128x128xf32, #tpu.memory_space<vmem>>
      %gather3A_1171 = tpu.vector_load_idx %gather3A_1170[%add3A_828, %add3A_1166] : memref<128x128xf32, #tpu.memory_space<vmem>>[vector<16xi32>, vector<16xi32>], vector<16xf32>,
      %swap3A_1172 = arith.constant 1 : i32
      %swap3A_1173 = arith.constant 24 : i32
      %swap3A_1174 = arith.index_cast %swap3A_1172 : i32 to index
      %swap3A_1175 = arith.index_cast %swap3A_1173 : i32 to index
      %swap3A_1176 = arith.index_cast %mul3A_814 : i32 to index
      %swap3A_1177 = tpu.vector_load %arg8[%swap3A_1174, %swap3A_1175, %swap3A_1176] {strides = array<i32>} : memref<2x32x128xf32, #tpu.memory_space<vmem>>, vector<16xf32>,
      tpu.vector_store %arg8[%swap3A_1174, %swap3A_1175, %swap3A_1176], %gather3A_1171 {strides = array<i32>} : memref<2x32x128xf32, #tpu.memory_space<vmem>>, vector<16xf32>,
      %add3A_1178 = arith.constant 25 : i32
      %add3A_1179 = vector.broadcast %add3A_1178 : i32 to vector<16xi32>
      %add3A_1180 = arith.addi %mul3A_826, %add3A_1179 : vector<16xi32>
      %gather3A_1181 = arith.constant 0 : i32
      %gather3A_1182 = arith.constant 0 : i32
      %gather3A_1183 = tpu.memref_slice %arg7[%scan3A_596, %gather3A_1181, %gather3A_1182] : memref<4x128x128xf32, #tpu.memory_space<vmem>> -> memref<1x128x128xf32, #tpu.memory_space<vmem>>
      %gather3A_1184 = tpu.memref_squeeze %gather3A_1183 : memref<1x128x128xf32, #tpu.memory_space<vmem>> -> memref<128x128xf32, #tpu.memory_space<vmem>>
      %gather3A_1185 = tpu.vector_load_idx %gather3A_1184[%add3A_828, %add3A_1180] : memref<128x128xf32, #tpu.memory_space<vmem>>[vector<16xi32>, vector<16xi32>], vector<16xf32>,
      %swap3A_1186 = arith.constant 1 : i32
      %swap3A_1187 = arith.constant 25 : i32
      %swap3A_1188 = arith.index_cast %swap3A_1186 : i32 to index
      %swap3A_1189 = arith.index_cast %swap3A_1187 : i32 to index
      %swap3A_1190 = arith.index_cast %mul3A_814 : i32 to index
      %swap3A_1191 = tpu.vector_load %arg8[%swap3A_1188, %swap3A_1189, %swap3A_1190] {strides = array<i32>} : memref<2x32x128xf32, #tpu.memory_space<vmem>>, vector<16xf32>,
      tpu.vector_store %arg8[%swap3A_1188, %swap3A_1189, %swap3A_1190], %gather3A_1185 {strides = array<i32>} : memref<2x32x128xf32, #tpu.memory_space<vmem>>, vector<16xf32>,
      %add3A_1192 = arith.constant 26 : i32
      %add3A_1193 = vector.broadcast %add3A_1192 : i32 to vector<16xi32>
      %add3A_1194 = arith.addi %mul3A_826, %add3A_1193 : vector<16xi32>
      %gather3A_1195 = arith.constant 0 : i32
      %gather3A_1196 = arith.constant 0 : i32
      %gather3A_1197 = tpu.memref_slice %arg7[%scan3A_596, %gather3A_1195, %gather3A_1196] : memref<4x128x128xf32, #tpu.memory_space<vmem>> -> memref<1x128x128xf32, #tpu.memory_space<vmem>>
      %gather3A_1198 = tpu.memref_squeeze %gather3A_1197 : memref<1x128x128xf32, #tpu.memory_space<vmem>> -> memref<128x128xf32, #tpu.memory_space<vmem>>
      %gather3A_1199 = tpu.vector_load_idx %gather3A_1198[%add3A_828, %add3A_1194] : memref<128x128xf32, #tpu.memory_space<vmem>>[vector<16xi32>, vector<16xi32>], vector<16xf32>,
      %swap3A_1200 = arith.constant 1 : i32
      %swap3A_1201 = arith.constant 26 : i32
      %swap3A_1202 = arith.index_cast %swap3A_1200 : i32 to index
      %swap3A_1203 = arith.index_cast %swap3A_1201 : i32 to index
      %swap3A_1204 = arith.index_cast %mul3A_814 : i32 to index
      %swap3A_1205 = tpu.vector_load %arg8[%swap3A_1202, %swap3A_1203, %swap3A_1204] {strides = array<i32>} : memref<2x32x128xf32, #tpu.memory_space<vmem>>, vector<16xf32>,
      tpu.vector_store %arg8[%swap3A_1202, %swap3A_1203, %swap3A_1204], %gather3A_1199 {strides = array<i32>} : memref<2x32x128xf32, #tpu.memory_space<vmem>>, vector<16xf32>,
      %add3A_1206 = arith.constant 27 : i32
      %add3A_1207 = vector.broadcast %add3A_1206 : i32 to vector<16xi32>
      %add3A_1208 = arith.addi %mul3A_826, %add3A_1207 : vector<16xi32>
      %gather3A_1209 = arith.constant 0 : i32
      %gather3A_1210 = arith.constant 0 : i32
      %gather3A_1211 = tpu.memref_slice %arg7[%scan3A_596, %gather3A_1209, %gather3A_1210] : memref<4x128x128xf32, #tpu.memory_space<vmem>> -> memref<1x128x128xf32, #tpu.memory_space<vmem>>
      %gather3A_1212 = tpu.memref_squeeze %gather3A_1211 : memref<1x128x128xf32, #tpu.memory_space<vmem>> -> memref<128x128xf32, #tpu.memory_space<vmem>>
      %gather3A_1213 = tpu.vector_load_idx %gather3A_1212[%add3A_828, %add3A_1208] : memref<128x128xf32, #tpu.memory_space<vmem>>[vector<16xi32>, vector<16xi32>], vector<16xf32>,
      %swap3A_1214 = arith.constant 1 : i32
      %swap3A_1215 = arith.constant 27 : i32
      %swap3A_1216 = arith.index_cast %swap3A_1214 : i32 to index
      %swap3A_1217 = arith.index_cast %swap3A_1215 : i32 to index
      %swap3A_1218 = arith.index_cast %mul3A_814 : i32 to index
      %swap3A_1219 = tpu.vector_load %arg8[%swap3A_1216, %swap3A_1217, %swap3A_1218] {strides = array<i32>} : memref<2x32x128xf32, #tpu.memory_space<vmem>>, vector<16xf32>,
      tpu.vector_store %arg8[%swap3A_1216, %swap3A_1217, %swap3A_1218], %gather3A_1213 {strides = array<i32>} : memref<2x32x128xf32, #tpu.memory_space<vmem>>, vector<16xf32>,
      %add3A_1220 = arith.constant 28 : i32
      %add3A_1221 = vector.broadcast %add3A_1220 : i32 to vector<16xi32>
      %add3A_1222 = arith.addi %mul3A_826, %add3A_1221 : vector<16xi32>
      %gather3A_1223 = arith.constant 0 : i32
      %gather3A_1224 = arith.constant 0 : i32
      %gather3A_1225 = tpu.memref_slice %arg7[%scan3A_596, %gather3A_1223, %gather3A_1224] : memref<4x128x128xf32, #tpu.memory_space<vmem>> -> memref<1x128x128xf32, #tpu.memory_space<vmem>>
      %gather3A_1226 = tpu.memref_squeeze %gather3A_1225 : memref<1x128x128xf32, #tpu.memory_space<vmem>> -> memref<128x128xf32, #tpu.memory_space<vmem>>
      %gather3A_1227 = tpu.vector_load_idx %gather3A_1226[%add3A_828, %add3A_1222] : memref<128x128xf32, #tpu.memory_space<vmem>>[vector<16xi32>, vector<16xi32>], vector<16xf32>,
      %swap3A_1228 = arith.constant 1 : i32
      %swap3A_1229 = arith.constant 28 : i32
      %swap3A_1230 = arith.index_cast %swap3A_1228 : i32 to index
      %swap3A_1231 = arith.index_cast %swap3A_1229 : i32 to index
      %swap3A_1232 = arith.index_cast %mul3A_814 : i32 to index
      %swap3A_1233 = tpu.vector_load %arg8[%swap3A_1230, %swap3A_1231, %swap3A_1232] {strides = array<i32>} : memref<2x32x128xf32, #tpu.memory_space<vmem>>, vector<16xf32>,
      tpu.vector_store %arg8[%swap3A_1230, %swap3A_1231, %swap3A_1232], %gather3A_1227 {strides = array<i32>} : memref<2x32x128xf32, #tpu.memory_space<vmem>>, vector<16xf32>,
      %add3A_1234 = arith.constant 29 : i32
      %add3A_1235 = vector.broadcast %add3A_1234 : i32 to vector<16xi32>
      %add3A_1236 = arith.addi %mul3A_826, %add3A_1235 : vector<16xi32>
      %gather3A_1237 = arith.constant 0 : i32
      %gather3A_1238 = arith.constant 0 : i32
      %gather3A_1239 = tpu.memref_slice %arg7[%scan3A_596, %gather3A_1237, %gather3A_1238] : memref<4x128x128xf32, #tpu.memory_space<vmem>> -> memref<1x128x128xf32, #tpu.memory_space<vmem>>
      %gather3A_1240 = tpu.memref_squeeze %gather3A_1239 : memref<1x128x128xf32, #tpu.memory_space<vmem>> -> memref<128x128xf32, #tpu.memory_space<vmem>>
      %gather3A_1241 = tpu.vector_load_idx %gather3A_1240[%add3A_828, %add3A_1236] : memref<128x128xf32, #tpu.memory_space<vmem>>[vector<16xi32>, vector<16xi32>], vector<16xf32>,
      %swap3A_1242 = arith.constant 1 : i32
      %swap3A_1243 = arith.constant 29 : i32
      %swap3A_1244 = arith.index_cast %swap3A_1242 : i32 to index
      %swap3A_1245 = arith.index_cast %swap3A_1243 : i32 to index
      %swap3A_1246 = arith.index_cast %mul3A_814 : i32 to index
      %swap3A_1247 = tpu.vector_load %arg8[%swap3A_1244, %swap3A_1245, %swap3A_1246] {strides = array<i32>} : memref<2x32x128xf32, #tpu.memory_space<vmem>>, vector<16xf32>,
      tpu.vector_store %arg8[%swap3A_1244, %swap3A_1245, %swap3A_1246], %gather3A_1241 {strides = array<i32>} : memref<2x32x128xf32, #tpu.memory_space<vmem>>, vector<16xf32>,
      %add3A_1248 = arith.constant 30 : i32
      %add3A_1249 = vector.broadcast %add3A_1248 : i32 to vector<16xi32>
      %add3A_1250 = arith.addi %mul3A_826, %add3A_1249 : vector<16xi32>
      %gather3A_1251 = arith.constant 0 : i32
      %gather3A_1252 = arith.constant 0 : i32
      %gather3A_1253 = tpu.memref_slice %arg7[%scan3A_596, %gather3A_1251, %gather3A_1252] : memref<4x128x128xf32, #tpu.memory_space<vmem>> -> memref<1x128x128xf32, #tpu.memory_space<vmem>>
      %gather3A_1254 = tpu.memref_squeeze %gather3A_1253 : memref<1x128x128xf32, #tpu.memory_space<vmem>> -> memref<128x128xf32, #tpu.memory_space<vmem>>
      %gather3A_1255 = tpu.vector_load_idx %gather3A_1254[%add3A_828, %add3A_1250] : memref<128x128xf32, #tpu.memory_space<vmem>>[vector<16xi32>, vector<16xi32>], vector<16xf32>,
      %swap3A_1256 = arith.constant 1 : i32
      %swap3A_1257 = arith.constant 30 : i32
      %swap3A_1258 = arith.index_cast %swap3A_1256 : i32 to index
      %swap3A_1259 = arith.index_cast %swap3A_1257 : i32 to index
      %swap3A_1260 = arith.index_cast %mul3A_814 : i32 to index
      %swap3A_1261 = tpu.vector_load %arg8[%swap3A_1258, %swap3A_1259, %swap3A_1260] {strides = array<i32>} : memref<2x32x128xf32, #tpu.memory_space<vmem>>, vector<16xf32>,
      tpu.vector_store %arg8[%swap3A_1258, %swap3A_1259, %swap3A_1260], %gather3A_1255 {strides = array<i32>} : memref<2x32x128xf32, #tpu.memory_space<vmem>>, vector<16xf32>,
      %add3A_1262 = arith.constant 31 : i32
      %add3A_1263 = vector.broadcast %add3A_1262 : i32 to vector<16xi32>
      %add3A_1264 = arith.addi %mul3A_826, %add3A_1263 : vector<16xi32>
      %gather3A_1265 = arith.constant 0 : i32
      %gather3A_1266 = arith.constant 0 : i32
      %gather3A_1267 = tpu.memref_slice %arg7[%scan3A_596, %gather3A_1265, %gather3A_1266] : memref<4x128x128xf32, #tpu.memory_space<vmem>> -> memref<1x128x128xf32, #tpu.memory_space<vmem>>
      %gather3A_1268 = tpu.memref_squeeze %gather3A_1267 : memref<1x128x128xf32, #tpu.memory_space<vmem>> -> memref<128x128xf32, #tpu.memory_space<vmem>>
      %gather3A_1269 = tpu.vector_load_idx %gather3A_1268[%add3A_828, %add3A_1264] : memref<128x128xf32, #tpu.memory_space<vmem>>[vector<16xi32>, vector<16xi32>], vector<16xf32>,
      %swap3A_1270 = arith.constant 1 : i32
      %swap3A_1271 = arith.constant 31 : i32
      %swap3A_1272 = arith.index_cast %swap3A_1270 : i32 to index
      %swap3A_1273 = arith.index_cast %swap3A_1271 : i32 to index
      %swap3A_1274 = arith.index_cast %mul3A_814 : i32 to index
      %swap3A_1275 = tpu.vector_load %arg8[%swap3A_1272, %swap3A_1273, %swap3A_1274] {strides = array<i32>} : memref<2x32x128xf32, #tpu.memory_space<vmem>>, vector<16xf32>,
      tpu.vector_store %arg8[%swap3A_1272, %swap3A_1273, %swap3A_1274], %gather3A_1269 {strides = array<i32>} : memref<2x32x128xf32, #tpu.memory_space<vmem>>, vector<16xf32>,
      %scan3A_1276 = arith.constant 0 : i32
      scf.yield %scan3A_1276 : i32
    }
    %scan3A_603 = arith.constant 8 : i32
    %rem3A_604 = arith.constant 1 : i32
    %rem3A_605 = arith.constant 4 : i32
    %rem3A_606 = arith.remsi %rem3A_604, %rem3A_605 : i32
    %mul3A_607 = arith.constant 128 : i32
    %mul3A_608 = arith.muli %rem3A_606, %mul3A_607 : i32
    %add3A_609 = arith.addi %mul3A_2, %mul3A_608 : i32
    %dma_start3A_610 = arith.constant 1 : i32
    %dma_start3A_611 = arith.constant 0 : i32
    %dma_start3A_612 = arith.constant 0 : i32
    %dma_start3A_613 = arith.constant 0 : i32
    %dma_start3A_614 = tpu.memref_slice %arg8[%dma_start3A_610, %dma_start3A_612, %dma_start3A_613] : memref<2x32x128xf32, #tpu.memory_space<vmem>> -> memref<1x32x128xf32, #tpu.memory_space<vmem>>
    %dma_start3A_615 = tpu.memref_squeeze %dma_start3A_614 : memref<1x32x128xf32, #tpu.memory_space<vmem>> -> memref<32x128xf32, #tpu.memory_space<vmem>>
    %dma_start3A_616 = arith.constant 0 : i32
    %dma_start3A_617 = tpu.memref_slice %arg4[%dma_start3A_611, %dma_start3A_616, %add3A_609] : memref<26x32x16384xf32, #tpu.memory_space<hbm>> -> memref<1x32x128xf32, #tpu.memory_space<hbm>>
    %dma_start3A_618 = tpu.memref_squeeze %dma_start3A_617 : memref<1x32x128xf32, #tpu.memory_space<hbm>> -> memref<32x128xf32, #tpu.memory_space<hbm>>
    %dma_start3A_619 = arith.constant 0 : i32
    %dma_start3A_620 = tpu.memref_slice %arg4[%dma_start3A_611, %dma_start3A_619, %add3A_609] : memref<26x32x16384xf32, #tpu.memory_space<hbm>> -> memref<1x32x128xf32, #tpu.memory_space<hbm>>
    %dma_start3A_621 = tpu.memref_squeeze %dma_start3A_620 : memref<1x32x128xf32, #tpu.memory_space<hbm>> -> memref<32x128xf32, #tpu.memory_space<hbm>>
    %dma_start3A_622 = arith.constant 0 : i32
    %dma_start3A_623 = arith.constant 0 : i32
    %dma_start3A_624 = tpu.memref_slice %arg8[%dma_start3A_610, %dma_start3A_622, %dma_start3A_623] : memref<2x32x128xf32, #tpu.memory_space<vmem>> -> memref<1x32x128xf32, #tpu.memory_space<vmem>>
    %dma_start3A_625 = tpu.memref_squeeze %dma_start3A_624 : memref<1x32x128xf32, #tpu.memory_space<vmem>> -> memref<32x128xf32, #tpu.memory_space<vmem>>
    tpu.enqueue_dma source(%dma_start3A_625 : memref<32x128xf32, #tpu.memory_space<vmem>>) target(%dma_start3A_621 : memref<32x128xf32, #tpu.memory_space<hbm>>) target_semaphore(%arg12 : memref<!tpu.dma_semaphore, #tpu.memory_space<semaphore_mem>>)
    %scan3A_626 = arith.constant 0 : i32
    %scan3A_627 = arith.constant 0 : i32
    %scan3A_628 = arith.constant 50 : i32
    %scan3A_629 = arith.addi %scan3A_627, %scan3A_628 : i32
    %scan3A_630 = arith.constant 1 : i32
    %scan3A_631 = scf.for %scan3A_811 = %scan3A_627 to %scan3A_629 step %scan3A_630 iter_args(%scan3A_812 = %scan3A_626) -> (i32)  : i32 {
      %mul3A_813 = arith.constant 2 : i32
      %mul3A_814 = arith.muli %mul3A_813, %scan3A_811 : i32
      %add3A_815 = arith.constant 2 : i32
      %add3A_816 = arith.addi %add3A_815, %mul3A_814 : i32
      %rem3A_817 = arith.constant 4 : i32
      %rem3A_818 = arith.remsi %add3A_816, %rem3A_817 : i32
      %dma_wait3A_819 = arith.constant 0 : i32
      %dma_wait3A_820 = arith.constant 0 : i32
      %dma_wait3A_821 = tpu.memref_slice %arg7[%rem3A_818, %dma_wait3A_819, %dma_wait3A_820] : memref<4x128x128xf32, #tpu.memory_space<vmem>> -> memref<1x128x128xf32, #tpu.memory_space<vmem>>
      %dma_wait3A_822 = tpu.memref_squeeze %dma_wait3A_821 : memref<1x128x128xf32, #tpu.memory_space<vmem>> -> memref<128x128xf32, #tpu.memory_space<vmem>>
      %dma_wait3A_823 = arith.constant 0 : i32
      %dma_wait3A_824 = tpu.memref_slice %arg6[%rem3A_818, %dma_wait3A_823] : memref<4x128xi32, #tpu.memory_space<vmem>> -> memref<1x128xi32, #tpu.memory_space<vmem>>
      %dma_wait3A_825 = tpu.memref_squeeze %dma_wait3A_824 : memref<1x128xi32, #tpu.memory_space<vmem>> -> memref<128xi32, #tpu.memory_space<vmem>>
      %dma_wait3A_826 = arith.constant 0 : i32
      %dma_wait3A_827 = arith.constant 0 : i32
      %dma_wait3A_828 = tpu.memref_slice %arg3[%dma_wait3A_826, %dma_wait3A_827] : memref<250000x128xf32, #tpu.memory_space<hbm>> -> memref<250000x128xf32, #tpu.memory_space<hbm>>
      tpu.wait_indirect_dma semaphore(%arg9 : memref<!tpu.dma_semaphore, #tpu.memory_space<semaphore_mem>>) src(%dma_wait3A_828 : memref<250000x128xf32, #tpu.memory_space<hbm>>) dst(%dma_wait3A_822 : memref<128x128xf32, #tpu.memory_space<vmem>>)
      %sub3A = arith.constant 2 : i32
      %sub3A_829 = arith.subi %add3A_816, %sub3A : i32
      %jit3A = arith.constant 4 : i32
      %div3A = arith.divsi %sub3A_829, %jit3A : i32
      %sign3A = arith.constant 0 : i32
      %sign3A_830 = arith.cmpi sgt, %sub3A_829, %sign3A : i32
      %sign3A_831 = arith.extui %sign3A_830 : i1 to i32
      %sign3A_832 = arith.constant 0 : i32
      %sign3A_833 = arith.cmpi slt, %sub3A_829, %sign3A_832 : i32
      %sign3A_834 = arith.extui %sign3A_833 : i1 to i32
      %sign3A_835 = arith.subi %sign3A_831, %sign3A_834 : i32
      %sign3A_836 = arith.constant 0 : i32
      %sign3A_837 = arith.cmpi sgt, %jit3A, %sign3A_836 : i32
      %sign3A_838 = arith.extui %sign3A_837 : i1 to i32
      %sign3A_839 = arith.constant 0 : i32
      %sign3A_840 = arith.cmpi slt, %jit3A, %sign3A_839 : i32
      %sign3A_841 = arith.extui %sign3A_840 : i1 to i32
      %sign3A_842 = arith.subi %sign3A_838, %sign3A_841 : i32
      %ne3A = arith.cmpi ne, %sign3A_835, %sign3A_842 : i32
      %rem3A_843 = arith.remsi %sub3A_829, %jit3A : i32
      %ne3A_844 = arith.constant 0 : i32
      %ne3A_845 = arith.cmpi ne, %rem3A_843, %ne3A_844 : i32
      %and3A = arith.andi %ne3A, %ne3A_845 : i1
      %sub3A_846 = arith.constant 1 : i32
      %sub3A_847 = arith.subi %div3A, %sub3A_846 : i32
      %select_n3A = arith.select %and3A, %sub3A_847, %div3A : i32
      %rem3A_848 = arith.constant 4 : i32
      %rem3A_849 = arith.remsi %sub3A_829, %rem3A_848 : i32
      %mul3A_850 = arith.constant 128 : i32
      %mul3A_851 = arith.muli %rem3A_849, %mul3A_850 : i32
      %add3A_852 = arith.addi %mul3A_2, %mul3A_851 : i32
      %dma_wait3A_853 = arith.constant 0 : i32
      %dma_wait3A_854 = arith.constant 0 : i32
      %dma_wait3A_855 = arith.constant 0 : i32
      %dma_wait3A_856 = tpu.memref_slice %arg8[%dma_wait3A_853, %dma_wait3A_854, %dma_wait3A_855] : memref<2x32x128xf32, #tpu.memory_space<vmem>> -> memref<1x32x128xf32, #tpu.memory_space<vmem>>
      %dma_wait3A_857 = tpu.memref_squeeze %dma_wait3A_856 : memref<1x32x128xf32, #tpu.memory_space<vmem>> -> memref<32x128xf32, #tpu.memory_space<vmem>>
      %dma_wait3A_858 = arith.constant 0 : i32
      %dma_wait3A_859 = tpu.memref_slice %arg4[%select_n3A, %dma_wait3A_858, %add3A_852] : memref<26x32x16384xf32, #tpu.memory_space<hbm>> -> memref<1x32x128xf32, #tpu.memory_space<hbm>>
      %dma_wait3A_860 = tpu.memref_squeeze %dma_wait3A_859 : memref<1x32x128xf32, #tpu.memory_space<hbm>> -> memref<32x128xf32, #tpu.memory_space<hbm>>
      %dma_wait3A_861 = arith.constant 0 : i32
      %dma_wait3A_862 = tpu.memref_slice %arg4[%select_n3A, %dma_wait3A_861, %add3A_852] : memref<26x32x16384xf32, #tpu.memory_space<hbm>> -> memref<1x32x128xf32, #tpu.memory_space<hbm>>
      %dma_wait3A_863 = tpu.memref_squeeze %dma_wait3A_862 : memref<1x32x128xf32, #tpu.memory_space<hbm>> -> memref<32x128xf32, #tpu.memory_space<hbm>>
      %dma_wait3A_864 = arith.constant 0 : i32
      %dma_wait3A_865 = arith.constant 0 : i32
      %dma_wait3A_866 = tpu.memref_slice %arg8[%dma_wait3A_853, %dma_wait3A_864, %dma_wait3A_865] : memref<2x32x128xf32, #tpu.memory_space<vmem>> -> memref<1x32x128xf32, #tpu.memory_space<vmem>>
      %dma_wait3A_867 = tpu.memref_squeeze %dma_wait3A_866 : memref<1x32x128xf32, #tpu.memory_space<vmem>> -> memref<32x128xf32, #tpu.memory_space<vmem>>
      tpu.wait_dma2 semaphore(%arg11 : memref<!tpu.dma_semaphore, #tpu.memory_space<semaphore_mem>>) src(%dma_wait3A_867 : memref<32x128xf32, #tpu.memory_space<vmem>>) dst(%dma_wait3A_863 : memref<32x128xf32, #tpu.memory_space<hbm>>)
      %add3A_868 = arith.constant 2 : i32
      %add3A_869 = arith.addi %add3A_816, %add3A_868 : i32
      %rem3A_870 = arith.constant 4 : i32
      %rem3A_871 = arith.remsi %add3A_869, %rem3A_870 : i32
      %add3A_872 = arith.constant 2 : i32
      %add3A_873 = arith.addi %add3A_816, %add3A_872 : i32
      %jit3A_874 = arith.constant 4 : i32
      %div3A_875 = arith.divsi %add3A_873, %jit3A_874 : i32
      %sign3A_876 = arith.constant 0 : i32
      %sign3A_877 = arith.cmpi sgt, %add3A_873, %sign3A_876 : i32
      %sign3A_878 = arith.extui %sign3A_877 : i1 to i32
      %sign3A_879 = arith.constant 0 : i32
      %sign3A_880 = arith.cmpi slt, %add3A_873, %sign3A_879 : i32
      %sign3A_881 = arith.extui %sign3A_880 : i1 to i32
      %sign3A_882 = arith.subi %sign3A_878, %sign3A_881 : i32
      %sign3A_883 = arith.constant 0 : i32
      %sign3A_884 = arith.cmpi sgt, %jit3A_874, %sign3A_883 : i32
      %sign3A_885 = arith.extui %sign3A_884 : i1 to i32
      %sign3A_886 = arith.constant 0 : i32
      %sign3A_887 = arith.cmpi slt, %jit3A_874, %sign3A_886 : i32
      %sign3A_888 = arith.extui %sign3A_887 : i1 to i32
      %sign3A_889 = arith.subi %sign3A_885, %sign3A_888 : i32
      %ne3A_890 = arith.cmpi ne, %sign3A_882, %sign3A_889 : i32
      %rem3A_891 = arith.remsi %add3A_873, %jit3A_874 : i32
      %ne3A_892 = arith.constant 0 : i32
      %ne3A_893 = arith.cmpi ne, %rem3A_891, %ne3A_892 : i32
      %and3A_894 = arith.andi %ne3A_890, %ne3A_893 : i1
      %sub3A_895 = arith.constant 1 : i32
      %sub3A_896 = arith.subi %div3A_875, %sub3A_895 : i32
      %select_n3A_897 = arith.select %and3A_894, %sub3A_896, %div3A_875 : i32
      %rem3A_898 = arith.constant 4 : i32
      %rem3A_899 = arith.remsi %add3A_873, %rem3A_898 : i32
      %mul3A_900 = arith.constant 128 : i32
      %mul3A_901 = arith.muli %rem3A_899, %mul3A_900 : i32
      %add3A_902 = arith.constant 0 : i32
      %add3A_903 = arith.addi %mul3A_901, %add3A_902 : i32
      %get3A_904 = arith.index_cast %select_n3A_897 : i32 to index
      %get3A_905 = arith.index_cast %add3A_903 : i32 to index
      %get3A_906 = tpu.vector_load %arg5[%get3A_904, %get3A_905] {strides = array<i32>} : memref<26x512xi32, #tpu.memory_space<vmem>>, vector<16xi32>,
      %shift_right_logical3A_907 = arith.constant 2 : i32
      %shift_right_logical3A_908 = vector.broadcast %shift_right_logical3A_907 : i32 to vector<16xi32>
      %shift_right_logical3A_909 = arith.shrui %get3A_906, %shift_right_logical3A_908 : vector<16xi32>
      %swap3A_910 = arith.index_cast %rem3A_871 : i32 to index
      %swap3A_911 = arith.constant 0 : index
      %swap3A_912 = tpu.vector_load %arg6[%swap3A_910, %swap3A_911] {strides = array<i32>} : memref<4x128xi32, #tpu.memory_space<vmem>>, vector<16xi32>,
      tpu.vector_store %arg6[%swap3A_910, %swap3A_911], %shift_right_logical3A_909 {strides = array<i32>} : memref<4x128xi32, #tpu.memory_space<vmem>>, vector<16xi32>,
      %mul3A_913 = arith.constant 128 : i32
      %mul3A_914 = arith.muli %rem3A_899, %mul3A_913 : i32
      %add3A_915 = arith.constant 16 : i32
      %add3A_916 = arith.addi %mul3A_914, %add3A_915 : i32
      %get3A_917 = arith.index_cast %select_n3A_897 : i32 to index
      %get3A_918 = arith.index_cast %add3A_916 : i32 to index
      %get3A_919 = tpu.vector_load %arg5[%get3A_917, %get3A_918] {strides = array<i32>} : memref<26x512xi32, #tpu.memory_space<vmem>>, vector<16xi32>,
      %shift_right_logical3A_920 = arith.constant 2 : i32
      %shift_right_logical3A_921 = vector.broadcast %shift_right_logical3A_920 : i32 to vector<16xi32>
      %shift_right_logical3A_922 = arith.shrui %get3A_919, %shift_right_logical3A_921 : vector<16xi32>
      %swap3A_923 = arith.index_cast %rem3A_871 : i32 to index
      %swap3A_924 = arith.constant 16 : index
      %swap3A_925 = tpu.vector_load %arg6[%swap3A_923, %swap3A_924] {strides = array<i32>} : memref<4x128xi32, #tpu.memory_space<vmem>>, vector<16xi32>,
      tpu.vector_store %arg6[%swap3A_923, %swap3A_924], %shift_right_logical3A_922 {strides = array<i32>} : memref<4x128xi32, #tpu.memory_space<vmem>>, vector<16xi32>,
      %mul3A_926 = arith.constant 128 : i32
      %mul3A_927 = arith.muli %rem3A_899, %mul3A_926 : i32
      %add3A_928 = arith.constant 32 : i32
      %add3A_929 = arith.addi %mul3A_927, %add3A_928 : i32
      %get3A_930 = arith.index_cast %select_n3A_897 : i32 to index
      %get3A_931 = arith.index_cast %add3A_929 : i32 to index
      %get3A_932 = tpu.vector_load %arg5[%get3A_930, %get3A_931] {strides = array<i32>} : memref<26x512xi32, #tpu.memory_space<vmem>>, vector<16xi32>,
      %shift_right_logical3A_933 = arith.constant 2 : i32
      %shift_right_logical3A_934 = vector.broadcast %shift_right_logical3A_933 : i32 to vector<16xi32>
      %shift_right_logical3A_935 = arith.shrui %get3A_932, %shift_right_logical3A_934 : vector<16xi32>
      %swap3A_936 = arith.index_cast %rem3A_871 : i32 to index
      %swap3A_937 = arith.constant 32 : index
      %swap3A_938 = tpu.vector_load %arg6[%swap3A_936, %swap3A_937] {strides = array<i32>} : memref<4x128xi32, #tpu.memory_space<vmem>>, vector<16xi32>,
      tpu.vector_store %arg6[%swap3A_936, %swap3A_937], %shift_right_logical3A_935 {strides = array<i32>} : memref<4x128xi32, #tpu.memory_space<vmem>>, vector<16xi32>,
      %mul3A_939 = arith.constant 128 : i32
      %mul3A_940 = arith.muli %rem3A_899, %mul3A_939 : i32
      %add3A_941 = arith.constant 48 : i32
      %add3A_942 = arith.addi %mul3A_940, %add3A_941 : i32
      %get3A_943 = arith.index_cast %select_n3A_897 : i32 to index
      %get3A_944 = arith.index_cast %add3A_942 : i32 to index
      %get3A_945 = tpu.vector_load %arg5[%get3A_943, %get3A_944] {strides = array<i32>} : memref<26x512xi32, #tpu.memory_space<vmem>>, vector<16xi32>,
      %shift_right_logical3A_946 = arith.constant 2 : i32
      %shift_right_logical3A_947 = vector.broadcast %shift_right_logical3A_946 : i32 to vector<16xi32>
      %shift_right_logical3A_948 = arith.shrui %get3A_945, %shift_right_logical3A_947 : vector<16xi32>
      %swap3A_949 = arith.index_cast %rem3A_871 : i32 to index
      %swap3A_950 = arith.constant 48 : index
      %swap3A_951 = tpu.vector_load %arg6[%swap3A_949, %swap3A_950] {strides = array<i32>} : memref<4x128xi32, #tpu.memory_space<vmem>>, vector<16xi32>,
      tpu.vector_store %arg6[%swap3A_949, %swap3A_950], %shift_right_logical3A_948 {strides = array<i32>} : memref<4x128xi32, #tpu.memory_space<vmem>>, vector<16xi32>,
      %mul3A_952 = arith.constant 128 : i32
      %mul3A_953 = arith.muli %rem3A_899, %mul3A_952 : i32
      %add3A_954 = arith.constant 64 : i32
      %add3A_955 = arith.addi %mul3A_953, %add3A_954 : i32
      %get3A_956 = arith.index_cast %select_n3A_897 : i32 to index
      %get3A_957 = arith.index_cast %add3A_955 : i32 to index
      %get3A_958 = tpu.vector_load %arg5[%get3A_956, %get3A_957] {strides = array<i32>} : memref<26x512xi32, #tpu.memory_space<vmem>>, vector<16xi32>,
      %shift_right_logical3A_959 = arith.constant 2 : i32
      %shift_right_logical3A_960 = vector.broadcast %shift_right_logical3A_959 : i32 to vector<16xi32>
      %shift_right_logical3A_961 = arith.shrui %get3A_958, %shift_right_logical3A_960 : vector<16xi32>
      %swap3A_962 = arith.index_cast %rem3A_871 : i32 to index
      %swap3A_963 = arith.constant 64 : index
      %swap3A_964 = tpu.vector_load %arg6[%swap3A_962, %swap3A_963] {strides = array<i32>} : memref<4x128xi32, #tpu.memory_space<vmem>>, vector<16xi32>,
      tpu.vector_store %arg6[%swap3A_962, %swap3A_963], %shift_right_logical3A_961 {strides = array<i32>} : memref<4x128xi32, #tpu.memory_space<vmem>>, vector<16xi32>,
      %mul3A_965 = arith.constant 128 : i32
      %mul3A_966 = arith.muli %rem3A_899, %mul3A_965 : i32
      %add3A_967 = arith.constant 80 : i32
      %add3A_968 = arith.addi %mul3A_966, %add3A_967 : i32
      %get3A_969 = arith.index_cast %select_n3A_897 : i32 to index
      %get3A_970 = arith.index_cast %add3A_968 : i32 to index
      %get3A_971 = tpu.vector_load %arg5[%get3A_969, %get3A_970] {strides = array<i32>} : memref<26x512xi32, #tpu.memory_space<vmem>>, vector<16xi32>,
      %shift_right_logical3A_972 = arith.constant 2 : i32
      %shift_right_logical3A_973 = vector.broadcast %shift_right_logical3A_972 : i32 to vector<16xi32>
      %shift_right_logical3A_974 = arith.shrui %get3A_971, %shift_right_logical3A_973 : vector<16xi32>
      %swap3A_975 = arith.index_cast %rem3A_871 : i32 to index
      %swap3A_976 = arith.constant 80 : index
      %swap3A_977 = tpu.vector_load %arg6[%swap3A_975, %swap3A_976] {strides = array<i32>} : memref<4x128xi32, #tpu.memory_space<vmem>>, vector<16xi32>,
      tpu.vector_store %arg6[%swap3A_975, %swap3A_976], %shift_right_logical3A_974 {strides = array<i32>} : memref<4x128xi32, #tpu.memory_space<vmem>>, vector<16xi32>,
      %mul3A_978 = arith.constant 128 : i32
      %mul3A_979 = arith.muli %rem3A_899, %mul3A_978 : i32
      %add3A_980 = arith.constant 96 : i32
      %add3A_981 = arith.addi %mul3A_979, %add3A_980 : i32
      %get3A_982 = arith.index_cast %select_n3A_897 : i32 to index
      %get3A_983 = arith.index_cast %add3A_981 : i32 to index
      %get3A_984 = tpu.vector_load %arg5[%get3A_982, %get3A_983] {strides = array<i32>} : memref<26x512xi32, #tpu.memory_space<vmem>>, vector<16xi32>,
      %shift_right_logical3A_985 = arith.constant 2 : i32
      %shift_right_logical3A_986 = vector.broadcast %shift_right_logical3A_985 : i32 to vector<16xi32>
      %shift_right_logical3A_987 = arith.shrui %get3A_984, %shift_right_logical3A_986 : vector<16xi32>
      %swap3A_988 = arith.index_cast %rem3A_871 : i32 to index
      %swap3A_989 = arith.constant 96 : index
      %swap3A_990 = tpu.vector_load %arg6[%swap3A_988, %swap3A_989] {strides = array<i32>} : memref<4x128xi32, #tpu.memory_space<vmem>>, vector<16xi32>,
      tpu.vector_store %arg6[%swap3A_988, %swap3A_989], %shift_right_logical3A_987 {strides = array<i32>} : memref<4x128xi32, #tpu.memory_space<vmem>>, vector<16xi32>,
      %mul3A_991 = arith.constant 128 : i32
      %mul3A_992 = arith.muli %rem3A_899, %mul3A_991 : i32
      %add3A_993 = arith.constant 112 : i32
      %add3A_994 = arith.addi %mul3A_992, %add3A_993 : i32
      %get3A_995 = arith.index_cast %select_n3A_897 : i32 to index
      %get3A_996 = arith.index_cast %add3A_994 : i32 to index
      %get3A_997 = tpu.vector_load %arg5[%get3A_995, %get3A_996] {strides = array<i32>} : memref<26x512xi32, #tpu.memory_space<vmem>>, vector<16xi32>,
      %shift_right_logical3A_998 = arith.constant 2 : i32
      %shift_right_logical3A_999 = vector.broadcast %shift_right_logical3A_998 : i32 to vector<16xi32>
      %shift_right_logical3A_1000 = arith.shrui %get3A_997, %shift_right_logical3A_999 : vector<16xi32>
      %swap3A_1001 = arith.index_cast %rem3A_871 : i32 to index
      %swap3A_1002 = arith.constant 112 : index
      %swap3A_1003 = tpu.vector_load %arg6[%swap3A_1001, %swap3A_1002] {strides = array<i32>} : memref<4x128xi32, #tpu.memory_space<vmem>>, vector<16xi32>,
      tpu.vector_store %arg6[%swap3A_1001, %swap3A_1002], %shift_right_logical3A_1000 {strides = array<i32>} : memref<4x128xi32, #tpu.memory_space<vmem>>, vector<16xi32>,
      %dma_start3A_1004 = arith.constant 0 : i32
      %dma_start3A_1005 = arith.constant 0 : i32
      %dma_start3A_1006 = tpu.memref_slice %arg7[%rem3A_871, %dma_start3A_1004, %dma_start3A_1005] : memref<4x128x128xf32, #tpu.memory_space<vmem>> -> memref<1x128x128xf32, #tpu.memory_space<vmem>>
      %dma_start3A_1007 = tpu.memref_squeeze %dma_start3A_1006 : memref<1x128x128xf32, #tpu.memory_space<vmem>> -> memref<128x128xf32, #tpu.memory_space<vmem>>
      %dma_start3A_1008 = arith.constant 0 : i32
      %dma_start3A_1009 = tpu.memref_slice %arg6[%rem3A_871, %dma_start3A_1008] : memref<4x128xi32, #tpu.memory_space<vmem>> -> memref<1x128xi32, #tpu.memory_space<vmem>>
      %dma_start3A_1010 = tpu.memref_squeeze %dma_start3A_1009 : memref<1x128xi32, #tpu.memory_space<vmem>> -> memref<128xi32, #tpu.memory_space<vmem>>
      %dma_start3A_1011 = arith.constant 0 : i32
      %dma_start3A_1012 = arith.constant 0 : i32
      %dma_start3A_1013 = tpu.memref_slice %arg3[%dma_start3A_1011, %dma_start3A_1012] : memref<250000x128xf32, #tpu.memory_space<hbm>> -> memref<250000x128xf32, #tpu.memory_space<hbm>>
      tpu.enqueue_indirect_dma source(%dma_start3A_1013 : memref<250000x128xf32, #tpu.memory_space<hbm>>) target(%dma_start3A_1007 : memref<128x128xf32, #tpu.memory_space<vmem>>) offsets(%dma_start3A_1010 : memref<128xi32, #tpu.memory_space<vmem>>) semaphore(%arg9 : memref<!tpu.dma_semaphore, #tpu.memory_space<semaphore_mem>>)
      %jit3A_1014 = arith.constant 4 : i32
      %div3A_1015 = arith.divsi %add3A_816, %jit3A_1014 : i32
      %sign3A_1016 = arith.constant 0 : i32
      %sign3A_1017 = arith.cmpi sgt, %add3A_816, %sign3A_1016 : i32
      %sign3A_1018 = arith.extui %sign3A_1017 : i1 to i32
      %sign3A_1019 = arith.constant 0 : i32
      %sign3A_1020 = arith.cmpi slt, %add3A_816, %sign3A_1019 : i32
      %sign3A_1021 = arith.extui %sign3A_1020 : i1 to i32
      %sign3A_1022 = arith.subi %sign3A_1018, %sign3A_1021 : i32
      %sign3A_1023 = arith.constant 0 : i32
      %sign3A_1024 = arith.cmpi sgt, %jit3A_1014, %sign3A_1023 : i32
      %sign3A_1025 = arith.extui %sign3A_1024 : i1 to i32
      %sign3A_1026 = arith.constant 0 : i32
      %sign3A_1027 = arith.cmpi slt, %jit3A_1014, %sign3A_1026 : i32
      %sign3A_1028 = arith.extui %sign3A_1027 : i1 to i32
      %sign3A_1029 = arith.subi %sign3A_1025, %sign3A_1028 : i32
      %ne3A_1030 = arith.cmpi ne, %sign3A_1022, %sign3A_1029 : i32
      %rem3A_1031 = arith.remsi %add3A_816, %jit3A_1014 : i32
      %ne3A_1032 = arith.constant 0 : i32
      %ne3A_1033 = arith.cmpi ne, %rem3A_1031, %ne3A_1032 : i32
      %and3A_1034 = arith.andi %ne3A_1030, %ne3A_1033 : i1
      %sub3A_1035 = arith.constant 1 : i32
      %sub3A_1036 = arith.subi %div3A_1015, %sub3A_1035 : i32
      %select_n3A_1037 = arith.select %and3A_1034, %sub3A_1036, %div3A_1015 : i32
      %rem3A_1038 = arith.constant 4 : i32
      %rem3A_1039 = arith.remsi %add3A_816, %rem3A_1038 : i32
      %scan3A_1040 = arith.constant 0 : i32
      %scan3A_1041 = arith.constant 0 : i32
      %scan3A_1042 = arith.constant 8 : i32
      %scan3A_1043 = arith.addi %scan3A_1041, %scan3A_1042 : i32
      %scan3A_1044 = arith.constant 1 : i32
      %scan3A_1045 = scf.for %scan3A_1375 = %scan3A_1041 to %scan3A_1043 step %scan3A_1044 iter_args(%scan3A_1376 = %scan3A_1040) -> (i32)  : i32 {
        %mul3A_1377 = arith.constant 16 : i32
        %mul3A_1378 = arith.muli %scan3A_1375, %mul3A_1377 : i32
        %mul3A_1379 = arith.constant 128 : i32
        %mul3A_1380 = arith.muli %rem3A_1039, %mul3A_1379 : i32
        %add3A_1381 = arith.addi %mul3A_1380, %mul3A_1378 : i32
        %get3A_1382 = arith.index_cast %select_n3A_1037 : i32 to index
        %get3A_1383 = arith.index_cast %add3A_1381 : i32 to index
        %get3A_1384 = tpu.vector_load %arg5[%get3A_1382, %get3A_1383] {strides = array<i32>} : memref<26x512xi32, #tpu.memory_space<vmem>>, vector<16xi32>,
        %and3A_1385 = arith.constant 3 : i32
        %and3A_1386 = vector.broadcast %and3A_1385 : i32 to vector<16xi32>
        %and3A_1387 = arith.andi %get3A_1384, %and3A_1386 : vector<16xi32>
        %mul3A_1388 = arith.constant 32 : i32
        %mul3A_1389 = vector.broadcast %mul3A_1388 : i32 to vector<16xi32>
        %mul3A_1390 = arith.muli %and3A_1387, %mul3A_1389 : vector<16xi32>
        %add3A_1391 = vector.broadcast %mul3A_1378 : i32 to vector<16xi32>
        %add3A_1392 = arith.addi %iota3A, %add3A_1391 : vector<16xi32>
        %add3A_1393 = arith.constant 0 : i32
        %add3A_1394 = vector.broadcast %add3A_1393 : i32 to vector<16xi32>
        %add3A_1395 = arith.addi %mul3A_1390, %add3A_1394 : vector<16xi32>
        %gather3A = arith.constant 0 : i32
        %gather3A_1396 = arith.constant 0 : i32
        %gather3A_1397 = tpu.memref_slice %arg7[%rem3A_818, %gather3A, %gather3A_1396] : memref<4x128x128xf32, #tpu.memory_space<vmem>> -> memref<1x128x128xf32, #tpu.memory_space<vmem>>
        %gather3A_1398 = tpu.memref_squeeze %gather3A_1397 : memref<1x128x128xf32, #tpu.memory_space<vmem>> -> memref<128x128xf32, #tpu.memory_space<vmem>>
        %gather3A_1399 = tpu.vector_load_idx %gather3A_1398[%add3A_1392, %add3A_1395] : memref<128x128xf32, #tpu.memory_space<vmem>>[vector<16xi32>, vector<16xi32>], vector<16xf32>,
        %swap3A_1400 = arith.constant 0 : i32
        %swap3A_1401 = arith.constant 0 : i32
        %swap3A_1402 = arith.index_cast %swap3A_1400 : i32 to index
        %swap3A_1403 = arith.index_cast %swap3A_1401 : i32 to index
        %swap3A_1404 = arith.index_cast %mul3A_1378 : i32 to index
        %swap3A_1405 = tpu.vector_load %arg8[%swap3A_1402, %swap3A_1403, %swap3A_1404] {strides = array<i32>} : memref<2x32x128xf32, #tpu.memory_space<vmem>>, vector<16xf32>,
        tpu.vector_store %arg8[%swap3A_1402, %swap3A_1403, %swap3A_1404], %gather3A_1399 {strides = array<i32>} : memref<2x32x128xf32, #tpu.memory_space<vmem>>, vector<16xf32>,
        %add3A_1406 = arith.constant 1 : i32
        %add3A_1407 = vector.broadcast %add3A_1406 : i32 to vector<16xi32>
        %add3A_1408 = arith.addi %mul3A_1390, %add3A_1407 : vector<16xi32>
        %gather3A_1409 = arith.constant 0 : i32
        %gather3A_1410 = arith.constant 0 : i32
        %gather3A_1411 = tpu.memref_slice %arg7[%rem3A_818, %gather3A_1409, %gather3A_1410] : memref<4x128x128xf32, #tpu.memory_space<vmem>> -> memref<1x128x128xf32, #tpu.memory_space<vmem>>
        %gather3A_1412 = tpu.memref_squeeze %gather3A_1411 : memref<1x128x128xf32, #tpu.memory_space<vmem>> -> memref<128x128xf32, #tpu.memory_space<vmem>>
        %gather3A_1413 = tpu.vector_load_idx %gather3A_1412[%add3A_1392, %add3A_1408] : memref<128x128xf32, #tpu.memory_space<vmem>>[vector<16xi32>, vector<16xi32>], vector<16xf32>,
        %swap3A_1414 = arith.constant 0 : i32
        %swap3A_1415 = arith.constant 1 : i32
        %swap3A_1416 = arith.index_cast %swap3A_1414 : i32 to index
        %swap3A_1417 = arith.index_cast %swap3A_1415 : i32 to index
        %swap3A_1418 = arith.index_cast %mul3A_1378 : i32 to index
        %swap3A_1419 = tpu.vector_load %arg8[%swap3A_1416, %swap3A_1417, %swap3A_1418] {strides = array<i32>} : memref<2x32x128xf32, #tpu.memory_space<vmem>>, vector<16xf32>,
        tpu.vector_store %arg8[%swap3A_1416, %swap3A_1417, %swap3A_1418], %gather3A_1413 {strides = array<i32>} : memref<2x32x128xf32, #tpu.memory_space<vmem>>, vector<16xf32>,
        %add3A_1420 = arith.constant 2 : i32
        %add3A_1421 = vector.broadcast %add3A_1420 : i32 to vector<16xi32>
        %add3A_1422 = arith.addi %mul3A_1390, %add3A_1421 : vector<16xi32>
        %gather3A_1423 = arith.constant 0 : i32
        %gather3A_1424 = arith.constant 0 : i32
        %gather3A_1425 = tpu.memref_slice %arg7[%rem3A_818, %gather3A_1423, %gather3A_1424] : memref<4x128x128xf32, #tpu.memory_space<vmem>> -> memref<1x128x128xf32, #tpu.memory_space<vmem>>
        %gather3A_1426 = tpu.memref_squeeze %gather3A_1425 : memref<1x128x128xf32, #tpu.memory_space<vmem>> -> memref<128x128xf32, #tpu.memory_space<vmem>>
        %gather3A_1427 = tpu.vector_load_idx %gather3A_1426[%add3A_1392, %add3A_1422] : memref<128x128xf32, #tpu.memory_space<vmem>>[vector<16xi32>, vector<16xi32>], vector<16xf32>,
        %swap3A_1428 = arith.constant 0 : i32
        %swap3A_1429 = arith.constant 2 : i32
        %swap3A_1430 = arith.index_cast %swap3A_1428 : i32 to index
        %swap3A_1431 = arith.index_cast %swap3A_1429 : i32 to index
        %swap3A_1432 = arith.index_cast %mul3A_1378 : i32 to index
        %swap3A_1433 = tpu.vector_load %arg8[%swap3A_1430, %swap3A_1431, %swap3A_1432] {strides = array<i32>} : memref<2x32x128xf32, #tpu.memory_space<vmem>>, vector<16xf32>,
        tpu.vector_store %arg8[%swap3A_1430, %swap3A_1431, %swap3A_1432], %gather3A_1427 {strides = array<i32>} : memref<2x32x128xf32, #tpu.memory_space<vmem>>, vector<16xf32>,
        %add3A_1434 = arith.constant 3 : i32
        %add3A_1435 = vector.broadcast %add3A_1434 : i32 to vector<16xi32>
        %add3A_1436 = arith.addi %mul3A_1390, %add3A_1435 : vector<16xi32>
        %gather3A_1437 = arith.constant 0 : i32
        %gather3A_1438 = arith.constant 0 : i32
        %gather3A_1439 = tpu.memref_slice %arg7[%rem3A_818, %gather3A_1437, %gather3A_1438] : memref<4x128x128xf32, #tpu.memory_space<vmem>> -> memref<1x128x128xf32, #tpu.memory_space<vmem>>
        %gather3A_1440 = tpu.memref_squeeze %gather3A_1439 : memref<1x128x128xf32, #tpu.memory_space<vmem>> -> memref<128x128xf32, #tpu.memory_space<vmem>>
        %gather3A_1441 = tpu.vector_load_idx %gather3A_1440[%add3A_1392, %add3A_1436] : memref<128x128xf32, #tpu.memory_space<vmem>>[vector<16xi32>, vector<16xi32>], vector<16xf32>,
        %swap3A_1442 = arith.constant 0 : i32
        %swap3A_1443 = arith.constant 3 : i32
        %swap3A_1444 = arith.index_cast %swap3A_1442 : i32 to index
        %swap3A_1445 = arith.index_cast %swap3A_1443 : i32 to index
        %swap3A_1446 = arith.index_cast %mul3A_1378 : i32 to index
        %swap3A_1447 = tpu.vector_load %arg8[%swap3A_1444, %swap3A_1445, %swap3A_1446] {strides = array<i32>} : memref<2x32x128xf32, #tpu.memory_space<vmem>>, vector<16xf32>,
        tpu.vector_store %arg8[%swap3A_1444, %swap3A_1445, %swap3A_1446], %gather3A_1441 {strides = array<i32>} : memref<2x32x128xf32, #tpu.memory_space<vmem>>, vector<16xf32>,
        %add3A_1448 = arith.constant 4 : i32
        %add3A_1449 = vector.broadcast %add3A_1448 : i32 to vector<16xi32>
        %add3A_1450 = arith.addi %mul3A_1390, %add3A_1449 : vector<16xi32>
        %gather3A_1451 = arith.constant 0 : i32
        %gather3A_1452 = arith.constant 0 : i32
        %gather3A_1453 = tpu.memref_slice %arg7[%rem3A_818, %gather3A_1451, %gather3A_1452] : memref<4x128x128xf32, #tpu.memory_space<vmem>> -> memref<1x128x128xf32, #tpu.memory_space<vmem>>
        %gather3A_1454 = tpu.memref_squeeze %gather3A_1453 : memref<1x128x128xf32, #tpu.memory_space<vmem>> -> memref<128x128xf32, #tpu.memory_space<vmem>>
        %gather3A_1455 = tpu.vector_load_idx %gather3A_1454[%add3A_1392, %add3A_1450] : memref<128x128xf32, #tpu.memory_space<vmem>>[vector<16xi32>, vector<16xi32>], vector<16xf32>,
        %swap3A_1456 = arith.constant 0 : i32
        %swap3A_1457 = arith.constant 4 : i32
        %swap3A_1458 = arith.index_cast %swap3A_1456 : i32 to index
        %swap3A_1459 = arith.index_cast %swap3A_1457 : i32 to index
        %swap3A_1460 = arith.index_cast %mul3A_1378 : i32 to index
        %swap3A_1461 = tpu.vector_load %arg8[%swap3A_1458, %swap3A_1459, %swap3A_1460] {strides = array<i32>} : memref<2x32x128xf32, #tpu.memory_space<vmem>>, vector<16xf32>,
        tpu.vector_store %arg8[%swap3A_1458, %swap3A_1459, %swap3A_1460], %gather3A_1455 {strides = array<i32>} : memref<2x32x128xf32, #tpu.memory_space<vmem>>, vector<16xf32>,
        %add3A_1462 = arith.constant 5 : i32
        %add3A_1463 = vector.broadcast %add3A_1462 : i32 to vector<16xi32>
        %add3A_1464 = arith.addi %mul3A_1390, %add3A_1463 : vector<16xi32>
        %gather3A_1465 = arith.constant 0 : i32
        %gather3A_1466 = arith.constant 0 : i32
        %gather3A_1467 = tpu.memref_slice %arg7[%rem3A_818, %gather3A_1465, %gather3A_1466] : memref<4x128x128xf32, #tpu.memory_space<vmem>> -> memref<1x128x128xf32, #tpu.memory_space<vmem>>
        %gather3A_1468 = tpu.memref_squeeze %gather3A_1467 : memref<1x128x128xf32, #tpu.memory_space<vmem>> -> memref<128x128xf32, #tpu.memory_space<vmem>>
        %gather3A_1469 = tpu.vector_load_idx %gather3A_1468[%add3A_1392, %add3A_1464] : memref<128x128xf32, #tpu.memory_space<vmem>>[vector<16xi32>, vector<16xi32>], vector<16xf32>,
        %swap3A_1470 = arith.constant 0 : i32
        %swap3A_1471 = arith.constant 5 : i32
        %swap3A_1472 = arith.index_cast %swap3A_1470 : i32 to index
        %swap3A_1473 = arith.index_cast %swap3A_1471 : i32 to index
        %swap3A_1474 = arith.index_cast %mul3A_1378 : i32 to index
        %swap3A_1475 = tpu.vector_load %arg8[%swap3A_1472, %swap3A_1473, %swap3A_1474] {strides = array<i32>} : memref<2x32x128xf32, #tpu.memory_space<vmem>>, vector<16xf32>,
        tpu.vector_store %arg8[%swap3A_1472, %swap3A_1473, %swap3A_1474], %gather3A_1469 {strides = array<i32>} : memref<2x32x128xf32, #tpu.memory_space<vmem>>, vector<16xf32>,
        %add3A_1476 = arith.constant 6 : i32
        %add3A_1477 = vector.broadcast %add3A_1476 : i32 to vector<16xi32>
        %add3A_1478 = arith.addi %mul3A_1390, %add3A_1477 : vector<16xi32>
        %gather3A_1479 = arith.constant 0 : i32
        %gather3A_1480 = arith.constant 0 : i32
        %gather3A_1481 = tpu.memref_slice %arg7[%rem3A_818, %gather3A_1479, %gather3A_1480] : memref<4x128x128xf32, #tpu.memory_space<vmem>> -> memref<1x128x128xf32, #tpu.memory_space<vmem>>
        %gather3A_1482 = tpu.memref_squeeze %gather3A_1481 : memref<1x128x128xf32, #tpu.memory_space<vmem>> -> memref<128x128xf32, #tpu.memory_space<vmem>>
        %gather3A_1483 = tpu.vector_load_idx %gather3A_1482[%add3A_1392, %add3A_1478] : memref<128x128xf32, #tpu.memory_space<vmem>>[vector<16xi32>, vector<16xi32>], vector<16xf32>,
        %swap3A_1484 = arith.constant 0 : i32
        %swap3A_1485 = arith.constant 6 : i32
        %swap3A_1486 = arith.index_cast %swap3A_1484 : i32 to index
        %swap3A_1487 = arith.index_cast %swap3A_1485 : i32 to index
        %swap3A_1488 = arith.index_cast %mul3A_1378 : i32 to index
        %swap3A_1489 = tpu.vector_load %arg8[%swap3A_1486, %swap3A_1487, %swap3A_1488] {strides = array<i32>} : memref<2x32x128xf32, #tpu.memory_space<vmem>>, vector<16xf32>,
        tpu.vector_store %arg8[%swap3A_1486, %swap3A_1487, %swap3A_1488], %gather3A_1483 {strides = array<i32>} : memref<2x32x128xf32, #tpu.memory_space<vmem>>, vector<16xf32>,
        %add3A_1490 = arith.constant 7 : i32
        %add3A_1491 = vector.broadcast %add3A_1490 : i32 to vector<16xi32>
        %add3A_1492 = arith.addi %mul3A_1390, %add3A_1491 : vector<16xi32>
        %gather3A_1493 = arith.constant 0 : i32
        %gather3A_1494 = arith.constant 0 : i32
        %gather3A_1495 = tpu.memref_slice %arg7[%rem3A_818, %gather3A_1493, %gather3A_1494] : memref<4x128x128xf32, #tpu.memory_space<vmem>> -> memref<1x128x128xf32, #tpu.memory_space<vmem>>
        %gather3A_1496 = tpu.memref_squeeze %gather3A_1495 : memref<1x128x128xf32, #tpu.memory_space<vmem>> -> memref<128x128xf32, #tpu.memory_space<vmem>>
        %gather3A_1497 = tpu.vector_load_idx %gather3A_1496[%add3A_1392, %add3A_1492] : memref<128x128xf32, #tpu.memory_space<vmem>>[vector<16xi32>, vector<16xi32>], vector<16xf32>,
        %swap3A_1498 = arith.constant 0 : i32
        %swap3A_1499 = arith.constant 7 : i32
        %swap3A_1500 = arith.index_cast %swap3A_1498 : i32 to index
        %swap3A_1501 = arith.index_cast %swap3A_1499 : i32 to index
        %swap3A_1502 = arith.index_cast %mul3A_1378 : i32 to index
        %swap3A_1503 = tpu.vector_load %arg8[%swap3A_1500, %swap3A_1501, %swap3A_1502] {strides = array<i32>} : memref<2x32x128xf32, #tpu.memory_space<vmem>>, vector<16xf32>,
        tpu.vector_store %arg8[%swap3A_1500, %swap3A_1501, %swap3A_1502], %gather3A_1497 {strides = array<i32>} : memref<2x32x128xf32, #tpu.memory_space<vmem>>, vector<16xf32>,
        %add3A_1504 = arith.constant 8 : i32
        %add3A_1505 = vector.broadcast %add3A_1504 : i32 to vector<16xi32>
        %add3A_1506 = arith.addi %mul3A_1390, %add3A_1505 : vector<16xi32>
        %gather3A_1507 = arith.constant 0 : i32
        %gather3A_1508 = arith.constant 0 : i32
        %gather3A_1509 = tpu.memref_slice %arg7[%rem3A_818, %gather3A_1507, %gather3A_1508] : memref<4x128x128xf32, #tpu.memory_space<vmem>> -> memref<1x128x128xf32, #tpu.memory_space<vmem>>
        %gather3A_1510 = tpu.memref_squeeze %gather3A_1509 : memref<1x128x128xf32, #tpu.memory_space<vmem>> -> memref<128x128xf32, #tpu.memory_space<vmem>>
        %gather3A_1511 = tpu.vector_load_idx %gather3A_1510[%add3A_1392, %add3A_1506] : memref<128x128xf32, #tpu.memory_space<vmem>>[vector<16xi32>, vector<16xi32>], vector<16xf32>,
        %swap3A_1512 = arith.constant 0 : i32
        %swap3A_1513 = arith.constant 8 : i32
        %swap3A_1514 = arith.index_cast %swap3A_1512 : i32 to index
        %swap3A_1515 = arith.index_cast %swap3A_1513 : i32 to index
        %swap3A_1516 = arith.index_cast %mul3A_1378 : i32 to index
        %swap3A_1517 = tpu.vector_load %arg8[%swap3A_1514, %swap3A_1515, %swap3A_1516] {strides = array<i32>} : memref<2x32x128xf32, #tpu.memory_space<vmem>>, vector<16xf32>,
        tpu.vector_store %arg8[%swap3A_1514, %swap3A_1515, %swap3A_1516], %gather3A_1511 {strides = array<i32>} : memref<2x32x128xf32, #tpu.memory_space<vmem>>, vector<16xf32>,
        %add3A_1518 = arith.constant 9 : i32
        %add3A_1519 = vector.broadcast %add3A_1518 : i32 to vector<16xi32>
        %add3A_1520 = arith.addi %mul3A_1390, %add3A_1519 : vector<16xi32>
        %gather3A_1521 = arith.constant 0 : i32
        %gather3A_1522 = arith.constant 0 : i32
        %gather3A_1523 = tpu.memref_slice %arg7[%rem3A_818, %gather3A_1521, %gather3A_1522] : memref<4x128x128xf32, #tpu.memory_space<vmem>> -> memref<1x128x128xf32, #tpu.memory_space<vmem>>
        %gather3A_1524 = tpu.memref_squeeze %gather3A_1523 : memref<1x128x128xf32, #tpu.memory_space<vmem>> -> memref<128x128xf32, #tpu.memory_space<vmem>>
        %gather3A_1525 = tpu.vector_load_idx %gather3A_1524[%add3A_1392, %add3A_1520] : memref<128x128xf32, #tpu.memory_space<vmem>>[vector<16xi32>, vector<16xi32>], vector<16xf32>,
        %swap3A_1526 = arith.constant 0 : i32
        %swap3A_1527 = arith.constant 9 : i32
        %swap3A_1528 = arith.index_cast %swap3A_1526 : i32 to index
        %swap3A_1529 = arith.index_cast %swap3A_1527 : i32 to index
        %swap3A_1530 = arith.index_cast %mul3A_1378 : i32 to index
        %swap3A_1531 = tpu.vector_load %arg8[%swap3A_1528, %swap3A_1529, %swap3A_1530] {strides = array<i32>} : memref<2x32x128xf32, #tpu.memory_space<vmem>>, vector<16xf32>,
        tpu.vector_store %arg8[%swap3A_1528, %swap3A_1529, %swap3A_1530], %gather3A_1525 {strides = array<i32>} : memref<2x32x128xf32, #tpu.memory_space<vmem>>, vector<16xf32>,
        %add3A_1532 = arith.constant 10 : i32
        %add3A_1533 = vector.broadcast %add3A_1532 : i32 to vector<16xi32>
        %add3A_1534 = arith.addi %mul3A_1390, %add3A_1533 : vector<16xi32>
        %gather3A_1535 = arith.constant 0 : i32
        %gather3A_1536 = arith.constant 0 : i32
        %gather3A_1537 = tpu.memref_slice %arg7[%rem3A_818, %gather3A_1535, %gather3A_1536] : memref<4x128x128xf32, #tpu.memory_space<vmem>> -> memref<1x128x128xf32, #tpu.memory_space<vmem>>
        %gather3A_1538 = tpu.memref_squeeze %gather3A_1537 : memref<1x128x128xf32, #tpu.memory_space<vmem>> -> memref<128x128xf32, #tpu.memory_space<vmem>>
        %gather3A_1539 = tpu.vector_load_idx %gather3A_1538[%add3A_1392, %add3A_1534] : memref<128x128xf32, #tpu.memory_space<vmem>>[vector<16xi32>, vector<16xi32>], vector<16xf32>,
        %swap3A_1540 = arith.constant 0 : i32
        %swap3A_1541 = arith.constant 10 : i32
        %swap3A_1542 = arith.index_cast %swap3A_1540 : i32 to index
        %swap3A_1543 = arith.index_cast %swap3A_1541 : i32 to index
        %swap3A_1544 = arith.index_cast %mul3A_1378 : i32 to index
        %swap3A_1545 = tpu.vector_load %arg8[%swap3A_1542, %swap3A_1543, %swap3A_1544] {strides = array<i32>} : memref<2x32x128xf32, #tpu.memory_space<vmem>>, vector<16xf32>,
        tpu.vector_store %arg8[%swap3A_1542, %swap3A_1543, %swap3A_1544], %gather3A_1539 {strides = array<i32>} : memref<2x32x128xf32, #tpu.memory_space<vmem>>, vector<16xf32>,
        %add3A_1546 = arith.constant 11 : i32
        %add3A_1547 = vector.broadcast %add3A_1546 : i32 to vector<16xi32>
        %add3A_1548 = arith.addi %mul3A_1390, %add3A_1547 : vector<16xi32>
        %gather3A_1549 = arith.constant 0 : i32
        %gather3A_1550 = arith.constant 0 : i32
        %gather3A_1551 = tpu.memref_slice %arg7[%rem3A_818, %gather3A_1549, %gather3A_1550] : memref<4x128x128xf32, #tpu.memory_space<vmem>> -> memref<1x128x128xf32, #tpu.memory_space<vmem>>
        %gather3A_1552 = tpu.memref_squeeze %gather3A_1551 : memref<1x128x128xf32, #tpu.memory_space<vmem>> -> memref<128x128xf32, #tpu.memory_space<vmem>>
        %gather3A_1553 = tpu.vector_load_idx %gather3A_1552[%add3A_1392, %add3A_1548] : memref<128x128xf32, #tpu.memory_space<vmem>>[vector<16xi32>, vector<16xi32>], vector<16xf32>,
        %swap3A_1554 = arith.constant 0 : i32
        %swap3A_1555 = arith.constant 11 : i32
        %swap3A_1556 = arith.index_cast %swap3A_1554 : i32 to index
        %swap3A_1557 = arith.index_cast %swap3A_1555 : i32 to index
        %swap3A_1558 = arith.index_cast %mul3A_1378 : i32 to index
        %swap3A_1559 = tpu.vector_load %arg8[%swap3A_1556, %swap3A_1557, %swap3A_1558] {strides = array<i32>} : memref<2x32x128xf32, #tpu.memory_space<vmem>>, vector<16xf32>,
        tpu.vector_store %arg8[%swap3A_1556, %swap3A_1557, %swap3A_1558], %gather3A_1553 {strides = array<i32>} : memref<2x32x128xf32, #tpu.memory_space<vmem>>, vector<16xf32>,
        %add3A_1560 = arith.constant 12 : i32
        %add3A_1561 = vector.broadcast %add3A_1560 : i32 to vector<16xi32>
        %add3A_1562 = arith.addi %mul3A_1390, %add3A_1561 : vector<16xi32>
        %gather3A_1563 = arith.constant 0 : i32
        %gather3A_1564 = arith.constant 0 : i32
        %gather3A_1565 = tpu.memref_slice %arg7[%rem3A_818, %gather3A_1563, %gather3A_1564] : memref<4x128x128xf32, #tpu.memory_space<vmem>> -> memref<1x128x128xf32, #tpu.memory_space<vmem>>
        %gather3A_1566 = tpu.memref_squeeze %gather3A_1565 : memref<1x128x128xf32, #tpu.memory_space<vmem>> -> memref<128x128xf32, #tpu.memory_space<vmem>>
        %gather3A_1567 = tpu.vector_load_idx %gather3A_1566[%add3A_1392, %add3A_1562] : memref<128x128xf32, #tpu.memory_space<vmem>>[vector<16xi32>, vector<16xi32>], vector<16xf32>,
        %swap3A_1568 = arith.constant 0 : i32
        %swap3A_1569 = arith.constant 12 : i32
        %swap3A_1570 = arith.index_cast %swap3A_1568 : i32 to index
        %swap3A_1571 = arith.index_cast %swap3A_1569 : i32 to index
        %swap3A_1572 = arith.index_cast %mul3A_1378 : i32 to index
        %swap3A_1573 = tpu.vector_load %arg8[%swap3A_1570, %swap3A_1571, %swap3A_1572] {strides = array<i32>} : memref<2x32x128xf32, #tpu.memory_space<vmem>>, vector<16xf32>,
        tpu.vector_store %arg8[%swap3A_1570, %swap3A_1571, %swap3A_1572], %gather3A_1567 {strides = array<i32>} : memref<2x32x128xf32, #tpu.memory_space<vmem>>, vector<16xf32>,
        %add3A_1574 = arith.constant 13 : i32
        %add3A_1575 = vector.broadcast %add3A_1574 : i32 to vector<16xi32>
        %add3A_1576 = arith.addi %mul3A_1390, %add3A_1575 : vector<16xi32>
        %gather3A_1577 = arith.constant 0 : i32
        %gather3A_1578 = arith.constant 0 : i32
        %gather3A_1579 = tpu.memref_slice %arg7[%rem3A_818, %gather3A_1577, %gather3A_1578] : memref<4x128x128xf32, #tpu.memory_space<vmem>> -> memref<1x128x128xf32, #tpu.memory_space<vmem>>
        %gather3A_1580 = tpu.memref_squeeze %gather3A_1579 : memref<1x128x128xf32, #tpu.memory_space<vmem>> -> memref<128x128xf32, #tpu.memory_space<vmem>>
        %gather3A_1581 = tpu.vector_load_idx %gather3A_1580[%add3A_1392, %add3A_1576] : memref<128x128xf32, #tpu.memory_space<vmem>>[vector<16xi32>, vector<16xi32>], vector<16xf32>,
        %swap3A_1582 = arith.constant 0 : i32
        %swap3A_1583 = arith.constant 13 : i32
        %swap3A_1584 = arith.index_cast %swap3A_1582 : i32 to index
        %swap3A_1585 = arith.index_cast %swap3A_1583 : i32 to index
        %swap3A_1586 = arith.index_cast %mul3A_1378 : i32 to index
        %swap3A_1587 = tpu.vector_load %arg8[%swap3A_1584, %swap3A_1585, %swap3A_1586] {strides = array<i32>} : memref<2x32x128xf32, #tpu.memory_space<vmem>>, vector<16xf32>,
        tpu.vector_store %arg8[%swap3A_1584, %swap3A_1585, %swap3A_1586], %gather3A_1581 {strides = array<i32>} : memref<2x32x128xf32, #tpu.memory_space<vmem>>, vector<16xf32>,
        %add3A_1588 = arith.constant 14 : i32
        %add3A_1589 = vector.broadcast %add3A_1588 : i32 to vector<16xi32>
        %add3A_1590 = arith.addi %mul3A_1390, %add3A_1589 : vector<16xi32>
        %gather3A_1591 = arith.constant 0 : i32
        %gather3A_1592 = arith.constant 0 : i32
        %gather3A_1593 = tpu.memref_slice %arg7[%rem3A_818, %gather3A_1591, %gather3A_1592] : memref<4x128x128xf32, #tpu.memory_space<vmem>> -> memref<1x128x128xf32, #tpu.memory_space<vmem>>
        %gather3A_1594 = tpu.memref_squeeze %gather3A_1593 : memref<1x128x128xf32, #tpu.memory_space<vmem>> -> memref<128x128xf32, #tpu.memory_space<vmem>>
        %gather3A_1595 = tpu.vector_load_idx %gather3A_1594[%add3A_1392, %add3A_1590] : memref<128x128xf32, #tpu.memory_space<vmem>>[vector<16xi32>, vector<16xi32>], vector<16xf32>,
        %swap3A_1596 = arith.constant 0 : i32
        %swap3A_1597 = arith.constant 14 : i32
        %swap3A_1598 = arith.index_cast %swap3A_1596 : i32 to index
        %swap3A_1599 = arith.index_cast %swap3A_1597 : i32 to index
        %swap3A_1600 = arith.index_cast %mul3A_1378 : i32 to index
        %swap3A_1601 = tpu.vector_load %arg8[%swap3A_1598, %swap3A_1599, %swap3A_1600] {strides = array<i32>} : memref<2x32x128xf32, #tpu.memory_space<vmem>>, vector<16xf32>,
        tpu.vector_store %arg8[%swap3A_1598, %swap3A_1599, %swap3A_1600], %gather3A_1595 {strides = array<i32>} : memref<2x32x128xf32, #tpu.memory_space<vmem>>, vector<16xf32>,
        %add3A_1602 = arith.constant 15 : i32
        %add3A_1603 = vector.broadcast %add3A_1602 : i32 to vector<16xi32>
        %add3A_1604 = arith.addi %mul3A_1390, %add3A_1603 : vector<16xi32>
        %gather3A_1605 = arith.constant 0 : i32
        %gather3A_1606 = arith.constant 0 : i32
        %gather3A_1607 = tpu.memref_slice %arg7[%rem3A_818, %gather3A_1605, %gather3A_1606] : memref<4x128x128xf32, #tpu.memory_space<vmem>> -> memref<1x128x128xf32, #tpu.memory_space<vmem>>
        %gather3A_1608 = tpu.memref_squeeze %gather3A_1607 : memref<1x128x128xf32, #tpu.memory_space<vmem>> -> memref<128x128xf32, #tpu.memory_space<vmem>>
        %gather3A_1609 = tpu.vector_load_idx %gather3A_1608[%add3A_1392, %add3A_1604] : memref<128x128xf32, #tpu.memory_space<vmem>>[vector<16xi32>, vector<16xi32>], vector<16xf32>,
        %swap3A_1610 = arith.constant 0 : i32
        %swap3A_1611 = arith.constant 15 : i32
        %swap3A_1612 = arith.index_cast %swap3A_1610 : i32 to index
        %swap3A_1613 = arith.index_cast %swap3A_1611 : i32 to index
        %swap3A_1614 = arith.index_cast %mul3A_1378 : i32 to index
        %swap3A_1615 = tpu.vector_load %arg8[%swap3A_1612, %swap3A_1613, %swap3A_1614] {strides = array<i32>} : memref<2x32x128xf32, #tpu.memory_space<vmem>>, vector<16xf32>,
        tpu.vector_store %arg8[%swap3A_1612, %swap3A_1613, %swap3A_1614], %gather3A_1609 {strides = array<i32>} : memref<2x32x128xf32, #tpu.memory_space<vmem>>, vector<16xf32>,
        %add3A_1616 = arith.constant 16 : i32
        %add3A_1617 = vector.broadcast %add3A_1616 : i32 to vector<16xi32>
        %add3A_1618 = arith.addi %mul3A_1390, %add3A_1617 : vector<16xi32>
        %gather3A_1619 = arith.constant 0 : i32
        %gather3A_1620 = arith.constant 0 : i32
        %gather3A_1621 = tpu.memref_slice %arg7[%rem3A_818, %gather3A_1619, %gather3A_1620] : memref<4x128x128xf32, #tpu.memory_space<vmem>> -> memref<1x128x128xf32, #tpu.memory_space<vmem>>
        %gather3A_1622 = tpu.memref_squeeze %gather3A_1621 : memref<1x128x128xf32, #tpu.memory_space<vmem>> -> memref<128x128xf32, #tpu.memory_space<vmem>>
        %gather3A_1623 = tpu.vector_load_idx %gather3A_1622[%add3A_1392, %add3A_1618] : memref<128x128xf32, #tpu.memory_space<vmem>>[vector<16xi32>, vector<16xi32>], vector<16xf32>,
        %swap3A_1624 = arith.constant 0 : i32
        %swap3A_1625 = arith.constant 16 : i32
        %swap3A_1626 = arith.index_cast %swap3A_1624 : i32 to index
        %swap3A_1627 = arith.index_cast %swap3A_1625 : i32 to index
        %swap3A_1628 = arith.index_cast %mul3A_1378 : i32 to index
        %swap3A_1629 = tpu.vector_load %arg8[%swap3A_1626, %swap3A_1627, %swap3A_1628] {strides = array<i32>} : memref<2x32x128xf32, #tpu.memory_space<vmem>>, vector<16xf32>,
        tpu.vector_store %arg8[%swap3A_1626, %swap3A_1627, %swap3A_1628], %gather3A_1623 {strides = array<i32>} : memref<2x32x128xf32, #tpu.memory_space<vmem>>, vector<16xf32>,
        %add3A_1630 = arith.constant 17 : i32
        %add3A_1631 = vector.broadcast %add3A_1630 : i32 to vector<16xi32>
        %add3A_1632 = arith.addi %mul3A_1390, %add3A_1631 : vector<16xi32>
        %gather3A_1633 = arith.constant 0 : i32
        %gather3A_1634 = arith.constant 0 : i32
        %gather3A_1635 = tpu.memref_slice %arg7[%rem3A_818, %gather3A_1633, %gather3A_1634] : memref<4x128x128xf32, #tpu.memory_space<vmem>> -> memref<1x128x128xf32, #tpu.memory_space<vmem>>
        %gather3A_1636 = tpu.memref_squeeze %gather3A_1635 : memref<1x128x128xf32, #tpu.memory_space<vmem>> -> memref<128x128xf32, #tpu.memory_space<vmem>>
        %gather3A_1637 = tpu.vector_load_idx %gather3A_1636[%add3A_1392, %add3A_1632] : memref<128x128xf32, #tpu.memory_space<vmem>>[vector<16xi32>, vector<16xi32>], vector<16xf32>,
        %swap3A_1638 = arith.constant 0 : i32
        %swap3A_1639 = arith.constant 17 : i32
        %swap3A_1640 = arith.index_cast %swap3A_1638 : i32 to index
        %swap3A_1641 = arith.index_cast %swap3A_1639 : i32 to index
        %swap3A_1642 = arith.index_cast %mul3A_1378 : i32 to index
        %swap3A_1643 = tpu.vector_load %arg8[%swap3A_1640, %swap3A_1641, %swap3A_1642] {strides = array<i32>} : memref<2x32x128xf32, #tpu.memory_space<vmem>>, vector<16xf32>,
        tpu.vector_store %arg8[%swap3A_1640, %swap3A_1641, %swap3A_1642], %gather3A_1637 {strides = array<i32>} : memref<2x32x128xf32, #tpu.memory_space<vmem>>, vector<16xf32>,
        %add3A_1644 = arith.constant 18 : i32
        %add3A_1645 = vector.broadcast %add3A_1644 : i32 to vector<16xi32>
        %add3A_1646 = arith.addi %mul3A_1390, %add3A_1645 : vector<16xi32>
        %gather3A_1647 = arith.constant 0 : i32
        %gather3A_1648 = arith.constant 0 : i32
        %gather3A_1649 = tpu.memref_slice %arg7[%rem3A_818, %gather3A_1647, %gather3A_1648] : memref<4x128x128xf32, #tpu.memory_space<vmem>> -> memref<1x128x128xf32, #tpu.memory_space<vmem>>
        %gather3A_1650 = tpu.memref_squeeze %gather3A_1649 : memref<1x128x128xf32, #tpu.memory_space<vmem>> -> memref<128x128xf32, #tpu.memory_space<vmem>>
        %gather3A_1651 = tpu.vector_load_idx %gather3A_1650[%add3A_1392, %add3A_1646] : memref<128x128xf32, #tpu.memory_space<vmem>>[vector<16xi32>, vector<16xi32>], vector<16xf32>,
        %swap3A_1652 = arith.constant 0 : i32
        %swap3A_1653 = arith.constant 18 : i32
        %swap3A_1654 = arith.index_cast %swap3A_1652 : i32 to index
        %swap3A_1655 = arith.index_cast %swap3A_1653 : i32 to index
        %swap3A_1656 = arith.index_cast %mul3A_1378 : i32 to index
        %swap3A_1657 = tpu.vector_load %arg8[%swap3A_1654, %swap3A_1655, %swap3A_1656] {strides = array<i32>} : memref<2x32x128xf32, #tpu.memory_space<vmem>>, vector<16xf32>,
        tpu.vector_store %arg8[%swap3A_1654, %swap3A_1655, %swap3A_1656], %gather3A_1651 {strides = array<i32>} : memref<2x32x128xf32, #tpu.memory_space<vmem>>, vector<16xf32>,
        %add3A_1658 = arith.constant 19 : i32
        %add3A_1659 = vector.broadcast %add3A_1658 : i32 to vector<16xi32>
        %add3A_1660 = arith.addi %mul3A_1390, %add3A_1659 : vector<16xi32>
        %gather3A_1661 = arith.constant 0 : i32
        %gather3A_1662 = arith.constant 0 : i32
        %gather3A_1663 = tpu.memref_slice %arg7[%rem3A_818, %gather3A_1661, %gather3A_1662] : memref<4x128x128xf32, #tpu.memory_space<vmem>> -> memref<1x128x128xf32, #tpu.memory_space<vmem>>
        %gather3A_1664 = tpu.memref_squeeze %gather3A_1663 : memref<1x128x128xf32, #tpu.memory_space<vmem>> -> memref<128x128xf32, #tpu.memory_space<vmem>>
        %gather3A_1665 = tpu.vector_load_idx %gather3A_1664[%add3A_1392, %add3A_1660] : memref<128x128xf32, #tpu.memory_space<vmem>>[vector<16xi32>, vector<16xi32>], vector<16xf32>,
        %swap3A_1666 = arith.constant 0 : i32
        %swap3A_1667 = arith.constant 19 : i32
        %swap3A_1668 = arith.index_cast %swap3A_1666 : i32 to index
        %swap3A_1669 = arith.index_cast %swap3A_1667 : i32 to index
        %swap3A_1670 = arith.index_cast %mul3A_1378 : i32 to index
        %swap3A_1671 = tpu.vector_load %arg8[%swap3A_1668, %swap3A_1669, %swap3A_1670] {strides = array<i32>} : memref<2x32x128xf32, #tpu.memory_space<vmem>>, vector<16xf32>,
        tpu.vector_store %arg8[%swap3A_1668, %swap3A_1669, %swap3A_1670], %gather3A_1665 {strides = array<i32>} : memref<2x32x128xf32, #tpu.memory_space<vmem>>, vector<16xf32>,
        %add3A_1672 = arith.constant 20 : i32
        %add3A_1673 = vector.broadcast %add3A_1672 : i32 to vector<16xi32>
        %add3A_1674 = arith.addi %mul3A_1390, %add3A_1673 : vector<16xi32>
        %gather3A_1675 = arith.constant 0 : i32
        %gather3A_1676 = arith.constant 0 : i32
        %gather3A_1677 = tpu.memref_slice %arg7[%rem3A_818, %gather3A_1675, %gather3A_1676] : memref<4x128x128xf32, #tpu.memory_space<vmem>> -> memref<1x128x128xf32, #tpu.memory_space<vmem>>
        %gather3A_1678 = tpu.memref_squeeze %gather3A_1677 : memref<1x128x128xf32, #tpu.memory_space<vmem>> -> memref<128x128xf32, #tpu.memory_space<vmem>>
        %gather3A_1679 = tpu.vector_load_idx %gather3A_1678[%add3A_1392, %add3A_1674] : memref<128x128xf32, #tpu.memory_space<vmem>>[vector<16xi32>, vector<16xi32>], vector<16xf32>,
        %swap3A_1680 = arith.constant 0 : i32
        %swap3A_1681 = arith.constant 20 : i32
        %swap3A_1682 = arith.index_cast %swap3A_1680 : i32 to index
        %swap3A_1683 = arith.index_cast %swap3A_1681 : i32 to index
        %swap3A_1684 = arith.index_cast %mul3A_1378 : i32 to index
        %swap3A_1685 = tpu.vector_load %arg8[%swap3A_1682, %swap3A_1683, %swap3A_1684] {strides = array<i32>} : memref<2x32x128xf32, #tpu.memory_space<vmem>>, vector<16xf32>,
        tpu.vector_store %arg8[%swap3A_1682, %swap3A_1683, %swap3A_1684], %gather3A_1679 {strides = array<i32>} : memref<2x32x128xf32, #tpu.memory_space<vmem>>, vector<16xf32>,
        %add3A_1686 = arith.constant 21 : i32
        %add3A_1687 = vector.broadcast %add3A_1686 : i32 to vector<16xi32>
        %add3A_1688 = arith.addi %mul3A_1390, %add3A_1687 : vector<16xi32>
        %gather3A_1689 = arith.constant 0 : i32
        %gather3A_1690 = arith.constant 0 : i32
        %gather3A_1691 = tpu.memref_slice %arg7[%rem3A_818, %gather3A_1689, %gather3A_1690] : memref<4x128x128xf32, #tpu.memory_space<vmem>> -> memref<1x128x128xf32, #tpu.memory_space<vmem>>
        %gather3A_1692 = tpu.memref_squeeze %gather3A_1691 : memref<1x128x128xf32, #tpu.memory_space<vmem>> -> memref<128x128xf32, #tpu.memory_space<vmem>>
        %gather3A_1693 = tpu.vector_load_idx %gather3A_1692[%add3A_1392, %add3A_1688] : memref<128x128xf32, #tpu.memory_space<vmem>>[vector<16xi32>, vector<16xi32>], vector<16xf32>,
        %swap3A_1694 = arith.constant 0 : i32
        %swap3A_1695 = arith.constant 21 : i32
        %swap3A_1696 = arith.index_cast %swap3A_1694 : i32 to index
        %swap3A_1697 = arith.index_cast %swap3A_1695 : i32 to index
        %swap3A_1698 = arith.index_cast %mul3A_1378 : i32 to index
        %swap3A_1699 = tpu.vector_load %arg8[%swap3A_1696, %swap3A_1697, %swap3A_1698] {strides = array<i32>} : memref<2x32x128xf32, #tpu.memory_space<vmem>>, vector<16xf32>,
        tpu.vector_store %arg8[%swap3A_1696, %swap3A_1697, %swap3A_1698], %gather3A_1693 {strides = array<i32>} : memref<2x32x128xf32, #tpu.memory_space<vmem>>, vector<16xf32>,
        %add3A_1700 = arith.constant 22 : i32
        %add3A_1701 = vector.broadcast %add3A_1700 : i32 to vector<16xi32>
        %add3A_1702 = arith.addi %mul3A_1390, %add3A_1701 : vector<16xi32>
        %gather3A_1703 = arith.constant 0 : i32
        %gather3A_1704 = arith.constant 0 : i32
        %gather3A_1705 = tpu.memref_slice %arg7[%rem3A_818, %gather3A_1703, %gather3A_1704] : memref<4x128x128xf32, #tpu.memory_space<vmem>> -> memref<1x128x128xf32, #tpu.memory_space<vmem>>
        %gather3A_1706 = tpu.memref_squeeze %gather3A_1705 : memref<1x128x128xf32, #tpu.memory_space<vmem>> -> memref<128x128xf32, #tpu.memory_space<vmem>>
        %gather3A_1707 = tpu.vector_load_idx %gather3A_1706[%add3A_1392, %add3A_1702] : memref<128x128xf32, #tpu.memory_space<vmem>>[vector<16xi32>, vector<16xi32>], vector<16xf32>,
        %swap3A_1708 = arith.constant 0 : i32
        %swap3A_1709 = arith.constant 22 : i32
        %swap3A_1710 = arith.index_cast %swap3A_1708 : i32 to index
        %swap3A_1711 = arith.index_cast %swap3A_1709 : i32 to index
        %swap3A_1712 = arith.index_cast %mul3A_1378 : i32 to index
        %swap3A_1713 = tpu.vector_load %arg8[%swap3A_1710, %swap3A_1711, %swap3A_1712] {strides = array<i32>} : memref<2x32x128xf32, #tpu.memory_space<vmem>>, vector<16xf32>,
        tpu.vector_store %arg8[%swap3A_1710, %swap3A_1711, %swap3A_1712], %gather3A_1707 {strides = array<i32>} : memref<2x32x128xf32, #tpu.memory_space<vmem>>, vector<16xf32>,
        %add3A_1714 = arith.constant 23 : i32
        %add3A_1715 = vector.broadcast %add3A_1714 : i32 to vector<16xi32>
        %add3A_1716 = arith.addi %mul3A_1390, %add3A_1715 : vector<16xi32>
        %gather3A_1717 = arith.constant 0 : i32
        %gather3A_1718 = arith.constant 0 : i32
        %gather3A_1719 = tpu.memref_slice %arg7[%rem3A_818, %gather3A_1717, %gather3A_1718] : memref<4x128x128xf32, #tpu.memory_space<vmem>> -> memref<1x128x128xf32, #tpu.memory_space<vmem>>
        %gather3A_1720 = tpu.memref_squeeze %gather3A_1719 : memref<1x128x128xf32, #tpu.memory_space<vmem>> -> memref<128x128xf32, #tpu.memory_space<vmem>>
        %gather3A_1721 = tpu.vector_load_idx %gather3A_1720[%add3A_1392, %add3A_1716] : memref<128x128xf32, #tpu.memory_space<vmem>>[vector<16xi32>, vector<16xi32>], vector<16xf32>,
        %swap3A_1722 = arith.constant 0 : i32
        %swap3A_1723 = arith.constant 23 : i32
        %swap3A_1724 = arith.index_cast %swap3A_1722 : i32 to index
        %swap3A_1725 = arith.index_cast %swap3A_1723 : i32 to index
        %swap3A_1726 = arith.index_cast %mul3A_1378 : i32 to index
        %swap3A_1727 = tpu.vector_load %arg8[%swap3A_1724, %swap3A_1725, %swap3A_1726] {strides = array<i32>} : memref<2x32x128xf32, #tpu.memory_space<vmem>>, vector<16xf32>,
        tpu.vector_store %arg8[%swap3A_1724, %swap3A_1725, %swap3A_1726], %gather3A_1721 {strides = array<i32>} : memref<2x32x128xf32, #tpu.memory_space<vmem>>, vector<16xf32>,
        %add3A_1728 = arith.constant 24 : i32
        %add3A_1729 = vector.broadcast %add3A_1728 : i32 to vector<16xi32>
        %add3A_1730 = arith.addi %mul3A_1390, %add3A_1729 : vector<16xi32>
        %gather3A_1731 = arith.constant 0 : i32
        %gather3A_1732 = arith.constant 0 : i32
        %gather3A_1733 = tpu.memref_slice %arg7[%rem3A_818, %gather3A_1731, %gather3A_1732] : memref<4x128x128xf32, #tpu.memory_space<vmem>> -> memref<1x128x128xf32, #tpu.memory_space<vmem>>
        %gather3A_1734 = tpu.memref_squeeze %gather3A_1733 : memref<1x128x128xf32, #tpu.memory_space<vmem>> -> memref<128x128xf32, #tpu.memory_space<vmem>>
        %gather3A_1735 = tpu.vector_load_idx %gather3A_1734[%add3A_1392, %add3A_1730] : memref<128x128xf32, #tpu.memory_space<vmem>>[vector<16xi32>, vector<16xi32>], vector<16xf32>,
        %swap3A_1736 = arith.constant 0 : i32
        %swap3A_1737 = arith.constant 24 : i32
        %swap3A_1738 = arith.index_cast %swap3A_1736 : i32 to index
        %swap3A_1739 = arith.index_cast %swap3A_1737 : i32 to index
        %swap3A_1740 = arith.index_cast %mul3A_1378 : i32 to index
        %swap3A_1741 = tpu.vector_load %arg8[%swap3A_1738, %swap3A_1739, %swap3A_1740] {strides = array<i32>} : memref<2x32x128xf32, #tpu.memory_space<vmem>>, vector<16xf32>,
        tpu.vector_store %arg8[%swap3A_1738, %swap3A_1739, %swap3A_1740], %gather3A_1735 {strides = array<i32>} : memref<2x32x128xf32, #tpu.memory_space<vmem>>, vector<16xf32>,
        %add3A_1742 = arith.constant 25 : i32
        %add3A_1743 = vector.broadcast %add3A_1742 : i32 to vector<16xi32>
        %add3A_1744 = arith.addi %mul3A_1390, %add3A_1743 : vector<16xi32>
        %gather3A_1745 = arith.constant 0 : i32
        %gather3A_1746 = arith.constant 0 : i32
        %gather3A_1747 = tpu.memref_slice %arg7[%rem3A_818, %gather3A_1745, %gather3A_1746] : memref<4x128x128xf32, #tpu.memory_space<vmem>> -> memref<1x128x128xf32, #tpu.memory_space<vmem>>
        %gather3A_1748 = tpu.memref_squeeze %gather3A_1747 : memref<1x128x128xf32, #tpu.memory_space<vmem>> -> memref<128x128xf32, #tpu.memory_space<vmem>>
        %gather3A_1749 = tpu.vector_load_idx %gather3A_1748[%add3A_1392, %add3A_1744] : memref<128x128xf32, #tpu.memory_space<vmem>>[vector<16xi32>, vector<16xi32>], vector<16xf32>,
        %swap3A_1750 = arith.constant 0 : i32
        %swap3A_1751 = arith.constant 25 : i32
        %swap3A_1752 = arith.index_cast %swap3A_1750 : i32 to index
        %swap3A_1753 = arith.index_cast %swap3A_1751 : i32 to index
        %swap3A_1754 = arith.index_cast %mul3A_1378 : i32 to index
        %swap3A_1755 = tpu.vector_load %arg8[%swap3A_1752, %swap3A_1753, %swap3A_1754] {strides = array<i32>} : memref<2x32x128xf32, #tpu.memory_space<vmem>>, vector<16xf32>,
        tpu.vector_store %arg8[%swap3A_1752, %swap3A_1753, %swap3A_1754], %gather3A_1749 {strides = array<i32>} : memref<2x32x128xf32, #tpu.memory_space<vmem>>, vector<16xf32>,
        %add3A_1756 = arith.constant 26 : i32
        %add3A_1757 = vector.broadcast %add3A_1756 : i32 to vector<16xi32>
        %add3A_1758 = arith.addi %mul3A_1390, %add3A_1757 : vector<16xi32>
        %gather3A_1759 = arith.constant 0 : i32
        %gather3A_1760 = arith.constant 0 : i32
        %gather3A_1761 = tpu.memref_slice %arg7[%rem3A_818, %gather3A_1759, %gather3A_1760] : memref<4x128x128xf32, #tpu.memory_space<vmem>> -> memref<1x128x128xf32, #tpu.memory_space<vmem>>
        %gather3A_1762 = tpu.memref_squeeze %gather3A_1761 : memref<1x128x128xf32, #tpu.memory_space<vmem>> -> memref<128x128xf32, #tpu.memory_space<vmem>>
        %gather3A_1763 = tpu.vector_load_idx %gather3A_1762[%add3A_1392, %add3A_1758] : memref<128x128xf32, #tpu.memory_space<vmem>>[vector<16xi32>, vector<16xi32>], vector<16xf32>,
        %swap3A_1764 = arith.constant 0 : i32
        %swap3A_1765 = arith.constant 26 : i32
        %swap3A_1766 = arith.index_cast %swap3A_1764 : i32 to index
        %swap3A_1767 = arith.index_cast %swap3A_1765 : i32 to index
        %swap3A_1768 = arith.index_cast %mul3A_1378 : i32 to index
        %swap3A_1769 = tpu.vector_load %arg8[%swap3A_1766, %swap3A_1767, %swap3A_1768] {strides = array<i32>} : memref<2x32x128xf32, #tpu.memory_space<vmem>>, vector<16xf32>,
        tpu.vector_store %arg8[%swap3A_1766, %swap3A_1767, %swap3A_1768], %gather3A_1763 {strides = array<i32>} : memref<2x32x128xf32, #tpu.memory_space<vmem>>, vector<16xf32>,
        %add3A_1770 = arith.constant 27 : i32
        %add3A_1771 = vector.broadcast %add3A_1770 : i32 to vector<16xi32>
        %add3A_1772 = arith.addi %mul3A_1390, %add3A_1771 : vector<16xi32>
        %gather3A_1773 = arith.constant 0 : i32
        %gather3A_1774 = arith.constant 0 : i32
        %gather3A_1775 = tpu.memref_slice %arg7[%rem3A_818, %gather3A_1773, %gather3A_1774] : memref<4x128x128xf32, #tpu.memory_space<vmem>> -> memref<1x128x128xf32, #tpu.memory_space<vmem>>
        %gather3A_1776 = tpu.memref_squeeze %gather3A_1775 : memref<1x128x128xf32, #tpu.memory_space<vmem>> -> memref<128x128xf32, #tpu.memory_space<vmem>>
        %gather3A_1777 = tpu.vector_load_idx %gather3A_1776[%add3A_1392, %add3A_1772] : memref<128x128xf32, #tpu.memory_space<vmem>>[vector<16xi32>, vector<16xi32>], vector<16xf32>,
        %swap3A_1778 = arith.constant 0 : i32
        %swap3A_1779 = arith.constant 27 : i32
        %swap3A_1780 = arith.index_cast %swap3A_1778 : i32 to index
        %swap3A_1781 = arith.index_cast %swap3A_1779 : i32 to index
        %swap3A_1782 = arith.index_cast %mul3A_1378 : i32 to index
        %swap3A_1783 = tpu.vector_load %arg8[%swap3A_1780, %swap3A_1781, %swap3A_1782] {strides = array<i32>} : memref<2x32x128xf32, #tpu.memory_space<vmem>>, vector<16xf32>,
        tpu.vector_store %arg8[%swap3A_1780, %swap3A_1781, %swap3A_1782], %gather3A_1777 {strides = array<i32>} : memref<2x32x128xf32, #tpu.memory_space<vmem>>, vector<16xf32>,
        %add3A_1784 = arith.constant 28 : i32
        %add3A_1785 = vector.broadcast %add3A_1784 : i32 to vector<16xi32>
        %add3A_1786 = arith.addi %mul3A_1390, %add3A_1785 : vector<16xi32>
        %gather3A_1787 = arith.constant 0 : i32
        %gather3A_1788 = arith.constant 0 : i32
        %gather3A_1789 = tpu.memref_slice %arg7[%rem3A_818, %gather3A_1787, %gather3A_1788] : memref<4x128x128xf32, #tpu.memory_space<vmem>> -> memref<1x128x128xf32, #tpu.memory_space<vmem>>
        %gather3A_1790 = tpu.memref_squeeze %gather3A_1789 : memref<1x128x128xf32, #tpu.memory_space<vmem>> -> memref<128x128xf32, #tpu.memory_space<vmem>>
        %gather3A_1791 = tpu.vector_load_idx %gather3A_1790[%add3A_1392, %add3A_1786] : memref<128x128xf32, #tpu.memory_space<vmem>>[vector<16xi32>, vector<16xi32>], vector<16xf32>,
        %swap3A_1792 = arith.constant 0 : i32
        %swap3A_1793 = arith.constant 28 : i32
        %swap3A_1794 = arith.index_cast %swap3A_1792 : i32 to index
        %swap3A_1795 = arith.index_cast %swap3A_1793 : i32 to index
        %swap3A_1796 = arith.index_cast %mul3A_1378 : i32 to index
        %swap3A_1797 = tpu.vector_load %arg8[%swap3A_1794, %swap3A_1795, %swap3A_1796] {strides = array<i32>} : memref<2x32x128xf32, #tpu.memory_space<vmem>>, vector<16xf32>,
        tpu.vector_store %arg8[%swap3A_1794, %swap3A_1795, %swap3A_1796], %gather3A_1791 {strides = array<i32>} : memref<2x32x128xf32, #tpu.memory_space<vmem>>, vector<16xf32>,
        %add3A_1798 = arith.constant 29 : i32
        %add3A_1799 = vector.broadcast %add3A_1798 : i32 to vector<16xi32>
        %add3A_1800 = arith.addi %mul3A_1390, %add3A_1799 : vector<16xi32>
        %gather3A_1801 = arith.constant 0 : i32
        %gather3A_1802 = arith.constant 0 : i32
        %gather3A_1803 = tpu.memref_slice %arg7[%rem3A_818, %gather3A_1801, %gather3A_1802] : memref<4x128x128xf32, #tpu.memory_space<vmem>> -> memref<1x128x128xf32, #tpu.memory_space<vmem>>
        %gather3A_1804 = tpu.memref_squeeze %gather3A_1803 : memref<1x128x128xf32, #tpu.memory_space<vmem>> -> memref<128x128xf32, #tpu.memory_space<vmem>>
        %gather3A_1805 = tpu.vector_load_idx %gather3A_1804[%add3A_1392, %add3A_1800] : memref<128x128xf32, #tpu.memory_space<vmem>>[vector<16xi32>, vector<16xi32>], vector<16xf32>,
        %swap3A_1806 = arith.constant 0 : i32
        %swap3A_1807 = arith.constant 29 : i32
        %swap3A_1808 = arith.index_cast %swap3A_1806 : i32 to index
        %swap3A_1809 = arith.index_cast %swap3A_1807 : i32 to index
        %swap3A_1810 = arith.index_cast %mul3A_1378 : i32 to index
        %swap3A_1811 = tpu.vector_load %arg8[%swap3A_1808, %swap3A_1809, %swap3A_1810] {strides = array<i32>} : memref<2x32x128xf32, #tpu.memory_space<vmem>>, vector<16xf32>,
        tpu.vector_store %arg8[%swap3A_1808, %swap3A_1809, %swap3A_1810], %gather3A_1805 {strides = array<i32>} : memref<2x32x128xf32, #tpu.memory_space<vmem>>, vector<16xf32>,
        %add3A_1812 = arith.constant 30 : i32
        %add3A_1813 = vector.broadcast %add3A_1812 : i32 to vector<16xi32>
        %add3A_1814 = arith.addi %mul3A_1390, %add3A_1813 : vector<16xi32>
        %gather3A_1815 = arith.constant 0 : i32
        %gather3A_1816 = arith.constant 0 : i32
        %gather3A_1817 = tpu.memref_slice %arg7[%rem3A_818, %gather3A_1815, %gather3A_1816] : memref<4x128x128xf32, #tpu.memory_space<vmem>> -> memref<1x128x128xf32, #tpu.memory_space<vmem>>
        %gather3A_1818 = tpu.memref_squeeze %gather3A_1817 : memref<1x128x128xf32, #tpu.memory_space<vmem>> -> memref<128x128xf32, #tpu.memory_space<vmem>>
        %gather3A_1819 = tpu.vector_load_idx %gather3A_1818[%add3A_1392, %add3A_1814] : memref<128x128xf32, #tpu.memory_space<vmem>>[vector<16xi32>, vector<16xi32>], vector<16xf32>,
        %swap3A_1820 = arith.constant 0 : i32
        %swap3A_1821 = arith.constant 30 : i32
        %swap3A_1822 = arith.index_cast %swap3A_1820 : i32 to index
        %swap3A_1823 = arith.index_cast %swap3A_1821 : i32 to index
        %swap3A_1824 = arith.index_cast %mul3A_1378 : i32 to index
        %swap3A_1825 = tpu.vector_load %arg8[%swap3A_1822, %swap3A_1823, %swap3A_1824] {strides = array<i32>} : memref<2x32x128xf32, #tpu.memory_space<vmem>>, vector<16xf32>,
        tpu.vector_store %arg8[%swap3A_1822, %swap3A_1823, %swap3A_1824], %gather3A_1819 {strides = array<i32>} : memref<2x32x128xf32, #tpu.memory_space<vmem>>, vector<16xf32>,
        %add3A_1826 = arith.constant 31 : i32
        %add3A_1827 = vector.broadcast %add3A_1826 : i32 to vector<16xi32>
        %add3A_1828 = arith.addi %mul3A_1390, %add3A_1827 : vector<16xi32>
        %gather3A_1829 = arith.constant 0 : i32
        %gather3A_1830 = arith.constant 0 : i32
        %gather3A_1831 = tpu.memref_slice %arg7[%rem3A_818, %gather3A_1829, %gather3A_1830] : memref<4x128x128xf32, #tpu.memory_space<vmem>> -> memref<1x128x128xf32, #tpu.memory_space<vmem>>
        %gather3A_1832 = tpu.memref_squeeze %gather3A_1831 : memref<1x128x128xf32, #tpu.memory_space<vmem>> -> memref<128x128xf32, #tpu.memory_space<vmem>>
        %gather3A_1833 = tpu.vector_load_idx %gather3A_1832[%add3A_1392, %add3A_1828] : memref<128x128xf32, #tpu.memory_space<vmem>>[vector<16xi32>, vector<16xi32>], vector<16xf32>,
        %swap3A_1834 = arith.constant 0 : i32
        %swap3A_1835 = arith.constant 31 : i32
        %swap3A_1836 = arith.index_cast %swap3A_1834 : i32 to index
        %swap3A_1837 = arith.index_cast %swap3A_1835 : i32 to index
        %swap3A_1838 = arith.index_cast %mul3A_1378 : i32 to index
        %swap3A_1839 = tpu.vector_load %arg8[%swap3A_1836, %swap3A_1837, %swap3A_1838] {strides = array<i32>} : memref<2x32x128xf32, #tpu.memory_space<vmem>>, vector<16xf32>,
        tpu.vector_store %arg8[%swap3A_1836, %swap3A_1837, %swap3A_1838], %gather3A_1833 {strides = array<i32>} : memref<2x32x128xf32, #tpu.memory_space<vmem>>, vector<16xf32>,
        %scan3A_1840 = arith.constant 0 : i32
        scf.yield %scan3A_1840 : i32
      }
      %scan3A_1046 = arith.constant 8 : i32
      %jit3A_1047 = arith.constant 4 : i32
      %div3A_1048 = arith.divsi %add3A_816, %jit3A_1047 : i32
      %sign3A_1049 = arith.constant 0 : i32
      %sign3A_1050 = arith.cmpi sgt, %add3A_816, %sign3A_1049 : i32
      %sign3A_1051 = arith.extui %sign3A_1050 : i1 to i32
      %sign3A_1052 = arith.constant 0 : i32
      %sign3A_1053 = arith.cmpi slt, %add3A_816, %sign3A_1052 : i32
      %sign3A_1054 = arith.extui %sign3A_1053 : i1 to i32
      %sign3A_1055 = arith.subi %sign3A_1051, %sign3A_1054 : i32
      %sign3A_1056 = arith.constant 0 : i32
      %sign3A_1057 = arith.cmpi sgt, %jit3A_1047, %sign3A_1056 : i32
      %sign3A_1058 = arith.extui %sign3A_1057 : i1 to i32
      %sign3A_1059 = arith.constant 0 : i32
      %sign3A_1060 = arith.cmpi slt, %jit3A_1047, %sign3A_1059 : i32
      %sign3A_1061 = arith.extui %sign3A_1060 : i1 to i32
      %sign3A_1062 = arith.subi %sign3A_1058, %sign3A_1061 : i32
      %ne3A_1063 = arith.cmpi ne, %sign3A_1055, %sign3A_1062 : i32
      %rem3A_1064 = arith.remsi %add3A_816, %jit3A_1047 : i32
      %ne3A_1065 = arith.constant 0 : i32
      %ne3A_1066 = arith.cmpi ne, %rem3A_1064, %ne3A_1065 : i32
      %and3A_1067 = arith.andi %ne3A_1063, %ne3A_1066 : i1
      %sub3A_1068 = arith.constant 1 : i32
      %sub3A_1069 = arith.subi %div3A_1048, %sub3A_1068 : i32
      %select_n3A_1070 = arith.select %and3A_1067, %sub3A_1069, %div3A_1048 : i32
      %rem3A_1071 = arith.constant 4 : i32
      %rem3A_1072 = arith.remsi %add3A_816, %rem3A_1071 : i32
      %mul3A_1073 = arith.constant 128 : i32
      %mul3A_1074 = arith.muli %rem3A_1072, %mul3A_1073 : i32
      %add3A_1075 = arith.addi %mul3A_2, %mul3A_1074 : i32
      %dma_start3A_1076 = arith.constant 0 : i32
      %dma_start3A_1077 = arith.constant 0 : i32
      %dma_start3A_1078 = arith.constant 0 : i32
      %dma_start3A_1079 = tpu.memref_slice %arg8[%dma_start3A_1076, %dma_start3A_1077, %dma_start3A_1078] : memref<2x32x128xf32, #tpu.memory_space<vmem>> -> memref<1x32x128xf32, #tpu.memory_space<vmem>>
      %dma_start3A_1080 = tpu.memref_squeeze %dma_start3A_1079 : memref<1x32x128xf32, #tpu.memory_space<vmem>> -> memref<32x128xf32, #tpu.memory_space<vmem>>
      %dma_start3A_1081 = arith.constant 0 : i32
      %dma_start3A_1082 = tpu.memref_slice %arg4[%select_n3A_1070, %dma_start3A_1081, %add3A_1075] : memref<26x32x16384xf32, #tpu.memory_space<hbm>> -> memref<1x32x128xf32, #tpu.memory_space<hbm>>
      %dma_start3A_1083 = tpu.memref_squeeze %dma_start3A_1082 : memref<1x32x128xf32, #tpu.memory_space<hbm>> -> memref<32x128xf32, #tpu.memory_space<hbm>>
      %dma_start3A_1084 = arith.constant 0 : i32
      %dma_start3A_1085 = tpu.memref_slice %arg4[%select_n3A_1070, %dma_start3A_1084, %add3A_1075] : memref<26x32x16384xf32, #tpu.memory_space<hbm>> -> memref<1x32x128xf32, #tpu.memory_space<hbm>>
      %dma_start3A_1086 = tpu.memref_squeeze %dma_start3A_1085 : memref<1x32x128xf32, #tpu.memory_space<hbm>> -> memref<32x128xf32, #tpu.memory_space<hbm>>
      %dma_start3A_1087 = arith.constant 0 : i32
      %dma_start3A_1088 = arith.constant 0 : i32
      %dma_start3A_1089 = tpu.memref_slice %arg8[%dma_start3A_1076, %dma_start3A_1087, %dma_start3A_1088] : memref<2x32x128xf32, #tpu.memory_space<vmem>> -> memref<1x32x128xf32, #tpu.memory_space<vmem>>
      %dma_start3A_1090 = tpu.memref_squeeze %dma_start3A_1089 : memref<1x32x128xf32, #tpu.memory_space<vmem>> -> memref<32x128xf32, #tpu.memory_space<vmem>>
      tpu.enqueue_dma source(%dma_start3A_1090 : memref<32x128xf32, #tpu.memory_space<vmem>>) target(%dma_start3A_1086 : memref<32x128xf32, #tpu.memory_space<hbm>>) target_semaphore(%arg11 : memref<!tpu.dma_semaphore, #tpu.memory_space<semaphore_mem>>)
      %add3A_1091 = arith.constant 1 : i32
      %add3A_1092 = arith.addi %add3A_816, %add3A_1091 : i32
      %rem3A_1093 = arith.constant 4 : i32
      %rem3A_1094 = arith.remsi %add3A_1092, %rem3A_1093 : i32
      %dma_wait3A_1095 = arith.constant 0 : i32
      %dma_wait3A_1096 = arith.constant 0 : i32
      %dma_wait3A_1097 = tpu.memref_slice %arg7[%rem3A_1094, %dma_wait3A_1095, %dma_wait3A_1096] : memref<4x128x128xf32, #tpu.memory_space<vmem>> -> memref<1x128x128xf32, #tpu.memory_space<vmem>>
      %dma_wait3A_1098 = tpu.memref_squeeze %dma_wait3A_1097 : memref<1x128x128xf32, #tpu.memory_space<vmem>> -> memref<128x128xf32, #tpu.memory_space<vmem>>
      %dma_wait3A_1099 = arith.constant 0 : i32
      %dma_wait3A_1100 = tpu.memref_slice %arg6[%rem3A_1094, %dma_wait3A_1099] : memref<4x128xi32, #tpu.memory_space<vmem>> -> memref<1x128xi32, #tpu.memory_space<vmem>>
      %dma_wait3A_1101 = tpu.memref_squeeze %dma_wait3A_1100 : memref<1x128xi32, #tpu.memory_space<vmem>> -> memref<128xi32, #tpu.memory_space<vmem>>
      %dma_wait3A_1102 = arith.constant 0 : i32
      %dma_wait3A_1103 = arith.constant 0 : i32
      %dma_wait3A_1104 = tpu.memref_slice %arg3[%dma_wait3A_1102, %dma_wait3A_1103] : memref<250000x128xf32, #tpu.memory_space<hbm>> -> memref<250000x128xf32, #tpu.memory_space<hbm>>
      tpu.wait_indirect_dma semaphore(%arg10 : memref<!tpu.dma_semaphore, #tpu.memory_space<semaphore_mem>>) src(%dma_wait3A_1104 : memref<250000x128xf32, #tpu.memory_space<hbm>>) dst(%dma_wait3A_1098 : memref<128x128xf32, #tpu.memory_space<vmem>>)
      %sub3A_1105 = arith.constant 2 : i32
      %sub3A_1106 = arith.subi %add3A_1092, %sub3A_1105 : i32
      %jit3A_1107 = arith.constant 4 : i32
      %div3A_1108 = arith.divsi %sub3A_1106, %jit3A_1107 : i32
      %sign3A_1109 = arith.constant 0 : i32
      %sign3A_1110 = arith.cmpi sgt, %sub3A_1106, %sign3A_1109 : i32
      %sign3A_1111 = arith.extui %sign3A_1110 : i1 to i32
      %sign3A_1112 = arith.constant 0 : i32
      %sign3A_1113 = arith.cmpi slt, %sub3A_1106, %sign3A_1112 : i32
      %sign3A_1114 = arith.extui %sign3A_1113 : i1 to i32
      %sign3A_1115 = arith.subi %sign3A_1111, %sign3A_1114 : i32
      %sign3A_1116 = arith.constant 0 : i32
      %sign3A_1117 = arith.cmpi sgt, %jit3A_1107, %sign3A_1116 : i32
      %sign3A_1118 = arith.extui %sign3A_1117 : i1 to i32
      %sign3A_1119 = arith.constant 0 : i32
      %sign3A_1120 = arith.cmpi slt, %jit3A_1107, %sign3A_1119 : i32
      %sign3A_1121 = arith.extui %sign3A_1120 : i1 to i32
      %sign3A_1122 = arith.subi %sign3A_1118, %sign3A_1121 : i32
      %ne3A_1123 = arith.cmpi ne, %sign3A_1115, %sign3A_1122 : i32
      %rem3A_1124 = arith.remsi %sub3A_1106, %jit3A_1107 : i32
      %ne3A_1125 = arith.constant 0 : i32
      %ne3A_1126 = arith.cmpi ne, %rem3A_1124, %ne3A_1125 : i32
      %and3A_1127 = arith.andi %ne3A_1123, %ne3A_1126 : i1
      %sub3A_1128 = arith.constant 1 : i32
      %sub3A_1129 = arith.subi %div3A_1108, %sub3A_1128 : i32
      %select_n3A_1130 = arith.select %and3A_1127, %sub3A_1129, %div3A_1108 : i32
      %rem3A_1131 = arith.constant 4 : i32
      %rem3A_1132 = arith.remsi %sub3A_1106, %rem3A_1131 : i32
      %mul3A_1133 = arith.constant 128 : i32
      %mul3A_1134 = arith.muli %rem3A_1132, %mul3A_1133 : i32
      %add3A_1135 = arith.addi %mul3A_2, %mul3A_1134 : i32
      %dma_wait3A_1136 = arith.constant 1 : i32
      %dma_wait3A_1137 = arith.constant 0 : i32
      %dma_wait3A_1138 = arith.constant 0 : i32
      %dma_wait3A_1139 = tpu.memref_slice %arg8[%dma_wait3A_1136, %dma_wait3A_1137, %dma_wait3A_1138] : memref<2x32x128xf32, #tpu.memory_space<vmem>> -> memref<1x32x128xf32, #tpu.memory_space<vmem>>
      %dma_wait3A_1140 = tpu.memref_squeeze %dma_wait3A_1139 : memref<1x32x128xf32, #tpu.memory_space<vmem>> -> memref<32x128xf32, #tpu.memory_space<vmem>>
      %dma_wait3A_1141 = arith.constant 0 : i32
      %dma_wait3A_1142 = tpu.memref_slice %arg4[%select_n3A_1130, %dma_wait3A_1141, %add3A_1135] : memref<26x32x16384xf32, #tpu.memory_space<hbm>> -> memref<1x32x128xf32, #tpu.memory_space<hbm>>
      %dma_wait3A_1143 = tpu.memref_squeeze %dma_wait3A_1142 : memref<1x32x128xf32, #tpu.memory_space<hbm>> -> memref<32x128xf32, #tpu.memory_space<hbm>>
      %dma_wait3A_1144 = arith.constant 0 : i32
      %dma_wait3A_1145 = tpu.memref_slice %arg4[%select_n3A_1130, %dma_wait3A_1144, %add3A_1135] : memref<26x32x16384xf32, #tpu.memory_space<hbm>> -> memref<1x32x128xf32, #tpu.memory_space<hbm>>
      %dma_wait3A_1146 = tpu.memref_squeeze %dma_wait3A_1145 : memref<1x32x128xf32, #tpu.memory_space<hbm>> -> memref<32x128xf32, #tpu.memory_space<hbm>>
      %dma_wait3A_1147 = arith.constant 0 : i32
      %dma_wait3A_1148 = arith.constant 0 : i32
      %dma_wait3A_1149 = tpu.memref_slice %arg8[%dma_wait3A_1136, %dma_wait3A_1147, %dma_wait3A_1148] : memref<2x32x128xf32, #tpu.memory_space<vmem>> -> memref<1x32x128xf32, #tpu.memory_space<vmem>>
      %dma_wait3A_1150 = tpu.memref_squeeze %dma_wait3A_1149 : memref<1x32x128xf32, #tpu.memory_space<vmem>> -> memref<32x128xf32, #tpu.memory_space<vmem>>
      tpu.wait_dma2 semaphore(%arg12 : memref<!tpu.dma_semaphore, #tpu.memory_space<semaphore_mem>>) src(%dma_wait3A_1150 : memref<32x128xf32, #tpu.memory_space<vmem>>) dst(%dma_wait3A_1146 : memref<32x128xf32, #tpu.memory_space<hbm>>)
      %add3A_1151 = arith.constant 2 : i32
      %add3A_1152 = arith.addi %add3A_1092, %add3A_1151 : i32
      %rem3A_1153 = arith.constant 4 : i32
      %rem3A_1154 = arith.remsi %add3A_1152, %rem3A_1153 : i32
      %add3A_1155 = arith.constant 2 : i32
      %add3A_1156 = arith.addi %add3A_1092, %add3A_1155 : i32
      %jit3A_1157 = arith.constant 4 : i32
      %div3A_1158 = arith.divsi %add3A_1156, %jit3A_1157 : i32
      %sign3A_1159 = arith.constant 0 : i32
      %sign3A_1160 = arith.cmpi sgt, %add3A_1156, %sign3A_1159 : i32
      %sign3A_1161 = arith.extui %sign3A_1160 : i1 to i32
      %sign3A_1162 = arith.constant 0 : i32
      %sign3A_1163 = arith.cmpi slt, %add3A_1156, %sign3A_1162 : i32
      %sign3A_1164 = arith.extui %sign3A_1163 : i1 to i32
      %sign3A_1165 = arith.subi %sign3A_1161, %sign3A_1164 : i32
      %sign3A_1166 = arith.constant 0 : i32
      %sign3A_1167 = arith.cmpi sgt, %jit3A_1157, %sign3A_1166 : i32
      %sign3A_1168 = arith.extui %sign3A_1167 : i1 to i32
      %sign3A_1169 = arith.constant 0 : i32
      %sign3A_1170 = arith.cmpi slt, %jit3A_1157, %sign3A_1169 : i32
      %sign3A_1171 = arith.extui %sign3A_1170 : i1 to i32
      %sign3A_1172 = arith.subi %sign3A_1168, %sign3A_1171 : i32
      %ne3A_1173 = arith.cmpi ne, %sign3A_1165, %sign3A_1172 : i32
      %rem3A_1174 = arith.remsi %add3A_1156, %jit3A_1157 : i32
      %ne3A_1175 = arith.constant 0 : i32
      %ne3A_1176 = arith.cmpi ne, %rem3A_1174, %ne3A_1175 : i32
      %and3A_1177 = arith.andi %ne3A_1173, %ne3A_1176 : i1
      %sub3A_1178 = arith.constant 1 : i32
      %sub3A_1179 = arith.subi %div3A_1158, %sub3A_1178 : i32
      %select_n3A_1180 = arith.select %and3A_1177, %sub3A_1179, %div3A_1158 : i32
      %rem3A_1181 = arith.constant 4 : i32
      %rem3A_1182 = arith.remsi %add3A_1156, %rem3A_1181 : i32
      %mul3A_1183 = arith.constant 128 : i32
      %mul3A_1184 = arith.muli %rem3A_1182, %mul3A_1183 : i32
      %add3A_1185 = arith.constant 0 : i32
      %add3A_1186 = arith.addi %mul3A_1184, %add3A_1185 : i32
      %get3A_1187 = arith.index_cast %select_n3A_1180 : i32 to index
      %get3A_1188 = arith.index_cast %add3A_1186 : i32 to index
      %get3A_1189 = tpu.vector_load %arg5[%get3A_1187, %get3A_1188] {strides = array<i32>} : memref<26x512xi32, #tpu.memory_space<vmem>>, vector<16xi32>,
      %shift_right_logical3A_1190 = arith.constant 2 : i32
      %shift_right_logical3A_1191 = vector.broadcast %shift_right_logical3A_1190 : i32 to vector<16xi32>
      %shift_right_logical3A_1192 = arith.shrui %get3A_1189, %shift_right_logical3A_1191 : vector<16xi32>
      %swap3A_1193 = arith.index_cast %rem3A_1154 : i32 to index
      %swap3A_1194 = arith.constant 0 : index
      %swap3A_1195 = tpu.vector_load %arg6[%swap3A_1193, %swap3A_1194] {strides = array<i32>} : memref<4x128xi32, #tpu.memory_space<vmem>>, vector<16xi32>,
      tpu.vector_store %arg6[%swap3A_1193, %swap3A_1194], %shift_right_logical3A_1192 {strides = array<i32>} : memref<4x128xi32, #tpu.memory_space<vmem>>, vector<16xi32>,
      %mul3A_1196 = arith.constant 128 : i32
      %mul3A_1197 = arith.muli %rem3A_1182, %mul3A_1196 : i32
      %add3A_1198 = arith.constant 16 : i32
      %add3A_1199 = arith.addi %mul3A_1197, %add3A_1198 : i32
      %get3A_1200 = arith.index_cast %select_n3A_1180 : i32 to index
      %get3A_1201 = arith.index_cast %add3A_1199 : i32 to index
      %get3A_1202 = tpu.vector_load %arg5[%get3A_1200, %get3A_1201] {strides = array<i32>} : memref<26x512xi32, #tpu.memory_space<vmem>>, vector<16xi32>,
      %shift_right_logical3A_1203 = arith.constant 2 : i32
      %shift_right_logical3A_1204 = vector.broadcast %shift_right_logical3A_1203 : i32 to vector<16xi32>
      %shift_right_logical3A_1205 = arith.shrui %get3A_1202, %shift_right_logical3A_1204 : vector<16xi32>
      %swap3A_1206 = arith.index_cast %rem3A_1154 : i32 to index
      %swap3A_1207 = arith.constant 16 : index
      %swap3A_1208 = tpu.vector_load %arg6[%swap3A_1206, %swap3A_1207] {strides = array<i32>} : memref<4x128xi32, #tpu.memory_space<vmem>>, vector<16xi32>,
      tpu.vector_store %arg6[%swap3A_1206, %swap3A_1207], %shift_right_logical3A_1205 {strides = array<i32>} : memref<4x128xi32, #tpu.memory_space<vmem>>, vector<16xi32>,
      %mul3A_1209 = arith.constant 128 : i32
      %mul3A_1210 = arith.muli %rem3A_1182, %mul3A_1209 : i32
      %add3A_1211 = arith.constant 32 : i32
      %add3A_1212 = arith.addi %mul3A_1210, %add3A_1211 : i32
      %get3A_1213 = arith.index_cast %select_n3A_1180 : i32 to index
      %get3A_1214 = arith.index_cast %add3A_1212 : i32 to index
      %get3A_1215 = tpu.vector_load %arg5[%get3A_1213, %get3A_1214] {strides = array<i32>} : memref<26x512xi32, #tpu.memory_space<vmem>>, vector<16xi32>,
      %shift_right_logical3A_1216 = arith.constant 2 : i32
      %shift_right_logical3A_1217 = vector.broadcast %shift_right_logical3A_1216 : i32 to vector<16xi32>
      %shift_right_logical3A_1218 = arith.shrui %get3A_1215, %shift_right_logical3A_1217 : vector<16xi32>
      %swap3A_1219 = arith.index_cast %rem3A_1154 : i32 to index
      %swap3A_1220 = arith.constant 32 : index
      %swap3A_1221 = tpu.vector_load %arg6[%swap3A_1219, %swap3A_1220] {strides = array<i32>} : memref<4x128xi32, #tpu.memory_space<vmem>>, vector<16xi32>,
      tpu.vector_store %arg6[%swap3A_1219, %swap3A_1220], %shift_right_logical3A_1218 {strides = array<i32>} : memref<4x128xi32, #tpu.memory_space<vmem>>, vector<16xi32>,
      %mul3A_1222 = arith.constant 128 : i32
      %mul3A_1223 = arith.muli %rem3A_1182, %mul3A_1222 : i32
      %add3A_1224 = arith.constant 48 : i32
      %add3A_1225 = arith.addi %mul3A_1223, %add3A_1224 : i32
      %get3A_1226 = arith.index_cast %select_n3A_1180 : i32 to index
      %get3A_1227 = arith.index_cast %add3A_1225 : i32 to index
      %get3A_1228 = tpu.vector_load %arg5[%get3A_1226, %get3A_1227] {strides = array<i32>} : memref<26x512xi32, #tpu.memory_space<vmem>>, vector<16xi32>,
      %shift_right_logical3A_1229 = arith.constant 2 : i32
      %shift_right_logical3A_1230 = vector.broadcast %shift_right_logical3A_1229 : i32 to vector<16xi32>
      %shift_right_logical3A_1231 = arith.shrui %get3A_1228, %shift_right_logical3A_1230 : vector<16xi32>
      %swap3A_1232 = arith.index_cast %rem3A_1154 : i32 to index
      %swap3A_1233 = arith.constant 48 : index
      %swap3A_1234 = tpu.vector_load %arg6[%swap3A_1232, %swap3A_1233] {strides = array<i32>} : memref<4x128xi32, #tpu.memory_space<vmem>>, vector<16xi32>,
      tpu.vector_store %arg6[%swap3A_1232, %swap3A_1233], %shift_right_logical3A_1231 {strides = array<i32>} : memref<4x128xi32, #tpu.memory_space<vmem>>, vector<16xi32>,
      %mul3A_1235 = arith.constant 128 : i32
      %mul3A_1236 = arith.muli %rem3A_1182, %mul3A_1235 : i32
      %add3A_1237 = arith.constant 64 : i32
      %add3A_1238 = arith.addi %mul3A_1236, %add3A_1237 : i32
      %get3A_1239 = arith.index_cast %select_n3A_1180 : i32 to index
      %get3A_1240 = arith.index_cast %add3A_1238 : i32 to index
      %get3A_1241 = tpu.vector_load %arg5[%get3A_1239, %get3A_1240] {strides = array<i32>} : memref<26x512xi32, #tpu.memory_space<vmem>>, vector<16xi32>,
      %shift_right_logical3A_1242 = arith.constant 2 : i32
      %shift_right_logical3A_1243 = vector.broadcast %shift_right_logical3A_1242 : i32 to vector<16xi32>
      %shift_right_logical3A_1244 = arith.shrui %get3A_1241, %shift_right_logical3A_1243 : vector<16xi32>
      %swap3A_1245 = arith.index_cast %rem3A_1154 : i32 to index
      %swap3A_1246 = arith.constant 64 : index
      %swap3A_1247 = tpu.vector_load %arg6[%swap3A_1245, %swap3A_1246] {strides = array<i32>} : memref<4x128xi32, #tpu.memory_space<vmem>>, vector<16xi32>,
      tpu.vector_store %arg6[%swap3A_1245, %swap3A_1246], %shift_right_logical3A_1244 {strides = array<i32>} : memref<4x128xi32, #tpu.memory_space<vmem>>, vector<16xi32>,
      %mul3A_1248 = arith.constant 128 : i32
      %mul3A_1249 = arith.muli %rem3A_1182, %mul3A_1248 : i32
      %add3A_1250 = arith.constant 80 : i32
      %add3A_1251 = arith.addi %mul3A_1249, %add3A_1250 : i32
      %get3A_1252 = arith.index_cast %select_n3A_1180 : i32 to index
      %get3A_1253 = arith.index_cast %add3A_1251 : i32 to index
      %get3A_1254 = tpu.vector_load %arg5[%get3A_1252, %get3A_1253] {strides = array<i32>} : memref<26x512xi32, #tpu.memory_space<vmem>>, vector<16xi32>,
      %shift_right_logical3A_1255 = arith.constant 2 : i32
      %shift_right_logical3A_1256 = vector.broadcast %shift_right_logical3A_1255 : i32 to vector<16xi32>
      %shift_right_logical3A_1257 = arith.shrui %get3A_1254, %shift_right_logical3A_1256 : vector<16xi32>
      %swap3A_1258 = arith.index_cast %rem3A_1154 : i32 to index
      %swap3A_1259 = arith.constant 80 : index
      %swap3A_1260 = tpu.vector_load %arg6[%swap3A_1258, %swap3A_1259] {strides = array<i32>} : memref<4x128xi32, #tpu.memory_space<vmem>>, vector<16xi32>,
      tpu.vector_store %arg6[%swap3A_1258, %swap3A_1259], %shift_right_logical3A_1257 {strides = array<i32>} : memref<4x128xi32, #tpu.memory_space<vmem>>, vector<16xi32>,
      %mul3A_1261 = arith.constant 128 : i32
      %mul3A_1262 = arith.muli %rem3A_1182, %mul3A_1261 : i32
      %add3A_1263 = arith.constant 96 : i32
      %add3A_1264 = arith.addi %mul3A_1262, %add3A_1263 : i32
      %get3A_1265 = arith.index_cast %select_n3A_1180 : i32 to index
      %get3A_1266 = arith.index_cast %add3A_1264 : i32 to index
      %get3A_1267 = tpu.vector_load %arg5[%get3A_1265, %get3A_1266] {strides = array<i32>} : memref<26x512xi32, #tpu.memory_space<vmem>>, vector<16xi32>,
      %shift_right_logical3A_1268 = arith.constant 2 : i32
      %shift_right_logical3A_1269 = vector.broadcast %shift_right_logical3A_1268 : i32 to vector<16xi32>
      %shift_right_logical3A_1270 = arith.shrui %get3A_1267, %shift_right_logical3A_1269 : vector<16xi32>
      %swap3A_1271 = arith.index_cast %rem3A_1154 : i32 to index
      %swap3A_1272 = arith.constant 96 : index
      %swap3A_1273 = tpu.vector_load %arg6[%swap3A_1271, %swap3A_1272] {strides = array<i32>} : memref<4x128xi32, #tpu.memory_space<vmem>>, vector<16xi32>,
      tpu.vector_store %arg6[%swap3A_1271, %swap3A_1272], %shift_right_logical3A_1270 {strides = array<i32>} : memref<4x128xi32, #tpu.memory_space<vmem>>, vector<16xi32>,
      %mul3A_1274 = arith.constant 128 : i32
      %mul3A_1275 = arith.muli %rem3A_1182, %mul3A_1274 : i32
      %add3A_1276 = arith.constant 112 : i32
      %add3A_1277 = arith.addi %mul3A_1275, %add3A_1276 : i32
      %get3A_1278 = arith.index_cast %select_n3A_1180 : i32 to index
      %get3A_1279 = arith.index_cast %add3A_1277 : i32 to index
      %get3A_1280 = tpu.vector_load %arg5[%get3A_1278, %get3A_1279] {strides = array<i32>} : memref<26x512xi32, #tpu.memory_space<vmem>>, vector<16xi32>,
      %shift_right_logical3A_1281 = arith.constant 2 : i32
      %shift_right_logical3A_1282 = vector.broadcast %shift_right_logical3A_1281 : i32 to vector<16xi32>
      %shift_right_logical3A_1283 = arith.shrui %get3A_1280, %shift_right_logical3A_1282 : vector<16xi32>
      %swap3A_1284 = arith.index_cast %rem3A_1154 : i32 to index
      %swap3A_1285 = arith.constant 112 : index
      %swap3A_1286 = tpu.vector_load %arg6[%swap3A_1284, %swap3A_1285] {strides = array<i32>} : memref<4x128xi32, #tpu.memory_space<vmem>>, vector<16xi32>,
      tpu.vector_store %arg6[%swap3A_1284, %swap3A_1285], %shift_right_logical3A_1283 {strides = array<i32>} : memref<4x128xi32, #tpu.memory_space<vmem>>, vector<16xi32>,
      %dma_start3A_1287 = arith.constant 0 : i32
      %dma_start3A_1288 = arith.constant 0 : i32
      %dma_start3A_1289 = tpu.memref_slice %arg7[%rem3A_1154, %dma_start3A_1287, %dma_start3A_1288] : memref<4x128x128xf32, #tpu.memory_space<vmem>> -> memref<1x128x128xf32, #tpu.memory_space<vmem>>
      %dma_start3A_1290 = tpu.memref_squeeze %dma_start3A_1289 : memref<1x128x128xf32, #tpu.memory_space<vmem>> -> memref<128x128xf32, #tpu.memory_space<vmem>>
      %dma_start3A_1291 = arith.constant 0 : i32
      %dma_start3A_1292 = tpu.memref_slice %arg6[%rem3A_1154, %dma_start3A_1291] : memref<4x128xi32, #tpu.memory_space<vmem>> -> memref<1x128xi32, #tpu.memory_space<vmem>>
      %dma_start3A_1293 = tpu.memref_squeeze %dma_start3A_1292 : memref<1x128xi32, #tpu.memory_space<vmem>> -> memref<128xi32, #tpu.memory_space<vmem>>
      %dma_start3A_1294 = arith.constant 0 : i32
      %dma_start3A_1295 = arith.constant 0 : i32
      %dma_start3A_1296 = tpu.memref_slice %arg3[%dma_start3A_1294, %dma_start3A_1295] : memref<250000x128xf32, #tpu.memory_space<hbm>> -> memref<250000x128xf32, #tpu.memory_space<hbm>>
      tpu.enqueue_indirect_dma source(%dma_start3A_1296 : memref<250000x128xf32, #tpu.memory_space<hbm>>) target(%dma_start3A_1290 : memref<128x128xf32, #tpu.memory_space<vmem>>) offsets(%dma_start3A_1293 : memref<128xi32, #tpu.memory_space<vmem>>) semaphore(%arg10 : memref<!tpu.dma_semaphore, #tpu.memory_space<semaphore_mem>>)
      %jit3A_1297 = arith.constant 4 : i32
      %div3A_1298 = arith.divsi %add3A_1092, %jit3A_1297 : i32
      %sign3A_1299 = arith.constant 0 : i32
      %sign3A_1300 = arith.cmpi sgt, %add3A_1092, %sign3A_1299 : i32
      %sign3A_1301 = arith.extui %sign3A_1300 : i1 to i32
      %sign3A_1302 = arith.constant 0 : i32
      %sign3A_1303 = arith.cmpi slt, %add3A_1092, %sign3A_1302 : i32
      %sign3A_1304 = arith.extui %sign3A_1303 : i1 to i32
      %sign3A_1305 = arith.subi %sign3A_1301, %sign3A_1304 : i32
      %sign3A_1306 = arith.constant 0 : i32
      %sign3A_1307 = arith.cmpi sgt, %jit3A_1297, %sign3A_1306 : i32
      %sign3A_1308 = arith.extui %sign3A_1307 : i1 to i32
      %sign3A_1309 = arith.constant 0 : i32
      %sign3A_1310 = arith.cmpi slt, %jit3A_1297, %sign3A_1309 : i32
      %sign3A_1311 = arith.extui %sign3A_1310 : i1 to i32
      %sign3A_1312 = arith.subi %sign3A_1308, %sign3A_1311 : i32
      %ne3A_1313 = arith.cmpi ne, %sign3A_1305, %sign3A_1312 : i32
      %rem3A_1314 = arith.remsi %add3A_1092, %jit3A_1297 : i32
      %ne3A_1315 = arith.constant 0 : i32
      %ne3A_1316 = arith.cmpi ne, %rem3A_1314, %ne3A_1315 : i32
      %and3A_1317 = arith.andi %ne3A_1313, %ne3A_1316 : i1
      %sub3A_1318 = arith.constant 1 : i32
      %sub3A_1319 = arith.subi %div3A_1298, %sub3A_1318 : i32
      %select_n3A_1320 = arith.select %and3A_1317, %sub3A_1319, %div3A_1298 : i32
      %rem3A_1321 = arith.constant 4 : i32
      %rem3A_1322 = arith.remsi %add3A_1092, %rem3A_1321 : i32
      %scan3A_1323 = arith.constant 0 : i32
      %scan3A_1324 = arith.constant 0 : i32
      %scan3A_1325 = arith.constant 8 : i32
      %scan3A_1326 = arith.addi %scan3A_1324, %scan3A_1325 : i32
      %scan3A_1327 = arith.constant 1 : i32
      %scan3A_1328 = scf.for %scan3A_1375 = %scan3A_1324 to %scan3A_1326 step %scan3A_1327 iter_args(%scan3A_1376 = %scan3A_1323) -> (i32)  : i32 {
        %mul3A_1377 = arith.constant 16 : i32
        %mul3A_1378 = arith.muli %scan3A_1375, %mul3A_1377 : i32
        %mul3A_1379 = arith.constant 128 : i32
        %mul3A_1380 = arith.muli %rem3A_1322, %mul3A_1379 : i32
        %add3A_1381 = arith.addi %mul3A_1380, %mul3A_1378 : i32
        %get3A_1382 = arith.index_cast %select_n3A_1320 : i32 to index
        %get3A_1383 = arith.index_cast %add3A_1381 : i32 to index
        %get3A_1384 = tpu.vector_load %arg5[%get3A_1382, %get3A_1383] {strides = array<i32>} : memref<26x512xi32, #tpu.memory_space<vmem>>, vector<16xi32>,
        %and3A_1385 = arith.constant 3 : i32
        %and3A_1386 = vector.broadcast %and3A_1385 : i32 to vector<16xi32>
        %and3A_1387 = arith.andi %get3A_1384, %and3A_1386 : vector<16xi32>
        %mul3A_1388 = arith.constant 32 : i32
        %mul3A_1389 = vector.broadcast %mul3A_1388 : i32 to vector<16xi32>
        %mul3A_1390 = arith.muli %and3A_1387, %mul3A_1389 : vector<16xi32>
        %add3A_1391 = vector.broadcast %mul3A_1378 : i32 to vector<16xi32>
        %add3A_1392 = arith.addi %iota3A, %add3A_1391 : vector<16xi32>
        %add3A_1393 = arith.constant 0 : i32
        %add3A_1394 = vector.broadcast %add3A_1393 : i32 to vector<16xi32>
        %add3A_1395 = arith.addi %mul3A_1390, %add3A_1394 : vector<16xi32>
        %gather3A = arith.constant 0 : i32
        %gather3A_1396 = arith.constant 0 : i32
        %gather3A_1397 = tpu.memref_slice %arg7[%rem3A_1094, %gather3A, %gather3A_1396] : memref<4x128x128xf32, #tpu.memory_space<vmem>> -> memref<1x128x128xf32, #tpu.memory_space<vmem>>
        %gather3A_1398 = tpu.memref_squeeze %gather3A_1397 : memref<1x128x128xf32, #tpu.memory_space<vmem>> -> memref<128x128xf32, #tpu.memory_space<vmem>>
        %gather3A_1399 = tpu.vector_load_idx %gather3A_1398[%add3A_1392, %add3A_1395] : memref<128x128xf32, #tpu.memory_space<vmem>>[vector<16xi32>, vector<16xi32>], vector<16xf32>,
        %swap3A_1400 = arith.constant 1 : i32
        %swap3A_1401 = arith.constant 0 : i32
        %swap3A_1402 = arith.index_cast %swap3A_1400 : i32 to index
        %swap3A_1403 = arith.index_cast %swap3A_1401 : i32 to index
        %swap3A_1404 = arith.index_cast %mul3A_1378 : i32 to index
        %swap3A_1405 = tpu.vector_load %arg8[%swap3A_1402, %swap3A_1403, %swap3A_1404] {strides = array<i32>} : memref<2x32x128xf32, #tpu.memory_space<vmem>>, vector<16xf32>,
        tpu.vector_store %arg8[%swap3A_1402, %swap3A_1403, %swap3A_1404], %gather3A_1399 {strides = array<i32>} : memref<2x32x128xf32, #tpu.memory_space<vmem>>, vector<16xf32>,
        %add3A_1406 = arith.constant 1 : i32
        %add3A_1407 = vector.broadcast %add3A_1406 : i32 to vector<16xi32>
        %add3A_1408 = arith.addi %mul3A_1390, %add3A_1407 : vector<16xi32>
        %gather3A_1409 = arith.constant 0 : i32
        %gather3A_1410 = arith.constant 0 : i32
        %gather3A_1411 = tpu.memref_slice %arg7[%rem3A_1094, %gather3A_1409, %gather3A_1410] : memref<4x128x128xf32, #tpu.memory_space<vmem>> -> memref<1x128x128xf32, #tpu.memory_space<vmem>>
        %gather3A_1412 = tpu.memref_squeeze %gather3A_1411 : memref<1x128x128xf32, #tpu.memory_space<vmem>> -> memref<128x128xf32, #tpu.memory_space<vmem>>
        %gather3A_1413 = tpu.vector_load_idx %gather3A_1412[%add3A_1392, %add3A_1408] : memref<128x128xf32, #tpu.memory_space<vmem>>[vector<16xi32>, vector<16xi32>], vector<16xf32>,
        %swap3A_1414 = arith.constant 1 : i32
        %swap3A_1415 = arith.constant 1 : i32
        %swap3A_1416 = arith.index_cast %swap3A_1414 : i32 to index
        %swap3A_1417 = arith.index_cast %swap3A_1415 : i32 to index
        %swap3A_1418 = arith.index_cast %mul3A_1378 : i32 to index
        %swap3A_1419 = tpu.vector_load %arg8[%swap3A_1416, %swap3A_1417, %swap3A_1418] {strides = array<i32>} : memref<2x32x128xf32, #tpu.memory_space<vmem>>, vector<16xf32>,
        tpu.vector_store %arg8[%swap3A_1416, %swap3A_1417, %swap3A_1418], %gather3A_1413 {strides = array<i32>} : memref<2x32x128xf32, #tpu.memory_space<vmem>>, vector<16xf32>,
        %add3A_1420 = arith.constant 2 : i32
        %add3A_1421 = vector.broadcast %add3A_1420 : i32 to vector<16xi32>
        %add3A_1422 = arith.addi %mul3A_1390, %add3A_1421 : vector<16xi32>
        %gather3A_1423 = arith.constant 0 : i32
        %gather3A_1424 = arith.constant 0 : i32
        %gather3A_1425 = tpu.memref_slice %arg7[%rem3A_1094, %gather3A_1423, %gather3A_1424] : memref<4x128x128xf32, #tpu.memory_space<vmem>> -> memref<1x128x128xf32, #tpu.memory_space<vmem>>
        %gather3A_1426 = tpu.memref_squeeze %gather3A_1425 : memref<1x128x128xf32, #tpu.memory_space<vmem>> -> memref<128x128xf32, #tpu.memory_space<vmem>>
        %gather3A_1427 = tpu.vector_load_idx %gather3A_1426[%add3A_1392, %add3A_1422] : memref<128x128xf32, #tpu.memory_space<vmem>>[vector<16xi32>, vector<16xi32>], vector<16xf32>,
        %swap3A_1428 = arith.constant 1 : i32
        %swap3A_1429 = arith.constant 2 : i32
        %swap3A_1430 = arith.index_cast %swap3A_1428 : i32 to index
        %swap3A_1431 = arith.index_cast %swap3A_1429 : i32 to index
        %swap3A_1432 = arith.index_cast %mul3A_1378 : i32 to index
        %swap3A_1433 = tpu.vector_load %arg8[%swap3A_1430, %swap3A_1431, %swap3A_1432] {strides = array<i32>} : memref<2x32x128xf32, #tpu.memory_space<vmem>>, vector<16xf32>,
        tpu.vector_store %arg8[%swap3A_1430, %swap3A_1431, %swap3A_1432], %gather3A_1427 {strides = array<i32>} : memref<2x32x128xf32, #tpu.memory_space<vmem>>, vector<16xf32>,
        %add3A_1434 = arith.constant 3 : i32
        %add3A_1435 = vector.broadcast %add3A_1434 : i32 to vector<16xi32>
        %add3A_1436 = arith.addi %mul3A_1390, %add3A_1435 : vector<16xi32>
        %gather3A_1437 = arith.constant 0 : i32
        %gather3A_1438 = arith.constant 0 : i32
        %gather3A_1439 = tpu.memref_slice %arg7[%rem3A_1094, %gather3A_1437, %gather3A_1438] : memref<4x128x128xf32, #tpu.memory_space<vmem>> -> memref<1x128x128xf32, #tpu.memory_space<vmem>>
        %gather3A_1440 = tpu.memref_squeeze %gather3A_1439 : memref<1x128x128xf32, #tpu.memory_space<vmem>> -> memref<128x128xf32, #tpu.memory_space<vmem>>
        %gather3A_1441 = tpu.vector_load_idx %gather3A_1440[%add3A_1392, %add3A_1436] : memref<128x128xf32, #tpu.memory_space<vmem>>[vector<16xi32>, vector<16xi32>], vector<16xf32>,
        %swap3A_1442 = arith.constant 1 : i32
        %swap3A_1443 = arith.constant 3 : i32
        %swap3A_1444 = arith.index_cast %swap3A_1442 : i32 to index
        %swap3A_1445 = arith.index_cast %swap3A_1443 : i32 to index
        %swap3A_1446 = arith.index_cast %mul3A_1378 : i32 to index
        %swap3A_1447 = tpu.vector_load %arg8[%swap3A_1444, %swap3A_1445, %swap3A_1446] {strides = array<i32>} : memref<2x32x128xf32, #tpu.memory_space<vmem>>, vector<16xf32>,
        tpu.vector_store %arg8[%swap3A_1444, %swap3A_1445, %swap3A_1446], %gather3A_1441 {strides = array<i32>} : memref<2x32x128xf32, #tpu.memory_space<vmem>>, vector<16xf32>,
        %add3A_1448 = arith.constant 4 : i32
        %add3A_1449 = vector.broadcast %add3A_1448 : i32 to vector<16xi32>
        %add3A_1450 = arith.addi %mul3A_1390, %add3A_1449 : vector<16xi32>
        %gather3A_1451 = arith.constant 0 : i32
        %gather3A_1452 = arith.constant 0 : i32
        %gather3A_1453 = tpu.memref_slice %arg7[%rem3A_1094, %gather3A_1451, %gather3A_1452] : memref<4x128x128xf32, #tpu.memory_space<vmem>> -> memref<1x128x128xf32, #tpu.memory_space<vmem>>
        %gather3A_1454 = tpu.memref_squeeze %gather3A_1453 : memref<1x128x128xf32, #tpu.memory_space<vmem>> -> memref<128x128xf32, #tpu.memory_space<vmem>>
        %gather3A_1455 = tpu.vector_load_idx %gather3A_1454[%add3A_1392, %add3A_1450] : memref<128x128xf32, #tpu.memory_space<vmem>>[vector<16xi32>, vector<16xi32>], vector<16xf32>,
        %swap3A_1456 = arith.constant 1 : i32
        %swap3A_1457 = arith.constant 4 : i32
        %swap3A_1458 = arith.index_cast %swap3A_1456 : i32 to index
        %swap3A_1459 = arith.index_cast %swap3A_1457 : i32 to index
        %swap3A_1460 = arith.index_cast %mul3A_1378 : i32 to index
        %swap3A_1461 = tpu.vector_load %arg8[%swap3A_1458, %swap3A_1459, %swap3A_1460] {strides = array<i32>} : memref<2x32x128xf32, #tpu.memory_space<vmem>>, vector<16xf32>,
        tpu.vector_store %arg8[%swap3A_1458, %swap3A_1459, %swap3A_1460], %gather3A_1455 {strides = array<i32>} : memref<2x32x128xf32, #tpu.memory_space<vmem>>, vector<16xf32>,
        %add3A_1462 = arith.constant 5 : i32
        %add3A_1463 = vector.broadcast %add3A_1462 : i32 to vector<16xi32>
        %add3A_1464 = arith.addi %mul3A_1390, %add3A_1463 : vector<16xi32>
        %gather3A_1465 = arith.constant 0 : i32
        %gather3A_1466 = arith.constant 0 : i32
        %gather3A_1467 = tpu.memref_slice %arg7[%rem3A_1094, %gather3A_1465, %gather3A_1466] : memref<4x128x128xf32, #tpu.memory_space<vmem>> -> memref<1x128x128xf32, #tpu.memory_space<vmem>>
        %gather3A_1468 = tpu.memref_squeeze %gather3A_1467 : memref<1x128x128xf32, #tpu.memory_space<vmem>> -> memref<128x128xf32, #tpu.memory_space<vmem>>
        %gather3A_1469 = tpu.vector_load_idx %gather3A_1468[%add3A_1392, %add3A_1464] : memref<128x128xf32, #tpu.memory_space<vmem>>[vector<16xi32>, vector<16xi32>], vector<16xf32>,
        %swap3A_1470 = arith.constant 1 : i32
        %swap3A_1471 = arith.constant 5 : i32
        %swap3A_1472 = arith.index_cast %swap3A_1470 : i32 to index
        %swap3A_1473 = arith.index_cast %swap3A_1471 : i32 to index
        %swap3A_1474 = arith.index_cast %mul3A_1378 : i32 to index
        %swap3A_1475 = tpu.vector_load %arg8[%swap3A_1472, %swap3A_1473, %swap3A_1474] {strides = array<i32>} : memref<2x32x128xf32, #tpu.memory_space<vmem>>, vector<16xf32>,
        tpu.vector_store %arg8[%swap3A_1472, %swap3A_1473, %swap3A_1474], %gather3A_1469 {strides = array<i32>} : memref<2x32x128xf32, #tpu.memory_space<vmem>>, vector<16xf32>,
        %add3A_1476 = arith.constant 6 : i32
        %add3A_1477 = vector.broadcast %add3A_1476 : i32 to vector<16xi32>
        %add3A_1478 = arith.addi %mul3A_1390, %add3A_1477 : vector<16xi32>
        %gather3A_1479 = arith.constant 0 : i32
        %gather3A_1480 = arith.constant 0 : i32
        %gather3A_1481 = tpu.memref_slice %arg7[%rem3A_1094, %gather3A_1479, %gather3A_1480] : memref<4x128x128xf32, #tpu.memory_space<vmem>> -> memref<1x128x128xf32, #tpu.memory_space<vmem>>
        %gather3A_1482 = tpu.memref_squeeze %gather3A_1481 : memref<1x128x128xf32, #tpu.memory_space<vmem>> -> memref<128x128xf32, #tpu.memory_space<vmem>>
        %gather3A_1483 = tpu.vector_load_idx %gather3A_1482[%add3A_1392, %add3A_1478] : memref<128x128xf32, #tpu.memory_space<vmem>>[vector<16xi32>, vector<16xi32>], vector<16xf32>,
        %swap3A_1484 = arith.constant 1 : i32
        %swap3A_1485 = arith.constant 6 : i32
        %swap3A_1486 = arith.index_cast %swap3A_1484 : i32 to index
        %swap3A_1487 = arith.index_cast %swap3A_1485 : i32 to index
        %swap3A_1488 = arith.index_cast %mul3A_1378 : i32 to index
        %swap3A_1489 = tpu.vector_load %arg8[%swap3A_1486, %swap3A_1487, %swap3A_1488] {strides = array<i32>} : memref<2x32x128xf32, #tpu.memory_space<vmem>>, vector<16xf32>,
        tpu.vector_store %arg8[%swap3A_1486, %swap3A_1487, %swap3A_1488], %gather3A_1483 {strides = array<i32>} : memref<2x32x128xf32, #tpu.memory_space<vmem>>, vector<16xf32>,
        %add3A_1490 = arith.constant 7 : i32
        %add3A_1491 = vector.broadcast %add3A_1490 : i32 to vector<16xi32>
        %add3A_1492 = arith.addi %mul3A_1390, %add3A_1491 : vector<16xi32>
        %gather3A_1493 = arith.constant 0 : i32
        %gather3A_1494 = arith.constant 0 : i32
        %gather3A_1495 = tpu.memref_slice %arg7[%rem3A_1094, %gather3A_1493, %gather3A_1494] : memref<4x128x128xf32, #tpu.memory_space<vmem>> -> memref<1x128x128xf32, #tpu.memory_space<vmem>>
        %gather3A_1496 = tpu.memref_squeeze %gather3A_1495 : memref<1x128x128xf32, #tpu.memory_space<vmem>> -> memref<128x128xf32, #tpu.memory_space<vmem>>
        %gather3A_1497 = tpu.vector_load_idx %gather3A_1496[%add3A_1392, %add3A_1492] : memref<128x128xf32, #tpu.memory_space<vmem>>[vector<16xi32>, vector<16xi32>], vector<16xf32>,
        %swap3A_1498 = arith.constant 1 : i32
        %swap3A_1499 = arith.constant 7 : i32
        %swap3A_1500 = arith.index_cast %swap3A_1498 : i32 to index
        %swap3A_1501 = arith.index_cast %swap3A_1499 : i32 to index
        %swap3A_1502 = arith.index_cast %mul3A_1378 : i32 to index
        %swap3A_1503 = tpu.vector_load %arg8[%swap3A_1500, %swap3A_1501, %swap3A_1502] {strides = array<i32>} : memref<2x32x128xf32, #tpu.memory_space<vmem>>, vector<16xf32>,
        tpu.vector_store %arg8[%swap3A_1500, %swap3A_1501, %swap3A_1502], %gather3A_1497 {strides = array<i32>} : memref<2x32x128xf32, #tpu.memory_space<vmem>>, vector<16xf32>,
        %add3A_1504 = arith.constant 8 : i32
        %add3A_1505 = vector.broadcast %add3A_1504 : i32 to vector<16xi32>
        %add3A_1506 = arith.addi %mul3A_1390, %add3A_1505 : vector<16xi32>
        %gather3A_1507 = arith.constant 0 : i32
        %gather3A_1508 = arith.constant 0 : i32
        %gather3A_1509 = tpu.memref_slice %arg7[%rem3A_1094, %gather3A_1507, %gather3A_1508] : memref<4x128x128xf32, #tpu.memory_space<vmem>> -> memref<1x128x128xf32, #tpu.memory_space<vmem>>
        %gather3A_1510 = tpu.memref_squeeze %gather3A_1509 : memref<1x128x128xf32, #tpu.memory_space<vmem>> -> memref<128x128xf32, #tpu.memory_space<vmem>>
        %gather3A_1511 = tpu.vector_load_idx %gather3A_1510[%add3A_1392, %add3A_1506] : memref<128x128xf32, #tpu.memory_space<vmem>>[vector<16xi32>, vector<16xi32>], vector<16xf32>,
        %swap3A_1512 = arith.constant 1 : i32
        %swap3A_1513 = arith.constant 8 : i32
        %swap3A_1514 = arith.index_cast %swap3A_1512 : i32 to index
        %swap3A_1515 = arith.index_cast %swap3A_1513 : i32 to index
        %swap3A_1516 = arith.index_cast %mul3A_1378 : i32 to index
        %swap3A_1517 = tpu.vector_load %arg8[%swap3A_1514, %swap3A_1515, %swap3A_1516] {strides = array<i32>} : memref<2x32x128xf32, #tpu.memory_space<vmem>>, vector<16xf32>,
        tpu.vector_store %arg8[%swap3A_1514, %swap3A_1515, %swap3A_1516], %gather3A_1511 {strides = array<i32>} : memref<2x32x128xf32, #tpu.memory_space<vmem>>, vector<16xf32>,
        %add3A_1518 = arith.constant 9 : i32
        %add3A_1519 = vector.broadcast %add3A_1518 : i32 to vector<16xi32>
        %add3A_1520 = arith.addi %mul3A_1390, %add3A_1519 : vector<16xi32>
        %gather3A_1521 = arith.constant 0 : i32
        %gather3A_1522 = arith.constant 0 : i32
        %gather3A_1523 = tpu.memref_slice %arg7[%rem3A_1094, %gather3A_1521, %gather3A_1522] : memref<4x128x128xf32, #tpu.memory_space<vmem>> -> memref<1x128x128xf32, #tpu.memory_space<vmem>>
        %gather3A_1524 = tpu.memref_squeeze %gather3A_1523 : memref<1x128x128xf32, #tpu.memory_space<vmem>> -> memref<128x128xf32, #tpu.memory_space<vmem>>
        %gather3A_1525 = tpu.vector_load_idx %gather3A_1524[%add3A_1392, %add3A_1520] : memref<128x128xf32, #tpu.memory_space<vmem>>[vector<16xi32>, vector<16xi32>], vector<16xf32>,
        %swap3A_1526 = arith.constant 1 : i32
        %swap3A_1527 = arith.constant 9 : i32
        %swap3A_1528 = arith.index_cast %swap3A_1526 : i32 to index
        %swap3A_1529 = arith.index_cast %swap3A_1527 : i32 to index
        %swap3A_1530 = arith.index_cast %mul3A_1378 : i32 to index
        %swap3A_1531 = tpu.vector_load %arg8[%swap3A_1528, %swap3A_1529, %swap3A_1530] {strides = array<i32>} : memref<2x32x128xf32, #tpu.memory_space<vmem>>, vector<16xf32>,
        tpu.vector_store %arg8[%swap3A_1528, %swap3A_1529, %swap3A_1530], %gather3A_1525 {strides = array<i32>} : memref<2x32x128xf32, #tpu.memory_space<vmem>>, vector<16xf32>,
        %add3A_1532 = arith.constant 10 : i32
        %add3A_1533 = vector.broadcast %add3A_1532 : i32 to vector<16xi32>
        %add3A_1534 = arith.addi %mul3A_1390, %add3A_1533 : vector<16xi32>
        %gather3A_1535 = arith.constant 0 : i32
        %gather3A_1536 = arith.constant 0 : i32
        %gather3A_1537 = tpu.memref_slice %arg7[%rem3A_1094, %gather3A_1535, %gather3A_1536] : memref<4x128x128xf32, #tpu.memory_space<vmem>> -> memref<1x128x128xf32, #tpu.memory_space<vmem>>
        %gather3A_1538 = tpu.memref_squeeze %gather3A_1537 : memref<1x128x128xf32, #tpu.memory_space<vmem>> -> memref<128x128xf32, #tpu.memory_space<vmem>>
        %gather3A_1539 = tpu.vector_load_idx %gather3A_1538[%add3A_1392, %add3A_1534] : memref<128x128xf32, #tpu.memory_space<vmem>>[vector<16xi32>, vector<16xi32>], vector<16xf32>,
        %swap3A_1540 = arith.constant 1 : i32
        %swap3A_1541 = arith.constant 10 : i32
        %swap3A_1542 = arith.index_cast %swap3A_1540 : i32 to index
        %swap3A_1543 = arith.index_cast %swap3A_1541 : i32 to index
        %swap3A_1544 = arith.index_cast %mul3A_1378 : i32 to index
        %swap3A_1545 = tpu.vector_load %arg8[%swap3A_1542, %swap3A_1543, %swap3A_1544] {strides = array<i32>} : memref<2x32x128xf32, #tpu.memory_space<vmem>>, vector<16xf32>,
        tpu.vector_store %arg8[%swap3A_1542, %swap3A_1543, %swap3A_1544], %gather3A_1539 {strides = array<i32>} : memref<2x32x128xf32, #tpu.memory_space<vmem>>, vector<16xf32>,
        %add3A_1546 = arith.constant 11 : i32
        %add3A_1547 = vector.broadcast %add3A_1546 : i32 to vector<16xi32>
        %add3A_1548 = arith.addi %mul3A_1390, %add3A_1547 : vector<16xi32>
        %gather3A_1549 = arith.constant 0 : i32
        %gather3A_1550 = arith.constant 0 : i32
        %gather3A_1551 = tpu.memref_slice %arg7[%rem3A_1094, %gather3A_1549, %gather3A_1550] : memref<4x128x128xf32, #tpu.memory_space<vmem>> -> memref<1x128x128xf32, #tpu.memory_space<vmem>>
        %gather3A_1552 = tpu.memref_squeeze %gather3A_1551 : memref<1x128x128xf32, #tpu.memory_space<vmem>> -> memref<128x128xf32, #tpu.memory_space<vmem>>
        %gather3A_1553 = tpu.vector_load_idx %gather3A_1552[%add3A_1392, %add3A_1548] : memref<128x128xf32, #tpu.memory_space<vmem>>[vector<16xi32>, vector<16xi32>], vector<16xf32>,
        %swap3A_1554 = arith.constant 1 : i32
        %swap3A_1555 = arith.constant 11 : i32
        %swap3A_1556 = arith.index_cast %swap3A_1554 : i32 to index
        %swap3A_1557 = arith.index_cast %swap3A_1555 : i32 to index
        %swap3A_1558 = arith.index_cast %mul3A_1378 : i32 to index
        %swap3A_1559 = tpu.vector_load %arg8[%swap3A_1556, %swap3A_1557, %swap3A_1558] {strides = array<i32>} : memref<2x32x128xf32, #tpu.memory_space<vmem>>, vector<16xf32>,
        tpu.vector_store %arg8[%swap3A_1556, %swap3A_1557, %swap3A_1558], %gather3A_1553 {strides = array<i32>} : memref<2x32x128xf32, #tpu.memory_space<vmem>>, vector<16xf32>,
        %add3A_1560 = arith.constant 12 : i32
        %add3A_1561 = vector.broadcast %add3A_1560 : i32 to vector<16xi32>
        %add3A_1562 = arith.addi %mul3A_1390, %add3A_1561 : vector<16xi32>
        %gather3A_1563 = arith.constant 0 : i32
        %gather3A_1564 = arith.constant 0 : i32
        %gather3A_1565 = tpu.memref_slice %arg7[%rem3A_1094, %gather3A_1563, %gather3A_1564] : memref<4x128x128xf32, #tpu.memory_space<vmem>> -> memref<1x128x128xf32, #tpu.memory_space<vmem>>
        %gather3A_1566 = tpu.memref_squeeze %gather3A_1565 : memref<1x128x128xf32, #tpu.memory_space<vmem>> -> memref<128x128xf32, #tpu.memory_space<vmem>>
        %gather3A_1567 = tpu.vector_load_idx %gather3A_1566[%add3A_1392, %add3A_1562] : memref<128x128xf32, #tpu.memory_space<vmem>>[vector<16xi32>, vector<16xi32>], vector<16xf32>,
        %swap3A_1568 = arith.constant 1 : i32
        %swap3A_1569 = arith.constant 12 : i32
        %swap3A_1570 = arith.index_cast %swap3A_1568 : i32 to index
        %swap3A_1571 = arith.index_cast %swap3A_1569 : i32 to index
        %swap3A_1572 = arith.index_cast %mul3A_1378 : i32 to index
        %swap3A_1573 = tpu.vector_load %arg8[%swap3A_1570, %swap3A_1571, %swap3A_1572] {strides = array<i32>} : memref<2x32x128xf32, #tpu.memory_space<vmem>>, vector<16xf32>,
        tpu.vector_store %arg8[%swap3A_1570, %swap3A_1571, %swap3A_1572], %gather3A_1567 {strides = array<i32>} : memref<2x32x128xf32, #tpu.memory_space<vmem>>, vector<16xf32>,
        %add3A_1574 = arith.constant 13 : i32
        %add3A_1575 = vector.broadcast %add3A_1574 : i32 to vector<16xi32>
        %add3A_1576 = arith.addi %mul3A_1390, %add3A_1575 : vector<16xi32>
        %gather3A_1577 = arith.constant 0 : i32
        %gather3A_1578 = arith.constant 0 : i32
        %gather3A_1579 = tpu.memref_slice %arg7[%rem3A_1094, %gather3A_1577, %gather3A_1578] : memref<4x128x128xf32, #tpu.memory_space<vmem>> -> memref<1x128x128xf32, #tpu.memory_space<vmem>>
        %gather3A_1580 = tpu.memref_squeeze %gather3A_1579 : memref<1x128x128xf32, #tpu.memory_space<vmem>> -> memref<128x128xf32, #tpu.memory_space<vmem>>
        %gather3A_1581 = tpu.vector_load_idx %gather3A_1580[%add3A_1392, %add3A_1576] : memref<128x128xf32, #tpu.memory_space<vmem>>[vector<16xi32>, vector<16xi32>], vector<16xf32>,
        %swap3A_1582 = arith.constant 1 : i32
        %swap3A_1583 = arith.constant 13 : i32
        %swap3A_1584 = arith.index_cast %swap3A_1582 : i32 to index
        %swap3A_1585 = arith.index_cast %swap3A_1583 : i32 to index
        %swap3A_1586 = arith.index_cast %mul3A_1378 : i32 to index
        %swap3A_1587 = tpu.vector_load %arg8[%swap3A_1584, %swap3A_1585, %swap3A_1586] {strides = array<i32>} : memref<2x32x128xf32, #tpu.memory_space<vmem>>, vector<16xf32>,
        tpu.vector_store %arg8[%swap3A_1584, %swap3A_1585, %swap3A_1586], %gather3A_1581 {strides = array<i32>} : memref<2x32x128xf32, #tpu.memory_space<vmem>>, vector<16xf32>,
        %add3A_1588 = arith.constant 14 : i32
        %add3A_1589 = vector.broadcast %add3A_1588 : i32 to vector<16xi32>
        %add3A_1590 = arith.addi %mul3A_1390, %add3A_1589 : vector<16xi32>
        %gather3A_1591 = arith.constant 0 : i32
        %gather3A_1592 = arith.constant 0 : i32
        %gather3A_1593 = tpu.memref_slice %arg7[%rem3A_1094, %gather3A_1591, %gather3A_1592] : memref<4x128x128xf32, #tpu.memory_space<vmem>> -> memref<1x128x128xf32, #tpu.memory_space<vmem>>
        %gather3A_1594 = tpu.memref_squeeze %gather3A_1593 : memref<1x128x128xf32, #tpu.memory_space<vmem>> -> memref<128x128xf32, #tpu.memory_space<vmem>>
        %gather3A_1595 = tpu.vector_load_idx %gather3A_1594[%add3A_1392, %add3A_1590] : memref<128x128xf32, #tpu.memory_space<vmem>>[vector<16xi32>, vector<16xi32>], vector<16xf32>,
        %swap3A_1596 = arith.constant 1 : i32
        %swap3A_1597 = arith.constant 14 : i32
        %swap3A_1598 = arith.index_cast %swap3A_1596 : i32 to index
        %swap3A_1599 = arith.index_cast %swap3A_1597 : i32 to index
        %swap3A_1600 = arith.index_cast %mul3A_1378 : i32 to index
        %swap3A_1601 = tpu.vector_load %arg8[%swap3A_1598, %swap3A_1599, %swap3A_1600] {strides = array<i32>} : memref<2x32x128xf32, #tpu.memory_space<vmem>>, vector<16xf32>,
        tpu.vector_store %arg8[%swap3A_1598, %swap3A_1599, %swap3A_1600], %gather3A_1595 {strides = array<i32>} : memref<2x32x128xf32, #tpu.memory_space<vmem>>, vector<16xf32>,
        %add3A_1602 = arith.constant 15 : i32
        %add3A_1603 = vector.broadcast %add3A_1602 : i32 to vector<16xi32>
        %add3A_1604 = arith.addi %mul3A_1390, %add3A_1603 : vector<16xi32>
        %gather3A_1605 = arith.constant 0 : i32
        %gather3A_1606 = arith.constant 0 : i32
        %gather3A_1607 = tpu.memref_slice %arg7[%rem3A_1094, %gather3A_1605, %gather3A_1606] : memref<4x128x128xf32, #tpu.memory_space<vmem>> -> memref<1x128x128xf32, #tpu.memory_space<vmem>>
        %gather3A_1608 = tpu.memref_squeeze %gather3A_1607 : memref<1x128x128xf32, #tpu.memory_space<vmem>> -> memref<128x128xf32, #tpu.memory_space<vmem>>
        %gather3A_1609 = tpu.vector_load_idx %gather3A_1608[%add3A_1392, %add3A_1604] : memref<128x128xf32, #tpu.memory_space<vmem>>[vector<16xi32>, vector<16xi32>], vector<16xf32>,
        %swap3A_1610 = arith.constant 1 : i32
        %swap3A_1611 = arith.constant 15 : i32
        %swap3A_1612 = arith.index_cast %swap3A_1610 : i32 to index
        %swap3A_1613 = arith.index_cast %swap3A_1611 : i32 to index
        %swap3A_1614 = arith.index_cast %mul3A_1378 : i32 to index
        %swap3A_1615 = tpu.vector_load %arg8[%swap3A_1612, %swap3A_1613, %swap3A_1614] {strides = array<i32>} : memref<2x32x128xf32, #tpu.memory_space<vmem>>, vector<16xf32>,
        tpu.vector_store %arg8[%swap3A_1612, %swap3A_1613, %swap3A_1614], %gather3A_1609 {strides = array<i32>} : memref<2x32x128xf32, #tpu.memory_space<vmem>>, vector<16xf32>,
        %add3A_1616 = arith.constant 16 : i32
        %add3A_1617 = vector.broadcast %add3A_1616 : i32 to vector<16xi32>
        %add3A_1618 = arith.addi %mul3A_1390, %add3A_1617 : vector<16xi32>
        %gather3A_1619 = arith.constant 0 : i32
        %gather3A_1620 = arith.constant 0 : i32
        %gather3A_1621 = tpu.memref_slice %arg7[%rem3A_1094, %gather3A_1619, %gather3A_1620] : memref<4x128x128xf32, #tpu.memory_space<vmem>> -> memref<1x128x128xf32, #tpu.memory_space<vmem>>
        %gather3A_1622 = tpu.memref_squeeze %gather3A_1621 : memref<1x128x128xf32, #tpu.memory_space<vmem>> -> memref<128x128xf32, #tpu.memory_space<vmem>>
        %gather3A_1623 = tpu.vector_load_idx %gather3A_1622[%add3A_1392, %add3A_1618] : memref<128x128xf32, #tpu.memory_space<vmem>>[vector<16xi32>, vector<16xi32>], vector<16xf32>,
        %swap3A_1624 = arith.constant 1 : i32
        %swap3A_1625 = arith.constant 16 : i32
        %swap3A_1626 = arith.index_cast %swap3A_1624 : i32 to index
        %swap3A_1627 = arith.index_cast %swap3A_1625 : i32 to index
        %swap3A_1628 = arith.index_cast %mul3A_1378 : i32 to index
        %swap3A_1629 = tpu.vector_load %arg8[%swap3A_1626, %swap3A_1627, %swap3A_1628] {strides = array<i32>} : memref<2x32x128xf32, #tpu.memory_space<vmem>>, vector<16xf32>,
        tpu.vector_store %arg8[%swap3A_1626, %swap3A_1627, %swap3A_1628], %gather3A_1623 {strides = array<i32>} : memref<2x32x128xf32, #tpu.memory_space<vmem>>, vector<16xf32>,
        %add3A_1630 = arith.constant 17 : i32
        %add3A_1631 = vector.broadcast %add3A_1630 : i32 to vector<16xi32>
        %add3A_1632 = arith.addi %mul3A_1390, %add3A_1631 : vector<16xi32>
        %gather3A_1633 = arith.constant 0 : i32
        %gather3A_1634 = arith.constant 0 : i32
        %gather3A_1635 = tpu.memref_slice %arg7[%rem3A_1094, %gather3A_1633, %gather3A_1634] : memref<4x128x128xf32, #tpu.memory_space<vmem>> -> memref<1x128x128xf32, #tpu.memory_space<vmem>>
        %gather3A_1636 = tpu.memref_squeeze %gather3A_1635 : memref<1x128x128xf32, #tpu.memory_space<vmem>> -> memref<128x128xf32, #tpu.memory_space<vmem>>
        %gather3A_1637 = tpu.vector_load_idx %gather3A_1636[%add3A_1392, %add3A_1632] : memref<128x128xf32, #tpu.memory_space<vmem>>[vector<16xi32>, vector<16xi32>], vector<16xf32>,
        %swap3A_1638 = arith.constant 1 : i32
        %swap3A_1639 = arith.constant 17 : i32
        %swap3A_1640 = arith.index_cast %swap3A_1638 : i32 to index
        %swap3A_1641 = arith.index_cast %swap3A_1639 : i32 to index
        %swap3A_1642 = arith.index_cast %mul3A_1378 : i32 to index
        %swap3A_1643 = tpu.vector_load %arg8[%swap3A_1640, %swap3A_1641, %swap3A_1642] {strides = array<i32>} : memref<2x32x128xf32, #tpu.memory_space<vmem>>, vector<16xf32>,
        tpu.vector_store %arg8[%swap3A_1640, %swap3A_1641, %swap3A_1642], %gather3A_1637 {strides = array<i32>} : memref<2x32x128xf32, #tpu.memory_space<vmem>>, vector<16xf32>,
        %add3A_1644 = arith.constant 18 : i32
        %add3A_1645 = vector.broadcast %add3A_1644 : i32 to vector<16xi32>
        %add3A_1646 = arith.addi %mul3A_1390, %add3A_1645 : vector<16xi32>
        %gather3A_1647 = arith.constant 0 : i32
        %gather3A_1648 = arith.constant 0 : i32
        %gather3A_1649 = tpu.memref_slice %arg7[%rem3A_1094, %gather3A_1647, %gather3A_1648] : memref<4x128x128xf32, #tpu.memory_space<vmem>> -> memref<1x128x128xf32, #tpu.memory_space<vmem>>
        %gather3A_1650 = tpu.memref_squeeze %gather3A_1649 : memref<1x128x128xf32, #tpu.memory_space<vmem>> -> memref<128x128xf32, #tpu.memory_space<vmem>>
        %gather3A_1651 = tpu.vector_load_idx %gather3A_1650[%add3A_1392, %add3A_1646] : memref<128x128xf32, #tpu.memory_space<vmem>>[vector<16xi32>, vector<16xi32>], vector<16xf32>,
        %swap3A_1652 = arith.constant 1 : i32
        %swap3A_1653 = arith.constant 18 : i32
        %swap3A_1654 = arith.index_cast %swap3A_1652 : i32 to index
        %swap3A_1655 = arith.index_cast %swap3A_1653 : i32 to index
        %swap3A_1656 = arith.index_cast %mul3A_1378 : i32 to index
        %swap3A_1657 = tpu.vector_load %arg8[%swap3A_1654, %swap3A_1655, %swap3A_1656] {strides = array<i32>} : memref<2x32x128xf32, #tpu.memory_space<vmem>>, vector<16xf32>,
        tpu.vector_store %arg8[%swap3A_1654, %swap3A_1655, %swap3A_1656], %gather3A_1651 {strides = array<i32>} : memref<2x32x128xf32, #tpu.memory_space<vmem>>, vector<16xf32>,
        %add3A_1658 = arith.constant 19 : i32
        %add3A_1659 = vector.broadcast %add3A_1658 : i32 to vector<16xi32>
        %add3A_1660 = arith.addi %mul3A_1390, %add3A_1659 : vector<16xi32>
        %gather3A_1661 = arith.constant 0 : i32
        %gather3A_1662 = arith.constant 0 : i32
        %gather3A_1663 = tpu.memref_slice %arg7[%rem3A_1094, %gather3A_1661, %gather3A_1662] : memref<4x128x128xf32, #tpu.memory_space<vmem>> -> memref<1x128x128xf32, #tpu.memory_space<vmem>>
        %gather3A_1664 = tpu.memref_squeeze %gather3A_1663 : memref<1x128x128xf32, #tpu.memory_space<vmem>> -> memref<128x128xf32, #tpu.memory_space<vmem>>
        %gather3A_1665 = tpu.vector_load_idx %gather3A_1664[%add3A_1392, %add3A_1660] : memref<128x128xf32, #tpu.memory_space<vmem>>[vector<16xi32>, vector<16xi32>], vector<16xf32>,
        %swap3A_1666 = arith.constant 1 : i32
        %swap3A_1667 = arith.constant 19 : i32
        %swap3A_1668 = arith.index_cast %swap3A_1666 : i32 to index
        %swap3A_1669 = arith.index_cast %swap3A_1667 : i32 to index
        %swap3A_1670 = arith.index_cast %mul3A_1378 : i32 to index
        %swap3A_1671 = tpu.vector_load %arg8[%swap3A_1668, %swap3A_1669, %swap3A_1670] {strides = array<i32>} : memref<2x32x128xf32, #tpu.memory_space<vmem>>, vector<16xf32>,
        tpu.vector_store %arg8[%swap3A_1668, %swap3A_1669, %swap3A_1670], %gather3A_1665 {strides = array<i32>} : memref<2x32x128xf32, #tpu.memory_space<vmem>>, vector<16xf32>,
        %add3A_1672 = arith.constant 20 : i32
        %add3A_1673 = vector.broadcast %add3A_1672 : i32 to vector<16xi32>
        %add3A_1674 = arith.addi %mul3A_1390, %add3A_1673 : vector<16xi32>
        %gather3A_1675 = arith.constant 0 : i32
        %gather3A_1676 = arith.constant 0 : i32
        %gather3A_1677 = tpu.memref_slice %arg7[%rem3A_1094, %gather3A_1675, %gather3A_1676] : memref<4x128x128xf32, #tpu.memory_space<vmem>> -> memref<1x128x128xf32, #tpu.memory_space<vmem>>
        %gather3A_1678 = tpu.memref_squeeze %gather3A_1677 : memref<1x128x128xf32, #tpu.memory_space<vmem>> -> memref<128x128xf32, #tpu.memory_space<vmem>>
        %gather3A_1679 = tpu.vector_load_idx %gather3A_1678[%add3A_1392, %add3A_1674] : memref<128x128xf32, #tpu.memory_space<vmem>>[vector<16xi32>, vector<16xi32>], vector<16xf32>,
        %swap3A_1680 = arith.constant 1 : i32
        %swap3A_1681 = arith.constant 20 : i32
        %swap3A_1682 = arith.index_cast %swap3A_1680 : i32 to index
        %swap3A_1683 = arith.index_cast %swap3A_1681 : i32 to index
        %swap3A_1684 = arith.index_cast %mul3A_1378 : i32 to index
        %swap3A_1685 = tpu.vector_load %arg8[%swap3A_1682, %swap3A_1683, %swap3A_1684] {strides = array<i32>} : memref<2x32x128xf32, #tpu.memory_space<vmem>>, vector<16xf32>,
        tpu.vector_store %arg8[%swap3A_1682, %swap3A_1683, %swap3A_1684], %gather3A_1679 {strides = array<i32>} : memref<2x32x128xf32, #tpu.memory_space<vmem>>, vector<16xf32>,
        %add3A_1686 = arith.constant 21 : i32
        %add3A_1687 = vector.broadcast %add3A_1686 : i32 to vector<16xi32>
        %add3A_1688 = arith.addi %mul3A_1390, %add3A_1687 : vector<16xi32>
        %gather3A_1689 = arith.constant 0 : i32
        %gather3A_1690 = arith.constant 0 : i32
        %gather3A_1691 = tpu.memref_slice %arg7[%rem3A_1094, %gather3A_1689, %gather3A_1690] : memref<4x128x128xf32, #tpu.memory_space<vmem>> -> memref<1x128x128xf32, #tpu.memory_space<vmem>>
        %gather3A_1692 = tpu.memref_squeeze %gather3A_1691 : memref<1x128x128xf32, #tpu.memory_space<vmem>> -> memref<128x128xf32, #tpu.memory_space<vmem>>
        %gather3A_1693 = tpu.vector_load_idx %gather3A_1692[%add3A_1392, %add3A_1688] : memref<128x128xf32, #tpu.memory_space<vmem>>[vector<16xi32>, vector<16xi32>], vector<16xf32>,
        %swap3A_1694 = arith.constant 1 : i32
        %swap3A_1695 = arith.constant 21 : i32
        %swap3A_1696 = arith.index_cast %swap3A_1694 : i32 to index
        %swap3A_1697 = arith.index_cast %swap3A_1695 : i32 to index
        %swap3A_1698 = arith.index_cast %mul3A_1378 : i32 to index
        %swap3A_1699 = tpu.vector_load %arg8[%swap3A_1696, %swap3A_1697, %swap3A_1698] {strides = array<i32>} : memref<2x32x128xf32, #tpu.memory_space<vmem>>, vector<16xf32>,
        tpu.vector_store %arg8[%swap3A_1696, %swap3A_1697, %swap3A_1698], %gather3A_1693 {strides = array<i32>} : memref<2x32x128xf32, #tpu.memory_space<vmem>>, vector<16xf32>,
        %add3A_1700 = arith.constant 22 : i32
        %add3A_1701 = vector.broadcast %add3A_1700 : i32 to vector<16xi32>
        %add3A_1702 = arith.addi %mul3A_1390, %add3A_1701 : vector<16xi32>
        %gather3A_1703 = arith.constant 0 : i32
        %gather3A_1704 = arith.constant 0 : i32
        %gather3A_1705 = tpu.memref_slice %arg7[%rem3A_1094, %gather3A_1703, %gather3A_1704] : memref<4x128x128xf32, #tpu.memory_space<vmem>> -> memref<1x128x128xf32, #tpu.memory_space<vmem>>
        %gather3A_1706 = tpu.memref_squeeze %gather3A_1705 : memref<1x128x128xf32, #tpu.memory_space<vmem>> -> memref<128x128xf32, #tpu.memory_space<vmem>>
        %gather3A_1707 = tpu.vector_load_idx %gather3A_1706[%add3A_1392, %add3A_1702] : memref<128x128xf32, #tpu.memory_space<vmem>>[vector<16xi32>, vector<16xi32>], vector<16xf32>,
        %swap3A_1708 = arith.constant 1 : i32
        %swap3A_1709 = arith.constant 22 : i32
        %swap3A_1710 = arith.index_cast %swap3A_1708 : i32 to index
        %swap3A_1711 = arith.index_cast %swap3A_1709 : i32 to index
        %swap3A_1712 = arith.index_cast %mul3A_1378 : i32 to index
        %swap3A_1713 = tpu.vector_load %arg8[%swap3A_1710, %swap3A_1711, %swap3A_1712] {strides = array<i32>} : memref<2x32x128xf32, #tpu.memory_space<vmem>>, vector<16xf32>,
        tpu.vector_store %arg8[%swap3A_1710, %swap3A_1711, %swap3A_1712], %gather3A_1707 {strides = array<i32>} : memref<2x32x128xf32, #tpu.memory_space<vmem>>, vector<16xf32>,
        %add3A_1714 = arith.constant 23 : i32
        %add3A_1715 = vector.broadcast %add3A_1714 : i32 to vector<16xi32>
        %add3A_1716 = arith.addi %mul3A_1390, %add3A_1715 : vector<16xi32>
        %gather3A_1717 = arith.constant 0 : i32
        %gather3A_1718 = arith.constant 0 : i32
        %gather3A_1719 = tpu.memref_slice %arg7[%rem3A_1094, %gather3A_1717, %gather3A_1718] : memref<4x128x128xf32, #tpu.memory_space<vmem>> -> memref<1x128x128xf32, #tpu.memory_space<vmem>>
        %gather3A_1720 = tpu.memref_squeeze %gather3A_1719 : memref<1x128x128xf32, #tpu.memory_space<vmem>> -> memref<128x128xf32, #tpu.memory_space<vmem>>
        %gather3A_1721 = tpu.vector_load_idx %gather3A_1720[%add3A_1392, %add3A_1716] : memref<128x128xf32, #tpu.memory_space<vmem>>[vector<16xi32>, vector<16xi32>], vector<16xf32>,
        %swap3A_1722 = arith.constant 1 : i32
        %swap3A_1723 = arith.constant 23 : i32
        %swap3A_1724 = arith.index_cast %swap3A_1722 : i32 to index
        %swap3A_1725 = arith.index_cast %swap3A_1723 : i32 to index
        %swap3A_1726 = arith.index_cast %mul3A_1378 : i32 to index
        %swap3A_1727 = tpu.vector_load %arg8[%swap3A_1724, %swap3A_1725, %swap3A_1726] {strides = array<i32>} : memref<2x32x128xf32, #tpu.memory_space<vmem>>, vector<16xf32>,
        tpu.vector_store %arg8[%swap3A_1724, %swap3A_1725, %swap3A_1726], %gather3A_1721 {strides = array<i32>} : memref<2x32x128xf32, #tpu.memory_space<vmem>>, vector<16xf32>,
        %add3A_1728 = arith.constant 24 : i32
        %add3A_1729 = vector.broadcast %add3A_1728 : i32 to vector<16xi32>
        %add3A_1730 = arith.addi %mul3A_1390, %add3A_1729 : vector<16xi32>
        %gather3A_1731 = arith.constant 0 : i32
        %gather3A_1732 = arith.constant 0 : i32
        %gather3A_1733 = tpu.memref_slice %arg7[%rem3A_1094, %gather3A_1731, %gather3A_1732] : memref<4x128x128xf32, #tpu.memory_space<vmem>> -> memref<1x128x128xf32, #tpu.memory_space<vmem>>
        %gather3A_1734 = tpu.memref_squeeze %gather3A_1733 : memref<1x128x128xf32, #tpu.memory_space<vmem>> -> memref<128x128xf32, #tpu.memory_space<vmem>>
        %gather3A_1735 = tpu.vector_load_idx %gather3A_1734[%add3A_1392, %add3A_1730] : memref<128x128xf32, #tpu.memory_space<vmem>>[vector<16xi32>, vector<16xi32>], vector<16xf32>,
        %swap3A_1736 = arith.constant 1 : i32
        %swap3A_1737 = arith.constant 24 : i32
        %swap3A_1738 = arith.index_cast %swap3A_1736 : i32 to index
        %swap3A_1739 = arith.index_cast %swap3A_1737 : i32 to index
        %swap3A_1740 = arith.index_cast %mul3A_1378 : i32 to index
        %swap3A_1741 = tpu.vector_load %arg8[%swap3A_1738, %swap3A_1739, %swap3A_1740] {strides = array<i32>} : memref<2x32x128xf32, #tpu.memory_space<vmem>>, vector<16xf32>,
        tpu.vector_store %arg8[%swap3A_1738, %swap3A_1739, %swap3A_1740], %gather3A_1735 {strides = array<i32>} : memref<2x32x128xf32, #tpu.memory_space<vmem>>, vector<16xf32>,
        %add3A_1742 = arith.constant 25 : i32
        %add3A_1743 = vector.broadcast %add3A_1742 : i32 to vector<16xi32>
        %add3A_1744 = arith.addi %mul3A_1390, %add3A_1743 : vector<16xi32>
        %gather3A_1745 = arith.constant 0 : i32
        %gather3A_1746 = arith.constant 0 : i32
        %gather3A_1747 = tpu.memref_slice %arg7[%rem3A_1094, %gather3A_1745, %gather3A_1746] : memref<4x128x128xf32, #tpu.memory_space<vmem>> -> memref<1x128x128xf32, #tpu.memory_space<vmem>>
        %gather3A_1748 = tpu.memref_squeeze %gather3A_1747 : memref<1x128x128xf32, #tpu.memory_space<vmem>> -> memref<128x128xf32, #tpu.memory_space<vmem>>
        %gather3A_1749 = tpu.vector_load_idx %gather3A_1748[%add3A_1392, %add3A_1744] : memref<128x128xf32, #tpu.memory_space<vmem>>[vector<16xi32>, vector<16xi32>], vector<16xf32>,
        %swap3A_1750 = arith.constant 1 : i32
        %swap3A_1751 = arith.constant 25 : i32
        %swap3A_1752 = arith.index_cast %swap3A_1750 : i32 to index
        %swap3A_1753 = arith.index_cast %swap3A_1751 : i32 to index
        %swap3A_1754 = arith.index_cast %mul3A_1378 : i32 to index
        %swap3A_1755 = tpu.vector_load %arg8[%swap3A_1752, %swap3A_1753, %swap3A_1754] {strides = array<i32>} : memref<2x32x128xf32, #tpu.memory_space<vmem>>, vector<16xf32>,
        tpu.vector_store %arg8[%swap3A_1752, %swap3A_1753, %swap3A_1754], %gather3A_1749 {strides = array<i32>} : memref<2x32x128xf32, #tpu.memory_space<vmem>>, vector<16xf32>,
        %add3A_1756 = arith.constant 26 : i32
        %add3A_1757 = vector.broadcast %add3A_1756 : i32 to vector<16xi32>
        %add3A_1758 = arith.addi %mul3A_1390, %add3A_1757 : vector<16xi32>
        %gather3A_1759 = arith.constant 0 : i32
        %gather3A_1760 = arith.constant 0 : i32
        %gather3A_1761 = tpu.memref_slice %arg7[%rem3A_1094, %gather3A_1759, %gather3A_1760] : memref<4x128x128xf32, #tpu.memory_space<vmem>> -> memref<1x128x128xf32, #tpu.memory_space<vmem>>
        %gather3A_1762 = tpu.memref_squeeze %gather3A_1761 : memref<1x128x128xf32, #tpu.memory_space<vmem>> -> memref<128x128xf32, #tpu.memory_space<vmem>>
        %gather3A_1763 = tpu.vector_load_idx %gather3A_1762[%add3A_1392, %add3A_1758] : memref<128x128xf32, #tpu.memory_space<vmem>>[vector<16xi32>, vector<16xi32>], vector<16xf32>,
        %swap3A_1764 = arith.constant 1 : i32
        %swap3A_1765 = arith.constant 26 : i32
        %swap3A_1766 = arith.index_cast %swap3A_1764 : i32 to index
        %swap3A_1767 = arith.index_cast %swap3A_1765 : i32 to index
        %swap3A_1768 = arith.index_cast %mul3A_1378 : i32 to index
        %swap3A_1769 = tpu.vector_load %arg8[%swap3A_1766, %swap3A_1767, %swap3A_1768] {strides = array<i32>} : memref<2x32x128xf32, #tpu.memory_space<vmem>>, vector<16xf32>,
        tpu.vector_store %arg8[%swap3A_1766, %swap3A_1767, %swap3A_1768], %gather3A_1763 {strides = array<i32>} : memref<2x32x128xf32, #tpu.memory_space<vmem>>, vector<16xf32>,
        %add3A_1770 = arith.constant 27 : i32
        %add3A_1771 = vector.broadcast %add3A_1770 : i32 to vector<16xi32>
        %add3A_1772 = arith.addi %mul3A_1390, %add3A_1771 : vector<16xi32>
        %gather3A_1773 = arith.constant 0 : i32
        %gather3A_1774 = arith.constant 0 : i32
        %gather3A_1775 = tpu.memref_slice %arg7[%rem3A_1094, %gather3A_1773, %gather3A_1774] : memref<4x128x128xf32, #tpu.memory_space<vmem>> -> memref<1x128x128xf32, #tpu.memory_space<vmem>>
        %gather3A_1776 = tpu.memref_squeeze %gather3A_1775 : memref<1x128x128xf32, #tpu.memory_space<vmem>> -> memref<128x128xf32, #tpu.memory_space<vmem>>
        %gather3A_1777 = tpu.vector_load_idx %gather3A_1776[%add3A_1392, %add3A_1772] : memref<128x128xf32, #tpu.memory_space<vmem>>[vector<16xi32>, vector<16xi32>], vector<16xf32>,
        %swap3A_1778 = arith.constant 1 : i32
        %swap3A_1779 = arith.constant 27 : i32
        %swap3A_1780 = arith.index_cast %swap3A_1778 : i32 to index
        %swap3A_1781 = arith.index_cast %swap3A_1779 : i32 to index
        %swap3A_1782 = arith.index_cast %mul3A_1378 : i32 to index
        %swap3A_1783 = tpu.vector_load %arg8[%swap3A_1780, %swap3A_1781, %swap3A_1782] {strides = array<i32>} : memref<2x32x128xf32, #tpu.memory_space<vmem>>, vector<16xf32>,
        tpu.vector_store %arg8[%swap3A_1780, %swap3A_1781, %swap3A_1782], %gather3A_1777 {strides = array<i32>} : memref<2x32x128xf32, #tpu.memory_space<vmem>>, vector<16xf32>,
        %add3A_1784 = arith.constant 28 : i32
        %add3A_1785 = vector.broadcast %add3A_1784 : i32 to vector<16xi32>
        %add3A_1786 = arith.addi %mul3A_1390, %add3A_1785 : vector<16xi32>
        %gather3A_1787 = arith.constant 0 : i32
        %gather3A_1788 = arith.constant 0 : i32
        %gather3A_1789 = tpu.memref_slice %arg7[%rem3A_1094, %gather3A_1787, %gather3A_1788] : memref<4x128x128xf32, #tpu.memory_space<vmem>> -> memref<1x128x128xf32, #tpu.memory_space<vmem>>
        %gather3A_1790 = tpu.memref_squeeze %gather3A_1789 : memref<1x128x128xf32, #tpu.memory_space<vmem>> -> memref<128x128xf32, #tpu.memory_space<vmem>>
        %gather3A_1791 = tpu.vector_load_idx %gather3A_1790[%add3A_1392, %add3A_1786] : memref<128x128xf32, #tpu.memory_space<vmem>>[vector<16xi32>, vector<16xi32>], vector<16xf32>,
        %swap3A_1792 = arith.constant 1 : i32
        %swap3A_1793 = arith.constant 28 : i32
        %swap3A_1794 = arith.index_cast %swap3A_1792 : i32 to index
        %swap3A_1795 = arith.index_cast %swap3A_1793 : i32 to index
        %swap3A_1796 = arith.index_cast %mul3A_1378 : i32 to index
        %swap3A_1797 = tpu.vector_load %arg8[%swap3A_1794, %swap3A_1795, %swap3A_1796] {strides = array<i32>} : memref<2x32x128xf32, #tpu.memory_space<vmem>>, vector<16xf32>,
        tpu.vector_store %arg8[%swap3A_1794, %swap3A_1795, %swap3A_1796], %gather3A_1791 {strides = array<i32>} : memref<2x32x128xf32, #tpu.memory_space<vmem>>, vector<16xf32>,
        %add3A_1798 = arith.constant 29 : i32
        %add3A_1799 = vector.broadcast %add3A_1798 : i32 to vector<16xi32>
        %add3A_1800 = arith.addi %mul3A_1390, %add3A_1799 : vector<16xi32>
        %gather3A_1801 = arith.constant 0 : i32
        %gather3A_1802 = arith.constant 0 : i32
        %gather3A_1803 = tpu.memref_slice %arg7[%rem3A_1094, %gather3A_1801, %gather3A_1802] : memref<4x128x128xf32, #tpu.memory_space<vmem>> -> memref<1x128x128xf32, #tpu.memory_space<vmem>>
        %gather3A_1804 = tpu.memref_squeeze %gather3A_1803 : memref<1x128x128xf32, #tpu.memory_space<vmem>> -> memref<128x128xf32, #tpu.memory_space<vmem>>
        %gather3A_1805 = tpu.vector_load_idx %gather3A_1804[%add3A_1392, %add3A_1800] : memref<128x128xf32, #tpu.memory_space<vmem>>[vector<16xi32>, vector<16xi32>], vector<16xf32>,
        %swap3A_1806 = arith.constant 1 : i32
        %swap3A_1807 = arith.constant 29 : i32
        %swap3A_1808 = arith.index_cast %swap3A_1806 : i32 to index
        %swap3A_1809 = arith.index_cast %swap3A_1807 : i32 to index
        %swap3A_1810 = arith.index_cast %mul3A_1378 : i32 to index
        %swap3A_1811 = tpu.vector_load %arg8[%swap3A_1808, %swap3A_1809, %swap3A_1810] {strides = array<i32>} : memref<2x32x128xf32, #tpu.memory_space<vmem>>, vector<16xf32>,
        tpu.vector_store %arg8[%swap3A_1808, %swap3A_1809, %swap3A_1810], %gather3A_1805 {strides = array<i32>} : memref<2x32x128xf32, #tpu.memory_space<vmem>>, vector<16xf32>,
        %add3A_1812 = arith.constant 30 : i32
        %add3A_1813 = vector.broadcast %add3A_1812 : i32 to vector<16xi32>
        %add3A_1814 = arith.addi %mul3A_1390, %add3A_1813 : vector<16xi32>
        %gather3A_1815 = arith.constant 0 : i32
        %gather3A_1816 = arith.constant 0 : i32
        %gather3A_1817 = tpu.memref_slice %arg7[%rem3A_1094, %gather3A_1815, %gather3A_1816] : memref<4x128x128xf32, #tpu.memory_space<vmem>> -> memref<1x128x128xf32, #tpu.memory_space<vmem>>
        %gather3A_1818 = tpu.memref_squeeze %gather3A_1817 : memref<1x128x128xf32, #tpu.memory_space<vmem>> -> memref<128x128xf32, #tpu.memory_space<vmem>>
        %gather3A_1819 = tpu.vector_load_idx %gather3A_1818[%add3A_1392, %add3A_1814] : memref<128x128xf32, #tpu.memory_space<vmem>>[vector<16xi32>, vector<16xi32>], vector<16xf32>,
        %swap3A_1820 = arith.constant 1 : i32
        %swap3A_1821 = arith.constant 30 : i32
        %swap3A_1822 = arith.index_cast %swap3A_1820 : i32 to index
        %swap3A_1823 = arith.index_cast %swap3A_1821 : i32 to index
        %swap3A_1824 = arith.index_cast %mul3A_1378 : i32 to index
        %swap3A_1825 = tpu.vector_load %arg8[%swap3A_1822, %swap3A_1823, %swap3A_1824] {strides = array<i32>} : memref<2x32x128xf32, #tpu.memory_space<vmem>>, vector<16xf32>,
        tpu.vector_store %arg8[%swap3A_1822, %swap3A_1823, %swap3A_1824], %gather3A_1819 {strides = array<i32>} : memref<2x32x128xf32, #tpu.memory_space<vmem>>, vector<16xf32>,
        %add3A_1826 = arith.constant 31 : i32
        %add3A_1827 = vector.broadcast %add3A_1826 : i32 to vector<16xi32>
        %add3A_1828 = arith.addi %mul3A_1390, %add3A_1827 : vector<16xi32>
        %gather3A_1829 = arith.constant 0 : i32
        %gather3A_1830 = arith.constant 0 : i32
        %gather3A_1831 = tpu.memref_slice %arg7[%rem3A_1094, %gather3A_1829, %gather3A_1830] : memref<4x128x128xf32, #tpu.memory_space<vmem>> -> memref<1x128x128xf32, #tpu.memory_space<vmem>>
        %gather3A_1832 = tpu.memref_squeeze %gather3A_1831 : memref<1x128x128xf32, #tpu.memory_space<vmem>> -> memref<128x128xf32, #tpu.memory_space<vmem>>
        %gather3A_1833 = tpu.vector_load_idx %gather3A_1832[%add3A_1392, %add3A_1828] : memref<128x128xf32, #tpu.memory_space<vmem>>[vector<16xi32>, vector<16xi32>], vector<16xf32>,
        %swap3A_1834 = arith.constant 1 : i32
        %swap3A_1835 = arith.constant 31 : i32
        %swap3A_1836 = arith.index_cast %swap3A_1834 : i32 to index
        %swap3A_1837 = arith.index_cast %swap3A_1835 : i32 to index
        %swap3A_1838 = arith.index_cast %mul3A_1378 : i32 to index
        %swap3A_1839 = tpu.vector_load %arg8[%swap3A_1836, %swap3A_1837, %swap3A_1838] {strides = array<i32>} : memref<2x32x128xf32, #tpu.memory_space<vmem>>, vector<16xf32>,
        tpu.vector_store %arg8[%swap3A_1836, %swap3A_1837, %swap3A_1838], %gather3A_1833 {strides = array<i32>} : memref<2x32x128xf32, #tpu.memory_space<vmem>>, vector<16xf32>,
        %scan3A_1840 = arith.constant 0 : i32
        scf.yield %scan3A_1840 : i32
      }
      %scan3A_1329 = arith.constant 8 : i32
      %jit3A_1330 = arith.constant 4 : i32
      %div3A_1331 = arith.divsi %add3A_1092, %jit3A_1330 : i32
      %sign3A_1332 = arith.constant 0 : i32
      %sign3A_1333 = arith.cmpi sgt, %add3A_1092, %sign3A_1332 : i32
      %sign3A_1334 = arith.extui %sign3A_1333 : i1 to i32
      %sign3A_1335 = arith.constant 0 : i32
      %sign3A_1336 = arith.cmpi slt, %add3A_1092, %sign3A_1335 : i32
      %sign3A_1337 = arith.extui %sign3A_1336 : i1 to i32
      %sign3A_1338 = arith.subi %sign3A_1334, %sign3A_1337 : i32
      %sign3A_1339 = arith.constant 0 : i32
      %sign3A_1340 = arith.cmpi sgt, %jit3A_1330, %sign3A_1339 : i32
      %sign3A_1341 = arith.extui %sign3A_1340 : i1 to i32
      %sign3A_1342 = arith.constant 0 : i32
      %sign3A_1343 = arith.cmpi slt, %jit3A_1330, %sign3A_1342 : i32
      %sign3A_1344 = arith.extui %sign3A_1343 : i1 to i32
      %sign3A_1345 = arith.subi %sign3A_1341, %sign3A_1344 : i32
      %ne3A_1346 = arith.cmpi ne, %sign3A_1338, %sign3A_1345 : i32
      %rem3A_1347 = arith.remsi %add3A_1092, %jit3A_1330 : i32
      %ne3A_1348 = arith.constant 0 : i32
      %ne3A_1349 = arith.cmpi ne, %rem3A_1347, %ne3A_1348 : i32
      %and3A_1350 = arith.andi %ne3A_1346, %ne3A_1349 : i1
      %sub3A_1351 = arith.constant 1 : i32
      %sub3A_1352 = arith.subi %div3A_1331, %sub3A_1351 : i32
      %select_n3A_1353 = arith.select %and3A_1350, %sub3A_1352, %div3A_1331 : i32
      %rem3A_1354 = arith.constant 4 : i32
      %rem3A_1355 = arith.remsi %add3A_1092, %rem3A_1354 : i32
      %mul3A_1356 = arith.constant 128 : i32
      %mul3A_1357 = arith.muli %rem3A_1355, %mul3A_1356 : i32
      %add3A_1358 = arith.addi %mul3A_2, %mul3A_1357 : i32
      %dma_start3A_1359 = arith.constant 1 : i32
      %dma_start3A_1360 = arith.constant 0 : i32
      %dma_start3A_1361 = arith.constant 0 : i32
      %dma_start3A_1362 = tpu.memref_slice %arg8[%dma_start3A_1359, %dma_start3A_1360, %dma_start3A_1361] : memref<2x32x128xf32, #tpu.memory_space<vmem>> -> memref<1x32x128xf32, #tpu.memory_space<vmem>>
      %dma_start3A_1363 = tpu.memref_squeeze %dma_start3A_1362 : memref<1x32x128xf32, #tpu.memory_space<vmem>> -> memref<32x128xf32, #tpu.memory_space<vmem>>
      %dma_start3A_1364 = arith.constant 0 : i32
      %dma_start3A_1365 = tpu.memref_slice %arg4[%select_n3A_1353, %dma_start3A_1364, %add3A_1358] : memref<26x32x16384xf32, #tpu.memory_space<hbm>> -> memref<1x32x128xf32, #tpu.memory_space<hbm>>
      %dma_start3A_1366 = tpu.memref_squeeze %dma_start3A_1365 : memref<1x32x128xf32, #tpu.memory_space<hbm>> -> memref<32x128xf32, #tpu.memory_space<hbm>>
      %dma_start3A_1367 = arith.constant 0 : i32
      %dma_start3A_1368 = tpu.memref_slice %arg4[%select_n3A_1353, %dma_start3A_1367, %add3A_1358] : memref<26x32x16384xf32, #tpu.memory_space<hbm>> -> memref<1x32x128xf32, #tpu.memory_space<hbm>>
      %dma_start3A_1369 = tpu.memref_squeeze %dma_start3A_1368 : memref<1x32x128xf32, #tpu.memory_space<hbm>> -> memref<32x128xf32, #tpu.memory_space<hbm>>
      %dma_start3A_1370 = arith.constant 0 : i32
      %dma_start3A_1371 = arith.constant 0 : i32
      %dma_start3A_1372 = tpu.memref_slice %arg8[%dma_start3A_1359, %dma_start3A_1370, %dma_start3A_1371] : memref<2x32x128xf32, #tpu.memory_space<vmem>> -> memref<1x32x128xf32, #tpu.memory_space<vmem>>
      %dma_start3A_1373 = tpu.memref_squeeze %dma_start3A_1372 : memref<1x32x128xf32, #tpu.memory_space<vmem>> -> memref<32x128xf32, #tpu.memory_space<vmem>>
      tpu.enqueue_dma source(%dma_start3A_1373 : memref<32x128xf32, #tpu.memory_space<vmem>>) target(%dma_start3A_1369 : memref<32x128xf32, #tpu.memory_space<hbm>>) target_semaphore(%arg12 : memref<!tpu.dma_semaphore, #tpu.memory_space<semaphore_mem>>)
      %scan3A_1374 = arith.constant 0 : i32
      scf.yield %scan3A_1374 : i32
    }
    %scan3A_632 = arith.constant 50 : i32
    %dma_wait3A_633 = arith.constant 2 : i32
    %dma_wait3A_634 = arith.constant 2 : i32
    %dma_wait3A_635 = arith.constant 0 : i32
    %dma_wait3A_636 = arith.constant 0 : i32
    %dma_wait3A_637 = tpu.memref_slice %arg7[%dma_wait3A_634, %dma_wait3A_635, %dma_wait3A_636] : memref<4x128x128xf32, #tpu.memory_space<vmem>> -> memref<1x128x128xf32, #tpu.memory_space<vmem>>
    %dma_wait3A_638 = tpu.memref_squeeze %dma_wait3A_637 : memref<1x128x128xf32, #tpu.memory_space<vmem>> -> memref<128x128xf32, #tpu.memory_space<vmem>>
    %dma_wait3A_639 = arith.constant 0 : i32
    %dma_wait3A_640 = tpu.memref_slice %arg6[%dma_wait3A_633, %dma_wait3A_639] : memref<4x128xi32, #tpu.memory_space<vmem>> -> memref<1x128xi32, #tpu.memory_space<vmem>>
    %dma_wait3A_641 = tpu.memref_squeeze %dma_wait3A_640 : memref<1x128xi32, #tpu.memory_space<vmem>> -> memref<128xi32, #tpu.memory_space<vmem>>
    %dma_wait3A_642 = arith.constant 0 : i32
    %dma_wait3A_643 = arith.constant 0 : i32
    %dma_wait3A_644 = tpu.memref_slice %arg3[%dma_wait3A_642, %dma_wait3A_643] : memref<250000x128xf32, #tpu.memory_space<hbm>> -> memref<250000x128xf32, #tpu.memory_space<hbm>>
    tpu.wait_indirect_dma semaphore(%arg9 : memref<!tpu.dma_semaphore, #tpu.memory_space<semaphore_mem>>) src(%dma_wait3A_644 : memref<250000x128xf32, #tpu.memory_space<hbm>>) dst(%dma_wait3A_638 : memref<128x128xf32, #tpu.memory_space<vmem>>)
    %rem3A_645 = arith.constant 100 : i32
    %rem3A_646 = arith.constant 4 : i32
    %rem3A_647 = arith.remsi %rem3A_645, %rem3A_646 : i32
    %mul3A_648 = arith.constant 128 : i32
    %mul3A_649 = arith.muli %rem3A_647, %mul3A_648 : i32
    %add3A_650 = arith.addi %mul3A_2, %mul3A_649 : i32
    %dma_wait3A_651 = arith.constant 0 : i32
    %dma_wait3A_652 = arith.constant 25 : i32
    %dma_wait3A_653 = arith.constant 0 : i32
    %dma_wait3A_654 = arith.constant 0 : i32
    %dma_wait3A_655 = tpu.memref_slice %arg8[%dma_wait3A_651, %dma_wait3A_653, %dma_wait3A_654] : memref<2x32x128xf32, #tpu.memory_space<vmem>> -> memref<1x32x128xf32, #tpu.memory_space<vmem>>
    %dma_wait3A_656 = tpu.memref_squeeze %dma_wait3A_655 : memref<1x32x128xf32, #tpu.memory_space<vmem>> -> memref<32x128xf32, #tpu.memory_space<vmem>>
    %dma_wait3A_657 = arith.constant 0 : i32
    %dma_wait3A_658 = tpu.memref_slice %arg4[%dma_wait3A_652, %dma_wait3A_657, %add3A_650] : memref<26x32x16384xf32, #tpu.memory_space<hbm>> -> memref<1x32x128xf32, #tpu.memory_space<hbm>>
    %dma_wait3A_659 = tpu.memref_squeeze %dma_wait3A_658 : memref<1x32x128xf32, #tpu.memory_space<hbm>> -> memref<32x128xf32, #tpu.memory_space<hbm>>
    %dma_wait3A_660 = arith.constant 0 : i32
    %dma_wait3A_661 = tpu.memref_slice %arg4[%dma_wait3A_652, %dma_wait3A_660, %add3A_650] : memref<26x32x16384xf32, #tpu.memory_space<hbm>> -> memref<1x32x128xf32, #tpu.memory_space<hbm>>
    %dma_wait3A_662 = tpu.memref_squeeze %dma_wait3A_661 : memref<1x32x128xf32, #tpu.memory_space<hbm>> -> memref<32x128xf32, #tpu.memory_space<hbm>>
    %dma_wait3A_663 = arith.constant 0 : i32
    %dma_wait3A_664 = arith.constant 0 : i32
    %dma_wait3A_665 = tpu.memref_slice %arg8[%dma_wait3A_651, %dma_wait3A_663, %dma_wait3A_664] : memref<2x32x128xf32, #tpu.memory_space<vmem>> -> memref<1x32x128xf32, #tpu.memory_space<vmem>>
    %dma_wait3A_666 = tpu.memref_squeeze %dma_wait3A_665 : memref<1x32x128xf32, #tpu.memory_space<vmem>> -> memref<32x128xf32, #tpu.memory_space<vmem>>
    tpu.wait_dma2 semaphore(%arg11 : memref<!tpu.dma_semaphore, #tpu.memory_space<semaphore_mem>>) src(%dma_wait3A_666 : memref<32x128xf32, #tpu.memory_space<vmem>>) dst(%dma_wait3A_662 : memref<32x128xf32, #tpu.memory_space<hbm>>)
    %rem3A_667 = arith.constant 102 : i32
    %rem3A_668 = arith.constant 4 : i32
    %rem3A_669 = arith.remsi %rem3A_667, %rem3A_668 : i32
    %scan3A_670 = arith.constant 2 : i32
    %scan3A_671 = arith.constant 0 : i32
    %scan3A_672 = arith.constant 0 : i32
    %scan3A_673 = arith.constant 8 : i32
    %scan3A_674 = arith.addi %scan3A_672, %scan3A_673 : i32
    %scan3A_675 = arith.constant 1 : i32
    %scan3A_676 = scf.for %scan3A_811 = %scan3A_672 to %scan3A_674 step %scan3A_675 iter_args(%scan3A_812 = %scan3A_671) -> (i32)  : i32 {
      %mul3A_813 = arith.constant 16 : i32
      %mul3A_814 = arith.muli %scan3A_811, %mul3A_813 : i32
      %mul3A_815 = arith.constant 128 : i32
      %mul3A_816 = arith.muli %rem3A_669, %mul3A_815 : i32
      %add3A_817 = arith.addi %mul3A_816, %mul3A_814 : i32
      %get3A_818 = arith.constant 25 : i32
      %get3A_819 = arith.index_cast %get3A_818 : i32 to index
      %get3A_820 = arith.index_cast %add3A_817 : i32 to index
      %get3A_821 = tpu.vector_load %arg5[%get3A_819, %get3A_820] {strides = array<i32>} : memref<26x512xi32, #tpu.memory_space<vmem>>, vector<16xi32>,
      %and3A = arith.constant 3 : i32
      %and3A_822 = vector.broadcast %and3A : i32 to vector<16xi32>
      %and3A_823 = arith.andi %get3A_821, %and3A_822 : vector<16xi32>
      %mul3A_824 = arith.constant 32 : i32
      %mul3A_825 = vector.broadcast %mul3A_824 : i32 to vector<16xi32>
      %mul3A_826 = arith.muli %and3A_823, %mul3A_825 : vector<16xi32>
      %add3A_827 = vector.broadcast %mul3A_814 : i32 to vector<16xi32>
      %add3A_828 = arith.addi %iota3A, %add3A_827 : vector<16xi32>
      %add3A_829 = arith.constant 0 : i32
      %add3A_830 = vector.broadcast %add3A_829 : i32 to vector<16xi32>
      %add3A_831 = arith.addi %mul3A_826, %add3A_830 : vector<16xi32>
      %gather3A = arith.constant 0 : i32
      %gather3A_832 = arith.constant 0 : i32
      %gather3A_833 = tpu.memref_slice %arg7[%scan3A_670, %gather3A, %gather3A_832] : memref<4x128x128xf32, #tpu.memory_space<vmem>> -> memref<1x128x128xf32, #tpu.memory_space<vmem>>
      %gather3A_834 = tpu.memref_squeeze %gather3A_833 : memref<1x128x128xf32, #tpu.memory_space<vmem>> -> memref<128x128xf32, #tpu.memory_space<vmem>>
      %gather3A_835 = tpu.vector_load_idx %gather3A_834[%add3A_828, %add3A_831] : memref<128x128xf32, #tpu.memory_space<vmem>>[vector<16xi32>, vector<16xi32>], vector<16xf32>,
      %swap3A_836 = arith.constant 0 : i32
      %swap3A_837 = arith.constant 0 : i32
      %swap3A_838 = arith.index_cast %swap3A_836 : i32 to index
      %swap3A_839 = arith.index_cast %swap3A_837 : i32 to index
      %swap3A_840 = arith.index_cast %mul3A_814 : i32 to index
      %swap3A_841 = tpu.vector_load %arg8[%swap3A_838, %swap3A_839, %swap3A_840] {strides = array<i32>} : memref<2x32x128xf32, #tpu.memory_space<vmem>>, vector<16xf32>,
      tpu.vector_store %arg8[%swap3A_838, %swap3A_839, %swap3A_840], %gather3A_835 {strides = array<i32>} : memref<2x32x128xf32, #tpu.memory_space<vmem>>, vector<16xf32>,
      %add3A_842 = arith.constant 1 : i32
      %add3A_843 = vector.broadcast %add3A_842 : i32 to vector<16xi32>
      %add3A_844 = arith.addi %mul3A_826, %add3A_843 : vector<16xi32>
      %gather3A_845 = arith.constant 0 : i32
      %gather3A_846 = arith.constant 0 : i32
      %gather3A_847 = tpu.memref_slice %arg7[%scan3A_670, %gather3A_845, %gather3A_846] : memref<4x128x128xf32, #tpu.memory_space<vmem>> -> memref<1x128x128xf32, #tpu.memory_space<vmem>>
      %gather3A_848 = tpu.memref_squeeze %gather3A_847 : memref<1x128x128xf32, #tpu.memory_space<vmem>> -> memref<128x128xf32, #tpu.memory_space<vmem>>
      %gather3A_849 = tpu.vector_load_idx %gather3A_848[%add3A_828, %add3A_844] : memref<128x128xf32, #tpu.memory_space<vmem>>[vector<16xi32>, vector<16xi32>], vector<16xf32>,
      %swap3A_850 = arith.constant 0 : i32
      %swap3A_851 = arith.constant 1 : i32
      %swap3A_852 = arith.index_cast %swap3A_850 : i32 to index
      %swap3A_853 = arith.index_cast %swap3A_851 : i32 to index
      %swap3A_854 = arith.index_cast %mul3A_814 : i32 to index
      %swap3A_855 = tpu.vector_load %arg8[%swap3A_852, %swap3A_853, %swap3A_854] {strides = array<i32>} : memref<2x32x128xf32, #tpu.memory_space<vmem>>, vector<16xf32>,
      tpu.vector_store %arg8[%swap3A_852, %swap3A_853, %swap3A_854], %gather3A_849 {strides = array<i32>} : memref<2x32x128xf32, #tpu.memory_space<vmem>>, vector<16xf32>,
      %add3A_856 = arith.constant 2 : i32
      %add3A_857 = vector.broadcast %add3A_856 : i32 to vector<16xi32>
      %add3A_858 = arith.addi %mul3A_826, %add3A_857 : vector<16xi32>
      %gather3A_859 = arith.constant 0 : i32
      %gather3A_860 = arith.constant 0 : i32
      %gather3A_861 = tpu.memref_slice %arg7[%scan3A_670, %gather3A_859, %gather3A_860] : memref<4x128x128xf32, #tpu.memory_space<vmem>> -> memref<1x128x128xf32, #tpu.memory_space<vmem>>
      %gather3A_862 = tpu.memref_squeeze %gather3A_861 : memref<1x128x128xf32, #tpu.memory_space<vmem>> -> memref<128x128xf32, #tpu.memory_space<vmem>>
      %gather3A_863 = tpu.vector_load_idx %gather3A_862[%add3A_828, %add3A_858] : memref<128x128xf32, #tpu.memory_space<vmem>>[vector<16xi32>, vector<16xi32>], vector<16xf32>,
      %swap3A_864 = arith.constant 0 : i32
      %swap3A_865 = arith.constant 2 : i32
      %swap3A_866 = arith.index_cast %swap3A_864 : i32 to index
      %swap3A_867 = arith.index_cast %swap3A_865 : i32 to index
      %swap3A_868 = arith.index_cast %mul3A_814 : i32 to index
      %swap3A_869 = tpu.vector_load %arg8[%swap3A_866, %swap3A_867, %swap3A_868] {strides = array<i32>} : memref<2x32x128xf32, #tpu.memory_space<vmem>>, vector<16xf32>,
      tpu.vector_store %arg8[%swap3A_866, %swap3A_867, %swap3A_868], %gather3A_863 {strides = array<i32>} : memref<2x32x128xf32, #tpu.memory_space<vmem>>, vector<16xf32>,
      %add3A_870 = arith.constant 3 : i32
      %add3A_871 = vector.broadcast %add3A_870 : i32 to vector<16xi32>
      %add3A_872 = arith.addi %mul3A_826, %add3A_871 : vector<16xi32>
      %gather3A_873 = arith.constant 0 : i32
      %gather3A_874 = arith.constant 0 : i32
      %gather3A_875 = tpu.memref_slice %arg7[%scan3A_670, %gather3A_873, %gather3A_874] : memref<4x128x128xf32, #tpu.memory_space<vmem>> -> memref<1x128x128xf32, #tpu.memory_space<vmem>>
      %gather3A_876 = tpu.memref_squeeze %gather3A_875 : memref<1x128x128xf32, #tpu.memory_space<vmem>> -> memref<128x128xf32, #tpu.memory_space<vmem>>
      %gather3A_877 = tpu.vector_load_idx %gather3A_876[%add3A_828, %add3A_872] : memref<128x128xf32, #tpu.memory_space<vmem>>[vector<16xi32>, vector<16xi32>], vector<16xf32>,
      %swap3A_878 = arith.constant 0 : i32
      %swap3A_879 = arith.constant 3 : i32
      %swap3A_880 = arith.index_cast %swap3A_878 : i32 to index
      %swap3A_881 = arith.index_cast %swap3A_879 : i32 to index
      %swap3A_882 = arith.index_cast %mul3A_814 : i32 to index
      %swap3A_883 = tpu.vector_load %arg8[%swap3A_880, %swap3A_881, %swap3A_882] {strides = array<i32>} : memref<2x32x128xf32, #tpu.memory_space<vmem>>, vector<16xf32>,
      tpu.vector_store %arg8[%swap3A_880, %swap3A_881, %swap3A_882], %gather3A_877 {strides = array<i32>} : memref<2x32x128xf32, #tpu.memory_space<vmem>>, vector<16xf32>,
      %add3A_884 = arith.constant 4 : i32
      %add3A_885 = vector.broadcast %add3A_884 : i32 to vector<16xi32>
      %add3A_886 = arith.addi %mul3A_826, %add3A_885 : vector<16xi32>
      %gather3A_887 = arith.constant 0 : i32
      %gather3A_888 = arith.constant 0 : i32
      %gather3A_889 = tpu.memref_slice %arg7[%scan3A_670, %gather3A_887, %gather3A_888] : memref<4x128x128xf32, #tpu.memory_space<vmem>> -> memref<1x128x128xf32, #tpu.memory_space<vmem>>
      %gather3A_890 = tpu.memref_squeeze %gather3A_889 : memref<1x128x128xf32, #tpu.memory_space<vmem>> -> memref<128x128xf32, #tpu.memory_space<vmem>>
      %gather3A_891 = tpu.vector_load_idx %gather3A_890[%add3A_828, %add3A_886] : memref<128x128xf32, #tpu.memory_space<vmem>>[vector<16xi32>, vector<16xi32>], vector<16xf32>,
      %swap3A_892 = arith.constant 0 : i32
      %swap3A_893 = arith.constant 4 : i32
      %swap3A_894 = arith.index_cast %swap3A_892 : i32 to index
      %swap3A_895 = arith.index_cast %swap3A_893 : i32 to index
      %swap3A_896 = arith.index_cast %mul3A_814 : i32 to index
      %swap3A_897 = tpu.vector_load %arg8[%swap3A_894, %swap3A_895, %swap3A_896] {strides = array<i32>} : memref<2x32x128xf32, #tpu.memory_space<vmem>>, vector<16xf32>,
      tpu.vector_store %arg8[%swap3A_894, %swap3A_895, %swap3A_896], %gather3A_891 {strides = array<i32>} : memref<2x32x128xf32, #tpu.memory_space<vmem>>, vector<16xf32>,
      %add3A_898 = arith.constant 5 : i32
      %add3A_899 = vector.broadcast %add3A_898 : i32 to vector<16xi32>
      %add3A_900 = arith.addi %mul3A_826, %add3A_899 : vector<16xi32>
      %gather3A_901 = arith.constant 0 : i32
      %gather3A_902 = arith.constant 0 : i32
      %gather3A_903 = tpu.memref_slice %arg7[%scan3A_670, %gather3A_901, %gather3A_902] : memref<4x128x128xf32, #tpu.memory_space<vmem>> -> memref<1x128x128xf32, #tpu.memory_space<vmem>>
      %gather3A_904 = tpu.memref_squeeze %gather3A_903 : memref<1x128x128xf32, #tpu.memory_space<vmem>> -> memref<128x128xf32, #tpu.memory_space<vmem>>
      %gather3A_905 = tpu.vector_load_idx %gather3A_904[%add3A_828, %add3A_900] : memref<128x128xf32, #tpu.memory_space<vmem>>[vector<16xi32>, vector<16xi32>], vector<16xf32>,
      %swap3A_906 = arith.constant 0 : i32
      %swap3A_907 = arith.constant 5 : i32
      %swap3A_908 = arith.index_cast %swap3A_906 : i32 to index
      %swap3A_909 = arith.index_cast %swap3A_907 : i32 to index
      %swap3A_910 = arith.index_cast %mul3A_814 : i32 to index
      %swap3A_911 = tpu.vector_load %arg8[%swap3A_908, %swap3A_909, %swap3A_910] {strides = array<i32>} : memref<2x32x128xf32, #tpu.memory_space<vmem>>, vector<16xf32>,
      tpu.vector_store %arg8[%swap3A_908, %swap3A_909, %swap3A_910], %gather3A_905 {strides = array<i32>} : memref<2x32x128xf32, #tpu.memory_space<vmem>>, vector<16xf32>,
      %add3A_912 = arith.constant 6 : i32
      %add3A_913 = vector.broadcast %add3A_912 : i32 to vector<16xi32>
      %add3A_914 = arith.addi %mul3A_826, %add3A_913 : vector<16xi32>
      %gather3A_915 = arith.constant 0 : i32
      %gather3A_916 = arith.constant 0 : i32
      %gather3A_917 = tpu.memref_slice %arg7[%scan3A_670, %gather3A_915, %gather3A_916] : memref<4x128x128xf32, #tpu.memory_space<vmem>> -> memref<1x128x128xf32, #tpu.memory_space<vmem>>
      %gather3A_918 = tpu.memref_squeeze %gather3A_917 : memref<1x128x128xf32, #tpu.memory_space<vmem>> -> memref<128x128xf32, #tpu.memory_space<vmem>>
      %gather3A_919 = tpu.vector_load_idx %gather3A_918[%add3A_828, %add3A_914] : memref<128x128xf32, #tpu.memory_space<vmem>>[vector<16xi32>, vector<16xi32>], vector<16xf32>,
      %swap3A_920 = arith.constant 0 : i32
      %swap3A_921 = arith.constant 6 : i32
      %swap3A_922 = arith.index_cast %swap3A_920 : i32 to index
      %swap3A_923 = arith.index_cast %swap3A_921 : i32 to index
      %swap3A_924 = arith.index_cast %mul3A_814 : i32 to index
      %swap3A_925 = tpu.vector_load %arg8[%swap3A_922, %swap3A_923, %swap3A_924] {strides = array<i32>} : memref<2x32x128xf32, #tpu.memory_space<vmem>>, vector<16xf32>,
      tpu.vector_store %arg8[%swap3A_922, %swap3A_923, %swap3A_924], %gather3A_919 {strides = array<i32>} : memref<2x32x128xf32, #tpu.memory_space<vmem>>, vector<16xf32>,
      %add3A_926 = arith.constant 7 : i32
      %add3A_927 = vector.broadcast %add3A_926 : i32 to vector<16xi32>
      %add3A_928 = arith.addi %mul3A_826, %add3A_927 : vector<16xi32>
      %gather3A_929 = arith.constant 0 : i32
      %gather3A_930 = arith.constant 0 : i32
      %gather3A_931 = tpu.memref_slice %arg7[%scan3A_670, %gather3A_929, %gather3A_930] : memref<4x128x128xf32, #tpu.memory_space<vmem>> -> memref<1x128x128xf32, #tpu.memory_space<vmem>>
      %gather3A_932 = tpu.memref_squeeze %gather3A_931 : memref<1x128x128xf32, #tpu.memory_space<vmem>> -> memref<128x128xf32, #tpu.memory_space<vmem>>
      %gather3A_933 = tpu.vector_load_idx %gather3A_932[%add3A_828, %add3A_928] : memref<128x128xf32, #tpu.memory_space<vmem>>[vector<16xi32>, vector<16xi32>], vector<16xf32>,
      %swap3A_934 = arith.constant 0 : i32
      %swap3A_935 = arith.constant 7 : i32
      %swap3A_936 = arith.index_cast %swap3A_934 : i32 to index
      %swap3A_937 = arith.index_cast %swap3A_935 : i32 to index
      %swap3A_938 = arith.index_cast %mul3A_814 : i32 to index
      %swap3A_939 = tpu.vector_load %arg8[%swap3A_936, %swap3A_937, %swap3A_938] {strides = array<i32>} : memref<2x32x128xf32, #tpu.memory_space<vmem>>, vector<16xf32>,
      tpu.vector_store %arg8[%swap3A_936, %swap3A_937, %swap3A_938], %gather3A_933 {strides = array<i32>} : memref<2x32x128xf32, #tpu.memory_space<vmem>>, vector<16xf32>,
      %add3A_940 = arith.constant 8 : i32
      %add3A_941 = vector.broadcast %add3A_940 : i32 to vector<16xi32>
      %add3A_942 = arith.addi %mul3A_826, %add3A_941 : vector<16xi32>
      %gather3A_943 = arith.constant 0 : i32
      %gather3A_944 = arith.constant 0 : i32
      %gather3A_945 = tpu.memref_slice %arg7[%scan3A_670, %gather3A_943, %gather3A_944] : memref<4x128x128xf32, #tpu.memory_space<vmem>> -> memref<1x128x128xf32, #tpu.memory_space<vmem>>
      %gather3A_946 = tpu.memref_squeeze %gather3A_945 : memref<1x128x128xf32, #tpu.memory_space<vmem>> -> memref<128x128xf32, #tpu.memory_space<vmem>>
      %gather3A_947 = tpu.vector_load_idx %gather3A_946[%add3A_828, %add3A_942] : memref<128x128xf32, #tpu.memory_space<vmem>>[vector<16xi32>, vector<16xi32>], vector<16xf32>,
      %swap3A_948 = arith.constant 0 : i32
      %swap3A_949 = arith.constant 8 : i32
      %swap3A_950 = arith.index_cast %swap3A_948 : i32 to index
      %swap3A_951 = arith.index_cast %swap3A_949 : i32 to index
      %swap3A_952 = arith.index_cast %mul3A_814 : i32 to index
      %swap3A_953 = tpu.vector_load %arg8[%swap3A_950, %swap3A_951, %swap3A_952] {strides = array<i32>} : memref<2x32x128xf32, #tpu.memory_space<vmem>>, vector<16xf32>,
      tpu.vector_store %arg8[%swap3A_950, %swap3A_951, %swap3A_952], %gather3A_947 {strides = array<i32>} : memref<2x32x128xf32, #tpu.memory_space<vmem>>, vector<16xf32>,
      %add3A_954 = arith.constant 9 : i32
      %add3A_955 = vector.broadcast %add3A_954 : i32 to vector<16xi32>
      %add3A_956 = arith.addi %mul3A_826, %add3A_955 : vector<16xi32>
      %gather3A_957 = arith.constant 0 : i32
      %gather3A_958 = arith.constant 0 : i32
      %gather3A_959 = tpu.memref_slice %arg7[%scan3A_670, %gather3A_957, %gather3A_958] : memref<4x128x128xf32, #tpu.memory_space<vmem>> -> memref<1x128x128xf32, #tpu.memory_space<vmem>>
      %gather3A_960 = tpu.memref_squeeze %gather3A_959 : memref<1x128x128xf32, #tpu.memory_space<vmem>> -> memref<128x128xf32, #tpu.memory_space<vmem>>
      %gather3A_961 = tpu.vector_load_idx %gather3A_960[%add3A_828, %add3A_956] : memref<128x128xf32, #tpu.memory_space<vmem>>[vector<16xi32>, vector<16xi32>], vector<16xf32>,
      %swap3A_962 = arith.constant 0 : i32
      %swap3A_963 = arith.constant 9 : i32
      %swap3A_964 = arith.index_cast %swap3A_962 : i32 to index
      %swap3A_965 = arith.index_cast %swap3A_963 : i32 to index
      %swap3A_966 = arith.index_cast %mul3A_814 : i32 to index
      %swap3A_967 = tpu.vector_load %arg8[%swap3A_964, %swap3A_965, %swap3A_966] {strides = array<i32>} : memref<2x32x128xf32, #tpu.memory_space<vmem>>, vector<16xf32>,
      tpu.vector_store %arg8[%swap3A_964, %swap3A_965, %swap3A_966], %gather3A_961 {strides = array<i32>} : memref<2x32x128xf32, #tpu.memory_space<vmem>>, vector<16xf32>,
      %add3A_968 = arith.constant 10 : i32
      %add3A_969 = vector.broadcast %add3A_968 : i32 to vector<16xi32>
      %add3A_970 = arith.addi %mul3A_826, %add3A_969 : vector<16xi32>
      %gather3A_971 = arith.constant 0 : i32
      %gather3A_972 = arith.constant 0 : i32
      %gather3A_973 = tpu.memref_slice %arg7[%scan3A_670, %gather3A_971, %gather3A_972] : memref<4x128x128xf32, #tpu.memory_space<vmem>> -> memref<1x128x128xf32, #tpu.memory_space<vmem>>
      %gather3A_974 = tpu.memref_squeeze %gather3A_973 : memref<1x128x128xf32, #tpu.memory_space<vmem>> -> memref<128x128xf32, #tpu.memory_space<vmem>>
      %gather3A_975 = tpu.vector_load_idx %gather3A_974[%add3A_828, %add3A_970] : memref<128x128xf32, #tpu.memory_space<vmem>>[vector<16xi32>, vector<16xi32>], vector<16xf32>,
      %swap3A_976 = arith.constant 0 : i32
      %swap3A_977 = arith.constant 10 : i32
      %swap3A_978 = arith.index_cast %swap3A_976 : i32 to index
      %swap3A_979 = arith.index_cast %swap3A_977 : i32 to index
      %swap3A_980 = arith.index_cast %mul3A_814 : i32 to index
      %swap3A_981 = tpu.vector_load %arg8[%swap3A_978, %swap3A_979, %swap3A_980] {strides = array<i32>} : memref<2x32x128xf32, #tpu.memory_space<vmem>>, vector<16xf32>,
      tpu.vector_store %arg8[%swap3A_978, %swap3A_979, %swap3A_980], %gather3A_975 {strides = array<i32>} : memref<2x32x128xf32, #tpu.memory_space<vmem>>, vector<16xf32>,
      %add3A_982 = arith.constant 11 : i32
      %add3A_983 = vector.broadcast %add3A_982 : i32 to vector<16xi32>
      %add3A_984 = arith.addi %mul3A_826, %add3A_983 : vector<16xi32>
      %gather3A_985 = arith.constant 0 : i32
      %gather3A_986 = arith.constant 0 : i32
      %gather3A_987 = tpu.memref_slice %arg7[%scan3A_670, %gather3A_985, %gather3A_986] : memref<4x128x128xf32, #tpu.memory_space<vmem>> -> memref<1x128x128xf32, #tpu.memory_space<vmem>>
      %gather3A_988 = tpu.memref_squeeze %gather3A_987 : memref<1x128x128xf32, #tpu.memory_space<vmem>> -> memref<128x128xf32, #tpu.memory_space<vmem>>
      %gather3A_989 = tpu.vector_load_idx %gather3A_988[%add3A_828, %add3A_984] : memref<128x128xf32, #tpu.memory_space<vmem>>[vector<16xi32>, vector<16xi32>], vector<16xf32>,
      %swap3A_990 = arith.constant 0 : i32
      %swap3A_991 = arith.constant 11 : i32
      %swap3A_992 = arith.index_cast %swap3A_990 : i32 to index
      %swap3A_993 = arith.index_cast %swap3A_991 : i32 to index
      %swap3A_994 = arith.index_cast %mul3A_814 : i32 to index
      %swap3A_995 = tpu.vector_load %arg8[%swap3A_992, %swap3A_993, %swap3A_994] {strides = array<i32>} : memref<2x32x128xf32, #tpu.memory_space<vmem>>, vector<16xf32>,
      tpu.vector_store %arg8[%swap3A_992, %swap3A_993, %swap3A_994], %gather3A_989 {strides = array<i32>} : memref<2x32x128xf32, #tpu.memory_space<vmem>>, vector<16xf32>,
      %add3A_996 = arith.constant 12 : i32
      %add3A_997 = vector.broadcast %add3A_996 : i32 to vector<16xi32>
      %add3A_998 = arith.addi %mul3A_826, %add3A_997 : vector<16xi32>
      %gather3A_999 = arith.constant 0 : i32
      %gather3A_1000 = arith.constant 0 : i32
      %gather3A_1001 = tpu.memref_slice %arg7[%scan3A_670, %gather3A_999, %gather3A_1000] : memref<4x128x128xf32, #tpu.memory_space<vmem>> -> memref<1x128x128xf32, #tpu.memory_space<vmem>>
      %gather3A_1002 = tpu.memref_squeeze %gather3A_1001 : memref<1x128x128xf32, #tpu.memory_space<vmem>> -> memref<128x128xf32, #tpu.memory_space<vmem>>
      %gather3A_1003 = tpu.vector_load_idx %gather3A_1002[%add3A_828, %add3A_998] : memref<128x128xf32, #tpu.memory_space<vmem>>[vector<16xi32>, vector<16xi32>], vector<16xf32>,
      %swap3A_1004 = arith.constant 0 : i32
      %swap3A_1005 = arith.constant 12 : i32
      %swap3A_1006 = arith.index_cast %swap3A_1004 : i32 to index
      %swap3A_1007 = arith.index_cast %swap3A_1005 : i32 to index
      %swap3A_1008 = arith.index_cast %mul3A_814 : i32 to index
      %swap3A_1009 = tpu.vector_load %arg8[%swap3A_1006, %swap3A_1007, %swap3A_1008] {strides = array<i32>} : memref<2x32x128xf32, #tpu.memory_space<vmem>>, vector<16xf32>,
      tpu.vector_store %arg8[%swap3A_1006, %swap3A_1007, %swap3A_1008], %gather3A_1003 {strides = array<i32>} : memref<2x32x128xf32, #tpu.memory_space<vmem>>, vector<16xf32>,
      %add3A_1010 = arith.constant 13 : i32
      %add3A_1011 = vector.broadcast %add3A_1010 : i32 to vector<16xi32>
      %add3A_1012 = arith.addi %mul3A_826, %add3A_1011 : vector<16xi32>
      %gather3A_1013 = arith.constant 0 : i32
      %gather3A_1014 = arith.constant 0 : i32
      %gather3A_1015 = tpu.memref_slice %arg7[%scan3A_670, %gather3A_1013, %gather3A_1014] : memref<4x128x128xf32, #tpu.memory_space<vmem>> -> memref<1x128x128xf32, #tpu.memory_space<vmem>>
      %gather3A_1016 = tpu.memref_squeeze %gather3A_1015 : memref<1x128x128xf32, #tpu.memory_space<vmem>> -> memref<128x128xf32, #tpu.memory_space<vmem>>
      %gather3A_1017 = tpu.vector_load_idx %gather3A_1016[%add3A_828, %add3A_1012] : memref<128x128xf32, #tpu.memory_space<vmem>>[vector<16xi32>, vector<16xi32>], vector<16xf32>,
      %swap3A_1018 = arith.constant 0 : i32
      %swap3A_1019 = arith.constant 13 : i32
      %swap3A_1020 = arith.index_cast %swap3A_1018 : i32 to index
      %swap3A_1021 = arith.index_cast %swap3A_1019 : i32 to index
      %swap3A_1022 = arith.index_cast %mul3A_814 : i32 to index
      %swap3A_1023 = tpu.vector_load %arg8[%swap3A_1020, %swap3A_1021, %swap3A_1022] {strides = array<i32>} : memref<2x32x128xf32, #tpu.memory_space<vmem>>, vector<16xf32>,
      tpu.vector_store %arg8[%swap3A_1020, %swap3A_1021, %swap3A_1022], %gather3A_1017 {strides = array<i32>} : memref<2x32x128xf32, #tpu.memory_space<vmem>>, vector<16xf32>,
      %add3A_1024 = arith.constant 14 : i32
      %add3A_1025 = vector.broadcast %add3A_1024 : i32 to vector<16xi32>
      %add3A_1026 = arith.addi %mul3A_826, %add3A_1025 : vector<16xi32>
      %gather3A_1027 = arith.constant 0 : i32
      %gather3A_1028 = arith.constant 0 : i32
      %gather3A_1029 = tpu.memref_slice %arg7[%scan3A_670, %gather3A_1027, %gather3A_1028] : memref<4x128x128xf32, #tpu.memory_space<vmem>> -> memref<1x128x128xf32, #tpu.memory_space<vmem>>
      %gather3A_1030 = tpu.memref_squeeze %gather3A_1029 : memref<1x128x128xf32, #tpu.memory_space<vmem>> -> memref<128x128xf32, #tpu.memory_space<vmem>>
      %gather3A_1031 = tpu.vector_load_idx %gather3A_1030[%add3A_828, %add3A_1026] : memref<128x128xf32, #tpu.memory_space<vmem>>[vector<16xi32>, vector<16xi32>], vector<16xf32>,
      %swap3A_1032 = arith.constant 0 : i32
      %swap3A_1033 = arith.constant 14 : i32
      %swap3A_1034 = arith.index_cast %swap3A_1032 : i32 to index
      %swap3A_1035 = arith.index_cast %swap3A_1033 : i32 to index
      %swap3A_1036 = arith.index_cast %mul3A_814 : i32 to index
      %swap3A_1037 = tpu.vector_load %arg8[%swap3A_1034, %swap3A_1035, %swap3A_1036] {strides = array<i32>} : memref<2x32x128xf32, #tpu.memory_space<vmem>>, vector<16xf32>,
      tpu.vector_store %arg8[%swap3A_1034, %swap3A_1035, %swap3A_1036], %gather3A_1031 {strides = array<i32>} : memref<2x32x128xf32, #tpu.memory_space<vmem>>, vector<16xf32>,
      %add3A_1038 = arith.constant 15 : i32
      %add3A_1039 = vector.broadcast %add3A_1038 : i32 to vector<16xi32>
      %add3A_1040 = arith.addi %mul3A_826, %add3A_1039 : vector<16xi32>
      %gather3A_1041 = arith.constant 0 : i32
      %gather3A_1042 = arith.constant 0 : i32
      %gather3A_1043 = tpu.memref_slice %arg7[%scan3A_670, %gather3A_1041, %gather3A_1042] : memref<4x128x128xf32, #tpu.memory_space<vmem>> -> memref<1x128x128xf32, #tpu.memory_space<vmem>>
      %gather3A_1044 = tpu.memref_squeeze %gather3A_1043 : memref<1x128x128xf32, #tpu.memory_space<vmem>> -> memref<128x128xf32, #tpu.memory_space<vmem>>
      %gather3A_1045 = tpu.vector_load_idx %gather3A_1044[%add3A_828, %add3A_1040] : memref<128x128xf32, #tpu.memory_space<vmem>>[vector<16xi32>, vector<16xi32>], vector<16xf32>,
      %swap3A_1046 = arith.constant 0 : i32
      %swap3A_1047 = arith.constant 15 : i32
      %swap3A_1048 = arith.index_cast %swap3A_1046 : i32 to index
      %swap3A_1049 = arith.index_cast %swap3A_1047 : i32 to index
      %swap3A_1050 = arith.index_cast %mul3A_814 : i32 to index
      %swap3A_1051 = tpu.vector_load %arg8[%swap3A_1048, %swap3A_1049, %swap3A_1050] {strides = array<i32>} : memref<2x32x128xf32, #tpu.memory_space<vmem>>, vector<16xf32>,
      tpu.vector_store %arg8[%swap3A_1048, %swap3A_1049, %swap3A_1050], %gather3A_1045 {strides = array<i32>} : memref<2x32x128xf32, #tpu.memory_space<vmem>>, vector<16xf32>,
      %add3A_1052 = arith.constant 16 : i32
      %add3A_1053 = vector.broadcast %add3A_1052 : i32 to vector<16xi32>
      %add3A_1054 = arith.addi %mul3A_826, %add3A_1053 : vector<16xi32>
      %gather3A_1055 = arith.constant 0 : i32
      %gather3A_1056 = arith.constant 0 : i32
      %gather3A_1057 = tpu.memref_slice %arg7[%scan3A_670, %gather3A_1055, %gather3A_1056] : memref<4x128x128xf32, #tpu.memory_space<vmem>> -> memref<1x128x128xf32, #tpu.memory_space<vmem>>
      %gather3A_1058 = tpu.memref_squeeze %gather3A_1057 : memref<1x128x128xf32, #tpu.memory_space<vmem>> -> memref<128x128xf32, #tpu.memory_space<vmem>>
      %gather3A_1059 = tpu.vector_load_idx %gather3A_1058[%add3A_828, %add3A_1054] : memref<128x128xf32, #tpu.memory_space<vmem>>[vector<16xi32>, vector<16xi32>], vector<16xf32>,
      %swap3A_1060 = arith.constant 0 : i32
      %swap3A_1061 = arith.constant 16 : i32
      %swap3A_1062 = arith.index_cast %swap3A_1060 : i32 to index
      %swap3A_1063 = arith.index_cast %swap3A_1061 : i32 to index
      %swap3A_1064 = arith.index_cast %mul3A_814 : i32 to index
      %swap3A_1065 = tpu.vector_load %arg8[%swap3A_1062, %swap3A_1063, %swap3A_1064] {strides = array<i32>} : memref<2x32x128xf32, #tpu.memory_space<vmem>>, vector<16xf32>,
      tpu.vector_store %arg8[%swap3A_1062, %swap3A_1063, %swap3A_1064], %gather3A_1059 {strides = array<i32>} : memref<2x32x128xf32, #tpu.memory_space<vmem>>, vector<16xf32>,
      %add3A_1066 = arith.constant 17 : i32
      %add3A_1067 = vector.broadcast %add3A_1066 : i32 to vector<16xi32>
      %add3A_1068 = arith.addi %mul3A_826, %add3A_1067 : vector<16xi32>
      %gather3A_1069 = arith.constant 0 : i32
      %gather3A_1070 = arith.constant 0 : i32
      %gather3A_1071 = tpu.memref_slice %arg7[%scan3A_670, %gather3A_1069, %gather3A_1070] : memref<4x128x128xf32, #tpu.memory_space<vmem>> -> memref<1x128x128xf32, #tpu.memory_space<vmem>>
      %gather3A_1072 = tpu.memref_squeeze %gather3A_1071 : memref<1x128x128xf32, #tpu.memory_space<vmem>> -> memref<128x128xf32, #tpu.memory_space<vmem>>
      %gather3A_1073 = tpu.vector_load_idx %gather3A_1072[%add3A_828, %add3A_1068] : memref<128x128xf32, #tpu.memory_space<vmem>>[vector<16xi32>, vector<16xi32>], vector<16xf32>,
      %swap3A_1074 = arith.constant 0 : i32
      %swap3A_1075 = arith.constant 17 : i32
      %swap3A_1076 = arith.index_cast %swap3A_1074 : i32 to index
      %swap3A_1077 = arith.index_cast %swap3A_1075 : i32 to index
      %swap3A_1078 = arith.index_cast %mul3A_814 : i32 to index
      %swap3A_1079 = tpu.vector_load %arg8[%swap3A_1076, %swap3A_1077, %swap3A_1078] {strides = array<i32>} : memref<2x32x128xf32, #tpu.memory_space<vmem>>, vector<16xf32>,
      tpu.vector_store %arg8[%swap3A_1076, %swap3A_1077, %swap3A_1078], %gather3A_1073 {strides = array<i32>} : memref<2x32x128xf32, #tpu.memory_space<vmem>>, vector<16xf32>,
      %add3A_1080 = arith.constant 18 : i32
      %add3A_1081 = vector.broadcast %add3A_1080 : i32 to vector<16xi32>
      %add3A_1082 = arith.addi %mul3A_826, %add3A_1081 : vector<16xi32>
      %gather3A_1083 = arith.constant 0 : i32
      %gather3A_1084 = arith.constant 0 : i32
      %gather3A_1085 = tpu.memref_slice %arg7[%scan3A_670, %gather3A_1083, %gather3A_1084] : memref<4x128x128xf32, #tpu.memory_space<vmem>> -> memref<1x128x128xf32, #tpu.memory_space<vmem>>
      %gather3A_1086 = tpu.memref_squeeze %gather3A_1085 : memref<1x128x128xf32, #tpu.memory_space<vmem>> -> memref<128x128xf32, #tpu.memory_space<vmem>>
      %gather3A_1087 = tpu.vector_load_idx %gather3A_1086[%add3A_828, %add3A_1082] : memref<128x128xf32, #tpu.memory_space<vmem>>[vector<16xi32>, vector<16xi32>], vector<16xf32>,
      %swap3A_1088 = arith.constant 0 : i32
      %swap3A_1089 = arith.constant 18 : i32
      %swap3A_1090 = arith.index_cast %swap3A_1088 : i32 to index
      %swap3A_1091 = arith.index_cast %swap3A_1089 : i32 to index
      %swap3A_1092 = arith.index_cast %mul3A_814 : i32 to index
      %swap3A_1093 = tpu.vector_load %arg8[%swap3A_1090, %swap3A_1091, %swap3A_1092] {strides = array<i32>} : memref<2x32x128xf32, #tpu.memory_space<vmem>>, vector<16xf32>,
      tpu.vector_store %arg8[%swap3A_1090, %swap3A_1091, %swap3A_1092], %gather3A_1087 {strides = array<i32>} : memref<2x32x128xf32, #tpu.memory_space<vmem>>, vector<16xf32>,
      %add3A_1094 = arith.constant 19 : i32
      %add3A_1095 = vector.broadcast %add3A_1094 : i32 to vector<16xi32>
      %add3A_1096 = arith.addi %mul3A_826, %add3A_1095 : vector<16xi32>
      %gather3A_1097 = arith.constant 0 : i32
      %gather3A_1098 = arith.constant 0 : i32
      %gather3A_1099 = tpu.memref_slice %arg7[%scan3A_670, %gather3A_1097, %gather3A_1098] : memref<4x128x128xf32, #tpu.memory_space<vmem>> -> memref<1x128x128xf32, #tpu.memory_space<vmem>>
      %gather3A_1100 = tpu.memref_squeeze %gather3A_1099 : memref<1x128x128xf32, #tpu.memory_space<vmem>> -> memref<128x128xf32, #tpu.memory_space<vmem>>
      %gather3A_1101 = tpu.vector_load_idx %gather3A_1100[%add3A_828, %add3A_1096] : memref<128x128xf32, #tpu.memory_space<vmem>>[vector<16xi32>, vector<16xi32>], vector<16xf32>,
      %swap3A_1102 = arith.constant 0 : i32
      %swap3A_1103 = arith.constant 19 : i32
      %swap3A_1104 = arith.index_cast %swap3A_1102 : i32 to index
      %swap3A_1105 = arith.index_cast %swap3A_1103 : i32 to index
      %swap3A_1106 = arith.index_cast %mul3A_814 : i32 to index
      %swap3A_1107 = tpu.vector_load %arg8[%swap3A_1104, %swap3A_1105, %swap3A_1106] {strides = array<i32>} : memref<2x32x128xf32, #tpu.memory_space<vmem>>, vector<16xf32>,
      tpu.vector_store %arg8[%swap3A_1104, %swap3A_1105, %swap3A_1106], %gather3A_1101 {strides = array<i32>} : memref<2x32x128xf32, #tpu.memory_space<vmem>>, vector<16xf32>,
      %add3A_1108 = arith.constant 20 : i32
      %add3A_1109 = vector.broadcast %add3A_1108 : i32 to vector<16xi32>
      %add3A_1110 = arith.addi %mul3A_826, %add3A_1109 : vector<16xi32>
      %gather3A_1111 = arith.constant 0 : i32
      %gather3A_1112 = arith.constant 0 : i32
      %gather3A_1113 = tpu.memref_slice %arg7[%scan3A_670, %gather3A_1111, %gather3A_1112] : memref<4x128x128xf32, #tpu.memory_space<vmem>> -> memref<1x128x128xf32, #tpu.memory_space<vmem>>
      %gather3A_1114 = tpu.memref_squeeze %gather3A_1113 : memref<1x128x128xf32, #tpu.memory_space<vmem>> -> memref<128x128xf32, #tpu.memory_space<vmem>>
      %gather3A_1115 = tpu.vector_load_idx %gather3A_1114[%add3A_828, %add3A_1110] : memref<128x128xf32, #tpu.memory_space<vmem>>[vector<16xi32>, vector<16xi32>], vector<16xf32>,
      %swap3A_1116 = arith.constant 0 : i32
      %swap3A_1117 = arith.constant 20 : i32
      %swap3A_1118 = arith.index_cast %swap3A_1116 : i32 to index
      %swap3A_1119 = arith.index_cast %swap3A_1117 : i32 to index
      %swap3A_1120 = arith.index_cast %mul3A_814 : i32 to index
      %swap3A_1121 = tpu.vector_load %arg8[%swap3A_1118, %swap3A_1119, %swap3A_1120] {strides = array<i32>} : memref<2x32x128xf32, #tpu.memory_space<vmem>>, vector<16xf32>,
      tpu.vector_store %arg8[%swap3A_1118, %swap3A_1119, %swap3A_1120], %gather3A_1115 {strides = array<i32>} : memref<2x32x128xf32, #tpu.memory_space<vmem>>, vector<16xf32>,
      %add3A_1122 = arith.constant 21 : i32
      %add3A_1123 = vector.broadcast %add3A_1122 : i32 to vector<16xi32>
      %add3A_1124 = arith.addi %mul3A_826, %add3A_1123 : vector<16xi32>
      %gather3A_1125 = arith.constant 0 : i32
      %gather3A_1126 = arith.constant 0 : i32
      %gather3A_1127 = tpu.memref_slice %arg7[%scan3A_670, %gather3A_1125, %gather3A_1126] : memref<4x128x128xf32, #tpu.memory_space<vmem>> -> memref<1x128x128xf32, #tpu.memory_space<vmem>>
      %gather3A_1128 = tpu.memref_squeeze %gather3A_1127 : memref<1x128x128xf32, #tpu.memory_space<vmem>> -> memref<128x128xf32, #tpu.memory_space<vmem>>
      %gather3A_1129 = tpu.vector_load_idx %gather3A_1128[%add3A_828, %add3A_1124] : memref<128x128xf32, #tpu.memory_space<vmem>>[vector<16xi32>, vector<16xi32>], vector<16xf32>,
      %swap3A_1130 = arith.constant 0 : i32
      %swap3A_1131 = arith.constant 21 : i32
      %swap3A_1132 = arith.index_cast %swap3A_1130 : i32 to index
      %swap3A_1133 = arith.index_cast %swap3A_1131 : i32 to index
      %swap3A_1134 = arith.index_cast %mul3A_814 : i32 to index
      %swap3A_1135 = tpu.vector_load %arg8[%swap3A_1132, %swap3A_1133, %swap3A_1134] {strides = array<i32>} : memref<2x32x128xf32, #tpu.memory_space<vmem>>, vector<16xf32>,
      tpu.vector_store %arg8[%swap3A_1132, %swap3A_1133, %swap3A_1134], %gather3A_1129 {strides = array<i32>} : memref<2x32x128xf32, #tpu.memory_space<vmem>>, vector<16xf32>,
      %add3A_1136 = arith.constant 22 : i32
      %add3A_1137 = vector.broadcast %add3A_1136 : i32 to vector<16xi32>
      %add3A_1138 = arith.addi %mul3A_826, %add3A_1137 : vector<16xi32>
      %gather3A_1139 = arith.constant 0 : i32
      %gather3A_1140 = arith.constant 0 : i32
      %gather3A_1141 = tpu.memref_slice %arg7[%scan3A_670, %gather3A_1139, %gather3A_1140] : memref<4x128x128xf32, #tpu.memory_space<vmem>> -> memref<1x128x128xf32, #tpu.memory_space<vmem>>
      %gather3A_1142 = tpu.memref_squeeze %gather3A_1141 : memref<1x128x128xf32, #tpu.memory_space<vmem>> -> memref<128x128xf32, #tpu.memory_space<vmem>>
      %gather3A_1143 = tpu.vector_load_idx %gather3A_1142[%add3A_828, %add3A_1138] : memref<128x128xf32, #tpu.memory_space<vmem>>[vector<16xi32>, vector<16xi32>], vector<16xf32>,
      %swap3A_1144 = arith.constant 0 : i32
      %swap3A_1145 = arith.constant 22 : i32
      %swap3A_1146 = arith.index_cast %swap3A_1144 : i32 to index
      %swap3A_1147 = arith.index_cast %swap3A_1145 : i32 to index
      %swap3A_1148 = arith.index_cast %mul3A_814 : i32 to index
      %swap3A_1149 = tpu.vector_load %arg8[%swap3A_1146, %swap3A_1147, %swap3A_1148] {strides = array<i32>} : memref<2x32x128xf32, #tpu.memory_space<vmem>>, vector<16xf32>,
      tpu.vector_store %arg8[%swap3A_1146, %swap3A_1147, %swap3A_1148], %gather3A_1143 {strides = array<i32>} : memref<2x32x128xf32, #tpu.memory_space<vmem>>, vector<16xf32>,
      %add3A_1150 = arith.constant 23 : i32
      %add3A_1151 = vector.broadcast %add3A_1150 : i32 to vector<16xi32>
      %add3A_1152 = arith.addi %mul3A_826, %add3A_1151 : vector<16xi32>
      %gather3A_1153 = arith.constant 0 : i32
      %gather3A_1154 = arith.constant 0 : i32
      %gather3A_1155 = tpu.memref_slice %arg7[%scan3A_670, %gather3A_1153, %gather3A_1154] : memref<4x128x128xf32, #tpu.memory_space<vmem>> -> memref<1x128x128xf32, #tpu.memory_space<vmem>>
      %gather3A_1156 = tpu.memref_squeeze %gather3A_1155 : memref<1x128x128xf32, #tpu.memory_space<vmem>> -> memref<128x128xf32, #tpu.memory_space<vmem>>
      %gather3A_1157 = tpu.vector_load_idx %gather3A_1156[%add3A_828, %add3A_1152] : memref<128x128xf32, #tpu.memory_space<vmem>>[vector<16xi32>, vector<16xi32>], vector<16xf32>,
      %swap3A_1158 = arith.constant 0 : i32
      %swap3A_1159 = arith.constant 23 : i32
      %swap3A_1160 = arith.index_cast %swap3A_1158 : i32 to index
      %swap3A_1161 = arith.index_cast %swap3A_1159 : i32 to index
      %swap3A_1162 = arith.index_cast %mul3A_814 : i32 to index
      %swap3A_1163 = tpu.vector_load %arg8[%swap3A_1160, %swap3A_1161, %swap3A_1162] {strides = array<i32>} : memref<2x32x128xf32, #tpu.memory_space<vmem>>, vector<16xf32>,
      tpu.vector_store %arg8[%swap3A_1160, %swap3A_1161, %swap3A_1162], %gather3A_1157 {strides = array<i32>} : memref<2x32x128xf32, #tpu.memory_space<vmem>>, vector<16xf32>,
      %add3A_1164 = arith.constant 24 : i32
      %add3A_1165 = vector.broadcast %add3A_1164 : i32 to vector<16xi32>
      %add3A_1166 = arith.addi %mul3A_826, %add3A_1165 : vector<16xi32>
      %gather3A_1167 = arith.constant 0 : i32
      %gather3A_1168 = arith.constant 0 : i32
      %gather3A_1169 = tpu.memref_slice %arg7[%scan3A_670, %gather3A_1167, %gather3A_1168] : memref<4x128x128xf32, #tpu.memory_space<vmem>> -> memref<1x128x128xf32, #tpu.memory_space<vmem>>
      %gather3A_1170 = tpu.memref_squeeze %gather3A_1169 : memref<1x128x128xf32, #tpu.memory_space<vmem>> -> memref<128x128xf32, #tpu.memory_space<vmem>>
      %gather3A_1171 = tpu.vector_load_idx %gather3A_1170[%add3A_828, %add3A_1166] : memref<128x128xf32, #tpu.memory_space<vmem>>[vector<16xi32>, vector<16xi32>], vector<16xf32>,
      %swap3A_1172 = arith.constant 0 : i32
      %swap3A_1173 = arith.constant 24 : i32
      %swap3A_1174 = arith.index_cast %swap3A_1172 : i32 to index
      %swap3A_1175 = arith.index_cast %swap3A_1173 : i32 to index
      %swap3A_1176 = arith.index_cast %mul3A_814 : i32 to index
      %swap3A_1177 = tpu.vector_load %arg8[%swap3A_1174, %swap3A_1175, %swap3A_1176] {strides = array<i32>} : memref<2x32x128xf32, #tpu.memory_space<vmem>>, vector<16xf32>,
      tpu.vector_store %arg8[%swap3A_1174, %swap3A_1175, %swap3A_1176], %gather3A_1171 {strides = array<i32>} : memref<2x32x128xf32, #tpu.memory_space<vmem>>, vector<16xf32>,
      %add3A_1178 = arith.constant 25 : i32
      %add3A_1179 = vector.broadcast %add3A_1178 : i32 to vector<16xi32>
      %add3A_1180 = arith.addi %mul3A_826, %add3A_1179 : vector<16xi32>
      %gather3A_1181 = arith.constant 0 : i32
      %gather3A_1182 = arith.constant 0 : i32
      %gather3A_1183 = tpu.memref_slice %arg7[%scan3A_670, %gather3A_1181, %gather3A_1182] : memref<4x128x128xf32, #tpu.memory_space<vmem>> -> memref<1x128x128xf32, #tpu.memory_space<vmem>>
      %gather3A_1184 = tpu.memref_squeeze %gather3A_1183 : memref<1x128x128xf32, #tpu.memory_space<vmem>> -> memref<128x128xf32, #tpu.memory_space<vmem>>
      %gather3A_1185 = tpu.vector_load_idx %gather3A_1184[%add3A_828, %add3A_1180] : memref<128x128xf32, #tpu.memory_space<vmem>>[vector<16xi32>, vector<16xi32>], vector<16xf32>,
      %swap3A_1186 = arith.constant 0 : i32
      %swap3A_1187 = arith.constant 25 : i32
      %swap3A_1188 = arith.index_cast %swap3A_1186 : i32 to index
      %swap3A_1189 = arith.index_cast %swap3A_1187 : i32 to index
      %swap3A_1190 = arith.index_cast %mul3A_814 : i32 to index
      %swap3A_1191 = tpu.vector_load %arg8[%swap3A_1188, %swap3A_1189, %swap3A_1190] {strides = array<i32>} : memref<2x32x128xf32, #tpu.memory_space<vmem>>, vector<16xf32>,
      tpu.vector_store %arg8[%swap3A_1188, %swap3A_1189, %swap3A_1190], %gather3A_1185 {strides = array<i32>} : memref<2x32x128xf32, #tpu.memory_space<vmem>>, vector<16xf32>,
      %add3A_1192 = arith.constant 26 : i32
      %add3A_1193 = vector.broadcast %add3A_1192 : i32 to vector<16xi32>
      %add3A_1194 = arith.addi %mul3A_826, %add3A_1193 : vector<16xi32>
      %gather3A_1195 = arith.constant 0 : i32
      %gather3A_1196 = arith.constant 0 : i32
      %gather3A_1197 = tpu.memref_slice %arg7[%scan3A_670, %gather3A_1195, %gather3A_1196] : memref<4x128x128xf32, #tpu.memory_space<vmem>> -> memref<1x128x128xf32, #tpu.memory_space<vmem>>
      %gather3A_1198 = tpu.memref_squeeze %gather3A_1197 : memref<1x128x128xf32, #tpu.memory_space<vmem>> -> memref<128x128xf32, #tpu.memory_space<vmem>>
      %gather3A_1199 = tpu.vector_load_idx %gather3A_1198[%add3A_828, %add3A_1194] : memref<128x128xf32, #tpu.memory_space<vmem>>[vector<16xi32>, vector<16xi32>], vector<16xf32>,
      %swap3A_1200 = arith.constant 0 : i32
      %swap3A_1201 = arith.constant 26 : i32
      %swap3A_1202 = arith.index_cast %swap3A_1200 : i32 to index
      %swap3A_1203 = arith.index_cast %swap3A_1201 : i32 to index
      %swap3A_1204 = arith.index_cast %mul3A_814 : i32 to index
      %swap3A_1205 = tpu.vector_load %arg8[%swap3A_1202, %swap3A_1203, %swap3A_1204] {strides = array<i32>} : memref<2x32x128xf32, #tpu.memory_space<vmem>>, vector<16xf32>,
      tpu.vector_store %arg8[%swap3A_1202, %swap3A_1203, %swap3A_1204], %gather3A_1199 {strides = array<i32>} : memref<2x32x128xf32, #tpu.memory_space<vmem>>, vector<16xf32>,
      %add3A_1206 = arith.constant 27 : i32
      %add3A_1207 = vector.broadcast %add3A_1206 : i32 to vector<16xi32>
      %add3A_1208 = arith.addi %mul3A_826, %add3A_1207 : vector<16xi32>
      %gather3A_1209 = arith.constant 0 : i32
      %gather3A_1210 = arith.constant 0 : i32
      %gather3A_1211 = tpu.memref_slice %arg7[%scan3A_670, %gather3A_1209, %gather3A_1210] : memref<4x128x128xf32, #tpu.memory_space<vmem>> -> memref<1x128x128xf32, #tpu.memory_space<vmem>>
      %gather3A_1212 = tpu.memref_squeeze %gather3A_1211 : memref<1x128x128xf32, #tpu.memory_space<vmem>> -> memref<128x128xf32, #tpu.memory_space<vmem>>
      %gather3A_1213 = tpu.vector_load_idx %gather3A_1212[%add3A_828, %add3A_1208] : memref<128x128xf32, #tpu.memory_space<vmem>>[vector<16xi32>, vector<16xi32>], vector<16xf32>,
      %swap3A_1214 = arith.constant 0 : i32
      %swap3A_1215 = arith.constant 27 : i32
      %swap3A_1216 = arith.index_cast %swap3A_1214 : i32 to index
      %swap3A_1217 = arith.index_cast %swap3A_1215 : i32 to index
      %swap3A_1218 = arith.index_cast %mul3A_814 : i32 to index
      %swap3A_1219 = tpu.vector_load %arg8[%swap3A_1216, %swap3A_1217, %swap3A_1218] {strides = array<i32>} : memref<2x32x128xf32, #tpu.memory_space<vmem>>, vector<16xf32>,
      tpu.vector_store %arg8[%swap3A_1216, %swap3A_1217, %swap3A_1218], %gather3A_1213 {strides = array<i32>} : memref<2x32x128xf32, #tpu.memory_space<vmem>>, vector<16xf32>,
      %add3A_1220 = arith.constant 28 : i32
      %add3A_1221 = vector.broadcast %add3A_1220 : i32 to vector<16xi32>
      %add3A_1222 = arith.addi %mul3A_826, %add3A_1221 : vector<16xi32>
      %gather3A_1223 = arith.constant 0 : i32
      %gather3A_1224 = arith.constant 0 : i32
      %gather3A_1225 = tpu.memref_slice %arg7[%scan3A_670, %gather3A_1223, %gather3A_1224] : memref<4x128x128xf32, #tpu.memory_space<vmem>> -> memref<1x128x128xf32, #tpu.memory_space<vmem>>
      %gather3A_1226 = tpu.memref_squeeze %gather3A_1225 : memref<1x128x128xf32, #tpu.memory_space<vmem>> -> memref<128x128xf32, #tpu.memory_space<vmem>>
      %gather3A_1227 = tpu.vector_load_idx %gather3A_1226[%add3A_828, %add3A_1222] : memref<128x128xf32, #tpu.memory_space<vmem>>[vector<16xi32>, vector<16xi32>], vector<16xf32>,
      %swap3A_1228 = arith.constant 0 : i32
      %swap3A_1229 = arith.constant 28 : i32
      %swap3A_1230 = arith.index_cast %swap3A_1228 : i32 to index
      %swap3A_1231 = arith.index_cast %swap3A_1229 : i32 to index
      %swap3A_1232 = arith.index_cast %mul3A_814 : i32 to index
      %swap3A_1233 = tpu.vector_load %arg8[%swap3A_1230, %swap3A_1231, %swap3A_1232] {strides = array<i32>} : memref<2x32x128xf32, #tpu.memory_space<vmem>>, vector<16xf32>,
      tpu.vector_store %arg8[%swap3A_1230, %swap3A_1231, %swap3A_1232], %gather3A_1227 {strides = array<i32>} : memref<2x32x128xf32, #tpu.memory_space<vmem>>, vector<16xf32>,
      %add3A_1234 = arith.constant 29 : i32
      %add3A_1235 = vector.broadcast %add3A_1234 : i32 to vector<16xi32>
      %add3A_1236 = arith.addi %mul3A_826, %add3A_1235 : vector<16xi32>
      %gather3A_1237 = arith.constant 0 : i32
      %gather3A_1238 = arith.constant 0 : i32
      %gather3A_1239 = tpu.memref_slice %arg7[%scan3A_670, %gather3A_1237, %gather3A_1238] : memref<4x128x128xf32, #tpu.memory_space<vmem>> -> memref<1x128x128xf32, #tpu.memory_space<vmem>>
      %gather3A_1240 = tpu.memref_squeeze %gather3A_1239 : memref<1x128x128xf32, #tpu.memory_space<vmem>> -> memref<128x128xf32, #tpu.memory_space<vmem>>
      %gather3A_1241 = tpu.vector_load_idx %gather3A_1240[%add3A_828, %add3A_1236] : memref<128x128xf32, #tpu.memory_space<vmem>>[vector<16xi32>, vector<16xi32>], vector<16xf32>,
      %swap3A_1242 = arith.constant 0 : i32
      %swap3A_1243 = arith.constant 29 : i32
      %swap3A_1244 = arith.index_cast %swap3A_1242 : i32 to index
      %swap3A_1245 = arith.index_cast %swap3A_1243 : i32 to index
      %swap3A_1246 = arith.index_cast %mul3A_814 : i32 to index
      %swap3A_1247 = tpu.vector_load %arg8[%swap3A_1244, %swap3A_1245, %swap3A_1246] {strides = array<i32>} : memref<2x32x128xf32, #tpu.memory_space<vmem>>, vector<16xf32>,
      tpu.vector_store %arg8[%swap3A_1244, %swap3A_1245, %swap3A_1246], %gather3A_1241 {strides = array<i32>} : memref<2x32x128xf32, #tpu.memory_space<vmem>>, vector<16xf32>,
      %add3A_1248 = arith.constant 30 : i32
      %add3A_1249 = vector.broadcast %add3A_1248 : i32 to vector<16xi32>
      %add3A_1250 = arith.addi %mul3A_826, %add3A_1249 : vector<16xi32>
      %gather3A_1251 = arith.constant 0 : i32
      %gather3A_1252 = arith.constant 0 : i32
      %gather3A_1253 = tpu.memref_slice %arg7[%scan3A_670, %gather3A_1251, %gather3A_1252] : memref<4x128x128xf32, #tpu.memory_space<vmem>> -> memref<1x128x128xf32, #tpu.memory_space<vmem>>
      %gather3A_1254 = tpu.memref_squeeze %gather3A_1253 : memref<1x128x128xf32, #tpu.memory_space<vmem>> -> memref<128x128xf32, #tpu.memory_space<vmem>>
      %gather3A_1255 = tpu.vector_load_idx %gather3A_1254[%add3A_828, %add3A_1250] : memref<128x128xf32, #tpu.memory_space<vmem>>[vector<16xi32>, vector<16xi32>], vector<16xf32>,
      %swap3A_1256 = arith.constant 0 : i32
      %swap3A_1257 = arith.constant 30 : i32
      %swap3A_1258 = arith.index_cast %swap3A_1256 : i32 to index
      %swap3A_1259 = arith.index_cast %swap3A_1257 : i32 to index
      %swap3A_1260 = arith.index_cast %mul3A_814 : i32 to index
      %swap3A_1261 = tpu.vector_load %arg8[%swap3A_1258, %swap3A_1259, %swap3A_1260] {strides = array<i32>} : memref<2x32x128xf32, #tpu.memory_space<vmem>>, vector<16xf32>,
      tpu.vector_store %arg8[%swap3A_1258, %swap3A_1259, %swap3A_1260], %gather3A_1255 {strides = array<i32>} : memref<2x32x128xf32, #tpu.memory_space<vmem>>, vector<16xf32>,
      %add3A_1262 = arith.constant 31 : i32
      %add3A_1263 = vector.broadcast %add3A_1262 : i32 to vector<16xi32>
      %add3A_1264 = arith.addi %mul3A_826, %add3A_1263 : vector<16xi32>
      %gather3A_1265 = arith.constant 0 : i32
      %gather3A_1266 = arith.constant 0 : i32
      %gather3A_1267 = tpu.memref_slice %arg7[%scan3A_670, %gather3A_1265, %gather3A_1266] : memref<4x128x128xf32, #tpu.memory_space<vmem>> -> memref<1x128x128xf32, #tpu.memory_space<vmem>>
      %gather3A_1268 = tpu.memref_squeeze %gather3A_1267 : memref<1x128x128xf32, #tpu.memory_space<vmem>> -> memref<128x128xf32, #tpu.memory_space<vmem>>
      %gather3A_1269 = tpu.vector_load_idx %gather3A_1268[%add3A_828, %add3A_1264] : memref<128x128xf32, #tpu.memory_space<vmem>>[vector<16xi32>, vector<16xi32>], vector<16xf32>,
      %swap3A_1270 = arith.constant 0 : i32
      %swap3A_1271 = arith.constant 31 : i32
      %swap3A_1272 = arith.index_cast %swap3A_1270 : i32 to index
      %swap3A_1273 = arith.index_cast %swap3A_1271 : i32 to index
      %swap3A_1274 = arith.index_cast %mul3A_814 : i32 to index
      %swap3A_1275 = tpu.vector_load %arg8[%swap3A_1272, %swap3A_1273, %swap3A_1274] {strides = array<i32>} : memref<2x32x128xf32, #tpu.memory_space<vmem>>, vector<16xf32>,
      tpu.vector_store %arg8[%swap3A_1272, %swap3A_1273, %swap3A_1274], %gather3A_1269 {strides = array<i32>} : memref<2x32x128xf32, #tpu.memory_space<vmem>>, vector<16xf32>,
      %scan3A_1276 = arith.constant 0 : i32
      scf.yield %scan3A_1276 : i32
    }
    %scan3A_677 = arith.constant 8 : i32
    %rem3A_678 = arith.constant 102 : i32
    %rem3A_679 = arith.constant 4 : i32
    %rem3A_680 = arith.remsi %rem3A_678, %rem3A_679 : i32
    %mul3A_681 = arith.constant 128 : i32
    %mul3A_682 = arith.muli %rem3A_680, %mul3A_681 : i32
    %add3A_683 = arith.addi %mul3A_2, %mul3A_682 : i32
    %dma_start3A_684 = arith.constant 0 : i32
    %dma_start3A_685 = arith.constant 25 : i32
    %dma_start3A_686 = arith.constant 0 : i32
    %dma_start3A_687 = arith.constant 0 : i32
    %dma_start3A_688 = tpu.memref_slice %arg8[%dma_start3A_684, %dma_start3A_686, %dma_start3A_687] : memref<2x32x128xf32, #tpu.memory_space<vmem>> -> memref<1x32x128xf32, #tpu.memory_space<vmem>>
    %dma_start3A_689 = tpu.memref_squeeze %dma_start3A_688 : memref<1x32x128xf32, #tpu.memory_space<vmem>> -> memref<32x128xf32, #tpu.memory_space<vmem>>
    %dma_start3A_690 = arith.constant 0 : i32
    %dma_start3A_691 = tpu.memref_slice %arg4[%dma_start3A_685, %dma_start3A_690, %add3A_683] : memref<26x32x16384xf32, #tpu.memory_space<hbm>> -> memref<1x32x128xf32, #tpu.memory_space<hbm>>
    %dma_start3A_692 = tpu.memref_squeeze %dma_start3A_691 : memref<1x32x128xf32, #tpu.memory_space<hbm>> -> memref<32x128xf32, #tpu.memory_space<hbm>>
    %dma_start3A_693 = arith.constant 0 : i32
    %dma_start3A_694 = tpu.memref_slice %arg4[%dma_start3A_685, %dma_start3A_693, %add3A_683] : memref<26x32x16384xf32, #tpu.memory_space<hbm>> -> memref<1x32x128xf32, #tpu.memory_space<hbm>>
    %dma_start3A_695 = tpu.memref_squeeze %dma_start3A_694 : memref<1x32x128xf32, #tpu.memory_space<hbm>> -> memref<32x128xf32, #tpu.memory_space<hbm>>
    %dma_start3A_696 = arith.constant 0 : i32
    %dma_start3A_697 = arith.constant 0 : i32
    %dma_start3A_698 = tpu.memref_slice %arg8[%dma_start3A_684, %dma_start3A_696, %dma_start3A_697] : memref<2x32x128xf32, #tpu.memory_space<vmem>> -> memref<1x32x128xf32, #tpu.memory_space<vmem>>
    %dma_start3A_699 = tpu.memref_squeeze %dma_start3A_698 : memref<1x32x128xf32, #tpu.memory_space<vmem>> -> memref<32x128xf32, #tpu.memory_space<vmem>>
    tpu.enqueue_dma source(%dma_start3A_699 : memref<32x128xf32, #tpu.memory_space<vmem>>) target(%dma_start3A_695 : memref<32x128xf32, #tpu.memory_space<hbm>>) target_semaphore(%arg11 : memref<!tpu.dma_semaphore, #tpu.memory_space<semaphore_mem>>)
    %dma_wait3A_700 = arith.constant 3 : i32
    %dma_wait3A_701 = arith.constant 3 : i32
    %dma_wait3A_702 = arith.constant 0 : i32
    %dma_wait3A_703 = arith.constant 0 : i32
    %dma_wait3A_704 = tpu.memref_slice %arg7[%dma_wait3A_701, %dma_wait3A_702, %dma_wait3A_703] : memref<4x128x128xf32, #tpu.memory_space<vmem>> -> memref<1x128x128xf32, #tpu.memory_space<vmem>>
    %dma_wait3A_705 = tpu.memref_squeeze %dma_wait3A_704 : memref<1x128x128xf32, #tpu.memory_space<vmem>> -> memref<128x128xf32, #tpu.memory_space<vmem>>
    %dma_wait3A_706 = arith.constant 0 : i32
    %dma_wait3A_707 = tpu.memref_slice %arg6[%dma_wait3A_700, %dma_wait3A_706] : memref<4x128xi32, #tpu.memory_space<vmem>> -> memref<1x128xi32, #tpu.memory_space<vmem>>
    %dma_wait3A_708 = tpu.memref_squeeze %dma_wait3A_707 : memref<1x128xi32, #tpu.memory_space<vmem>> -> memref<128xi32, #tpu.memory_space<vmem>>
    %dma_wait3A_709 = arith.constant 0 : i32
    %dma_wait3A_710 = arith.constant 0 : i32
    %dma_wait3A_711 = tpu.memref_slice %arg3[%dma_wait3A_709, %dma_wait3A_710] : memref<250000x128xf32, #tpu.memory_space<hbm>> -> memref<250000x128xf32, #tpu.memory_space<hbm>>
    tpu.wait_indirect_dma semaphore(%arg10 : memref<!tpu.dma_semaphore, #tpu.memory_space<semaphore_mem>>) src(%dma_wait3A_711 : memref<250000x128xf32, #tpu.memory_space<hbm>>) dst(%dma_wait3A_705 : memref<128x128xf32, #tpu.memory_space<vmem>>)
    %rem3A_712 = arith.constant 101 : i32
    %rem3A_713 = arith.constant 4 : i32
    %rem3A_714 = arith.remsi %rem3A_712, %rem3A_713 : i32
    %mul3A_715 = arith.constant 128 : i32
    %mul3A_716 = arith.muli %rem3A_714, %mul3A_715 : i32
    %add3A_717 = arith.addi %mul3A_2, %mul3A_716 : i32
    %dma_wait3A_718 = arith.constant 1 : i32
    %dma_wait3A_719 = arith.constant 25 : i32
    %dma_wait3A_720 = arith.constant 0 : i32
    %dma_wait3A_721 = arith.constant 0 : i32
    %dma_wait3A_722 = tpu.memref_slice %arg8[%dma_wait3A_718, %dma_wait3A_720, %dma_wait3A_721] : memref<2x32x128xf32, #tpu.memory_space<vmem>> -> memref<1x32x128xf32, #tpu.memory_space<vmem>>
    %dma_wait3A_723 = tpu.memref_squeeze %dma_wait3A_722 : memref<1x32x128xf32, #tpu.memory_space<vmem>> -> memref<32x128xf32, #tpu.memory_space<vmem>>
    %dma_wait3A_724 = arith.constant 0 : i32
    %dma_wait3A_725 = tpu.memref_slice %arg4[%dma_wait3A_719, %dma_wait3A_724, %add3A_717] : memref<26x32x16384xf32, #tpu.memory_space<hbm>> -> memref<1x32x128xf32, #tpu.memory_space<hbm>>
    %dma_wait3A_726 = tpu.memref_squeeze %dma_wait3A_725 : memref<1x32x128xf32, #tpu.memory_space<hbm>> -> memref<32x128xf32, #tpu.memory_space<hbm>>
    %dma_wait3A_727 = arith.constant 0 : i32
    %dma_wait3A_728 = tpu.memref_slice %arg4[%dma_wait3A_719, %dma_wait3A_727, %add3A_717] : memref<26x32x16384xf32, #tpu.memory_space<hbm>> -> memref<1x32x128xf32, #tpu.memory_space<hbm>>
    %dma_wait3A_729 = tpu.memref_squeeze %dma_wait3A_728 : memref<1x32x128xf32, #tpu.memory_space<hbm>> -> memref<32x128xf32, #tpu.memory_space<hbm>>
    %dma_wait3A_730 = arith.constant 0 : i32
    %dma_wait3A_731 = arith.constant 0 : i32
    %dma_wait3A_732 = tpu.memref_slice %arg8[%dma_wait3A_718, %dma_wait3A_730, %dma_wait3A_731] : memref<2x32x128xf32, #tpu.memory_space<vmem>> -> memref<1x32x128xf32, #tpu.memory_space<vmem>>
    %dma_wait3A_733 = tpu.memref_squeeze %dma_wait3A_732 : memref<1x32x128xf32, #tpu.memory_space<vmem>> -> memref<32x128xf32, #tpu.memory_space<vmem>>
    tpu.wait_dma2 semaphore(%arg12 : memref<!tpu.dma_semaphore, #tpu.memory_space<semaphore_mem>>) src(%dma_wait3A_733 : memref<32x128xf32, #tpu.memory_space<vmem>>) dst(%dma_wait3A_729 : memref<32x128xf32, #tpu.memory_space<hbm>>)
    %rem3A_734 = arith.constant 103 : i32
    %rem3A_735 = arith.constant 4 : i32
    %rem3A_736 = arith.remsi %rem3A_734, %rem3A_735 : i32
    %scan3A_737 = arith.constant 3 : i32
    %scan3A_738 = arith.constant 0 : i32
    %scan3A_739 = arith.constant 0 : i32
    %scan3A_740 = arith.constant 8 : i32
    %scan3A_741 = arith.addi %scan3A_739, %scan3A_740 : i32
    %scan3A_742 = arith.constant 1 : i32
    %scan3A_743 = scf.for %scan3A_811 = %scan3A_739 to %scan3A_741 step %scan3A_742 iter_args(%scan3A_812 = %scan3A_738) -> (i32)  : i32 {
      %mul3A_813 = arith.constant 16 : i32
      %mul3A_814 = arith.muli %scan3A_811, %mul3A_813 : i32
      %mul3A_815 = arith.constant 128 : i32
      %mul3A_816 = arith.muli %rem3A_736, %mul3A_815 : i32
      %add3A_817 = arith.addi %mul3A_816, %mul3A_814 : i32
      %get3A_818 = arith.constant 25 : i32
      %get3A_819 = arith.index_cast %get3A_818 : i32 to index
      %get3A_820 = arith.index_cast %add3A_817 : i32 to index
      %get3A_821 = tpu.vector_load %arg5[%get3A_819, %get3A_820] {strides = array<i32>} : memref<26x512xi32, #tpu.memory_space<vmem>>, vector<16xi32>,
      %and3A = arith.constant 3 : i32
      %and3A_822 = vector.broadcast %and3A : i32 to vector<16xi32>
      %and3A_823 = arith.andi %get3A_821, %and3A_822 : vector<16xi32>
      %mul3A_824 = arith.constant 32 : i32
      %mul3A_825 = vector.broadcast %mul3A_824 : i32 to vector<16xi32>
      %mul3A_826 = arith.muli %and3A_823, %mul3A_825 : vector<16xi32>
      %add3A_827 = vector.broadcast %mul3A_814 : i32 to vector<16xi32>
      %add3A_828 = arith.addi %iota3A, %add3A_827 : vector<16xi32>
      %add3A_829 = arith.constant 0 : i32
      %add3A_830 = vector.broadcast %add3A_829 : i32 to vector<16xi32>
      %add3A_831 = arith.addi %mul3A_826, %add3A_830 : vector<16xi32>
      %gather3A = arith.constant 0 : i32
      %gather3A_832 = arith.constant 0 : i32
      %gather3A_833 = tpu.memref_slice %arg7[%scan3A_737, %gather3A, %gather3A_832] : memref<4x128x128xf32, #tpu.memory_space<vmem>> -> memref<1x128x128xf32, #tpu.memory_space<vmem>>
      %gather3A_834 = tpu.memref_squeeze %gather3A_833 : memref<1x128x128xf32, #tpu.memory_space<vmem>> -> memref<128x128xf32, #tpu.memory_space<vmem>>
      %gather3A_835 = tpu.vector_load_idx %gather3A_834[%add3A_828, %add3A_831] : memref<128x128xf32, #tpu.memory_space<vmem>>[vector<16xi32>, vector<16xi32>], vector<16xf32>,
      %swap3A_836 = arith.constant 1 : i32
      %swap3A_837 = arith.constant 0 : i32
      %swap3A_838 = arith.index_cast %swap3A_836 : i32 to index
      %swap3A_839 = arith.index_cast %swap3A_837 : i32 to index
      %swap3A_840 = arith.index_cast %mul3A_814 : i32 to index
      %swap3A_841 = tpu.vector_load %arg8[%swap3A_838, %swap3A_839, %swap3A_840] {strides = array<i32>} : memref<2x32x128xf32, #tpu.memory_space<vmem>>, vector<16xf32>,
      tpu.vector_store %arg8[%swap3A_838, %swap3A_839, %swap3A_840], %gather3A_835 {strides = array<i32>} : memref<2x32x128xf32, #tpu.memory_space<vmem>>, vector<16xf32>,
      %add3A_842 = arith.constant 1 : i32
      %add3A_843 = vector.broadcast %add3A_842 : i32 to vector<16xi32>
      %add3A_844 = arith.addi %mul3A_826, %add3A_843 : vector<16xi32>
      %gather3A_845 = arith.constant 0 : i32
      %gather3A_846 = arith.constant 0 : i32
      %gather3A_847 = tpu.memref_slice %arg7[%scan3A_737, %gather3A_845, %gather3A_846] : memref<4x128x128xf32, #tpu.memory_space<vmem>> -> memref<1x128x128xf32, #tpu.memory_space<vmem>>
      %gather3A_848 = tpu.memref_squeeze %gather3A_847 : memref<1x128x128xf32, #tpu.memory_space<vmem>> -> memref<128x128xf32, #tpu.memory_space<vmem>>
      %gather3A_849 = tpu.vector_load_idx %gather3A_848[%add3A_828, %add3A_844] : memref<128x128xf32, #tpu.memory_space<vmem>>[vector<16xi32>, vector<16xi32>], vector<16xf32>,
      %swap3A_850 = arith.constant 1 : i32
      %swap3A_851 = arith.constant 1 : i32
      %swap3A_852 = arith.index_cast %swap3A_850 : i32 to index
      %swap3A_853 = arith.index_cast %swap3A_851 : i32 to index
      %swap3A_854 = arith.index_cast %mul3A_814 : i32 to index
      %swap3A_855 = tpu.vector_load %arg8[%swap3A_852, %swap3A_853, %swap3A_854] {strides = array<i32>} : memref<2x32x128xf32, #tpu.memory_space<vmem>>, vector<16xf32>,
      tpu.vector_store %arg8[%swap3A_852, %swap3A_853, %swap3A_854], %gather3A_849 {strides = array<i32>} : memref<2x32x128xf32, #tpu.memory_space<vmem>>, vector<16xf32>,
      %add3A_856 = arith.constant 2 : i32
      %add3A_857 = vector.broadcast %add3A_856 : i32 to vector<16xi32>
      %add3A_858 = arith.addi %mul3A_826, %add3A_857 : vector<16xi32>
      %gather3A_859 = arith.constant 0 : i32
      %gather3A_860 = arith.constant 0 : i32
      %gather3A_861 = tpu.memref_slice %arg7[%scan3A_737, %gather3A_859, %gather3A_860] : memref<4x128x128xf32, #tpu.memory_space<vmem>> -> memref<1x128x128xf32, #tpu.memory_space<vmem>>
      %gather3A_862 = tpu.memref_squeeze %gather3A_861 : memref<1x128x128xf32, #tpu.memory_space<vmem>> -> memref<128x128xf32, #tpu.memory_space<vmem>>
      %gather3A_863 = tpu.vector_load_idx %gather3A_862[%add3A_828, %add3A_858] : memref<128x128xf32, #tpu.memory_space<vmem>>[vector<16xi32>, vector<16xi32>], vector<16xf32>,
      %swap3A_864 = arith.constant 1 : i32
      %swap3A_865 = arith.constant 2 : i32
      %swap3A_866 = arith.index_cast %swap3A_864 : i32 to index
      %swap3A_867 = arith.index_cast %swap3A_865 : i32 to index
      %swap3A_868 = arith.index_cast %mul3A_814 : i32 to index
      %swap3A_869 = tpu.vector_load %arg8[%swap3A_866, %swap3A_867, %swap3A_868] {strides = array<i32>} : memref<2x32x128xf32, #tpu.memory_space<vmem>>, vector<16xf32>,
      tpu.vector_store %arg8[%swap3A_866, %swap3A_867, %swap3A_868], %gather3A_863 {strides = array<i32>} : memref<2x32x128xf32, #tpu.memory_space<vmem>>, vector<16xf32>,
      %add3A_870 = arith.constant 3 : i32
      %add3A_871 = vector.broadcast %add3A_870 : i32 to vector<16xi32>
      %add3A_872 = arith.addi %mul3A_826, %add3A_871 : vector<16xi32>
      %gather3A_873 = arith.constant 0 : i32
      %gather3A_874 = arith.constant 0 : i32
      %gather3A_875 = tpu.memref_slice %arg7[%scan3A_737, %gather3A_873, %gather3A_874] : memref<4x128x128xf32, #tpu.memory_space<vmem>> -> memref<1x128x128xf32, #tpu.memory_space<vmem>>
      %gather3A_876 = tpu.memref_squeeze %gather3A_875 : memref<1x128x128xf32, #tpu.memory_space<vmem>> -> memref<128x128xf32, #tpu.memory_space<vmem>>
      %gather3A_877 = tpu.vector_load_idx %gather3A_876[%add3A_828, %add3A_872] : memref<128x128xf32, #tpu.memory_space<vmem>>[vector<16xi32>, vector<16xi32>], vector<16xf32>,
      %swap3A_878 = arith.constant 1 : i32
      %swap3A_879 = arith.constant 3 : i32
      %swap3A_880 = arith.index_cast %swap3A_878 : i32 to index
      %swap3A_881 = arith.index_cast %swap3A_879 : i32 to index
      %swap3A_882 = arith.index_cast %mul3A_814 : i32 to index
      %swap3A_883 = tpu.vector_load %arg8[%swap3A_880, %swap3A_881, %swap3A_882] {strides = array<i32>} : memref<2x32x128xf32, #tpu.memory_space<vmem>>, vector<16xf32>,
      tpu.vector_store %arg8[%swap3A_880, %swap3A_881, %swap3A_882], %gather3A_877 {strides = array<i32>} : memref<2x32x128xf32, #tpu.memory_space<vmem>>, vector<16xf32>,
      %add3A_884 = arith.constant 4 : i32
      %add3A_885 = vector.broadcast %add3A_884 : i32 to vector<16xi32>
      %add3A_886 = arith.addi %mul3A_826, %add3A_885 : vector<16xi32>
      %gather3A_887 = arith.constant 0 : i32
      %gather3A_888 = arith.constant 0 : i32
      %gather3A_889 = tpu.memref_slice %arg7[%scan3A_737, %gather3A_887, %gather3A_888] : memref<4x128x128xf32, #tpu.memory_space<vmem>> -> memref<1x128x128xf32, #tpu.memory_space<vmem>>
      %gather3A_890 = tpu.memref_squeeze %gather3A_889 : memref<1x128x128xf32, #tpu.memory_space<vmem>> -> memref<128x128xf32, #tpu.memory_space<vmem>>
      %gather3A_891 = tpu.vector_load_idx %gather3A_890[%add3A_828, %add3A_886] : memref<128x128xf32, #tpu.memory_space<vmem>>[vector<16xi32>, vector<16xi32>], vector<16xf32>,
      %swap3A_892 = arith.constant 1 : i32
      %swap3A_893 = arith.constant 4 : i32
      %swap3A_894 = arith.index_cast %swap3A_892 : i32 to index
      %swap3A_895 = arith.index_cast %swap3A_893 : i32 to index
      %swap3A_896 = arith.index_cast %mul3A_814 : i32 to index
      %swap3A_897 = tpu.vector_load %arg8[%swap3A_894, %swap3A_895, %swap3A_896] {strides = array<i32>} : memref<2x32x128xf32, #tpu.memory_space<vmem>>, vector<16xf32>,
      tpu.vector_store %arg8[%swap3A_894, %swap3A_895, %swap3A_896], %gather3A_891 {strides = array<i32>} : memref<2x32x128xf32, #tpu.memory_space<vmem>>, vector<16xf32>,
      %add3A_898 = arith.constant 5 : i32
      %add3A_899 = vector.broadcast %add3A_898 : i32 to vector<16xi32>
      %add3A_900 = arith.addi %mul3A_826, %add3A_899 : vector<16xi32>
      %gather3A_901 = arith.constant 0 : i32
      %gather3A_902 = arith.constant 0 : i32
      %gather3A_903 = tpu.memref_slice %arg7[%scan3A_737, %gather3A_901, %gather3A_902] : memref<4x128x128xf32, #tpu.memory_space<vmem>> -> memref<1x128x128xf32, #tpu.memory_space<vmem>>
      %gather3A_904 = tpu.memref_squeeze %gather3A_903 : memref<1x128x128xf32, #tpu.memory_space<vmem>> -> memref<128x128xf32, #tpu.memory_space<vmem>>
      %gather3A_905 = tpu.vector_load_idx %gather3A_904[%add3A_828, %add3A_900] : memref<128x128xf32, #tpu.memory_space<vmem>>[vector<16xi32>, vector<16xi32>], vector<16xf32>,
      %swap3A_906 = arith.constant 1 : i32
      %swap3A_907 = arith.constant 5 : i32
      %swap3A_908 = arith.index_cast %swap3A_906 : i32 to index
      %swap3A_909 = arith.index_cast %swap3A_907 : i32 to index
      %swap3A_910 = arith.index_cast %mul3A_814 : i32 to index
      %swap3A_911 = tpu.vector_load %arg8[%swap3A_908, %swap3A_909, %swap3A_910] {strides = array<i32>} : memref<2x32x128xf32, #tpu.memory_space<vmem>>, vector<16xf32>,
      tpu.vector_store %arg8[%swap3A_908, %swap3A_909, %swap3A_910], %gather3A_905 {strides = array<i32>} : memref<2x32x128xf32, #tpu.memory_space<vmem>>, vector<16xf32>,
      %add3A_912 = arith.constant 6 : i32
      %add3A_913 = vector.broadcast %add3A_912 : i32 to vector<16xi32>
      %add3A_914 = arith.addi %mul3A_826, %add3A_913 : vector<16xi32>
      %gather3A_915 = arith.constant 0 : i32
      %gather3A_916 = arith.constant 0 : i32
      %gather3A_917 = tpu.memref_slice %arg7[%scan3A_737, %gather3A_915, %gather3A_916] : memref<4x128x128xf32, #tpu.memory_space<vmem>> -> memref<1x128x128xf32, #tpu.memory_space<vmem>>
      %gather3A_918 = tpu.memref_squeeze %gather3A_917 : memref<1x128x128xf32, #tpu.memory_space<vmem>> -> memref<128x128xf32, #tpu.memory_space<vmem>>
      %gather3A_919 = tpu.vector_load_idx %gather3A_918[%add3A_828, %add3A_914] : memref<128x128xf32, #tpu.memory_space<vmem>>[vector<16xi32>, vector<16xi32>], vector<16xf32>,
      %swap3A_920 = arith.constant 1 : i32
      %swap3A_921 = arith.constant 6 : i32
      %swap3A_922 = arith.index_cast %swap3A_920 : i32 to index
      %swap3A_923 = arith.index_cast %swap3A_921 : i32 to index
      %swap3A_924 = arith.index_cast %mul3A_814 : i32 to index
      %swap3A_925 = tpu.vector_load %arg8[%swap3A_922, %swap3A_923, %swap3A_924] {strides = array<i32>} : memref<2x32x128xf32, #tpu.memory_space<vmem>>, vector<16xf32>,
      tpu.vector_store %arg8[%swap3A_922, %swap3A_923, %swap3A_924], %gather3A_919 {strides = array<i32>} : memref<2x32x128xf32, #tpu.memory_space<vmem>>, vector<16xf32>,
      %add3A_926 = arith.constant 7 : i32
      %add3A_927 = vector.broadcast %add3A_926 : i32 to vector<16xi32>
      %add3A_928 = arith.addi %mul3A_826, %add3A_927 : vector<16xi32>
      %gather3A_929 = arith.constant 0 : i32
      %gather3A_930 = arith.constant 0 : i32
      %gather3A_931 = tpu.memref_slice %arg7[%scan3A_737, %gather3A_929, %gather3A_930] : memref<4x128x128xf32, #tpu.memory_space<vmem>> -> memref<1x128x128xf32, #tpu.memory_space<vmem>>
      %gather3A_932 = tpu.memref_squeeze %gather3A_931 : memref<1x128x128xf32, #tpu.memory_space<vmem>> -> memref<128x128xf32, #tpu.memory_space<vmem>>
      %gather3A_933 = tpu.vector_load_idx %gather3A_932[%add3A_828, %add3A_928] : memref<128x128xf32, #tpu.memory_space<vmem>>[vector<16xi32>, vector<16xi32>], vector<16xf32>,
      %swap3A_934 = arith.constant 1 : i32
      %swap3A_935 = arith.constant 7 : i32
      %swap3A_936 = arith.index_cast %swap3A_934 : i32 to index
      %swap3A_937 = arith.index_cast %swap3A_935 : i32 to index
      %swap3A_938 = arith.index_cast %mul3A_814 : i32 to index
      %swap3A_939 = tpu.vector_load %arg8[%swap3A_936, %swap3A_937, %swap3A_938] {strides = array<i32>} : memref<2x32x128xf32, #tpu.memory_space<vmem>>, vector<16xf32>,
      tpu.vector_store %arg8[%swap3A_936, %swap3A_937, %swap3A_938], %gather3A_933 {strides = array<i32>} : memref<2x32x128xf32, #tpu.memory_space<vmem>>, vector<16xf32>,
      %add3A_940 = arith.constant 8 : i32
      %add3A_941 = vector.broadcast %add3A_940 : i32 to vector<16xi32>
      %add3A_942 = arith.addi %mul3A_826, %add3A_941 : vector<16xi32>
      %gather3A_943 = arith.constant 0 : i32
      %gather3A_944 = arith.constant 0 : i32
      %gather3A_945 = tpu.memref_slice %arg7[%scan3A_737, %gather3A_943, %gather3A_944] : memref<4x128x128xf32, #tpu.memory_space<vmem>> -> memref<1x128x128xf32, #tpu.memory_space<vmem>>
      %gather3A_946 = tpu.memref_squeeze %gather3A_945 : memref<1x128x128xf32, #tpu.memory_space<vmem>> -> memref<128x128xf32, #tpu.memory_space<vmem>>
      %gather3A_947 = tpu.vector_load_idx %gather3A_946[%add3A_828, %add3A_942] : memref<128x128xf32, #tpu.memory_space<vmem>>[vector<16xi32>, vector<16xi32>], vector<16xf32>,
      %swap3A_948 = arith.constant 1 : i32
      %swap3A_949 = arith.constant 8 : i32
      %swap3A_950 = arith.index_cast %swap3A_948 : i32 to index
      %swap3A_951 = arith.index_cast %swap3A_949 : i32 to index
      %swap3A_952 = arith.index_cast %mul3A_814 : i32 to index
      %swap3A_953 = tpu.vector_load %arg8[%swap3A_950, %swap3A_951, %swap3A_952] {strides = array<i32>} : memref<2x32x128xf32, #tpu.memory_space<vmem>>, vector<16xf32>,
      tpu.vector_store %arg8[%swap3A_950, %swap3A_951, %swap3A_952], %gather3A_947 {strides = array<i32>} : memref<2x32x128xf32, #tpu.memory_space<vmem>>, vector<16xf32>,
      %add3A_954 = arith.constant 9 : i32
      %add3A_955 = vector.broadcast %add3A_954 : i32 to vector<16xi32>
      %add3A_956 = arith.addi %mul3A_826, %add3A_955 : vector<16xi32>
      %gather3A_957 = arith.constant 0 : i32
      %gather3A_958 = arith.constant 0 : i32
      %gather3A_959 = tpu.memref_slice %arg7[%scan3A_737, %gather3A_957, %gather3A_958] : memref<4x128x128xf32, #tpu.memory_space<vmem>> -> memref<1x128x128xf32, #tpu.memory_space<vmem>>
      %gather3A_960 = tpu.memref_squeeze %gather3A_959 : memref<1x128x128xf32, #tpu.memory_space<vmem>> -> memref<128x128xf32, #tpu.memory_space<vmem>>
      %gather3A_961 = tpu.vector_load_idx %gather3A_960[%add3A_828, %add3A_956] : memref<128x128xf32, #tpu.memory_space<vmem>>[vector<16xi32>, vector<16xi32>], vector<16xf32>,
      %swap3A_962 = arith.constant 1 : i32
      %swap3A_963 = arith.constant 9 : i32
      %swap3A_964 = arith.index_cast %swap3A_962 : i32 to index
      %swap3A_965 = arith.index_cast %swap3A_963 : i32 to index
      %swap3A_966 = arith.index_cast %mul3A_814 : i32 to index
      %swap3A_967 = tpu.vector_load %arg8[%swap3A_964, %swap3A_965, %swap3A_966] {strides = array<i32>} : memref<2x32x128xf32, #tpu.memory_space<vmem>>, vector<16xf32>,
      tpu.vector_store %arg8[%swap3A_964, %swap3A_965, %swap3A_966], %gather3A_961 {strides = array<i32>} : memref<2x32x128xf32, #tpu.memory_space<vmem>>, vector<16xf32>,
      %add3A_968 = arith.constant 10 : i32
      %add3A_969 = vector.broadcast %add3A_968 : i32 to vector<16xi32>
      %add3A_970 = arith.addi %mul3A_826, %add3A_969 : vector<16xi32>
      %gather3A_971 = arith.constant 0 : i32
      %gather3A_972 = arith.constant 0 : i32
      %gather3A_973 = tpu.memref_slice %arg7[%scan3A_737, %gather3A_971, %gather3A_972] : memref<4x128x128xf32, #tpu.memory_space<vmem>> -> memref<1x128x128xf32, #tpu.memory_space<vmem>>
      %gather3A_974 = tpu.memref_squeeze %gather3A_973 : memref<1x128x128xf32, #tpu.memory_space<vmem>> -> memref<128x128xf32, #tpu.memory_space<vmem>>
      %gather3A_975 = tpu.vector_load_idx %gather3A_974[%add3A_828, %add3A_970] : memref<128x128xf32, #tpu.memory_space<vmem>>[vector<16xi32>, vector<16xi32>], vector<16xf32>,
      %swap3A_976 = arith.constant 1 : i32
      %swap3A_977 = arith.constant 10 : i32
      %swap3A_978 = arith.index_cast %swap3A_976 : i32 to index
      %swap3A_979 = arith.index_cast %swap3A_977 : i32 to index
      %swap3A_980 = arith.index_cast %mul3A_814 : i32 to index
      %swap3A_981 = tpu.vector_load %arg8[%swap3A_978, %swap3A_979, %swap3A_980] {strides = array<i32>} : memref<2x32x128xf32, #tpu.memory_space<vmem>>, vector<16xf32>,
      tpu.vector_store %arg8[%swap3A_978, %swap3A_979, %swap3A_980], %gather3A_975 {strides = array<i32>} : memref<2x32x128xf32, #tpu.memory_space<vmem>>, vector<16xf32>,
      %add3A_982 = arith.constant 11 : i32
      %add3A_983 = vector.broadcast %add3A_982 : i32 to vector<16xi32>
      %add3A_984 = arith.addi %mul3A_826, %add3A_983 : vector<16xi32>
      %gather3A_985 = arith.constant 0 : i32
      %gather3A_986 = arith.constant 0 : i32
      %gather3A_987 = tpu.memref_slice %arg7[%scan3A_737, %gather3A_985, %gather3A_986] : memref<4x128x128xf32, #tpu.memory_space<vmem>> -> memref<1x128x128xf32, #tpu.memory_space<vmem>>
      %gather3A_988 = tpu.memref_squeeze %gather3A_987 : memref<1x128x128xf32, #tpu.memory_space<vmem>> -> memref<128x128xf32, #tpu.memory_space<vmem>>
      %gather3A_989 = tpu.vector_load_idx %gather3A_988[%add3A_828, %add3A_984] : memref<128x128xf32, #tpu.memory_space<vmem>>[vector<16xi32>, vector<16xi32>], vector<16xf32>,
      %swap3A_990 = arith.constant 1 : i32
      %swap3A_991 = arith.constant 11 : i32
      %swap3A_992 = arith.index_cast %swap3A_990 : i32 to index
      %swap3A_993 = arith.index_cast %swap3A_991 : i32 to index
      %swap3A_994 = arith.index_cast %mul3A_814 : i32 to index
      %swap3A_995 = tpu.vector_load %arg8[%swap3A_992, %swap3A_993, %swap3A_994] {strides = array<i32>} : memref<2x32x128xf32, #tpu.memory_space<vmem>>, vector<16xf32>,
      tpu.vector_store %arg8[%swap3A_992, %swap3A_993, %swap3A_994], %gather3A_989 {strides = array<i32>} : memref<2x32x128xf32, #tpu.memory_space<vmem>>, vector<16xf32>,
      %add3A_996 = arith.constant 12 : i32
      %add3A_997 = vector.broadcast %add3A_996 : i32 to vector<16xi32>
      %add3A_998 = arith.addi %mul3A_826, %add3A_997 : vector<16xi32>
      %gather3A_999 = arith.constant 0 : i32
      %gather3A_1000 = arith.constant 0 : i32
      %gather3A_1001 = tpu.memref_slice %arg7[%scan3A_737, %gather3A_999, %gather3A_1000] : memref<4x128x128xf32, #tpu.memory_space<vmem>> -> memref<1x128x128xf32, #tpu.memory_space<vmem>>
      %gather3A_1002 = tpu.memref_squeeze %gather3A_1001 : memref<1x128x128xf32, #tpu.memory_space<vmem>> -> memref<128x128xf32, #tpu.memory_space<vmem>>
      %gather3A_1003 = tpu.vector_load_idx %gather3A_1002[%add3A_828, %add3A_998] : memref<128x128xf32, #tpu.memory_space<vmem>>[vector<16xi32>, vector<16xi32>], vector<16xf32>,
      %swap3A_1004 = arith.constant 1 : i32
      %swap3A_1005 = arith.constant 12 : i32
      %swap3A_1006 = arith.index_cast %swap3A_1004 : i32 to index
      %swap3A_1007 = arith.index_cast %swap3A_1005 : i32 to index
      %swap3A_1008 = arith.index_cast %mul3A_814 : i32 to index
      %swap3A_1009 = tpu.vector_load %arg8[%swap3A_1006, %swap3A_1007, %swap3A_1008] {strides = array<i32>} : memref<2x32x128xf32, #tpu.memory_space<vmem>>, vector<16xf32>,
      tpu.vector_store %arg8[%swap3A_1006, %swap3A_1007, %swap3A_1008], %gather3A_1003 {strides = array<i32>} : memref<2x32x128xf32, #tpu.memory_space<vmem>>, vector<16xf32>,
      %add3A_1010 = arith.constant 13 : i32
      %add3A_1011 = vector.broadcast %add3A_1010 : i32 to vector<16xi32>
      %add3A_1012 = arith.addi %mul3A_826, %add3A_1011 : vector<16xi32>
      %gather3A_1013 = arith.constant 0 : i32
      %gather3A_1014 = arith.constant 0 : i32
      %gather3A_1015 = tpu.memref_slice %arg7[%scan3A_737, %gather3A_1013, %gather3A_1014] : memref<4x128x128xf32, #tpu.memory_space<vmem>> -> memref<1x128x128xf32, #tpu.memory_space<vmem>>
      %gather3A_1016 = tpu.memref_squeeze %gather3A_1015 : memref<1x128x128xf32, #tpu.memory_space<vmem>> -> memref<128x128xf32, #tpu.memory_space<vmem>>
      %gather3A_1017 = tpu.vector_load_idx %gather3A_1016[%add3A_828, %add3A_1012] : memref<128x128xf32, #tpu.memory_space<vmem>>[vector<16xi32>, vector<16xi32>], vector<16xf32>,
      %swap3A_1018 = arith.constant 1 : i32
      %swap3A_1019 = arith.constant 13 : i32
      %swap3A_1020 = arith.index_cast %swap3A_1018 : i32 to index
      %swap3A_1021 = arith.index_cast %swap3A_1019 : i32 to index
      %swap3A_1022 = arith.index_cast %mul3A_814 : i32 to index
      %swap3A_1023 = tpu.vector_load %arg8[%swap3A_1020, %swap3A_1021, %swap3A_1022] {strides = array<i32>} : memref<2x32x128xf32, #tpu.memory_space<vmem>>, vector<16xf32>,
      tpu.vector_store %arg8[%swap3A_1020, %swap3A_1021, %swap3A_1022], %gather3A_1017 {strides = array<i32>} : memref<2x32x128xf32, #tpu.memory_space<vmem>>, vector<16xf32>,
      %add3A_1024 = arith.constant 14 : i32
      %add3A_1025 = vector.broadcast %add3A_1024 : i32 to vector<16xi32>
      %add3A_1026 = arith.addi %mul3A_826, %add3A_1025 : vector<16xi32>
      %gather3A_1027 = arith.constant 0 : i32
      %gather3A_1028 = arith.constant 0 : i32
      %gather3A_1029 = tpu.memref_slice %arg7[%scan3A_737, %gather3A_1027, %gather3A_1028] : memref<4x128x128xf32, #tpu.memory_space<vmem>> -> memref<1x128x128xf32, #tpu.memory_space<vmem>>
      %gather3A_1030 = tpu.memref_squeeze %gather3A_1029 : memref<1x128x128xf32, #tpu.memory_space<vmem>> -> memref<128x128xf32, #tpu.memory_space<vmem>>
      %gather3A_1031 = tpu.vector_load_idx %gather3A_1030[%add3A_828, %add3A_1026] : memref<128x128xf32, #tpu.memory_space<vmem>>[vector<16xi32>, vector<16xi32>], vector<16xf32>,
      %swap3A_1032 = arith.constant 1 : i32
      %swap3A_1033 = arith.constant 14 : i32
      %swap3A_1034 = arith.index_cast %swap3A_1032 : i32 to index
      %swap3A_1035 = arith.index_cast %swap3A_1033 : i32 to index
      %swap3A_1036 = arith.index_cast %mul3A_814 : i32 to index
      %swap3A_1037 = tpu.vector_load %arg8[%swap3A_1034, %swap3A_1035, %swap3A_1036] {strides = array<i32>} : memref<2x32x128xf32, #tpu.memory_space<vmem>>, vector<16xf32>,
      tpu.vector_store %arg8[%swap3A_1034, %swap3A_1035, %swap3A_1036], %gather3A_1031 {strides = array<i32>} : memref<2x32x128xf32, #tpu.memory_space<vmem>>, vector<16xf32>,
      %add3A_1038 = arith.constant 15 : i32
      %add3A_1039 = vector.broadcast %add3A_1038 : i32 to vector<16xi32>
      %add3A_1040 = arith.addi %mul3A_826, %add3A_1039 : vector<16xi32>
      %gather3A_1041 = arith.constant 0 : i32
      %gather3A_1042 = arith.constant 0 : i32
      %gather3A_1043 = tpu.memref_slice %arg7[%scan3A_737, %gather3A_1041, %gather3A_1042] : memref<4x128x128xf32, #tpu.memory_space<vmem>> -> memref<1x128x128xf32, #tpu.memory_space<vmem>>
      %gather3A_1044 = tpu.memref_squeeze %gather3A_1043 : memref<1x128x128xf32, #tpu.memory_space<vmem>> -> memref<128x128xf32, #tpu.memory_space<vmem>>
      %gather3A_1045 = tpu.vector_load_idx %gather3A_1044[%add3A_828, %add3A_1040] : memref<128x128xf32, #tpu.memory_space<vmem>>[vector<16xi32>, vector<16xi32>], vector<16xf32>,
      %swap3A_1046 = arith.constant 1 : i32
      %swap3A_1047 = arith.constant 15 : i32
      %swap3A_1048 = arith.index_cast %swap3A_1046 : i32 to index
      %swap3A_1049 = arith.index_cast %swap3A_1047 : i32 to index
      %swap3A_1050 = arith.index_cast %mul3A_814 : i32 to index
      %swap3A_1051 = tpu.vector_load %arg8[%swap3A_1048, %swap3A_1049, %swap3A_1050] {strides = array<i32>} : memref<2x32x128xf32, #tpu.memory_space<vmem>>, vector<16xf32>,
      tpu.vector_store %arg8[%swap3A_1048, %swap3A_1049, %swap3A_1050], %gather3A_1045 {strides = array<i32>} : memref<2x32x128xf32, #tpu.memory_space<vmem>>, vector<16xf32>,
      %add3A_1052 = arith.constant 16 : i32
      %add3A_1053 = vector.broadcast %add3A_1052 : i32 to vector<16xi32>
      %add3A_1054 = arith.addi %mul3A_826, %add3A_1053 : vector<16xi32>
      %gather3A_1055 = arith.constant 0 : i32
      %gather3A_1056 = arith.constant 0 : i32
      %gather3A_1057 = tpu.memref_slice %arg7[%scan3A_737, %gather3A_1055, %gather3A_1056] : memref<4x128x128xf32, #tpu.memory_space<vmem>> -> memref<1x128x128xf32, #tpu.memory_space<vmem>>
      %gather3A_1058 = tpu.memref_squeeze %gather3A_1057 : memref<1x128x128xf32, #tpu.memory_space<vmem>> -> memref<128x128xf32, #tpu.memory_space<vmem>>
      %gather3A_1059 = tpu.vector_load_idx %gather3A_1058[%add3A_828, %add3A_1054] : memref<128x128xf32, #tpu.memory_space<vmem>>[vector<16xi32>, vector<16xi32>], vector<16xf32>,
      %swap3A_1060 = arith.constant 1 : i32
      %swap3A_1061 = arith.constant 16 : i32
      %swap3A_1062 = arith.index_cast %swap3A_1060 : i32 to index
      %swap3A_1063 = arith.index_cast %swap3A_1061 : i32 to index
      %swap3A_1064 = arith.index_cast %mul3A_814 : i32 to index
      %swap3A_1065 = tpu.vector_load %arg8[%swap3A_1062, %swap3A_1063, %swap3A_1064] {strides = array<i32>} : memref<2x32x128xf32, #tpu.memory_space<vmem>>, vector<16xf32>,
      tpu.vector_store %arg8[%swap3A_1062, %swap3A_1063, %swap3A_1064], %gather3A_1059 {strides = array<i32>} : memref<2x32x128xf32, #tpu.memory_space<vmem>>, vector<16xf32>,
      %add3A_1066 = arith.constant 17 : i32
      %add3A_1067 = vector.broadcast %add3A_1066 : i32 to vector<16xi32>
      %add3A_1068 = arith.addi %mul3A_826, %add3A_1067 : vector<16xi32>
      %gather3A_1069 = arith.constant 0 : i32
      %gather3A_1070 = arith.constant 0 : i32
      %gather3A_1071 = tpu.memref_slice %arg7[%scan3A_737, %gather3A_1069, %gather3A_1070] : memref<4x128x128xf32, #tpu.memory_space<vmem>> -> memref<1x128x128xf32, #tpu.memory_space<vmem>>
      %gather3A_1072 = tpu.memref_squeeze %gather3A_1071 : memref<1x128x128xf32, #tpu.memory_space<vmem>> -> memref<128x128xf32, #tpu.memory_space<vmem>>
      %gather3A_1073 = tpu.vector_load_idx %gather3A_1072[%add3A_828, %add3A_1068] : memref<128x128xf32, #tpu.memory_space<vmem>>[vector<16xi32>, vector<16xi32>], vector<16xf32>,
      %swap3A_1074 = arith.constant 1 : i32
      %swap3A_1075 = arith.constant 17 : i32
      %swap3A_1076 = arith.index_cast %swap3A_1074 : i32 to index
      %swap3A_1077 = arith.index_cast %swap3A_1075 : i32 to index
      %swap3A_1078 = arith.index_cast %mul3A_814 : i32 to index
      %swap3A_1079 = tpu.vector_load %arg8[%swap3A_1076, %swap3A_1077, %swap3A_1078] {strides = array<i32>} : memref<2x32x128xf32, #tpu.memory_space<vmem>>, vector<16xf32>,
      tpu.vector_store %arg8[%swap3A_1076, %swap3A_1077, %swap3A_1078], %gather3A_1073 {strides = array<i32>} : memref<2x32x128xf32, #tpu.memory_space<vmem>>, vector<16xf32>,
      %add3A_1080 = arith.constant 18 : i32
      %add3A_1081 = vector.broadcast %add3A_1080 : i32 to vector<16xi32>
      %add3A_1082 = arith.addi %mul3A_826, %add3A_1081 : vector<16xi32>
      %gather3A_1083 = arith.constant 0 : i32
      %gather3A_1084 = arith.constant 0 : i32
      %gather3A_1085 = tpu.memref_slice %arg7[%scan3A_737, %gather3A_1083, %gather3A_1084] : memref<4x128x128xf32, #tpu.memory_space<vmem>> -> memref<1x128x128xf32, #tpu.memory_space<vmem>>
      %gather3A_1086 = tpu.memref_squeeze %gather3A_1085 : memref<1x128x128xf32, #tpu.memory_space<vmem>> -> memref<128x128xf32, #tpu.memory_space<vmem>>
      %gather3A_1087 = tpu.vector_load_idx %gather3A_1086[%add3A_828, %add3A_1082] : memref<128x128xf32, #tpu.memory_space<vmem>>[vector<16xi32>, vector<16xi32>], vector<16xf32>,
      %swap3A_1088 = arith.constant 1 : i32
      %swap3A_1089 = arith.constant 18 : i32
      %swap3A_1090 = arith.index_cast %swap3A_1088 : i32 to index
      %swap3A_1091 = arith.index_cast %swap3A_1089 : i32 to index
      %swap3A_1092 = arith.index_cast %mul3A_814 : i32 to index
      %swap3A_1093 = tpu.vector_load %arg8[%swap3A_1090, %swap3A_1091, %swap3A_1092] {strides = array<i32>} : memref<2x32x128xf32, #tpu.memory_space<vmem>>, vector<16xf32>,
      tpu.vector_store %arg8[%swap3A_1090, %swap3A_1091, %swap3A_1092], %gather3A_1087 {strides = array<i32>} : memref<2x32x128xf32, #tpu.memory_space<vmem>>, vector<16xf32>,
      %add3A_1094 = arith.constant 19 : i32
      %add3A_1095 = vector.broadcast %add3A_1094 : i32 to vector<16xi32>
      %add3A_1096 = arith.addi %mul3A_826, %add3A_1095 : vector<16xi32>
      %gather3A_1097 = arith.constant 0 : i32
      %gather3A_1098 = arith.constant 0 : i32
      %gather3A_1099 = tpu.memref_slice %arg7[%scan3A_737, %gather3A_1097, %gather3A_1098] : memref<4x128x128xf32, #tpu.memory_space<vmem>> -> memref<1x128x128xf32, #tpu.memory_space<vmem>>
      %gather3A_1100 = tpu.memref_squeeze %gather3A_1099 : memref<1x128x128xf32, #tpu.memory_space<vmem>> -> memref<128x128xf32, #tpu.memory_space<vmem>>
      %gather3A_1101 = tpu.vector_load_idx %gather3A_1100[%add3A_828, %add3A_1096] : memref<128x128xf32, #tpu.memory_space<vmem>>[vector<16xi32>, vector<16xi32>], vector<16xf32>,
      %swap3A_1102 = arith.constant 1 : i32
      %swap3A_1103 = arith.constant 19 : i32
      %swap3A_1104 = arith.index_cast %swap3A_1102 : i32 to index
      %swap3A_1105 = arith.index_cast %swap3A_1103 : i32 to index
      %swap3A_1106 = arith.index_cast %mul3A_814 : i32 to index
      %swap3A_1107 = tpu.vector_load %arg8[%swap3A_1104, %swap3A_1105, %swap3A_1106] {strides = array<i32>} : memref<2x32x128xf32, #tpu.memory_space<vmem>>, vector<16xf32>,
      tpu.vector_store %arg8[%swap3A_1104, %swap3A_1105, %swap3A_1106], %gather3A_1101 {strides = array<i32>} : memref<2x32x128xf32, #tpu.memory_space<vmem>>, vector<16xf32>,
      %add3A_1108 = arith.constant 20 : i32
      %add3A_1109 = vector.broadcast %add3A_1108 : i32 to vector<16xi32>
      %add3A_1110 = arith.addi %mul3A_826, %add3A_1109 : vector<16xi32>
      %gather3A_1111 = arith.constant 0 : i32
      %gather3A_1112 = arith.constant 0 : i32
      %gather3A_1113 = tpu.memref_slice %arg7[%scan3A_737, %gather3A_1111, %gather3A_1112] : memref<4x128x128xf32, #tpu.memory_space<vmem>> -> memref<1x128x128xf32, #tpu.memory_space<vmem>>
      %gather3A_1114 = tpu.memref_squeeze %gather3A_1113 : memref<1x128x128xf32, #tpu.memory_space<vmem>> -> memref<128x128xf32, #tpu.memory_space<vmem>>
      %gather3A_1115 = tpu.vector_load_idx %gather3A_1114[%add3A_828, %add3A_1110] : memref<128x128xf32, #tpu.memory_space<vmem>>[vector<16xi32>, vector<16xi32>], vector<16xf32>,
      %swap3A_1116 = arith.constant 1 : i32
      %swap3A_1117 = arith.constant 20 : i32
      %swap3A_1118 = arith.index_cast %swap3A_1116 : i32 to index
      %swap3A_1119 = arith.index_cast %swap3A_1117 : i32 to index
      %swap3A_1120 = arith.index_cast %mul3A_814 : i32 to index
      %swap3A_1121 = tpu.vector_load %arg8[%swap3A_1118, %swap3A_1119, %swap3A_1120] {strides = array<i32>} : memref<2x32x128xf32, #tpu.memory_space<vmem>>, vector<16xf32>,
      tpu.vector_store %arg8[%swap3A_1118, %swap3A_1119, %swap3A_1120], %gather3A_1115 {strides = array<i32>} : memref<2x32x128xf32, #tpu.memory_space<vmem>>, vector<16xf32>,
      %add3A_1122 = arith.constant 21 : i32
      %add3A_1123 = vector.broadcast %add3A_1122 : i32 to vector<16xi32>
      %add3A_1124 = arith.addi %mul3A_826, %add3A_1123 : vector<16xi32>
      %gather3A_1125 = arith.constant 0 : i32
      %gather3A_1126 = arith.constant 0 : i32
      %gather3A_1127 = tpu.memref_slice %arg7[%scan3A_737, %gather3A_1125, %gather3A_1126] : memref<4x128x128xf32, #tpu.memory_space<vmem>> -> memref<1x128x128xf32, #tpu.memory_space<vmem>>
      %gather3A_1128 = tpu.memref_squeeze %gather3A_1127 : memref<1x128x128xf32, #tpu.memory_space<vmem>> -> memref<128x128xf32, #tpu.memory_space<vmem>>
      %gather3A_1129 = tpu.vector_load_idx %gather3A_1128[%add3A_828, %add3A_1124] : memref<128x128xf32, #tpu.memory_space<vmem>>[vector<16xi32>, vector<16xi32>], vector<16xf32>,
      %swap3A_1130 = arith.constant 1 : i32
      %swap3A_1131 = arith.constant 21 : i32
      %swap3A_1132 = arith.index_cast %swap3A_1130 : i32 to index
      %swap3A_1133 = arith.index_cast %swap3A_1131 : i32 to index
      %swap3A_1134 = arith.index_cast %mul3A_814 : i32 to index
      %swap3A_1135 = tpu.vector_load %arg8[%swap3A_1132, %swap3A_1133, %swap3A_1134] {strides = array<i32>} : memref<2x32x128xf32, #tpu.memory_space<vmem>>, vector<16xf32>,
      tpu.vector_store %arg8[%swap3A_1132, %swap3A_1133, %swap3A_1134], %gather3A_1129 {strides = array<i32>} : memref<2x32x128xf32, #tpu.memory_space<vmem>>, vector<16xf32>,
      %add3A_1136 = arith.constant 22 : i32
      %add3A_1137 = vector.broadcast %add3A_1136 : i32 to vector<16xi32>
      %add3A_1138 = arith.addi %mul3A_826, %add3A_1137 : vector<16xi32>
      %gather3A_1139 = arith.constant 0 : i32
      %gather3A_1140 = arith.constant 0 : i32
      %gather3A_1141 = tpu.memref_slice %arg7[%scan3A_737, %gather3A_1139, %gather3A_1140] : memref<4x128x128xf32, #tpu.memory_space<vmem>> -> memref<1x128x128xf32, #tpu.memory_space<vmem>>
      %gather3A_1142 = tpu.memref_squeeze %gather3A_1141 : memref<1x128x128xf32, #tpu.memory_space<vmem>> -> memref<128x128xf32, #tpu.memory_space<vmem>>
      %gather3A_1143 = tpu.vector_load_idx %gather3A_1142[%add3A_828, %add3A_1138] : memref<128x128xf32, #tpu.memory_space<vmem>>[vector<16xi32>, vector<16xi32>], vector<16xf32>,
      %swap3A_1144 = arith.constant 1 : i32
      %swap3A_1145 = arith.constant 22 : i32
      %swap3A_1146 = arith.index_cast %swap3A_1144 : i32 to index
      %swap3A_1147 = arith.index_cast %swap3A_1145 : i32 to index
      %swap3A_1148 = arith.index_cast %mul3A_814 : i32 to index
      %swap3A_1149 = tpu.vector_load %arg8[%swap3A_1146, %swap3A_1147, %swap3A_1148] {strides = array<i32>} : memref<2x32x128xf32, #tpu.memory_space<vmem>>, vector<16xf32>,
      tpu.vector_store %arg8[%swap3A_1146, %swap3A_1147, %swap3A_1148], %gather3A_1143 {strides = array<i32>} : memref<2x32x128xf32, #tpu.memory_space<vmem>>, vector<16xf32>,
      %add3A_1150 = arith.constant 23 : i32
      %add3A_1151 = vector.broadcast %add3A_1150 : i32 to vector<16xi32>
      %add3A_1152 = arith.addi %mul3A_826, %add3A_1151 : vector<16xi32>
      %gather3A_1153 = arith.constant 0 : i32
      %gather3A_1154 = arith.constant 0 : i32
      %gather3A_1155 = tpu.memref_slice %arg7[%scan3A_737, %gather3A_1153, %gather3A_1154] : memref<4x128x128xf32, #tpu.memory_space<vmem>> -> memref<1x128x128xf32, #tpu.memory_space<vmem>>
      %gather3A_1156 = tpu.memref_squeeze %gather3A_1155 : memref<1x128x128xf32, #tpu.memory_space<vmem>> -> memref<128x128xf32, #tpu.memory_space<vmem>>
      %gather3A_1157 = tpu.vector_load_idx %gather3A_1156[%add3A_828, %add3A_1152] : memref<128x128xf32, #tpu.memory_space<vmem>>[vector<16xi32>, vector<16xi32>], vector<16xf32>,
      %swap3A_1158 = arith.constant 1 : i32
      %swap3A_1159 = arith.constant 23 : i32
      %swap3A_1160 = arith.index_cast %swap3A_1158 : i32 to index
      %swap3A_1161 = arith.index_cast %swap3A_1159 : i32 to index
      %swap3A_1162 = arith.index_cast %mul3A_814 : i32 to index
      %swap3A_1163 = tpu.vector_load %arg8[%swap3A_1160, %swap3A_1161, %swap3A_1162] {strides = array<i32>} : memref<2x32x128xf32, #tpu.memory_space<vmem>>, vector<16xf32>,
      tpu.vector_store %arg8[%swap3A_1160, %swap3A_1161, %swap3A_1162], %gather3A_1157 {strides = array<i32>} : memref<2x32x128xf32, #tpu.memory_space<vmem>>, vector<16xf32>,
      %add3A_1164 = arith.constant 24 : i32
      %add3A_1165 = vector.broadcast %add3A_1164 : i32 to vector<16xi32>
      %add3A_1166 = arith.addi %mul3A_826, %add3A_1165 : vector<16xi32>
      %gather3A_1167 = arith.constant 0 : i32
      %gather3A_1168 = arith.constant 0 : i32
      %gather3A_1169 = tpu.memref_slice %arg7[%scan3A_737, %gather3A_1167, %gather3A_1168] : memref<4x128x128xf32, #tpu.memory_space<vmem>> -> memref<1x128x128xf32, #tpu.memory_space<vmem>>
      %gather3A_1170 = tpu.memref_squeeze %gather3A_1169 : memref<1x128x128xf32, #tpu.memory_space<vmem>> -> memref<128x128xf32, #tpu.memory_space<vmem>>
      %gather3A_1171 = tpu.vector_load_idx %gather3A_1170[%add3A_828, %add3A_1166] : memref<128x128xf32, #tpu.memory_space<vmem>>[vector<16xi32>, vector<16xi32>], vector<16xf32>,
      %swap3A_1172 = arith.constant 1 : i32
      %swap3A_1173 = arith.constant 24 : i32
      %swap3A_1174 = arith.index_cast %swap3A_1172 : i32 to index
      %swap3A_1175 = arith.index_cast %swap3A_1173 : i32 to index
      %swap3A_1176 = arith.index_cast %mul3A_814 : i32 to index
      %swap3A_1177 = tpu.vector_load %arg8[%swap3A_1174, %swap3A_1175, %swap3A_1176] {strides = array<i32>} : memref<2x32x128xf32, #tpu.memory_space<vmem>>, vector<16xf32>,
      tpu.vector_store %arg8[%swap3A_1174, %swap3A_1175, %swap3A_1176], %gather3A_1171 {strides = array<i32>} : memref<2x32x128xf32, #tpu.memory_space<vmem>>, vector<16xf32>,
      %add3A_1178 = arith.constant 25 : i32
      %add3A_1179 = vector.broadcast %add3A_1178 : i32 to vector<16xi32>
      %add3A_1180 = arith.addi %mul3A_826, %add3A_1179 : vector<16xi32>
      %gather3A_1181 = arith.constant 0 : i32
      %gather3A_1182 = arith.constant 0 : i32
      %gather3A_1183 = tpu.memref_slice %arg7[%scan3A_737, %gather3A_1181, %gather3A_1182] : memref<4x128x128xf32, #tpu.memory_space<vmem>> -> memref<1x128x128xf32, #tpu.memory_space<vmem>>
      %gather3A_1184 = tpu.memref_squeeze %gather3A_1183 : memref<1x128x128xf32, #tpu.memory_space<vmem>> -> memref<128x128xf32, #tpu.memory_space<vmem>>
      %gather3A_1185 = tpu.vector_load_idx %gather3A_1184[%add3A_828, %add3A_1180] : memref<128x128xf32, #tpu.memory_space<vmem>>[vector<16xi32>, vector<16xi32>], vector<16xf32>,
      %swap3A_1186 = arith.constant 1 : i32
      %swap3A_1187 = arith.constant 25 : i32
      %swap3A_1188 = arith.index_cast %swap3A_1186 : i32 to index
      %swap3A_1189 = arith.index_cast %swap3A_1187 : i32 to index
      %swap3A_1190 = arith.index_cast %mul3A_814 : i32 to index
      %swap3A_1191 = tpu.vector_load %arg8[%swap3A_1188, %swap3A_1189, %swap3A_1190] {strides = array<i32>} : memref<2x32x128xf32, #tpu.memory_space<vmem>>, vector<16xf32>,
      tpu.vector_store %arg8[%swap3A_1188, %swap3A_1189, %swap3A_1190], %gather3A_1185 {strides = array<i32>} : memref<2x32x128xf32, #tpu.memory_space<vmem>>, vector<16xf32>,
      %add3A_1192 = arith.constant 26 : i32
      %add3A_1193 = vector.broadcast %add3A_1192 : i32 to vector<16xi32>
      %add3A_1194 = arith.addi %mul3A_826, %add3A_1193 : vector<16xi32>
      %gather3A_1195 = arith.constant 0 : i32
      %gather3A_1196 = arith.constant 0 : i32
      %gather3A_1197 = tpu.memref_slice %arg7[%scan3A_737, %gather3A_1195, %gather3A_1196] : memref<4x128x128xf32, #tpu.memory_space<vmem>> -> memref<1x128x128xf32, #tpu.memory_space<vmem>>
      %gather3A_1198 = tpu.memref_squeeze %gather3A_1197 : memref<1x128x128xf32, #tpu.memory_space<vmem>> -> memref<128x128xf32, #tpu.memory_space<vmem>>
      %gather3A_1199 = tpu.vector_load_idx %gather3A_1198[%add3A_828, %add3A_1194] : memref<128x128xf32, #tpu.memory_space<vmem>>[vector<16xi32>, vector<16xi32>], vector<16xf32>,
      %swap3A_1200 = arith.constant 1 : i32
      %swap3A_1201 = arith.constant 26 : i32
      %swap3A_1202 = arith.index_cast %swap3A_1200 : i32 to index
      %swap3A_1203 = arith.index_cast %swap3A_1201 : i32 to index
      %swap3A_1204 = arith.index_cast %mul3A_814 : i32 to index
      %swap3A_1205 = tpu.vector_load %arg8[%swap3A_1202, %swap3A_1203, %swap3A_1204] {strides = array<i32>} : memref<2x32x128xf32, #tpu.memory_space<vmem>>, vector<16xf32>,
      tpu.vector_store %arg8[%swap3A_1202, %swap3A_1203, %swap3A_1204], %gather3A_1199 {strides = array<i32>} : memref<2x32x128xf32, #tpu.memory_space<vmem>>, vector<16xf32>,
      %add3A_1206 = arith.constant 27 : i32
      %add3A_1207 = vector.broadcast %add3A_1206 : i32 to vector<16xi32>
      %add3A_1208 = arith.addi %mul3A_826, %add3A_1207 : vector<16xi32>
      %gather3A_1209 = arith.constant 0 : i32
      %gather3A_1210 = arith.constant 0 : i32
      %gather3A_1211 = tpu.memref_slice %arg7[%scan3A_737, %gather3A_1209, %gather3A_1210] : memref<4x128x128xf32, #tpu.memory_space<vmem>> -> memref<1x128x128xf32, #tpu.memory_space<vmem>>
      %gather3A_1212 = tpu.memref_squeeze %gather3A_1211 : memref<1x128x128xf32, #tpu.memory_space<vmem>> -> memref<128x128xf32, #tpu.memory_space<vmem>>
      %gather3A_1213 = tpu.vector_load_idx %gather3A_1212[%add3A_828, %add3A_1208] : memref<128x128xf32, #tpu.memory_space<vmem>>[vector<16xi32>, vector<16xi32>], vector<16xf32>,
      %swap3A_1214 = arith.constant 1 : i32
      %swap3A_1215 = arith.constant 27 : i32
      %swap3A_1216 = arith.index_cast %swap3A_1214 : i32 to index
      %swap3A_1217 = arith.index_cast %swap3A_1215 : i32 to index
      %swap3A_1218 = arith.index_cast %mul3A_814 : i32 to index
      %swap3A_1219 = tpu.vector_load %arg8[%swap3A_1216, %swap3A_1217, %swap3A_1218] {strides = array<i32>} : memref<2x32x128xf32, #tpu.memory_space<vmem>>, vector<16xf32>,
      tpu.vector_store %arg8[%swap3A_1216, %swap3A_1217, %swap3A_1218], %gather3A_1213 {strides = array<i32>} : memref<2x32x128xf32, #tpu.memory_space<vmem>>, vector<16xf32>,
      %add3A_1220 = arith.constant 28 : i32
      %add3A_1221 = vector.broadcast %add3A_1220 : i32 to vector<16xi32>
      %add3A_1222 = arith.addi %mul3A_826, %add3A_1221 : vector<16xi32>
      %gather3A_1223 = arith.constant 0 : i32
      %gather3A_1224 = arith.constant 0 : i32
      %gather3A_1225 = tpu.memref_slice %arg7[%scan3A_737, %gather3A_1223, %gather3A_1224] : memref<4x128x128xf32, #tpu.memory_space<vmem>> -> memref<1x128x128xf32, #tpu.memory_space<vmem>>
      %gather3A_1226 = tpu.memref_squeeze %gather3A_1225 : memref<1x128x128xf32, #tpu.memory_space<vmem>> -> memref<128x128xf32, #tpu.memory_space<vmem>>
      %gather3A_1227 = tpu.vector_load_idx %gather3A_1226[%add3A_828, %add3A_1222] : memref<128x128xf32, #tpu.memory_space<vmem>>[vector<16xi32>, vector<16xi32>], vector<16xf32>,
      %swap3A_1228 = arith.constant 1 : i32
      %swap3A_1229 = arith.constant 28 : i32
      %swap3A_1230 = arith.index_cast %swap3A_1228 : i32 to index
      %swap3A_1231 = arith.index_cast %swap3A_1229 : i32 to index
      %swap3A_1232 = arith.index_cast %mul3A_814 : i32 to index
      %swap3A_1233 = tpu.vector_load %arg8[%swap3A_1230, %swap3A_1231, %swap3A_1232] {strides = array<i32>} : memref<2x32x128xf32, #tpu.memory_space<vmem>>, vector<16xf32>,
      tpu.vector_store %arg8[%swap3A_1230, %swap3A_1231, %swap3A_1232], %gather3A_1227 {strides = array<i32>} : memref<2x32x128xf32, #tpu.memory_space<vmem>>, vector<16xf32>,
      %add3A_1234 = arith.constant 29 : i32
      %add3A_1235 = vector.broadcast %add3A_1234 : i32 to vector<16xi32>
      %add3A_1236 = arith.addi %mul3A_826, %add3A_1235 : vector<16xi32>
      %gather3A_1237 = arith.constant 0 : i32
      %gather3A_1238 = arith.constant 0 : i32
      %gather3A_1239 = tpu.memref_slice %arg7[%scan3A_737, %gather3A_1237, %gather3A_1238] : memref<4x128x128xf32, #tpu.memory_space<vmem>> -> memref<1x128x128xf32, #tpu.memory_space<vmem>>
      %gather3A_1240 = tpu.memref_squeeze %gather3A_1239 : memref<1x128x128xf32, #tpu.memory_space<vmem>> -> memref<128x128xf32, #tpu.memory_space<vmem>>
      %gather3A_1241 = tpu.vector_load_idx %gather3A_1240[%add3A_828, %add3A_1236] : memref<128x128xf32, #tpu.memory_space<vmem>>[vector<16xi32>, vector<16xi32>], vector<16xf32>,
      %swap3A_1242 = arith.constant 1 : i32
      %swap3A_1243 = arith.constant 29 : i32
      %swap3A_1244 = arith.index_cast %swap3A_1242 : i32 to index
      %swap3A_1245 = arith.index_cast %swap3A_1243 : i32 to index
      %swap3A_1246 = arith.index_cast %mul3A_814 : i32 to index
      %swap3A_1247 = tpu.vector_load %arg8[%swap3A_1244, %swap3A_1245, %swap3A_1246] {strides = array<i32>} : memref<2x32x128xf32, #tpu.memory_space<vmem>>, vector<16xf32>,
      tpu.vector_store %arg8[%swap3A_1244, %swap3A_1245, %swap3A_1246], %gather3A_1241 {strides = array<i32>} : memref<2x32x128xf32, #tpu.memory_space<vmem>>, vector<16xf32>,
      %add3A_1248 = arith.constant 30 : i32
      %add3A_1249 = vector.broadcast %add3A_1248 : i32 to vector<16xi32>
      %add3A_1250 = arith.addi %mul3A_826, %add3A_1249 : vector<16xi32>
      %gather3A_1251 = arith.constant 0 : i32
      %gather3A_1252 = arith.constant 0 : i32
      %gather3A_1253 = tpu.memref_slice %arg7[%scan3A_737, %gather3A_1251, %gather3A_1252] : memref<4x128x128xf32, #tpu.memory_space<vmem>> -> memref<1x128x128xf32, #tpu.memory_space<vmem>>
      %gather3A_1254 = tpu.memref_squeeze %gather3A_1253 : memref<1x128x128xf32, #tpu.memory_space<vmem>> -> memref<128x128xf32, #tpu.memory_space<vmem>>
      %gather3A_1255 = tpu.vector_load_idx %gather3A_1254[%add3A_828, %add3A_1250] : memref<128x128xf32, #tpu.memory_space<vmem>>[vector<16xi32>, vector<16xi32>], vector<16xf32>,
      %swap3A_1256 = arith.constant 1 : i32
      %swap3A_1257 = arith.constant 30 : i32
      %swap3A_1258 = arith.index_cast %swap3A_1256 : i32 to index
      %swap3A_1259 = arith.index_cast %swap3A_1257 : i32 to index
      %swap3A_1260 = arith.index_cast %mul3A_814 : i32 to index
      %swap3A_1261 = tpu.vector_load %arg8[%swap3A_1258, %swap3A_1259, %swap3A_1260] {strides = array<i32>} : memref<2x32x128xf32, #tpu.memory_space<vmem>>, vector<16xf32>,
      tpu.vector_store %arg8[%swap3A_1258, %swap3A_1259, %swap3A_1260], %gather3A_1255 {strides = array<i32>} : memref<2x32x128xf32, #tpu.memory_space<vmem>>, vector<16xf32>,
      %add3A_1262 = arith.constant 31 : i32
      %add3A_1263 = vector.broadcast %add3A_1262 : i32 to vector<16xi32>
      %add3A_1264 = arith.addi %mul3A_826, %add3A_1263 : vector<16xi32>
      %gather3A_1265 = arith.constant 0 : i32
      %gather3A_1266 = arith.constant 0 : i32
      %gather3A_1267 = tpu.memref_slice %arg7[%scan3A_737, %gather3A_1265, %gather3A_1266] : memref<4x128x128xf32, #tpu.memory_space<vmem>> -> memref<1x128x128xf32, #tpu.memory_space<vmem>>
      %gather3A_1268 = tpu.memref_squeeze %gather3A_1267 : memref<1x128x128xf32, #tpu.memory_space<vmem>> -> memref<128x128xf32, #tpu.memory_space<vmem>>
      %gather3A_1269 = tpu.vector_load_idx %gather3A_1268[%add3A_828, %add3A_1264] : memref<128x128xf32, #tpu.memory_space<vmem>>[vector<16xi32>, vector<16xi32>], vector<16xf32>,
      %swap3A_1270 = arith.constant 1 : i32
      %swap3A_1271 = arith.constant 31 : i32
      %swap3A_1272 = arith.index_cast %swap3A_1270 : i32 to index
      %swap3A_1273 = arith.index_cast %swap3A_1271 : i32 to index
      %swap3A_1274 = arith.index_cast %mul3A_814 : i32 to index
      %swap3A_1275 = tpu.vector_load %arg8[%swap3A_1272, %swap3A_1273, %swap3A_1274] {strides = array<i32>} : memref<2x32x128xf32, #tpu.memory_space<vmem>>, vector<16xf32>,
      tpu.vector_store %arg8[%swap3A_1272, %swap3A_1273, %swap3A_1274], %gather3A_1269 {strides = array<i32>} : memref<2x32x128xf32, #tpu.memory_space<vmem>>, vector<16xf32>,
      %scan3A_1276 = arith.constant 0 : i32
      scf.yield %scan3A_1276 : i32
    }
    %scan3A_744 = arith.constant 8 : i32
    %rem3A_745 = arith.constant 103 : i32
    %rem3A_746 = arith.constant 4 : i32
    %rem3A_747 = arith.remsi %rem3A_745, %rem3A_746 : i32
    %mul3A_748 = arith.constant 128 : i32
    %mul3A_749 = arith.muli %rem3A_747, %mul3A_748 : i32
    %add3A_750 = arith.addi %mul3A_2, %mul3A_749 : i32
    %dma_start3A_751 = arith.constant 1 : i32
    %dma_start3A_752 = arith.constant 25 : i32
    %dma_start3A_753 = arith.constant 0 : i32
    %dma_start3A_754 = arith.constant 0 : i32
    %dma_start3A_755 = tpu.memref_slice %arg8[%dma_start3A_751, %dma_start3A_753, %dma_start3A_754] : memref<2x32x128xf32, #tpu.memory_space<vmem>> -> memref<1x32x128xf32, #tpu.memory_space<vmem>>
    %dma_start3A_756 = tpu.memref_squeeze %dma_start3A_755 : memref<1x32x128xf32, #tpu.memory_space<vmem>> -> memref<32x128xf32, #tpu.memory_space<vmem>>
    %dma_start3A_757 = arith.constant 0 : i32
    %dma_start3A_758 = tpu.memref_slice %arg4[%dma_start3A_752, %dma_start3A_757, %add3A_750] : memref<26x32x16384xf32, #tpu.memory_space<hbm>> -> memref<1x32x128xf32, #tpu.memory_space<hbm>>
    %dma_start3A_759 = tpu.memref_squeeze %dma_start3A_758 : memref<1x32x128xf32, #tpu.memory_space<hbm>> -> memref<32x128xf32, #tpu.memory_space<hbm>>
    %dma_start3A_760 = arith.constant 0 : i32
    %dma_start3A_761 = tpu.memref_slice %arg4[%dma_start3A_752, %dma_start3A_760, %add3A_750] : memref<26x32x16384xf32, #tpu.memory_space<hbm>> -> memref<1x32x128xf32, #tpu.memory_space<hbm>>
    %dma_start3A_762 = tpu.memref_squeeze %dma_start3A_761 : memref<1x32x128xf32, #tpu.memory_space<hbm>> -> memref<32x128xf32, #tpu.memory_space<hbm>>
    %dma_start3A_763 = arith.constant 0 : i32
    %dma_start3A_764 = arith.constant 0 : i32
    %dma_start3A_765 = tpu.memref_slice %arg8[%dma_start3A_751, %dma_start3A_763, %dma_start3A_764] : memref<2x32x128xf32, #tpu.memory_space<vmem>> -> memref<1x32x128xf32, #tpu.memory_space<vmem>>
    %dma_start3A_766 = tpu.memref_squeeze %dma_start3A_765 : memref<1x32x128xf32, #tpu.memory_space<vmem>> -> memref<32x128xf32, #tpu.memory_space<vmem>>
    tpu.enqueue_dma source(%dma_start3A_766 : memref<32x128xf32, #tpu.memory_space<vmem>>) target(%dma_start3A_762 : memref<32x128xf32, #tpu.memory_space<hbm>>) target_semaphore(%arg12 : memref<!tpu.dma_semaphore, #tpu.memory_space<semaphore_mem>>)
    %rem3A_767 = arith.constant 102 : i32
    %rem3A_768 = arith.constant 4 : i32
    %rem3A_769 = arith.remsi %rem3A_767, %rem3A_768 : i32
    %mul3A_770 = arith.constant 128 : i32
    %mul3A_771 = arith.muli %rem3A_769, %mul3A_770 : i32
    %add3A_772 = arith.addi %mul3A_2, %mul3A_771 : i32
    %dma_wait3A_773 = arith.constant 0 : i32
    %dma_wait3A_774 = arith.constant 25 : i32
    %dma_wait3A_775 = arith.constant 0 : i32
    %dma_wait3A_776 = arith.constant 0 : i32
    %dma_wait3A_777 = tpu.memref_slice %arg8[%dma_wait3A_773, %dma_wait3A_775, %dma_wait3A_776] : memref<2x32x128xf32, #tpu.memory_space<vmem>> -> memref<1x32x128xf32, #tpu.memory_space<vmem>>
    %dma_wait3A_778 = tpu.memref_squeeze %dma_wait3A_777 : memref<1x32x128xf32, #tpu.memory_space<vmem>> -> memref<32x128xf32, #tpu.memory_space<vmem>>
    %dma_wait3A_779 = arith.constant 0 : i32
    %dma_wait3A_780 = tpu.memref_slice %arg4[%dma_wait3A_774, %dma_wait3A_779, %add3A_772] : memref<26x32x16384xf32, #tpu.memory_space<hbm>> -> memref<1x32x128xf32, #tpu.memory_space<hbm>>
    %dma_wait3A_781 = tpu.memref_squeeze %dma_wait3A_780 : memref<1x32x128xf32, #tpu.memory_space<hbm>> -> memref<32x128xf32, #tpu.memory_space<hbm>>
    %dma_wait3A_782 = arith.constant 0 : i32
    %dma_wait3A_783 = tpu.memref_slice %arg4[%dma_wait3A_774, %dma_wait3A_782, %add3A_772] : memref<26x32x16384xf32, #tpu.memory_space<hbm>> -> memref<1x32x128xf32, #tpu.memory_space<hbm>>
    %dma_wait3A_784 = tpu.memref_squeeze %dma_wait3A_783 : memref<1x32x128xf32, #tpu.memory_space<hbm>> -> memref<32x128xf32, #tpu.memory_space<hbm>>
    %dma_wait3A_785 = arith.constant 0 : i32
    %dma_wait3A_786 = arith.constant 0 : i32
    %dma_wait3A_787 = tpu.memref_slice %arg8[%dma_wait3A_773, %dma_wait3A_785, %dma_wait3A_786] : memref<2x32x128xf32, #tpu.memory_space<vmem>> -> memref<1x32x128xf32, #tpu.memory_space<vmem>>
    %dma_wait3A_788 = tpu.memref_squeeze %dma_wait3A_787 : memref<1x32x128xf32, #tpu.memory_space<vmem>> -> memref<32x128xf32, #tpu.memory_space<vmem>>
    tpu.wait_dma2 semaphore(%arg11 : memref<!tpu.dma_semaphore, #tpu.memory_space<semaphore_mem>>) src(%dma_wait3A_788 : memref<32x128xf32, #tpu.memory_space<vmem>>) dst(%dma_wait3A_784 : memref<32x128xf32, #tpu.memory_space<hbm>>)
    %rem3A_789 = arith.constant 103 : i32
    %rem3A_790 = arith.constant 4 : i32
    %rem3A_791 = arith.remsi %rem3A_789, %rem3A_790 : i32
    %mul3A_792 = arith.constant 128 : i32
    %mul3A_793 = arith.muli %rem3A_791, %mul3A_792 : i32
    %add3A_794 = arith.addi %mul3A_2, %mul3A_793 : i32
    %dma_wait3A_795 = arith.constant 1 : i32
    %dma_wait3A_796 = arith.constant 25 : i32
    %dma_wait3A_797 = arith.constant 0 : i32
    %dma_wait3A_798 = arith.constant 0 : i32
    %dma_wait3A_799 = tpu.memref_slice %arg8[%dma_wait3A_795, %dma_wait3A_797, %dma_wait3A_798] : memref<2x32x128xf32, #tpu.memory_space<vmem>> -> memref<1x32x128xf32, #tpu.memory_space<vmem>>
    %dma_wait3A_800 = tpu.memref_squeeze %dma_wait3A_799 : memref<1x32x128xf32, #tpu.memory_space<vmem>> -> memref<32x128xf32, #tpu.memory_space<vmem>>
    %dma_wait3A_801 = arith.constant 0 : i32
    %dma_wait3A_802 = tpu.memref_slice %arg4[%dma_wait3A_796, %dma_wait3A_801, %add3A_794] : memref<26x32x16384xf32, #tpu.memory_space<hbm>> -> memref<1x32x128xf32, #tpu.memory_space<hbm>>
    %dma_wait3A_803 = tpu.memref_squeeze %dma_wait3A_802 : memref<1x32x128xf32, #tpu.memory_space<hbm>> -> memref<32x128xf32, #tpu.memory_space<hbm>>
    %dma_wait3A_804 = arith.constant 0 : i32
    %dma_wait3A_805 = tpu.memref_slice %arg4[%dma_wait3A_796, %dma_wait3A_804, %add3A_794] : memref<26x32x16384xf32, #tpu.memory_space<hbm>> -> memref<1x32x128xf32, #tpu.memory_space<hbm>>
    %dma_wait3A_806 = tpu.memref_squeeze %dma_wait3A_805 : memref<1x32x128xf32, #tpu.memory_space<hbm>> -> memref<32x128xf32, #tpu.memory_space<hbm>>
    %dma_wait3A_807 = arith.constant 0 : i32
    %dma_wait3A_808 = arith.constant 0 : i32
    %dma_wait3A_809 = tpu.memref_slice %arg8[%dma_wait3A_795, %dma_wait3A_807, %dma_wait3A_808] : memref<2x32x128xf32, #tpu.memory_space<vmem>> -> memref<1x32x128xf32, #tpu.memory_space<vmem>>
    %dma_wait3A_810 = tpu.memref_squeeze %dma_wait3A_809 : memref<1x32x128xf32, #tpu.memory_space<vmem>> -> memref<32x128xf32, #tpu.memory_space<vmem>>
    tpu.wait_dma2 semaphore(%arg12 : memref<!tpu.dma_semaphore, #tpu.memory_space<semaphore_mem>>) src(%dma_wait3A_810 : memref<32x128xf32, #tpu.memory_space<vmem>>) dst(%dma_wait3A_806 : memref<32x128xf32, #tpu.memory_space<hbm>>)
    return
  }
}

</mosaic_0001>

<sc_bundles>
// kernel: kernel.3.cloned.1.call-start
scs
__scs_entry_jumppad:
0x0: {  	(pc) =	sbr.rel $0x88, $3  }
0x1: {  	(tag) =	ssettag $0x0;
	lr =	simm.s32 $0x1  }
0x2: {  	[smem:$0x3F9F] =	sst lr;
	_ =	strace $0xD0000000  }
0x3: {  	_ = 	snop  }
0x4: {  	_ = 	snop  }
0x5: {  	_ = 	snop  }
0x6: {  	_ = 	snop  }
0x7: {  	_ = 	snop  }
__scs_overlays_trampoline_lowered:
0x8: {  	[smem:$0x3FAE] =	sst s0  }
0x9: {  	[smem:$0x3FAF] =	sst s1  }
0xa: {  	[smem:$0x3FB0] =	sst s2  }
0xb: {  	[smem:$0x3FB1] =	sst s3  }
0xc: {  	[smem:$0x3FB2] =	sst s4  }
0xd: {  	[smem:$0x3FB3] =	sst s5  }
0xe: {  	[smem:$0x3FB4] =	sst s6  }
0xf: {  	[smem:$0x3FB5] =	sst s7  }
0x10: {  	[smem:$0x3FB6] =	sst s8  }
0x11: {  	[smem:$0x3FB7] =	sst s9;
	s0 =	simm.s32 @!p0 $0x0  }
0x12: {  	s1 =	sld [smem:$0x3F9D];
	s0 =	simm.s32 @p0 $0x1  }
0x13: {  	[smem:$0x3FB8] =	sst s0;
	s0 =	simm.s32 @!p1 $0x0  }
0x14: {  	s2 =	sld [smem:$0x3F9C];
	s0 =	simm.s32 @p1 $0x1  }
0x15: {  	[smem:$0x3FB9] =	sst s0;
	s0 =	simm.s32 @!p2 $0x0  }
0x16: {  	s3 =	sld [smem:$0x3FDB];
	s0 =	simm.s32 @p2 $0x1  }
0x17: {  	s4 =	simm.s32 $0x1BF5;
	[smem:$0x3FBB] =	sst s0  }
0x18: {  	s0 =	sld [smem:$0x3F9E];
	_ =	swait.ge [sflag:s4], $0x0  }
0x19: {  	s7 =	sld [smem:$0x3F9F]  }
0x1a: {  	s8 =	sadd.s32 $0xFFFFE003, lr  }
0x1b: {  	s9 =	sadd.s32 $0xFFFFFEF7, lr;
	s5 =	simm.s32 $0xFFFFFFFF;
	p2 =	slt.u32 s8, $0xFFFFF086  }
0x1c: {  	p1 =	slt.u32 s9, $0xF7A;
	s5 =	simm.s32 @!p2 $0x0  }
0x1d: {  	s5 =	simm.s32 @p1 $0x1;
	p0 =	seq.s32 s7, s2  }
0x1e: {  	s7 =	smul.u32 @!p0 $0xF7A, s2;
	p2 =	seq.s32 @!p0 s5, $0x0  }
0x1f: {  	s9 =	smul.u32 $0xF7A, s1;
	s8 =	simm.s32 @!p0 $0x1BF5;
	p2 =	por !p2, p0  }
0x20: {  	[sflag:s8] =	ssyncset.s32 @!p0 $0xFFFFF086;
	s6 =	sadd.s32 @!p0 s3, s7;
	s7 =	simm.s32 @!p0 $0x108  }
0x21: {  	s3 =	sadd.s32 s3, s9;
	s6 =	sadd.s32 @!p0 $0x88, s6;
	s7 =	simm.s32 @p2 $0x1082  }
0x22: {  	[simem:s7], [sflag:s8] =	dma.local @!p0 [hbm:s6], $0xF7A  }
0x23: {  	s9 =	sor.u32 $0xD0000000, s2;
	s6 =	simm.s32 $0x108;
	_ =	swait.ge @!p0 [sflag:s8], $0x0  }
0x24: {  	s3 =	sadd.s32 $0x88, s3;
	s6 =	simm.s32 @!p1 $0x1082;
	[sflag:s4] =	ssyncset.s32 $0xFFFFF086  }
0x25: {  	[simem:s6], [sflag:s4] =	dma.local [hbm:s3], $0xF7A  }
0x26: {  	[smem:$0x3F9F] =	sst s1;
	(tag) =	ssettag s2;
	_ =	strace s9  }
0x27: {  	s1 =	sld [smem:$0x3FAF]  }
0x28: {  	s2 =	sld [smem:$0x3FB0]  }
0x29: {  	s4 =	sld [smem:$0x3FB2]  }
0x2a: {  	p0 =	seq.s32 s5, $0x0;
	s5 =	sld [smem:$0x3FB3]  }
0x2b: {  	s6 =	sld [smem:$0x3FB4]  }
0x2c: {  	s7 =	sld [smem:$0x3FB5]  }
0x2d: {  	s3 =	simm.s32 $0x108;
	s8 =	sld [smem:$0x3FB6]  }
0x2e: {  	s3 =	simm.s32 @!p0 $0x1082;
	s9 =	sld [smem:$0x3FB7]  }
0x2f: {  	lr =	sadd.s32 s0, s3;
	s0 =	sld [smem:$0x3FAE]  }
0x30: {  	s3 =	sld [smem:$0x3FB1]  }
0x31: {  	[smem:$0x3FBA] =	sst s10  }
0x32: {  	s10 =	sld [smem:$0x3FB8];
	_ =	sdelay $0x3  }
0x33: {  	p0 =	seq.s32 s10, $0x1;
	s10 =	sld [smem:$0x3FBA];
	_ =	sdelay $0x3  }
0x34: {  	[smem:$0x3FBA] =	sst s10  }
0x35: {  	s10 =	sld [smem:$0x3FB9];
	_ =	sdelay $0x3  }
0x36: {  	p1 =	seq.s32 s10, $0x1;
	s10 =	sld [smem:$0x3FBA];
	_ =	sdelay $0x3  }
0x37: {  	[smem:$0x3FBA] =	sst s10  }
0x38: {  	s10 =	sld [smem:$0x3FBB]  }
0x39: {  	_ = 	snop;
	(pc) =	sbr.ind lr, $3  }
0x3a: {  	_ = 	snop  }
0x3b: {  	_ = 	snop  }
0x3c: {  	p2 =	seq.s32 s10, $0x1;
	s10 =	sld [smem:$0x3FBA]  }
0x3d: {  	_ =	shalt  }
0x3e: {  	_ =	shalt  }
0x3f: {  	_ =	shalt  }
0x40: {  	_ =	shalt  }
0x41: {  	_ =	shalt  }
0x42: {  	_ =	shalt  }
0x43: {  	_ =	shalt  }
0x44: {  	_ =	shalt  }
0x45: {  	_ =	shalt  }
0x46: {  	_ =	shalt  }
0x47: {  	_ =	shalt  }
0x48: {  	_ =	shalt  }
0x49: {  	_ =	shalt  }
0x4a: {  	_ =	shalt  }
0x4b: {  	_ =	shalt  }
0x4c: {  	_ =	shalt  }
0x4d: {  	_ =	shalt  }
0x4e: {  	_ =	shalt  }
0x4f: {  	_ =	shalt  }
0x50: {  	_ =	shalt  }
0x51: {  	_ =	shalt  }
0x52: {  	_ =	shalt  }
0x53: {  	_ =	shalt  }
0x54: {  	_ =	shalt  }
0x55: {  	_ =	shalt  }
0x56: {  	_ =	shalt  }
0x57: {  	_ =	shalt  }
0x58: {  	_ =	shalt  }
0x59: {  	_ =	shalt  }
0x5a: {  	_ =	shalt  }
0x5b: {  	_ =	shalt  }
0x5c: {  	_ =	shalt  }
0x5d: {  	_ =	shalt  }
0x5e: {  	_ =	shalt  }
0x5f: {  	_ =	shalt  }
0x60: {  	_ =	shalt  }
0x61: {  	_ =	shalt  }
0x62: {  	_ =	shalt  }
0x63: {  	_ =	shalt  }
0x64: {  	_ =	shalt  }
0x65: {  	_ =	shalt  }
0x66: {  	_ =	shalt  }
0x67: {  	_ =	shalt  }
0x68: {  	_ =	shalt  }
0x69: {  	_ =	shalt  }
0x6a: {  	_ =	shalt  }
0x6b: {  	_ =	shalt  }
0x6c: {  	_ =	shalt  }
0x6d: {  	_ =	shalt  }
0x6e: {  	_ =	shalt  }
0x6f: {  	_ =	shalt  }
0x70: {  	_ =	shalt  }
0x71: {  	_ =	shalt  }
0x72: {  	_ =	shalt  }
0x73: {  	_ =	shalt  }
0x74: {  	_ =	shalt  }
0x75: {  	_ =	shalt  }
0x76: {  	_ =	shalt  }
0x77: {  	_ =	shalt  }
0x78: {  	_ =	shalt  }
0x79: {  	_ =	shalt  }
0x7a: {  	_ =	shalt  }
0x7b: {  	_ =	shalt  }
0x7c: {  	_ =	shalt  }
0x7d: {  	_ =	shalt  }
0x7e: {  	_ =	shalt  }
0x7f: {  	_ =	shalt  }
0x80: {  	_ =	shalt  }
0x81: {  	_ =	shalt  }
0x82: {  	_ =	shalt  }
0x83: {  	_ =	shalt  }
0x84: {  	_ =	shalt  }
0x85: {  	_ =	shalt  }
0x86: {  	_ =	shalt  }
0x87: {  	_ =	shalt  }
.Lfunc_end0:
.L_simem_size_0:
called_computation_lowered:
.L_overlay_start_0:
0x88: {  	s2 =	sld [smem:$0x3FD9]  }
0x89: {  	s3 =	sld [smem:$0x3FFE];
	_ =	sdelay $0x1  }
0x8a: {  	s1 =	srdreg.scid  }
0x8b: {  	s0 =	sand.u32 $0x1, s1  }
0x8c: {  	s17 =	sshll.u32 s0, $0xA;
	s2 =	sadd.s32 s3, s2  }
0x8d: {  	s2 =	sadd.s32 s2, s17  }
0x8e: {  	[smem:$0x3FC6] =	sst s2  }
0x8f: {  	_ = 	snop  }
0x90: {  	s2 =	sld [smem:$0x3FC9]  }
0x91: {  	s18 =	sld [smem:$0x3FD0];
	(tm) =	ssettm $0x1  }
0x92: {  	s4 =	sld [smem:$0x3FFB];
	_ =	sdelay $0x3  }
0x93: {  	_ =	strace s4  }
0x94: {  	s4 =	sld [smem:$0x3FFC];
	_ =	sdelay $0x3  }
0x95: {  	_ =	strace s4  }
0x96: {  	s4 =	sld [smem:$0x3FFD];
	_ =	sdelay $0x3  }
0x97: {  	_ =	strace s4  }
0x98: {  	_ =	strace $0x8FFFFFFF  }
0x99: {  	s19 =	sld [smem:$0x3FDB];
	_ =	sdelay $0x1  }
0x9a: {  	s5 =	simm.s32 $_scs_section_size  }
0x9b: {  	s6 =	simm.s32 $_size__tile_overlayer_lowered;
	s7 =	simm.s32 $_tile_overlayer_lowered  }
0x9c: {  	s22 =	simm.s32 $0x1BFF;
	s21 =	sshll.u32 s7, $0x1;
	s4 =	sadd.s32 s5, s19  }
0x9d: {  	s8 =	simm.s32 $0x0;
	s20 =	sshll.u32 s6, $0x1;
	s6 =	sadd.s32 s21, s4  }
0x9e: {  	[timem:s8], [sflag:s22] =	dma.local [hbm:s6], s20  }
0x9f: {  	_ =	swait.ge [sflag:s22], s20  }
0xa0: {  	s5 =	ssub.s32 $0x0, s20;
	[sflag:s22] =	ssyncset.done $0x0  }
0xa1: {  	[sflag:s22] =	ssyncadd.s32 s5;
	_ =	sdelay $0x1  }
0xa2: {  	s23 =	simm.s32 $0x1B8B  }
0xa3: {  	_ =	swait.ge [sflag:s23], $0x1  }
0xa4: {  	[sflag:s23] =	ssyncset.done $0x0  }
0xa5: {  	s25 =	simm.s32 $0x1B8E;
	s24 =	sld [smem:$0x3FFE];
	[sflag:s23] =	ssyncadd.s32 $0xFFFFFFFF  }
0xa6: {  	s26 =	simm.s32 $execute0_lowered;
	[smem:$0x3FD2] =	sst s25  }
0xa7: {  	s6 =	sshll.u32 s26, $0x1;
	_ =	strace $0x80000046;
	[dreg:$0x1] =	wrdreg $0xFFFFFFFF  }
0xa8: {  	s28 =	simm.s32 $_size_execute0_lowered;
	s4 =	sadd.s32 s4, s6;
	[dreg:$0x0] =	wrdreg $0x0  }
0xa9: {  	s6 =	sshll.u32 s28, $0x1;
	[dreg:$0x2] =	wrdreg s4  }
0xaa: {  	[dreg:$0x3] =	wrdreg s6  }
0xab: {  	[dreg:$0x4] =	wrdreg $0xC0  }
0xac: {  	_ =	task [dreg:s8], $0x5FFFF  }
0xad: {  	[dreg:$0x1] =	wrdreg $0xFFFFFFFF  }
0xae: {  	[dreg:$0x0] =	wrdreg $0x60  }
0xaf: {  	[dreg:$0x2] =	wrdreg s2  }
0xb0: {  	[dreg:$0x3] =	wrdreg s24  }
0xb1: {  	[dreg:$0x4] =	wrdreg s18  }
0xb2: {  	[dreg:$0x5] =	wrdreg $0x9  }
0xb3: {  	_ =	task.clear_ibuf [dreg:s8], $0x6FFFF;
	_ =	strace $0x90000046  }
0xb4: {  	s29 =	simm.s32 $0x9;
	_ =	strace $0x80000048  }
0xb5: {  	_ =	swait.ge [sflag:s29], $0x1  }
0xb6: {  	[sflag:s29] =	ssyncadd.s32 $0xFFFFFFFF  }
0xb7: {  	_ =	strace $0x90000048  }
0xb8: {  	_ =	sfence  }
0xb9: {  	s30 =	sld [smem:$0x0];
	_ =	sdelay $0x2  }
0xba: {  	s31 =	sshll.u32 s1, $0xD;
	s1 =	sshrl.u32 s1, $0x2  }
0xbb: {  	s3 =	sand.u32 $0x4000, s31;
	s1 =	sadd.s32 s1, s30  }
0xbc: {  	s0 =	sor.u32 s3, s0;
	s1 =	sshll.u32 s1, $0x11  }
0xbd: {  	s0 =	sor.u32 s1, s0  }
0xbe: {  	s0 =	sadd.s32 $0x8F2B, s0  }
0xbf: {  	[sflag:s0] =	ssyncadd.remote.s32 $0x1  }
0xc0: {  	_ =	sfence.sel $0xFFFF  }
0xc1: {  	[dreg:$0x0] =	wrdreg $0xFFFFFFFF;
	(pc) =	sbr.abs _section_cstart, $3  }
0xc2: {  	[dreg:$0x1] =	wrdreg $0xFFFFFFFF  }
0xc3: {  	_ =	task.clear_ibuf [dreg:s8], $0x2FFFF;
	_ =	strace $0x9FFFFFFF  }
0xc4: {  	(tm) =	ssettm $0x7FFFFFFF  }
0xc5: {  	_ =	shalt  }
tec
execute0_lowered:
.L_overlay_start_1:
0x0: {  	(tag) =	ssettag $0x1  }
0x1: {  	s0 =	rddreg [dreg:$0x0]  }
0x2: {  	s1 =	rddreg [dreg:$0x1]  }
0x3: {  	s4 =	rddreg [dreg:$0x2];
	s2 =	simm.s32 $0x0  }
0x4: {  	s3 =	srdreg.scid;
	s6 =	stileid.u32;
	s11 =	simm.s32 $0x20000  }
0x5: {  	s12 =	simm.s32 $0x5;
	s13 =	simm.s32 $0x80;
	s15 =	simm.s32 $0x4200  }
0x6: {  	s17 =	simm.s32 $0x8200;
	s18 =	simm.s32 $0x1;
	s20 =	simm.s32 $0xC200  }
0x7: {  	s21 =	simm.s32 $0x14200;
	[smem:$0x7FF] =	sst s2;
	s3 =	sand.u32 $0x1, s3  }
0x8: {  	s6 =	sshll.u32 s6, $0xA;
	s5 =	ssub.s32 $0x2, s3;
	s7 =	sshll.u32 s3, $0x9  }
0x9: {  	s3 =	sadd.s32 $0xF42800, s1;
	s22 =	sshrl.u32 s5, $0x1;
	s6 =	sor.u32 s7, s6  }
0xa: {  	s1 =	ssub.s32 s5, s22;
	s0 =	sadd.s32 s0, s6;
	s5 =	sadd.s32 s4, s6  }
0xb: {  	_ =	strace $0x80000047;
	[dreg:$0x4] =	wrdreg s0;
	s23 =	sadd.s32 $0x80, s5  }
0xc: {  	s28 =	simm.s32 $0x3;
	s24 =	sadd.s32 $0x190100, s5;
	[dreg:$0x5] =	wrdreg s23  }
0xd: {  	s29 =	simm.s32 $0x4;
	s25 =	sadd.s32 $0x190180, s5;
	[dreg:$0x6] =	wrdreg s24  }
0xe: {  	s30 =	simm.s32 $0x0;
	s26 =	smax.u32 s1, $0x1;
	[dreg:$0x7] =	wrdreg s25  }
0xf: {  	v0 =	vlaneseq.u32;
	s31 =	simm.s32 $0x0;
	s22 =	simm.s32 $0x2;
	[dreg:$0x8] =	wrdreg s26  }
0x10: {  	v0 =	vmul.u32 $0x80, v0;
	s24 =	simm.s32 $0x10200;
	s25 =	simm.s32 $0x400;
	s26 =	simm.s32 $0x15200  }
.LBB2_1:
0x11: {  	s0 =	rddreg [dreg:$0x4];
	s1 =	simm.s32 $0x1000  }
0x12: {  	[tilespmem:s2], [sflag:$0x5] =	stream.strided.gather [hbm4b:s0+s1], $0x4000, s11, s1, $0x38;
	[tilespmem:$0x16200] =	vst v63  }
0x13: {  	_ =	swait.ge [sflag:s12], $0x4000  }
0x14: {  	[sflag:s12] =	ssyncset.done $0x0  }
0x15: {  	[sflag:s12] =	ssyncadd.s32 $0xFFFFC000  }
0x16: {  	v1 =	vld [tilespmem:$0x0]  }
0x17: {  	v2 =	vld [tilespmem:$0x10]  }
0x18: {  	v3 =	vld [tilespmem:$0x20]  }
0x19: {  	v4 =	vld [tilespmem:$0x30]  }
0x1a: {  	v5 =	vld [tilespmem:$0x40]  }
0x1b: {  	v6 =	vld [tilespmem:$0x50];
	v1 =	vshrl.u32 v1, $0x2  }
0x1c: {  	[tilespmem:$0x4000] =	vst v1;
	v1 =	vshrl.u32 v2, $0x2;
	v2 =	vld [tilespmem:$0x60]  }
0x1d: {  	[tilespmem:$0x4010] =	vst v1;
	v1 =	vshrl.u32 v3, $0x2;
	v3 =	vld [tilespmem:$0x70]  }
0x1e: {  	[tilespmem:$0x4020] =	vst v1;
	v1 =	vshrl.u32 v4, $0x2  }
0x1f: {  	[tilespmem:$0x4030] =	vst v1;
	v1 =	vshrl.u32 v5, $0x2  }
0x20: {  	[tilespmem:$0x4040] =	vst v1;
	v1 =	vshrl.u32 v6, $0x2  }
0x21: {  	[tilespmem:$0x4050] =	vst v1;
	v1 =	vshrl.u32 v2, $0x2  }
0x22: {  	[tilespmem:$0x4060] =	vst v1;
	v1 =	vshrl.u32 v3, $0x2  }
0x23: {  	s16 =	simm.s32 $0x4000;
	[tilespmem:$0x4070] =	vst v1  }
0x24: {  	[tilespmem:s15], [sflag:$0x1] =	stream.indirect.gather [hbm4b:s3+s13], $0x80, s16, s13, $0xb8;
	[tilespmem:$0x16200] =	vst v63  }
0x25: {  	v1 =	vld [tilespmem:$0x400]  }
0x26: {  	v2 =	vld [tilespmem:$0x410]  }
0x27: {  	v3 =	vld [tilespmem:$0x420]  }
0x28: {  	v58 =	vld [tilespmem:$0x430]  }
0x29: {  	v59 =	vld [tilespmem:$0x440]  }
0x2a: {  	v60 =	vld [tilespmem:$0x450];
	v1 =	vshrl.u32 v1, $0x2  }
0x2b: {  	[tilespmem:$0x4080] =	vst v1;
	v1 =	vshrl.u32 v2, $0x2;
	v2 =	vld [tilespmem:$0x460]  }
0x2c: {  	[tilespmem:$0x4090] =	vst v1;
	v1 =	vshrl.u32 v3, $0x2;
	v3 =	vld [tilespmem:$0x470]  }
0x2d: {  	[tilespmem:$0x40A0] =	vst v1;
	v1 =	vshrl.u32 v58, $0x2  }
0x2e: {  	[tilespmem:$0x40B0] =	vst v1;
	v1 =	vshrl.u32 v59, $0x2  }
0x2f: {  	[tilespmem:$0x40C0] =	vst v1;
	v1 =	vshrl.u32 v60, $0x2  }
0x30: {  	[tilespmem:$0x40D0] =	vst v1;
	v1 =	vshrl.u32 v2, $0x2  }
0x31: {  	[tilespmem:$0x40E0] =	vst v1;
	v1 =	vshrl.u32 v3, $0x2  }
0x32: {  	s19 =	simm.s32 $0x4080;
	[tilespmem:$0x40F0] =	vst v1  }
0x33: {  	[tilespmem:s17], [sflag:$0x2] =	stream.indirect.gather [hbm4b:s3+s13], $0x80, s19, s13, $0xb8;
	[tilespmem:$0x16200] =	vst v63  }
0x34: {  	_ =	swait.ge [sflag:s18], $0x4000  }
0x35: {  	[sflag:s18] =	ssyncset.done $0x0  }
0x36: {  	[sflag:s18] =	ssyncadd.s32 $0xFFFFC000  }
0x37: {  	v1 =	vld [tilespmem:$0x800]  }
0x38: {  	v2 =	vld [tilespmem:$0x810]  }
0x39: {  	v3 =	vld [tilespmem:$0x820]  }
0x3a: {  	v61 =	vld [tilespmem:$0x830]  }
0x3b: {  	v62 =	vld [tilespmem:$0x840]  }
0x3c: {  	v63 =	vld [tilespmem:$0x850];
	v1 =	vshrl.u32 v1, $0x2  }
0x3d: {  	[tilespmem:$0x4100] =	vst v1;
	v1 =	vshrl.u32 v2, $0x2;
	v2 =	vld [tilespmem:$0x860]  }
0x3e: {  	[tilespmem:$0x4110] =	vst v1;
	v1 =	vshrl.u32 v3, $0x2;
	v3 =	vld [tilespmem:$0x870]  }
0x3f: {  	[tilespmem:$0x4120] =	vst v1;
	v1 =	vshrl.u32 v61, $0x2  }
0x40: {  	[tilespmem:$0x4130] =	vst v1;
	v1 =	vshrl.u32 v62, $0x2  }
0x41: {  	[tilespmem:$0x4140] =	vst v1;
	v1 =	vshrl.u32 v63, $0x2  }
0x42: {  	[tilespmem:$0x4150] =	vst v1;
	v1 =	vshrl.u32 v2, $0x2  }
0x43: {  	[tilespmem:$0x4160] =	vst v1;
	v1 =	vshrl.u32 v3, $0x2  }
0x44: {  	s23 =	simm.s32 $0x4100;
	[tilespmem:$0x4170] =	vst v1  }
0x45: {  	[tilespmem:s20], [sflag:$0x1] =	stream.indirect.gather [hbm4b:s3+s13], $0x80, s23, s13, $0xb8;
	[tilespmem:$0x16200] =	vst v63  }
0x46: {  	v1 =	vld [tilespmem:s2+$0x0];
	_ =	sdelay $0x3  }
0x47: {  	v2 =	vmov s2  }
0x48: {  	v2 =	vshll.u32 v2, $0x7;
	v1 =	vshll.u32 v1, $0x5  }
0x49: {  	v2 =	vor.u32 v0, v2;
	v1 =	vand.u32 $0x60, v1  }
0x4a: {  	v1 =	vor.u32 v2, v1;
	_ =	sdelay $0x4  }
0x4b: {  	v2 =	vld.idx.msk [tilespmem:v1+s15+$0x0], $0xffff  }
0x4c: {  	v3 =	vor.u32 $0x1, v1;
	_ =	sdelay $0x2  }
0x4d: {  	s0 =	simm.s32 $0x14A00  }
0x4e: {  	[tilespmem:s0+$0xFFFFF800] =	vst v2  }
0x4f: {  	v2 =	vld.idx.msk [tilespmem:v3+s15+$0x0], $0xffff  }
0x50: {  	v3 =	vor.u32 $0x2, v1;
	_ =	sdelay $0x3  }
0x51: {  	[tilespmem:s0+$0xFFFFF880] =	vst v2  }
0x52: {  	v2 =	vld.idx.msk [tilespmem:v3+s15+$0x0], $0xffff  }
0x53: {  	v3 =	vor.u32 $0x3, v1;
	_ =	sdelay $0x3  }
0x54: {  	[tilespmem:s0+$0xFFFFF900] =	vst v2  }
0x55: {  	v2 =	vld.idx.msk [tilespmem:v3+s15+$0x0], $0xffff  }
0x56: {  	v3 =	vor.u32 $0x4, v1;
	_ =	sdelay $0x3  }
0x57: {  	[tilespmem:s0+$0xFFFFF980] =	vst v2  }
0x58: {  	v2 =	vld.idx.msk [tilespmem:v3+s15+$0x0], $0xffff  }
0x59: {  	v3 =	vor.u32 $0x5, v1;
	_ =	sdelay $0x3  }
0x5a: {  	[tilespmem:s0+$0xFFFFFA00] =	vst v2  }
0x5b: {  	v2 =	vld.idx.msk [tilespmem:v3+s15+$0x0], $0xffff  }
0x5c: {  	v3 =	vor.u32 $0x6, v1;
	_ =	sdelay $0x3  }
0x5d: {  	[tilespmem:s0+$0xFFFFFA80] =	vst v2  }
0x5e: {  	v2 =	vld.idx.msk [tilespmem:v3+s15+$0x0], $0xffff  }
0x5f: {  	v3 =	vor.u32 $0x7, v1;
	_ =	sdelay $0x3  }
0x60: {  	[tilespmem:s0+$0xFFFFFB00] =	vst v2  }
0x61: {  	v2 =	vld.idx.msk [tilespmem:v3+s15+$0x0], $0xffff  }
0x62: {  	v3 =	vor.u32 $0x8, v1;
	_ =	sdelay $0x3  }
0x63: {  	[tilespmem:s0+$0xFFFFFB80] =	vst v2  }
0x64: {  	v2 =	vld.idx.msk [tilespmem:v3+s15+$0x0], $0xffff  }
0x65: {  	v3 =	vor.u32 $0x9, v1;
	_ =	sdelay $0x3  }
0x66: {  	[tilespmem:s0+$0xFFFFFC00] =	vst v2  }
0x67: {  	v2 =	vld.idx.msk [tilespmem:v3+s15+$0x0], $0xffff  }
0x68: {  	v3 =	vor.u32 $0xA, v1;
	_ =	sdelay $0x3  }
0x69: {  	[tilespmem:s0+$0xFFFFFC80] =	vst v2  }
0x6a: {  	v2 =	vld.idx.msk [tilespmem:v3+s15+$0x0], $0xffff  }
0x6b: {  	v3 =	vor.u32 $0xB, v1;
	_ =	sdelay $0x3  }
0x6c: {  	[tilespmem:s0+$0xFFFFFD00] =	vst v2  }
0x6d: {  	v2 =	vld.idx.msk [tilespmem:v3+s15+$0x0], $0xffff  }
0x6e: {  	v3 =	vor.u32 $0xC, v1;
	_ =	sdelay $0x3  }
0x6f: {  	[tilespmem:s0+$0xFFFFFD80] =	vst v2  }
0x70: {  	v2 =	vld.idx.msk [tilespmem:v3+s15+$0x0], $0xffff  }
0x71: {  	v3 =	vor.u32 $0xD, v1;
	_ =	sdelay $0x3  }
0x72: {  	[tilespmem:s0+$0xFFFFFE00] =	vst v2  }
0x73: {  	v2 =	vld.idx.msk [tilespmem:v3+s15+$0x0], $0xffff  }
0x74: {  	v3 =	vor.u32 $0xE, v1;
	_ =	sdelay $0x3  }
0x75: {  	[tilespmem:s0+$0xFFFFFE80] =	vst v2  }
0x76: {  	v2 =	vld.idx.msk [tilespmem:v3+s15+$0x0], $0xffff  }
0x77: {  	v3 =	vor.u32 $0xF, v1;
	_ =	sdelay $0x3  }
0x78: {  	[tilespmem:s0+$0xFFFFFF00] =	vst v2  }
0x79: {  	v2 =	vld.idx.msk [tilespmem:v3+s15+$0x0], $0xffff  }
0x7a: {  	v3 =	vor.u32 $0x10, v1;
	_ =	sdelay $0x3  }
0x7b: {  	[tilespmem:s0+$0xFFFFFF80] =	vst v2  }
0x7c: {  	v2 =	vld.idx.msk [tilespmem:v3+s15+$0x0], $0xffff  }
0x7d: {  	v3 =	vor.u32 $0x11, v1;
	_ =	sdelay $0x3  }
0x7e: {  	[tilespmem:s0+$0x0] =	vst v2  }
0x7f: {  	v2 =	vld.idx.msk [tilespmem:v3+s15+$0x0], $0xffff  }
0x80: {  	v3 =	vor.u32 $0x12, v1;
	_ =	sdelay $0x3  }
0x81: {  	[tilespmem:s0+$0x80] =	vst v2  }
0x82: {  	v2 =	vld.idx.msk [tilespmem:v3+s15+$0x0], $0xffff  }
0x83: {  	v3 =	vor.u32 $0x13, v1;
	_ =	sdelay $0x3  }
0x84: {  	[tilespmem:s0+$0x100] =	vst v2  }
0x85: {  	v2 =	vld.idx.msk [tilespmem:v3+s15+$0x0], $0xffff  }
0x86: {  	v3 =	vor.u32 $0x14, v1;
	_ =	sdelay $0x3  }
0x87: {  	[tilespmem:s0+$0x180] =	vst v2  }
0x88: {  	v2 =	vld.idx.msk [tilespmem:v3+s15+$0x0], $0xffff  }
0x89: {  	v3 =	vor.u32 $0x15, v1;
	_ =	sdelay $0x3  }
0x8a: {  	[tilespmem:s0+$0x200] =	vst v2  }
0x8b: {  	v2 =	vld.idx.msk [tilespmem:v3+s15+$0x0], $0xffff  }
0x8c: {  	v3 =	vor.u32 $0x16, v1;
	_ =	sdelay $0x3  }
0x8d: {  	[tilespmem:s0+$0x280] =	vst v2  }
0x8e: {  	v2 =	vld.idx.msk [tilespmem:v3+s15+$0x0], $0xffff  }
0x8f: {  	v3 =	vor.u32 $0x17, v1;
	_ =	sdelay $0x3  }
0x90: {  	[tilespmem:s0+$0x300] =	vst v2  }
0x91: {  	v2 =	vld.idx.msk [tilespmem:v3+s15+$0x0], $0xffff  }
0x92: {  	v3 =	vor.u32 $0x18, v1;
	_ =	sdelay $0x3  }
0x93: {  	[tilespmem:s0+$0x380] =	vst v2  }
0x94: {  	v2 =	vld.idx.msk [tilespmem:v3+s15+$0x0], $0xffff  }
0x95: {  	v3 =	vor.u32 $0x19, v1;
	_ =	sdelay $0x3  }
0x96: {  	[tilespmem:s0+$0x400] =	vst v2  }
0x97: {  	v2 =	vld.idx.msk [tilespmem:v3+s15+$0x0], $0xffff  }
0x98: {  	v3 =	vor.u32 $0x1A, v1;
	_ =	sdelay $0x3  }
0x99: {  	[tilespmem:s0+$0x480] =	vst v2  }
0x9a: {  	v2 =	vld.idx.msk [tilespmem:v3+s15+$0x0], $0xffff  }
0x9b: {  	v3 =	vor.u32 $0x1B, v1;
	_ =	sdelay $0x3  }
0x9c: {  	[tilespmem:s0+$0x500] =	vst v2  }
0x9d: {  	v2 =	vld.idx.msk [tilespmem:v3+s15+$0x0], $0xffff  }
0x9e: {  	v3 =	vor.u32 $0x1C, v1;
	_ =	sdelay $0x3  }
0x9f: {  	[tilespmem:s0+$0x580] =	vst v2  }
0xa0: {  	v2 =	vld.idx.msk [tilespmem:v3+s15+$0x0], $0xffff  }
0xa1: {  	v3 =	vor.u32 $0x1D, v1;
	_ =	sdelay $0x3  }
0xa2: {  	[tilespmem:s0+$0x600] =	vst v2  }
0xa3: {  	v2 =	vld.idx.msk [tilespmem:v3+s15+$0x0], $0xffff  }
0xa4: {  	v3 =	vor.u32 $0x1E, v1;
	_ =	sdelay $0x3  }
0xa5: {  	[tilespmem:s0+$0x680] =	vst v2  }
0xa6: {  	v2 =	vld.idx.msk [tilespmem:v3+s15+$0x0], $0xffff  }
0xa7: {  	v1 =	vor.u32 $0x1F, v1;
	_ =	sdelay $0x3  }
0xa8: {  	[tilespmem:s0+$0x700] =	vst v2  }
0xa9: {  	s4 =	simm.s32 $0x0;
	s1 =	simm.s32 $0x10;
	v1 =	vld.idx.msk [tilespmem:v1+s15+$0x0], $0xffff  }
.LBB2_2:
0xaa: {  	_ =	sdelay $0x3  }
0xab: {  	p0 =	sne.s32 s1, $0x70;
	s4 =	sadd.s32 $0x10, s4;
	[tilespmem:s0+$0x780] =	vst v1;
	s0 =	sadd.s32 $0x10, s0  }
0xac: {  	s6 =	smov.u32 s1;
	s1 =	sadd.s32 $0x10, s1;
	v1 =	vld [tilespmem:s4+$0x0];
	_ =	sdelay $0x3  }
0xad: {  	v2 =	vmov s6  }
0xae: {  	v2 =	vshll.u32 v2, $0x7;
	v1 =	vshll.u32 v1, $0x5  }
0xaf: {  	v2 =	vor.u32 v0, v2;
	v1 =	vand.u32 $0x60, v1  }
0xb0: {  	v1 =	vor.u32 v2, v1;
	_ =	sdelay $0x4  }
0xb1: {  	v2 =	vld.idx.msk [tilespmem:v1+s15+$0x0], $0xffff;
	_ =	sdelay $0x1  }
0xb2: {  	v3 =	vor.u32 $0x1, v1;
	_ =	sdelay $0x3  }
0xb3: {  	[tilespmem:s0+$0xFFFFF800] =	vst v2  }
0xb4: {  	v2 =	vld.idx.msk [tilespmem:v3+s15+$0x0], $0xffff;
	_ =	sdelay $0x1  }
0xb5: {  	v3 =	vor.u32 $0x2, v1;
	_ =	sdelay $0x3  }
0xb6: {  	[tilespmem:s0+$0xFFFFF880] =	vst v2  }
0xb7: {  	v2 =	vld.idx.msk [tilespmem:v3+s15+$0x0], $0xffff;
	_ =	sdelay $0x1  }
0xb8: {  	v3 =	vor.u32 $0x3, v1;
	_ =	sdelay $0x3  }
0xb9: {  	[tilespmem:s0+$0xFFFFF900] =	vst v2  }
0xba: {  	v2 =	vld.idx.msk [tilespmem:v3+s15+$0x0], $0xffff;
	_ =	sdelay $0x1  }
0xbb: {  	v3 =	vor.u32 $0x4, v1;
	_ =	sdelay $0x3  }
0xbc: {  	[tilespmem:s0+$0xFFFFF980] =	vst v2  }
0xbd: {  	v2 =	vld.idx.msk [tilespmem:v3+s15+$0x0], $0xffff;
	_ =	sdelay $0x1  }
0xbe: {  	v3 =	vor.u32 $0x5, v1;
	_ =	sdelay $0x3  }
0xbf: {  	[tilespmem:s0+$0xFFFFFA00] =	vst v2  }
0xc0: {  	v2 =	vld.idx.msk [tilespmem:v3+s15+$0x0], $0xffff;
	_ =	sdelay $0x1  }
0xc1: {  	v3 =	vor.u32 $0x6, v1;
	_ =	sdelay $0x3  }
0xc2: {  	[tilespmem:s0+$0xFFFFFA80] =	vst v2  }
0xc3: {  	v2 =	vld.idx.msk [tilespmem:v3+s15+$0x0], $0xffff;
	_ =	sdelay $0x1  }
0xc4: {  	v3 =	vor.u32 $0x7, v1;
	_ =	sdelay $0x3  }
0xc5: {  	[tilespmem:s0+$0xFFFFFB00] =	vst v2  }
0xc6: {  	v2 =	vld.idx.msk [tilespmem:v3+s15+$0x0], $0xffff;
	_ =	sdelay $0x1  }
0xc7: {  	v3 =	vor.u32 $0x8, v1;
	_ =	sdelay $0x3  }
0xc8: {  	[tilespmem:s0+$0xFFFFFB80] =	vst v2  }
0xc9: {  	v2 =	vld.idx.msk [tilespmem:v3+s15+$0x0], $0xffff;
	_ =	sdelay $0x1  }
0xca: {  	v3 =	vor.u32 $0x9, v1;
	_ =	sdelay $0x3  }
0xcb: {  	[tilespmem:s0+$0xFFFFFC00] =	vst v2  }
0xcc: {  	v2 =	vld.idx.msk [tilespmem:v3+s15+$0x0], $0xffff;
	_ =	sdelay $0x1  }
0xcd: {  	v3 =	vor.u32 $0xA, v1;
	_ =	sdelay $0x3  }
0xce: {  	[tilespmem:s0+$0xFFFFFC80] =	vst v2  }
0xcf: {  	v2 =	vld.idx.msk [tilespmem:v3+s15+$0x0], $0xffff;
	_ =	sdelay $0x1  }
0xd0: {  	v3 =	vor.u32 $0xB, v1;
	_ =	sdelay $0x3  }
0xd1: {  	[tilespmem:s0+$0xFFFFFD00] =	vst v2  }
0xd2: {  	v2 =	vld.idx.msk [tilespmem:v3+s15+$0x0], $0xffff;
	_ =	sdelay $0x1  }
0xd3: {  	v3 =	vor.u32 $0xC, v1;
	_ =	sdelay $0x3  }
0xd4: {  	[tilespmem:s0+$0xFFFFFD80] =	vst v2  }
0xd5: {  	v2 =	vld.idx.msk [tilespmem:v3+s15+$0x0], $0xffff;
	_ =	sdelay $0x1  }
0xd6: {  	v3 =	vor.u32 $0xD, v1;
	_ =	sdelay $0x3  }
0xd7: {  	[tilespmem:s0+$0xFFFFFE00] =	vst v2  }
0xd8: {  	v2 =	vld.idx.msk [tilespmem:v3+s15+$0x0], $0xffff;
	_ =	sdelay $0x1  }
0xd9: {  	v3 =	vor.u32 $0xE, v1;
	_ =	sdelay $0x3  }
0xda: {  	[tilespmem:s0+$0xFFFFFE80] =	vst v2  }
0xdb: {  	v2 =	vld.idx.msk [tilespmem:v3+s15+$0x0], $0xffff;
	_ =	sdelay $0x1  }
0xdc: {  	v3 =	vor.u32 $0xF, v1;
	_ =	sdelay $0x3  }
0xdd: {  	[tilespmem:s0+$0xFFFFFF00] =	vst v2  }
0xde: {  	v2 =	vld.idx.msk [tilespmem:v3+s15+$0x0], $0xffff;
	_ =	sdelay $0x1  }
0xdf: {  	v3 =	vor.u32 $0x10, v1;
	_ =	sdelay $0x3  }
0xe0: {  	[tilespmem:s0+$0xFFFFFF80] =	vst v2  }
0xe1: {  	v2 =	vld.idx.msk [tilespmem:v3+s15+$0x0], $0xffff;
	_ =	sdelay $0x1  }
0xe2: {  	v3 =	vor.u32 $0x11, v1;
	_ =	sdelay $0x3  }
0xe3: {  	[tilespmem:s0+$0x0] =	vst v2  }
0xe4: {  	v2 =	vld.idx.msk [tilespmem:v3+s15+$0x0], $0xffff;
	_ =	sdelay $0x1  }
0xe5: {  	v3 =	vor.u32 $0x12, v1;
	_ =	sdelay $0x3  }
0xe6: {  	[tilespmem:s0+$0x80] =	vst v2  }
0xe7: {  	v2 =	vld.idx.msk [tilespmem:v3+s15+$0x0], $0xffff;
	_ =	sdelay $0x1  }
0xe8: {  	v3 =	vor.u32 $0x13, v1;
	_ =	sdelay $0x3  }
0xe9: {  	[tilespmem:s0+$0x100] =	vst v2  }
0xea: {  	v2 =	vld.idx.msk [tilespmem:v3+s15+$0x0], $0xffff;
	_ =	sdelay $0x1  }
0xeb: {  	v3 =	vor.u32 $0x14, v1;
	_ =	sdelay $0x3  }
0xec: {  	[tilespmem:s0+$0x180] =	vst v2  }
0xed: {  	v2 =	vld.idx.msk [tilespmem:v3+s15+$0x0], $0xffff;
	_ =	sdelay $0x1  }
0xee: {  	v3 =	vor.u32 $0x15, v1;
	_ =	sdelay $0x3  }
0xef: {  	[tilespmem:s0+$0x200] =	vst v2  }
0xf0: {  	v2 =	vld.idx.msk [tilespmem:v3+s15+$0x0], $0xffff;
	_ =	sdelay $0x1  }
0xf1: {  	v3 =	vor.u32 $0x16, v1;
	_ =	sdelay $0x3  }
0xf2: {  	[tilespmem:s0+$0x280] =	vst v2  }
0xf3: {  	v2 =	vld.idx.msk [tilespmem:v3+s15+$0x0], $0xffff;
	_ =	sdelay $0x1  }
0xf4: {  	v3 =	vor.u32 $0x17, v1;
	_ =	sdelay $0x3  }
0xf5: {  	[tilespmem:s0+$0x300] =	vst v2  }
0xf6: {  	v2 =	vld.idx.msk [tilespmem:v3+s15+$0x0], $0xffff;
	_ =	sdelay $0x1  }
0xf7: {  	v3 =	vor.u32 $0x18, v1;
	_ =	sdelay $0x3  }
0xf8: {  	[tilespmem:s0+$0x380] =	vst v2  }
0xf9: {  	v2 =	vld.idx.msk [tilespmem:v3+s15+$0x0], $0xffff;
	_ =	sdelay $0x1  }
0xfa: {  	v3 =	vor.u32 $0x19, v1;
	_ =	sdelay $0x3  }
0xfb: {  	[tilespmem:s0+$0x400] =	vst v2  }
0xfc: {  	v2 =	vld.idx.msk [tilespmem:v3+s15+$0x0], $0xffff;
	_ =	sdelay $0x1  }
0xfd: {  	v3 =	vor.u32 $0x1A, v1;
	_ =	sdelay $0x3  }
0xfe: {  	[tilespmem:s0+$0x480] =	vst v2  }
0xff: {  	v2 =	vld.idx.msk [tilespmem:v3+s15+$0x0], $0xffff;
	_ =	sdelay $0x1  }
0x100: {  	v3 =	vor.u32 $0x1B, v1;
	_ =	sdelay $0x3  }
0x101: {  	[tilespmem:s0+$0x500] =	vst v2  }
0x102: {  	v2 =	vld.idx.msk [tilespmem:v3+s15+$0x0], $0xffff;
	_ =	sdelay $0x1  }
0x103: {  	v3 =	vor.u32 $0x1C, v1;
	_ =	sdelay $0x3  }
0x104: {  	[tilespmem:s0+$0x580] =	vst v2  }
0x105: {  	v2 =	vld.idx.msk [tilespmem:v3+s15+$0x0], $0xffff;
	_ =	sdelay $0x1  }
0x106: {  	v3 =	vor.u32 $0x1D, v1;
	_ =	sdelay $0x3  }
0x107: {  	[tilespmem:s0+$0x600] =	vst v2  }
0x108: {  	v2 =	vld.idx.msk [tilespmem:v3+s15+$0x0], $0xffff;
	_ =	sdelay $0x1  }
0x109: {  	v3 =	vor.u32 $0x1E, v1;
	_ =	sdelay $0x3  }
0x10a: {  	[tilespmem:s0+$0x680] =	vst v2  }
0x10b: {  	v2 =	vld.idx.msk [tilespmem:v3+s15+$0x0], $0xffff;
	_ =	sdelay $0x1  }
0x10c: {  	v1 =	vor.u32 $0x1F, v1  }
.Ltmp0:
0x10d: {  	(pc) =	sbr.rel @p0 .LBB2_2-.Ltmp0, $3  }
0x10e: {  	_ =	sdelay $0x1  }
0x10f: {  	[tilespmem:s0+$0x700] =	vst v2  }
0x110: {  	v1 =	vld.idx.msk [tilespmem:v1+s15+$0x0], $0xffff  }
0x111: {  	_ =	sdelay $0x3  }
0x112: {  	[tilespmem:s0+$0x780] =	vst v1;
	s0 =	simm.s32 $0x400  }
0x113: {  	[hbm4b:s5+s0] =	stream.strided.scatter [tilespmem:s21], [sflag:$0x3], $0x1000, s11, s0, $0x38;
	[tilespmem:$0x16200] =	vst v63  }
0x114: {  	_ =	swait.ge [sflag:s22], $0x4000  }
0x115: {  	[sflag:s22] =	ssyncset.done $0x0  }
0x116: {  	[sflag:s22] =	ssyncadd.s32 $0xFFFFC000  }
0x117: {  	v1 =	vld [tilespmem:$0xC00]  }
0x118: {  	v2 =	vld [tilespmem:$0xC10]  }
0x119: {  	v3 =	vld [tilespmem:$0xC20]  }
0x11a: {  	v4 =	vld [tilespmem:$0xC30]  }
0x11b: {  	v5 =	vld [tilespmem:$0xC40]  }
0x11c: {  	v6 =	vld [tilespmem:$0xC50];
	v1 =	vshrl.u32 v1, $0x2  }
0x11d: {  	[tilespmem:$0x4180] =	vst v1;
	v1 =	vshrl.u32 v2, $0x2;
	v2 =	vld [tilespmem:$0xC60]  }
0x11e: {  	[tilespmem:$0x4190] =	vst v1;
	v1 =	vshrl.u32 v3, $0x2;
	v3 =	vld [tilespmem:$0xC70]  }
0x11f: {  	[tilespmem:$0x41A0] =	vst v1;
	v1 =	vshrl.u32 v4, $0x2  }
0x120: {  	[tilespmem:$0x41B0] =	vst v1;
	v1 =	vshrl.u32 v5, $0x2  }
0x121: {  	[tilespmem:$0x41C0] =	vst v1;
	v1 =	vshrl.u32 v6, $0x2  }
0x122: {  	[tilespmem:$0x41D0] =	vst v1;
	v1 =	vshrl.u32 v2, $0x2  }
0x123: {  	[tilespmem:$0x41E0] =	vst v1;
	v1 =	vshrl.u32 v3, $0x2  }
0x124: {  	s1 =	simm.s32 $0x4180;
	[tilespmem:$0x41F0] =	vst v1  }
0x125: {  	[tilespmem:s24], [sflag:$0x2] =	stream.indirect.gather [hbm4b:s3+s13], $0x80, s1, s13, $0xb8;
	[tilespmem:$0x16200] =	vst v63  }
0x126: {  	v1 =	vld [tilespmem:s0+$0x0];
	_ =	sdelay $0x2  }
0x127: {  	s23 =	simm.s32 $0x0  }
0x128: {  	v2 =	vmov s23  }
0x129: {  	v2 =	vshll.u32 v2, $0x7;
	v1 =	vshll.u32 v1, $0x5  }
0x12a: {  	v2 =	vor.u32 v0, v2;
	v1 =	vand.u32 $0x60, v1  }
0x12b: {  	v1 =	vor.u32 v2, v1;
	_ =	sdelay $0x4  }
0x12c: {  	v2 =	vld.idx.msk [tilespmem:v1+s17+$0x0], $0xffff  }
0x12d: {  	v3 =	vor.u32 $0x1, v1;
	_ =	sdelay $0x2  }
0x12e: {  	s1 =	simm.s32 $0x16180  }
0x12f: {  	[tilespmem:s1+$0xFFFFF080] =	vst v2  }
0x130: {  	v2 =	vld.idx.msk [tilespmem:v3+s17+$0x0], $0xffff  }
0x131: {  	v3 =	vor.u32 $0x2, v1;
	_ =	sdelay $0x3  }
0x132: {  	[tilespmem:s1+$0xFFFFF100] =	vst v2  }
0x133: {  	v2 =	vld.idx.msk [tilespmem:v3+s17+$0x0], $0xffff  }
0x134: {  	v3 =	vor.u32 $0x3, v1;
	_ =	sdelay $0x3  }
0x135: {  	[tilespmem:s1+$0xFFFFF180] =	vst v2  }
0x136: {  	v2 =	vld.idx.msk [tilespmem:v3+s17+$0x0], $0xffff  }
0x137: {  	v3 =	vor.u32 $0x4, v1;
	_ =	sdelay $0x3  }
0x138: {  	[tilespmem:s1+$0xFFFFF200] =	vst v2  }
0x139: {  	v2 =	vld.idx.msk [tilespmem:v3+s17+$0x0], $0xffff  }
0x13a: {  	v3 =	vor.u32 $0x5, v1;
	_ =	sdelay $0x3  }
0x13b: {  	[tilespmem:s1+$0xFFFFF280] =	vst v2  }
0x13c: {  	v2 =	vld.idx.msk [tilespmem:v3+s17+$0x0], $0xffff  }
0x13d: {  	v3 =	vor.u32 $0x6, v1;
	_ =	sdelay $0x3  }
0x13e: {  	[tilespmem:s1+$0xFFFFF300] =	vst v2  }
0x13f: {  	v2 =	vld.idx.msk [tilespmem:v3+s17+$0x0], $0xffff  }
0x140: {  	v3 =	vor.u32 $0x7, v1;
	_ =	sdelay $0x3  }
0x141: {  	[tilespmem:s1+$0xFFFFF380] =	vst v2  }
0x142: {  	v2 =	vld.idx.msk [tilespmem:v3+s17+$0x0], $0xffff  }
0x143: {  	v3 =	vor.u32 $0x8, v1;
	_ =	sdelay $0x3  }
0x144: {  	[tilespmem:s1+$0xFFFFF400] =	vst v2  }
0x145: {  	v2 =	vld.idx.msk [tilespmem:v3+s17+$0x0], $0xffff  }
0x146: {  	v3 =	vor.u32 $0x9, v1;
	_ =	sdelay $0x3  }
0x147: {  	[tilespmem:s1+$0xFFFFF480] =	vst v2  }
0x148: {  	v2 =	vld.idx.msk [tilespmem:v3+s17+$0x0], $0xffff  }
0x149: {  	v3 =	vor.u32 $0xA, v1;
	_ =	sdelay $0x3  }
0x14a: {  	[tilespmem:s1+$0xFFFFF500] =	vst v2  }
0x14b: {  	v2 =	vld.idx.msk [tilespmem:v3+s17+$0x0], $0xffff  }
0x14c: {  	v3 =	vor.u32 $0xB, v1;
	_ =	sdelay $0x3  }
0x14d: {  	[tilespmem:s1+$0xFFFFF580] =	vst v2  }
0x14e: {  	v2 =	vld.idx.msk [tilespmem:v3+s17+$0x0], $0xffff  }
0x14f: {  	v3 =	vor.u32 $0xC, v1;
	_ =	sdelay $0x3  }
0x150: {  	[tilespmem:s1+$0xFFFFF600] =	vst v2  }
0x151: {  	v2 =	vld.idx.msk [tilespmem:v3+s17+$0x0], $0xffff  }
0x152: {  	v3 =	vor.u32 $0xD, v1;
	_ =	sdelay $0x3  }
0x153: {  	[tilespmem:s1+$0xFFFFF680] =	vst v2  }
0x154: {  	v2 =	vld.idx.msk [tilespmem:v3+s17+$0x0], $0xffff  }
0x155: {  	v3 =	vor.u32 $0xE, v1;
	_ =	sdelay $0x3  }
0x156: {  	[tilespmem:s1+$0xFFFFF700] =	vst v2  }
0x157: {  	v2 =	vld.idx.msk [tilespmem:v3+s17+$0x0], $0xffff  }
0x158: {  	v3 =	vor.u32 $0xF, v1;
	_ =	sdelay $0x3  }
0x159: {  	[tilespmem:s1+$0xFFFFF780] =	vst v2  }
0x15a: {  	v2 =	vld.idx.msk [tilespmem:v3+s17+$0x0], $0xffff  }
0x15b: {  	v3 =	vor.u32 $0x10, v1;
	_ =	sdelay $0x3  }
0x15c: {  	[tilespmem:s1+$0xFFFFF800] =	vst v2  }
0x15d: {  	v2 =	vld.idx.msk [tilespmem:v3+s17+$0x0], $0xffff  }
0x15e: {  	v3 =	vor.u32 $0x11, v1;
	_ =	sdelay $0x3  }
0x15f: {  	[tilespmem:s1+$0xFFFFF880] =	vst v2  }
0x160: {  	v2 =	vld.idx.msk [tilespmem:v3+s17+$0x0], $0xffff  }
0x161: {  	v3 =	vor.u32 $0x12, v1;
	_ =	sdelay $0x3  }
0x162: {  	[tilespmem:s1+$0xFFFFF900] =	vst v2  }
0x163: {  	v2 =	vld.idx.msk [tilespmem:v3+s17+$0x0], $0xffff  }
0x164: {  	v3 =	vor.u32 $0x13, v1;
	_ =	sdelay $0x3  }
0x165: {  	[tilespmem:s1+$0xFFFFF980] =	vst v2  }
0x166: {  	v2 =	vld.idx.msk [tilespmem:v3+s17+$0x0], $0xffff  }
0x167: {  	v3 =	vor.u32 $0x14, v1;
	_ =	sdelay $0x3  }
0x168: {  	[tilespmem:s1+$0xFFFFFA00] =	vst v2  }
0x169: {  	v2 =	vld.idx.msk [tilespmem:v3+s17+$0x0], $0xffff  }
0x16a: {  	v3 =	vor.u32 $0x15, v1;
	_ =	sdelay $0x3  }
0x16b: {  	[tilespmem:s1+$0xFFFFFA80] =	vst v2  }
0x16c: {  	v2 =	vld.idx.msk [tilespmem:v3+s17+$0x0], $0xffff  }
0x16d: {  	v3 =	vor.u32 $0x16, v1;
	_ =	sdelay $0x3  }
0x16e: {  	[tilespmem:s1+$0xFFFFFB00] =	vst v2  }
0x16f: {  	v2 =	vld.idx.msk [tilespmem:v3+s17+$0x0], $0xffff  }
0x170: {  	v3 =	vor.u32 $0x17, v1;
	_ =	sdelay $0x3  }
0x171: {  	[tilespmem:s1+$0xFFFFFB80] =	vst v2  }
0x172: {  	v2 =	vld.idx.msk [tilespmem:v3+s17+$0x0], $0xffff  }
0x173: {  	v3 =	vor.u32 $0x18, v1;
	_ =	sdelay $0x3  }
0x174: {  	[tilespmem:s1+$0xFFFFFC00] =	vst v2  }
0x175: {  	v2 =	vld.idx.msk [tilespmem:v3+s17+$0x0], $0xffff  }
0x176: {  	v3 =	vor.u32 $0x19, v1;
	_ =	sdelay $0x3  }
0x177: {  	[tilespmem:s1+$0xFFFFFC80] =	vst v2  }
0x178: {  	v2 =	vld.idx.msk [tilespmem:v3+s17+$0x0], $0xffff  }
0x179: {  	v3 =	vor.u32 $0x1A, v1;
	_ =	sdelay $0x3  }
0x17a: {  	[tilespmem:s1+$0xFFFFFD00] =	vst v2  }
0x17b: {  	v2 =	vld.idx.msk [tilespmem:v3+s17+$0x0], $0xffff  }
0x17c: {  	v3 =	vor.u32 $0x1B, v1;
	_ =	sdelay $0x3  }
0x17d: {  	[tilespmem:s1+$0xFFFFFD80] =	vst v2  }
0x17e: {  	v2 =	vld.idx.msk [tilespmem:v3+s17+$0x0], $0xffff  }
0x17f: {  	v3 =	vor.u32 $0x1C, v1;
	_ =	sdelay $0x3  }
0x180: {  	[tilespmem:s1+$0xFFFFFE00] =	vst v2  }
0x181: {  	v2 =	vld.idx.msk [tilespmem:v3+s17+$0x0], $0xffff  }
0x182: {  	v3 =	vor.u32 $0x1D, v1;
	_ =	sdelay $0x3  }
0x183: {  	[tilespmem:s1+$0xFFFFFE80] =	vst v2  }
0x184: {  	v2 =	vld.idx.msk [tilespmem:v3+s17+$0x0], $0xffff  }
0x185: {  	v3 =	vor.u32 $0x1E, v1;
	_ =	sdelay $0x3  }
0x186: {  	[tilespmem:s1+$0xFFFFFF00] =	vst v2  }
0x187: {  	v2 =	vld.idx.msk [tilespmem:v3+s17+$0x0], $0xffff  }
0x188: {  	v1 =	vor.u32 $0x1F, v1;
	_ =	sdelay $0x3  }
0x189: {  	[tilespmem:s1+$0xFFFFFF80] =	vst v2  }
0x18a: {  	s4 =	simm.s32 $0x10;
	v1 =	vld.idx.msk [tilespmem:v1+s17+$0x0], $0xffff  }
.LBB2_4:
0x18b: {  	_ =	sdelay $0x3  }
0x18c: {  	p0 =	sne.s32 s4, $0x70;
	s0 =	sadd.s32 $0x10, s0;
	[tilespmem:s1+$0x0] =	vst v1;
	s1 =	sadd.s32 $0x10, s1  }
0x18d: {  	s6 =	smov.u32 s4;
	s4 =	sadd.s32 $0x10, s4;
	v1 =	vld [tilespmem:s0+$0x0];
	_ =	sdelay $0x3  }
0x18e: {  	v2 =	vmov s6  }
0x18f: {  	v2 =	vshll.u32 v2, $0x7;
	v1 =	vshll.u32 v1, $0x5  }
0x190: {  	v2 =	vor.u32 v0, v2;
	v1 =	vand.u32 $0x60, v1  }
0x191: {  	v1 =	vor.u32 v2, v1;
	_ =	sdelay $0x4  }
0x192: {  	v2 =	vld.idx.msk [tilespmem:v1+s17+$0x0], $0xffff;
	_ =	sdelay $0x1  }
0x193: {  	v3 =	vor.u32 $0x1, v1;
	_ =	sdelay $0x3  }
0x194: {  	[tilespmem:s1+$0xFFFFF080] =	vst v2  }
0x195: {  	v2 =	vld.idx.msk [tilespmem:v3+s17+$0x0], $0xffff;
	_ =	sdelay $0x1  }
0x196: {  	v3 =	vor.u32 $0x2, v1;
	_ =	sdelay $0x3  }
0x197: {  	[tilespmem:s1+$0xFFFFF100] =	vst v2  }
0x198: {  	v2 =	vld.idx.msk [tilespmem:v3+s17+$0x0], $0xffff;
	_ =	sdelay $0x1  }
0x199: {  	v3 =	vor.u32 $0x3, v1;
	_ =	sdelay $0x3  }
0x19a: {  	[tilespmem:s1+$0xFFFFF180] =	vst v2  }
0x19b: {  	v2 =	vld.idx.msk [tilespmem:v3+s17+$0x0], $0xffff;
	_ =	sdelay $0x1  }
0x19c: {  	v3 =	vor.u32 $0x4, v1;
	_ =	sdelay $0x3  }
0x19d: {  	[tilespmem:s1+$0xFFFFF200] =	vst v2  }
0x19e: {  	v2 =	vld.idx.msk [tilespmem:v3+s17+$0x0], $0xffff;
	_ =	sdelay $0x1  }
0x19f: {  	v3 =	vor.u32 $0x5, v1;
	_ =	sdelay $0x3  }
0x1a0: {  	[tilespmem:s1+$0xFFFFF280] =	vst v2  }
0x1a1: {  	v2 =	vld.idx.msk [tilespmem:v3+s17+$0x0], $0xffff;
	_ =	sdelay $0x1  }
0x1a2: {  	v3 =	vor.u32 $0x6, v1;
	_ =	sdelay $0x3  }
0x1a3: {  	[tilespmem:s1+$0xFFFFF300] =	vst v2  }
0x1a4: {  	v2 =	vld.idx.msk [tilespmem:v3+s17+$0x0], $0xffff;
	_ =	sdelay $0x1  }
0x1a5: {  	v3 =	vor.u32 $0x7, v1;
	_ =	sdelay $0x3  }
0x1a6: {  	[tilespmem:s1+$0xFFFFF380] =	vst v2  }
0x1a7: {  	v2 =	vld.idx.msk [tilespmem:v3+s17+$0x0], $0xffff;
	_ =	sdelay $0x1  }
0x1a8: {  	v3 =	vor.u32 $0x8, v1;
	_ =	sdelay $0x3  }
0x1a9: {  	[tilespmem:s1+$0xFFFFF400] =	vst v2  }
0x1aa: {  	v2 =	vld.idx.msk [tilespmem:v3+s17+$0x0], $0xffff;
	_ =	sdelay $0x1  }
0x1ab: {  	v3 =	vor.u32 $0x9, v1;
	_ =	sdelay $0x3  }
0x1ac: {  	[tilespmem:s1+$0xFFFFF480] =	vst v2  }
0x1ad: {  	v2 =	vld.idx.msk [tilespmem:v3+s17+$0x0], $0xffff;
	_ =	sdelay $0x1  }
0x1ae: {  	v3 =	vor.u32 $0xA, v1;
	_ =	sdelay $0x3  }
0x1af: {  	[tilespmem:s1+$0xFFFFF500] =	vst v2  }
0x1b0: {  	v2 =	vld.idx.msk [tilespmem:v3+s17+$0x0], $0xffff;
	_ =	sdelay $0x1  }
0x1b1: {  	v3 =	vor.u32 $0xB, v1;
	_ =	sdelay $0x3  }
0x1b2: {  	[tilespmem:s1+$0xFFFFF580] =	vst v2  }
0x1b3: {  	v2 =	vld.idx.msk [tilespmem:v3+s17+$0x0], $0xffff;
	_ =	sdelay $0x1  }
0x1b4: {  	v3 =	vor.u32 $0xC, v1;
	_ =	sdelay $0x3  }
0x1b5: {  	[tilespmem:s1+$0xFFFFF600] =	vst v2  }
0x1b6: {  	v2 =	vld.idx.msk [tilespmem:v3+s17+$0x0], $0xffff;
	_ =	sdelay $0x1  }
0x1b7: {  	v3 =	vor.u32 $0xD, v1;
	_ =	sdelay $0x3  }
0x1b8: {  	[tilespmem:s1+$0xFFFFF680] =	vst v2  }
0x1b9: {  	v2 =	vld.idx.msk [tilespmem:v3+s17+$0x0], $0xffff;
	_ =	sdelay $0x1  }
0x1ba: {  	v3 =	vor.u32 $0xE, v1;
	_ =	sdelay $0x3  }
0x1bb: {  	[tilespmem:s1+$0xFFFFF700] =	vst v2  }
0x1bc: {  	v2 =	vld.idx.msk [tilespmem:v3+s17+$0x0], $0xffff;
	_ =	sdelay $0x1  }
0x1bd: {  	v3 =	vor.u32 $0xF, v1;
	_ =	sdelay $0x3  }
0x1be: {  	[tilespmem:s1+$0xFFFFF780] =	vst v2  }
0x1bf: {  	v2 =	vld.idx.msk [tilespmem:v3+s17+$0x0], $0xffff;
	_ =	sdelay $0x1  }
0x1c0: {  	v3 =	vor.u32 $0x10, v1;
	_ =	sdelay $0x3  }
0x1c1: {  	[tilespmem:s1+$0xFFFFF800] =	vst v2  }
0x1c2: {  	v2 =	vld.idx.msk [tilespmem:v3+s17+$0x0], $0xffff;
	_ =	sdelay $0x1  }
0x1c3: {  	v3 =	vor.u32 $0x11, v1;
	_ =	sdelay $0x3  }
0x1c4: {  	[tilespmem:s1+$0xFFFFF880] =	vst v2  }
0x1c5: {  	v2 =	vld.idx.msk [tilespmem:v3+s17+$0x0], $0xffff;
	_ =	sdelay $0x1  }
0x1c6: {  	v3 =	vor.u32 $0x12, v1;
	_ =	sdelay $0x3  }
0x1c7: {  	[tilespmem:s1+$0xFFFFF900] =	vst v2  }
0x1c8: {  	v2 =	vld.idx.msk [tilespmem:v3+s17+$0x0], $0xffff;
	_ =	sdelay $0x1  }
0x1c9: {  	v3 =	vor.u32 $0x13, v1;
	_ =	sdelay $0x3  }
0x1ca: {  	[tilespmem:s1+$0xFFFFF980] =	vst v2  }
0x1cb: {  	v2 =	vld.idx.msk [tilespmem:v3+s17+$0x0], $0xffff;
	_ =	sdelay $0x1  }
0x1cc: {  	v3 =	vor.u32 $0x14, v1;
	_ =	sdelay $0x3  }
0x1cd: {  	[tilespmem:s1+$0xFFFFFA00] =	vst v2  }
0x1ce: {  	v2 =	vld.idx.msk [tilespmem:v3+s17+$0x0], $0xffff;
	_ =	sdelay $0x1  }
0x1cf: {  	v3 =	vor.u32 $0x15, v1;
	_ =	sdelay $0x3  }
0x1d0: {  	[tilespmem:s1+$0xFFFFFA80] =	vst v2  }
0x1d1: {  	v2 =	vld.idx.msk [tilespmem:v3+s17+$0x0], $0xffff;
	_ =	sdelay $0x1  }
0x1d2: {  	v3 =	vor.u32 $0x16, v1;
	_ =	sdelay $0x3  }
0x1d3: {  	[tilespmem:s1+$0xFFFFFB00] =	vst v2  }
0x1d4: {  	v2 =	vld.idx.msk [tilespmem:v3+s17+$0x0], $0xffff;
	_ =	sdelay $0x1  }
0x1d5: {  	v3 =	vor.u32 $0x17, v1;
	_ =	sdelay $0x3  }
0x1d6: {  	[tilespmem:s1+$0xFFFFFB80] =	vst v2  }
0x1d7: {  	v2 =	vld.idx.msk [tilespmem:v3+s17+$0x0], $0xffff;
	_ =	sdelay $0x1  }
0x1d8: {  	v3 =	vor.u32 $0x18, v1;
	_ =	sdelay $0x3  }
0x1d9: {  	[tilespmem:s1+$0xFFFFFC00] =	vst v2  }
0x1da: {  	v2 =	vld.idx.msk [tilespmem:v3+s17+$0x0], $0xffff;
	_ =	sdelay $0x1  }
0x1db: {  	v3 =	vor.u32 $0x19, v1;
	_ =	sdelay $0x3  }
0x1dc: {  	[tilespmem:s1+$0xFFFFFC80] =	vst v2  }
0x1dd: {  	v2 =	vld.idx.msk [tilespmem:v3+s17+$0x0], $0xffff;
	_ =	sdelay $0x1  }
0x1de: {  	v3 =	vor.u32 $0x1A, v1;
	_ =	sdelay $0x3  }
0x1df: {  	[tilespmem:s1+$0xFFFFFD00] =	vst v2  }
0x1e0: {  	v2 =	vld.idx.msk [tilespmem:v3+s17+$0x0], $0xffff;
	_ =	sdelay $0x1  }
0x1e1: {  	v3 =	vor.u32 $0x1B, v1;
	_ =	sdelay $0x3  }
0x1e2: {  	[tilespmem:s1+$0xFFFFFD80] =	vst v2  }
0x1e3: {  	v2 =	vld.idx.msk [tilespmem:v3+s17+$0x0], $0xffff;
	_ =	sdelay $0x1  }
0x1e4: {  	v3 =	vor.u32 $0x1C, v1;
	_ =	sdelay $0x3  }
0x1e5: {  	[tilespmem:s1+$0xFFFFFE00] =	vst v2  }
0x1e6: {  	v2 =	vld.idx.msk [tilespmem:v3+s17+$0x0], $0xffff;
	_ =	sdelay $0x1  }
0x1e7: {  	v3 =	vor.u32 $0x1D, v1;
	_ =	sdelay $0x3  }
0x1e8: {  	[tilespmem:s1+$0xFFFFFE80] =	vst v2  }
0x1e9: {  	v2 =	vld.idx.msk [tilespmem:v3+s17+$0x0], $0xffff;
	_ =	sdelay $0x1  }
0x1ea: {  	v3 =	vor.u32 $0x1E, v1;
	_ =	sdelay $0x3  }
0x1eb: {  	[tilespmem:s1+$0xFFFFFF00] =	vst v2  }
0x1ec: {  	v2 =	vld.idx.msk [tilespmem:v3+s17+$0x0], $0xffff;
	_ =	sdelay $0x1  }
0x1ed: {  	v1 =	vor.u32 $0x1F, v1  }
.Ltmp1:
0x1ee: {  	(pc) =	sbr.rel @p0 .LBB2_4-.Ltmp1, $3  }
0x1ef: {  	_ =	sdelay $0x1  }
0x1f0: {  	[tilespmem:s1+$0xFFFFFF80] =	vst v2  }
0x1f1: {  	v1 =	vld.idx.msk [tilespmem:v1+s17+$0x0], $0xffff  }
0x1f2: {  	_ =	sdelay $0x3  }
0x1f3: {  	s0 =	rddreg [dreg:$0x5];
	p0 =	por $0x1, $0x1;
	[tilespmem:s1+$0x0] =	vst v1  }
0x1f4: {  	[hbm4b:s0+s25] =	stream.strided.scatter [tilespmem:s26], [sflag:$0x4], $0x1000, s11, s25, $0x38;
	[tilespmem:$0x16200] =	vst v63  }
0x1f5: {  	s10 =	simm.s32 $0x0;
	s1 =	simm.s32 $0x2;
	s0 =	simm.s32 $0x2  }
.LBB2_6:
0x1f6: {  	_ =	swait.ge [sflag:s18], $0x4000;
	s16 =	sshll.u32 s10, $0x1  }
0x1f7: {  	[sflag:s18] =	ssyncset.done $0x0;
	s4 =	sadd.s32 $0x4, s16;
	s6 =	sand.u32 $0x2, s16  }
0x1f8: {  	[sflag:s18] =	ssyncadd.s32 $0xFFFFC000;
	s7 =	sshll.u32 s4, $0x7;
	s4 =	sshll.u32 s4, $0x5  }
0x1f9: {  	s8 =	sshll.u32 s6, $0xA;
	_ =	swait.ge [sflag:s28], $0x1000;
	s7 =	sand.u32 $0x7000, s7  }
0x1fa: {  	s4 =	sand.u32 $0x380, s4;
	[sflag:s28] =	ssyncset.done $0x0;
	s7 =	sor.u32 s8, s7  }
0x1fb: {  	[sflag:s28] =	ssyncadd.s32 $0xFFFFF000;
	s4 =	sor.u32 s4, s7  }
0x1fc: {  	v1 =	vld [tilespmem:s4+$0x0];
	_ =	sdelay $0x4  }
0x1fd: {  	s9 =	sshll.u32 s6, $0x7;
	v1 =	vshrl.u32 v1, $0x2  }
0x1fe: {  	[tilespmem:s9+$0x4000] =	vst v1  }
0x1ff: {  	v1 =	vld [tilespmem:s4+$0x10];
	_ =	sdelay $0x4  }
0x200: {  	v1 =	vshrl.u32 v1, $0x2  }
0x201: {  	[tilespmem:s9+$0x4010] =	vst v1  }
0x202: {  	v1 =	vld [tilespmem:s4+$0x20];
	_ =	sdelay $0x4  }
0x203: {  	v1 =	vshrl.u32 v1, $0x2  }
0x204: {  	[tilespmem:s9+$0x4020] =	vst v1  }
0x205: {  	v1 =	vld [tilespmem:s4+$0x30];
	_ =	sdelay $0x4  }
0x206: {  	v1 =	vshrl.u32 v1, $0x2  }
0x207: {  	[tilespmem:s9+$0x4030] =	vst v1  }
0x208: {  	v1 =	vld [tilespmem:s4+$0x40];
	_ =	sdelay $0x4  }
0x209: {  	v1 =	vshrl.u32 v1, $0x2  }
0x20a: {  	[tilespmem:s9+$0x4040] =	vst v1  }
0x20b: {  	v1 =	vld [tilespmem:s4+$0x50];
	_ =	sdelay $0x4  }
0x20c: {  	v1 =	vshrl.u32 v1, $0x2  }
0x20d: {  	[tilespmem:s9+$0x4050] =	vst v1  }
0x20e: {  	v1 =	vld [tilespmem:s4+$0x60];
	_ =	sdelay $0x4  }
0x20f: {  	v1 =	vshrl.u32 v1, $0x2  }
0x210: {  	[tilespmem:s9+$0x4060] =	vst v1  }
0x211: {  	v1 =	vld [tilespmem:s4+$0x70]  }
0x212: {  	s4 =	simm.s32 $0x1  }
0x213: {  	s14 =	sshll.u32 s1, $0x9;
	s4 =	simm.s32 @!p0 $0x0  }
0x214: {  	s19 =	sshll.u32 s1, $0x7;
	s7 =	sand.u32 $0xFFFFC000, s14;
	s4 =	sshll.u32 s4, $0xD  }
0x215: {  	s8 =	sand.u32 $0xE00, s19;
	s4 =	sor.u32 s4, s7  }
0x216: {  	s6 =	sshll.u32 s6, $0xE;
	s4 =	sor.u32 s8, s4;
	v1 =	vshrl.u32 v1, $0x2  }
0x217: {  	s23 =	sor.u32 $0x4000, s9;
	s6 =	sor.u32 $0x4200, s6;
	s19 =	sshrl.u32 s4, $0x2;
	[tilespmem:s9+$0x4070] =	vst v1  }
0x218: {  	[tilespmem:s6], [sflag:$0x1] =	stream.indirect.gather [hbm4b:s3+s13], $0x80, s23, s13, $0xb8;
	[tilespmem:$0x16200] =	vst v63  }
0x219: {  	v1 =	vld [tilespmem:s19+$0x0];
	_ =	sdelay $0x3  }
0x21a: {  	v2 =	vmov s31  }
0x21b: {  	v2 =	vshll.u32 v2, $0x7;
	v1 =	vshll.u32 v1, $0x5  }
0x21c: {  	v2 =	vor.u32 v0, v2;
	v1 =	vand.u32 $0x60, v1  }
0x21d: {  	v1 =	vor.u32 v2, v1  }
0x21e: {  	s9 =	sadd.s32 $0x2, s16  }
0x21f: {  	s23 =	sand.u32 $0x2, s9  }
0x220: {  	s14 =	sshll.u32 s23, $0xE  }
0x221: {  	s6 =	sor.u32 $0x4200, s14  }
0x222: {  	v2 =	vld.idx.msk [tilespmem:v1+s6+$0x0], $0xffff  }
0x223: {  	v3 =	vor.u32 $0x1, v1;
	_ =	sdelay $0x2  }
0x224: {  	s4 =	simm.s32 $0x14A00  }
0x225: {  	[tilespmem:s4+$0xFFFFF800] =	vst v2  }
0x226: {  	v2 =	vld.idx.msk [tilespmem:v3+s6+$0x0], $0xffff  }
0x227: {  	v3 =	vor.u32 $0x2, v1;
	_ =	sdelay $0x3  }
0x228: {  	[tilespmem:s4+$0xFFFFF880] =	vst v2  }
0x229: {  	v2 =	vld.idx.msk [tilespmem:v3+s6+$0x0], $0xffff  }
0x22a: {  	v3 =	vor.u32 $0x3, v1;
	_ =	sdelay $0x3  }
0x22b: {  	[tilespmem:s4+$0xFFFFF900] =	vst v2  }
0x22c: {  	v2 =	vld.idx.msk [tilespmem:v3+s6+$0x0], $0xffff  }
0x22d: {  	v3 =	vor.u32 $0x4, v1;
	_ =	sdelay $0x3  }
0x22e: {  	[tilespmem:s4+$0xFFFFF980] =	vst v2  }
0x22f: {  	v2 =	vld.idx.msk [tilespmem:v3+s6+$0x0], $0xffff  }
0x230: {  	v3 =	vor.u32 $0x5, v1;
	_ =	sdelay $0x3  }
0x231: {  	[tilespmem:s4+$0xFFFFFA00] =	vst v2  }
0x232: {  	v2 =	vld.idx.msk [tilespmem:v3+s6+$0x0], $0xffff  }
0x233: {  	v3 =	vor.u32 $0x6, v1;
	_ =	sdelay $0x3  }
0x234: {  	[tilespmem:s4+$0xFFFFFA80] =	vst v2  }
0x235: {  	v2 =	vld.idx.msk [tilespmem:v3+s6+$0x0], $0xffff  }
0x236: {  	v3 =	vor.u32 $0x7, v1;
	_ =	sdelay $0x3  }
0x237: {  	[tilespmem:s4+$0xFFFFFB00] =	vst v2  }
0x238: {  	v2 =	vld.idx.msk [tilespmem:v3+s6+$0x0], $0xffff  }
0x239: {  	v3 =	vor.u32 $0x8, v1;
	_ =	sdelay $0x3  }
0x23a: {  	[tilespmem:s4+$0xFFFFFB80] =	vst v2  }
0x23b: {  	v2 =	vld.idx.msk [tilespmem:v3+s6+$0x0], $0xffff  }
0x23c: {  	v3 =	vor.u32 $0x9, v1;
	_ =	sdelay $0x3  }
0x23d: {  	[tilespmem:s4+$0xFFFFFC00] =	vst v2  }
0x23e: {  	v2 =	vld.idx.msk [tilespmem:v3+s6+$0x0], $0xffff  }
0x23f: {  	v3 =	vor.u32 $0xA, v1;
	_ =	sdelay $0x3  }
0x240: {  	[tilespmem:s4+$0xFFFFFC80] =	vst v2  }
0x241: {  	v2 =	vld.idx.msk [tilespmem:v3+s6+$0x0], $0xffff  }
0x242: {  	v3 =	vor.u32 $0xB, v1;
	_ =	sdelay $0x3  }
0x243: {  	[tilespmem:s4+$0xFFFFFD00] =	vst v2  }
0x244: {  	v2 =	vld.idx.msk [tilespmem:v3+s6+$0x0], $0xffff  }
0x245: {  	v3 =	vor.u32 $0xC, v1;
	_ =	sdelay $0x3  }
0x246: {  	[tilespmem:s4+$0xFFFFFD80] =	vst v2  }
0x247: {  	v2 =	vld.idx.msk [tilespmem:v3+s6+$0x0], $0xffff  }
0x248: {  	v3 =	vor.u32 $0xD, v1;
	_ =	sdelay $0x3  }
0x249: {  	[tilespmem:s4+$0xFFFFFE00] =	vst v2  }
0x24a: {  	v2 =	vld.idx.msk [tilespmem:v3+s6+$0x0], $0xffff  }
0x24b: {  	v3 =	vor.u32 $0xE, v1;
	_ =	sdelay $0x3  }
0x24c: {  	[tilespmem:s4+$0xFFFFFE80] =	vst v2  }
0x24d: {  	v2 =	vld.idx.msk [tilespmem:v3+s6+$0x0], $0xffff  }
0x24e: {  	v3 =	vor.u32 $0xF, v1;
	_ =	sdelay $0x3  }
0x24f: {  	[tilespmem:s4+$0xFFFFFF00] =	vst v2  }
0x250: {  	v2 =	vld.idx.msk [tilespmem:v3+s6+$0x0], $0xffff  }
0x251: {  	v3 =	vor.u32 $0x10, v1;
	_ =	sdelay $0x3  }
0x252: {  	[tilespmem:s4+$0xFFFFFF80] =	vst v2  }
0x253: {  	v2 =	vld.idx.msk [tilespmem:v3+s6+$0x0], $0xffff  }
0x254: {  	v3 =	vor.u32 $0x11, v1;
	_ =	sdelay $0x3  }
0x255: {  	[tilespmem:s4+$0x0] =	vst v2  }
0x256: {  	v2 =	vld.idx.msk [tilespmem:v3+s6+$0x0], $0xffff  }
0x257: {  	v3 =	vor.u32 $0x12, v1;
	_ =	sdelay $0x3  }
0x258: {  	[tilespmem:s4+$0x80] =	vst v2  }
0x259: {  	v2 =	vld.idx.msk [tilespmem:v3+s6+$0x0], $0xffff  }
0x25a: {  	v3 =	vor.u32 $0x13, v1;
	_ =	sdelay $0x3  }
0x25b: {  	[tilespmem:s4+$0x100] =	vst v2  }
0x25c: {  	v2 =	vld.idx.msk [tilespmem:v3+s6+$0x0], $0xffff  }
0x25d: {  	v3 =	vor.u32 $0x14, v1;
	_ =	sdelay $0x3  }
0x25e: {  	[tilespmem:s4+$0x180] =	vst v2  }
0x25f: {  	v2 =	vld.idx.msk [tilespmem:v3+s6+$0x0], $0xffff  }
0x260: {  	v3 =	vor.u32 $0x15, v1;
	_ =	sdelay $0x3  }
0x261: {  	[tilespmem:s4+$0x200] =	vst v2  }
0x262: {  	v2 =	vld.idx.msk [tilespmem:v3+s6+$0x0], $0xffff  }
0x263: {  	v3 =	vor.u32 $0x16, v1;
	_ =	sdelay $0x3  }
0x264: {  	[tilespmem:s4+$0x280] =	vst v2  }
0x265: {  	v2 =	vld.idx.msk [tilespmem:v3+s6+$0x0], $0xffff  }
0x266: {  	v3 =	vor.u32 $0x17, v1;
	_ =	sdelay $0x3  }
0x267: {  	[tilespmem:s4+$0x300] =	vst v2  }
0x268: {  	v2 =	vld.idx.msk [tilespmem:v3+s6+$0x0], $0xffff  }
0x269: {  	v3 =	vor.u32 $0x18, v1;
	_ =	sdelay $0x3  }
0x26a: {  	[tilespmem:s4+$0x380] =	vst v2  }
0x26b: {  	v2 =	vld.idx.msk [tilespmem:v3+s6+$0x0], $0xffff  }
0x26c: {  	v3 =	vor.u32 $0x19, v1;
	_ =	sdelay $0x3  }
0x26d: {  	[tilespmem:s4+$0x400] =	vst v2  }
0x26e: {  	v2 =	vld.idx.msk [tilespmem:v3+s6+$0x0], $0xffff  }
0x26f: {  	v3 =	vor.u32 $0x1A, v1;
	_ =	sdelay $0x3  }
0x270: {  	[tilespmem:s4+$0x480] =	vst v2  }
0x271: {  	v2 =	vld.idx.msk [tilespmem:v3+s6+$0x0], $0xffff  }
0x272: {  	v3 =	vor.u32 $0x1B, v1;
	_ =	sdelay $0x3  }
0x273: {  	[tilespmem:s4+$0x500] =	vst v2  }
0x274: {  	v2 =	vld.idx.msk [tilespmem:v3+s6+$0x0], $0xffff  }
0x275: {  	v3 =	vor.u32 $0x1C, v1;
	_ =	sdelay $0x3  }
0x276: {  	[tilespmem:s4+$0x580] =	vst v2  }
0x277: {  	v2 =	vld.idx.msk [tilespmem:v3+s6+$0x0], $0xffff  }
0x278: {  	v3 =	vor.u32 $0x1D, v1;
	_ =	sdelay $0x3  }
0x279: {  	[tilespmem:s4+$0x600] =	vst v2  }
0x27a: {  	v2 =	vld.idx.msk [tilespmem:v3+s6+$0x0], $0xffff  }
0x27b: {  	v3 =	vor.u32 $0x1E, v1;
	_ =	sdelay $0x3  }
0x27c: {  	[tilespmem:s4+$0x680] =	vst v2  }
0x27d: {  	v2 =	vld.idx.msk [tilespmem:v3+s6+$0x0], $0xffff  }
0x27e: {  	s14 =	sand.u32 $0x3, s0;
	v1 =	vor.u32 $0x1F, v1  }
0x27f: {  	s14 =	sshll.u32 s14, $0xC  }
0x280: {  	s7 =	sor.u32 s14, s7  }
0x281: {  	s7 =	sor.u32 s8, s7  }
0x282: {  	s7 =	sshrl.u32 s7, $0x2;
	[tilespmem:s4+$0x700] =	vst v2  }
0x283: {  	s8 =	simm.s32 $0x10;
	s14 =	sadd.s32 $0x400, s7;
	s7 =	sshrl.u32 s9, $0x2;
	v1 =	vld.idx.msk [tilespmem:v1+s6+$0x0], $0xffff  }
.LBB2_7:
0x284: {  	_ =	sdelay $0x3  }
0x285: {  	p1 =	sne.s32 s8, $0x70;
	s19 =	sadd.s32 $0x10, s19;
	[tilespmem:s4+$0x780] =	vst v1;
	s4 =	sadd.s32 $0x10, s4  }
0x286: {  	s9 =	smov.u32 s8;
	s8 =	sadd.s32 $0x10, s8;
	v1 =	vld [tilespmem:s19+$0x0];
	_ =	sdelay $0x3  }
0x287: {  	v2 =	vmov s9  }
0x288: {  	v2 =	vshll.u32 v2, $0x7;
	v1 =	vshll.u32 v1, $0x5  }
0x289: {  	v2 =	vor.u32 v0, v2;
	v1 =	vand.u32 $0x60, v1  }
0x28a: {  	v1 =	vor.u32 v2, v1;
	_ =	sdelay $0x4  }
0x28b: {  	v2 =	vld.idx.msk [tilespmem:v1+s6+$0x0], $0xffff;
	_ =	sdelay $0x1  }
0x28c: {  	v3 =	vor.u32 $0x1, v1;
	_ =	sdelay $0x3  }
0x28d: {  	[tilespmem:s4+$0xFFFFF800] =	vst v2  }
0x28e: {  	v2 =	vld.idx.msk [tilespmem:v3+s6+$0x0], $0xffff;
	_ =	sdelay $0x1  }
0x28f: {  	v3 =	vor.u32 $0x2, v1;
	_ =	sdelay $0x3  }
0x290: {  	[tilespmem:s4+$0xFFFFF880] =	vst v2  }
0x291: {  	v2 =	vld.idx.msk [tilespmem:v3+s6+$0x0], $0xffff;
	_ =	sdelay $0x1  }
0x292: {  	v3 =	vor.u32 $0x3, v1;
	_ =	sdelay $0x3  }
0x293: {  	[tilespmem:s4+$0xFFFFF900] =	vst v2  }
0x294: {  	v2 =	vld.idx.msk [tilespmem:v3+s6+$0x0], $0xffff;
	_ =	sdelay $0x1  }
0x295: {  	v3 =	vor.u32 $0x4, v1;
	_ =	sdelay $0x3  }
0x296: {  	[tilespmem:s4+$0xFFFFF980] =	vst v2  }
0x297: {  	v2 =	vld.idx.msk [tilespmem:v3+s6+$0x0], $0xffff;
	_ =	sdelay $0x1  }
0x298: {  	v3 =	vor.u32 $0x5, v1;
	_ =	sdelay $0x3  }
0x299: {  	[tilespmem:s4+$0xFFFFFA00] =	vst v2  }
0x29a: {  	v2 =	vld.idx.msk [tilespmem:v3+s6+$0x0], $0xffff;
	_ =	sdelay $0x1  }
0x29b: {  	v3 =	vor.u32 $0x6, v1;
	_ =	sdelay $0x3  }
0x29c: {  	[tilespmem:s4+$0xFFFFFA80] =	vst v2  }
0x29d: {  	v2 =	vld.idx.msk [tilespmem:v3+s6+$0x0], $0xffff;
	_ =	sdelay $0x1  }
0x29e: {  	v3 =	vor.u32 $0x7, v1;
	_ =	sdelay $0x3  }
0x29f: {  	[tilespmem:s4+$0xFFFFFB00] =	vst v2  }
0x2a0: {  	v2 =	vld.idx.msk [tilespmem:v3+s6+$0x0], $0xffff;
	_ =	sdelay $0x1  }
0x2a1: {  	v3 =	vor.u32 $0x8, v1;
	_ =	sdelay $0x3  }
0x2a2: {  	[tilespmem:s4+$0xFFFFFB80] =	vst v2  }
0x2a3: {  	v2 =	vld.idx.msk [tilespmem:v3+s6+$0x0], $0xffff;
	_ =	sdelay $0x1  }
0x2a4: {  	v3 =	vor.u32 $0x9, v1;
	_ =	sdelay $0x3  }
0x2a5: {  	[tilespmem:s4+$0xFFFFFC00] =	vst v2  }
0x2a6: {  	v2 =	vld.idx.msk [tilespmem:v3+s6+$0x0], $0xffff;
	_ =	sdelay $0x1  }
0x2a7: {  	v3 =	vor.u32 $0xA, v1;
	_ =	sdelay $0x3  }
0x2a8: {  	[tilespmem:s4+$0xFFFFFC80] =	vst v2  }
0x2a9: {  	v2 =	vld.idx.msk [tilespmem:v3+s6+$0x0], $0xffff;
	_ =	sdelay $0x1  }
0x2aa: {  	v3 =	vor.u32 $0xB, v1;
	_ =	sdelay $0x3  }
0x2ab: {  	[tilespmem:s4+$0xFFFFFD00] =	vst v2  }
0x2ac: {  	v2 =	vld.idx.msk [tilespmem:v3+s6+$0x0], $0xffff;
	_ =	sdelay $0x1  }
0x2ad: {  	v3 =	vor.u32 $0xC, v1;
	_ =	sdelay $0x3  }
0x2ae: {  	[tilespmem:s4+$0xFFFFFD80] =	vst v2  }
0x2af: {  	v2 =	vld.idx.msk [tilespmem:v3+s6+$0x0], $0xffff;
	_ =	sdelay $0x1  }
0x2b0: {  	v3 =	vor.u32 $0xD, v1;
	_ =	sdelay $0x3  }
0x2b1: {  	[tilespmem:s4+$0xFFFFFE00] =	vst v2  }
0x2b2: {  	v2 =	vld.idx.msk [tilespmem:v3+s6+$0x0], $0xffff;
	_ =	sdelay $0x1  }
0x2b3: {  	v3 =	vor.u32 $0xE, v1;
	_ =	sdelay $0x3  }
0x2b4: {  	[tilespmem:s4+$0xFFFFFE80] =	vst v2  }
0x2b5: {  	v2 =	vld.idx.msk [tilespmem:v3+s6+$0x0], $0xffff;
	_ =	sdelay $0x1  }
0x2b6: {  	v3 =	vor.u32 $0xF, v1;
	_ =	sdelay $0x3  }
0x2b7: {  	[tilespmem:s4+$0xFFFFFF00] =	vst v2  }
0x2b8: {  	v2 =	vld.idx.msk [tilespmem:v3+s6+$0x0], $0xffff;
	_ =	sdelay $0x1  }
0x2b9: {  	v3 =	vor.u32 $0x10, v1;
	_ =	sdelay $0x3  }
0x2ba: {  	[tilespmem:s4+$0xFFFFFF80] =	vst v2  }
0x2bb: {  	v2 =	vld.idx.msk [tilespmem:v3+s6+$0x0], $0xffff;
	_ =	sdelay $0x1  }
0x2bc: {  	v3 =	vor.u32 $0x11, v1;
	_ =	sdelay $0x3  }
0x2bd: {  	[tilespmem:s4+$0x0] =	vst v2  }
0x2be: {  	v2 =	vld.idx.msk [tilespmem:v3+s6+$0x0], $0xffff;
	_ =	sdelay $0x1  }
0x2bf: {  	v3 =	vor.u32 $0x12, v1;
	_ =	sdelay $0x3  }
0x2c0: {  	[tilespmem:s4+$0x80] =	vst v2  }
0x2c1: {  	v2 =	vld.idx.msk [tilespmem:v3+s6+$0x0], $0xffff;
	_ =	sdelay $0x1  }
0x2c2: {  	v3 =	vor.u32 $0x13, v1;
	_ =	sdelay $0x3  }
0x2c3: {  	[tilespmem:s4+$0x100] =	vst v2  }
0x2c4: {  	v2 =	vld.idx.msk [tilespmem:v3+s6+$0x0], $0xffff;
	_ =	sdelay $0x1  }
0x2c5: {  	v3 =	vor.u32 $0x14, v1;
	_ =	sdelay $0x3  }
0x2c6: {  	[tilespmem:s4+$0x180] =	vst v2  }
0x2c7: {  	v2 =	vld.idx.msk [tilespmem:v3+s6+$0x0], $0xffff;
	_ =	sdelay $0x1  }
0x2c8: {  	v3 =	vor.u32 $0x15, v1;
	_ =	sdelay $0x3  }
0x2c9: {  	[tilespmem:s4+$0x200] =	vst v2  }
0x2ca: {  	v2 =	vld.idx.msk [tilespmem:v3+s6+$0x0], $0xffff;
	_ =	sdelay $0x1  }
0x2cb: {  	v3 =	vor.u32 $0x16, v1;
	_ =	sdelay $0x3  }
0x2cc: {  	[tilespmem:s4+$0x280] =	vst v2  }
0x2cd: {  	v2 =	vld.idx.msk [tilespmem:v3+s6+$0x0], $0xffff;
	_ =	sdelay $0x1  }
0x2ce: {  	v3 =	vor.u32 $0x17, v1;
	_ =	sdelay $0x3  }
0x2cf: {  	[tilespmem:s4+$0x300] =	vst v2  }
0x2d0: {  	v2 =	vld.idx.msk [tilespmem:v3+s6+$0x0], $0xffff;
	_ =	sdelay $0x1  }
0x2d1: {  	v3 =	vor.u32 $0x18, v1;
	_ =	sdelay $0x3  }
0x2d2: {  	[tilespmem:s4+$0x380] =	vst v2  }
0x2d3: {  	v2 =	vld.idx.msk [tilespmem:v3+s6+$0x0], $0xffff;
	_ =	sdelay $0x1  }
0x2d4: {  	v3 =	vor.u32 $0x19, v1;
	_ =	sdelay $0x3  }
0x2d5: {  	[tilespmem:s4+$0x400] =	vst v2  }
0x2d6: {  	v2 =	vld.idx.msk [tilespmem:v3+s6+$0x0], $0xffff;
	_ =	sdelay $0x1  }
0x2d7: {  	v3 =	vor.u32 $0x1A, v1;
	_ =	sdelay $0x3  }
0x2d8: {  	[tilespmem:s4+$0x480] =	vst v2  }
0x2d9: {  	v2 =	vld.idx.msk [tilespmem:v3+s6+$0x0], $0xffff;
	_ =	sdelay $0x1  }
0x2da: {  	v3 =	vor.u32 $0x1B, v1;
	_ =	sdelay $0x3  }
0x2db: {  	[tilespmem:s4+$0x500] =	vst v2  }
0x2dc: {  	v2 =	vld.idx.msk [tilespmem:v3+s6+$0x0], $0xffff;
	_ =	sdelay $0x1  }
0x2dd: {  	v3 =	vor.u32 $0x1C, v1;
	_ =	sdelay $0x3  }
0x2de: {  	[tilespmem:s4+$0x580] =	vst v2  }
0x2df: {  	v2 =	vld.idx.msk [tilespmem:v3+s6+$0x0], $0xffff;
	_ =	sdelay $0x1  }
0x2e0: {  	v3 =	vor.u32 $0x1D, v1;
	_ =	sdelay $0x3  }
0x2e1: {  	[tilespmem:s4+$0x600] =	vst v2  }
0x2e2: {  	v2 =	vld.idx.msk [tilespmem:v3+s6+$0x0], $0xffff;
	_ =	sdelay $0x1  }
0x2e3: {  	v3 =	vor.u32 $0x1E, v1;
	_ =	sdelay $0x3  }
0x2e4: {  	[tilespmem:s4+$0x680] =	vst v2  }
0x2e5: {  	v2 =	vld.idx.msk [tilespmem:v3+s6+$0x0], $0xffff;
	_ =	sdelay $0x1  }
0x2e6: {  	v1 =	vor.u32 $0x1F, v1  }
.Ltmp2:
0x2e7: {  	(pc) =	sbr.rel @p1 .LBB2_7-.Ltmp2, $3  }
0x2e8: {  	_ =	sdelay $0x1  }
0x2e9: {  	[tilespmem:s4+$0x700] =	vst v2  }
0x2ea: {  	v1 =	vld.idx.msk [tilespmem:v1+s6+$0x0], $0xffff  }
0x2eb: {  	_ =	sdelay $0x1  }
0x2ec: {  	s6 =	sshll.u32 s7, $0x10  }
0x2ed: {  	s23 =	sshll.u32 s23, $0x7;
	s6 =	sadd.s32 s6, s5  }
0x2ee: {  	s7 =	sadd.s32 s23, s6;
	[tilespmem:s4+$0x780] =	vst v1  }
0x2ef: {  	[hbm4b:s7+s25] =	stream.strided.scatter [tilespmem:s21], [sflag:$0x3], $0x1000, s11, s25, $0x38;
	[tilespmem:$0x16200] =	vst v63  }
0x2f0: {  	s8 =	sadd.s32 $0x5, s16;
	_ =	swait.ge [sflag:s22], $0x4000  }
0x2f1: {  	s9 =	sand.u32 $0x3, s8;
	[sflag:s22] =	ssyncset.done $0x0  }
0x2f2: {  	s19 =	sshll.u32 s8, $0x7;
	s4 =	sshll.u32 s8, $0x5;
	[sflag:s22] =	ssyncadd.s32 $0xFFFFC000  }
0x2f3: {  	s8 =	sshll.u32 s9, $0xA;
	s7 =	sand.u32 $0x7000, s19;
	_ =	swait.ge [sflag:s29], $0x1000  }
0x2f4: {  	s4 =	sand.u32 $0x380, s4;
	s7 =	sor.u32 s8, s7;
	[sflag:s29] =	ssyncset.done $0x0  }
0x2f5: {  	s4 =	sor.u32 s4, s7;
	[sflag:s29] =	ssyncadd.s32 $0xFFFFF000  }
0x2f6: {  	v1 =	vld [tilespmem:s4+$0x0];
	_ =	sdelay $0x4  }
0x2f7: {  	s23 =	sshll.u32 s9, $0x7;
	v1 =	vshrl.u32 v1, $0x2  }
0x2f8: {  	[tilespmem:s23+$0x4000] =	vst v1  }
0x2f9: {  	v1 =	vld [tilespmem:s4+$0x10];
	_ =	sdelay $0x4  }
0x2fa: {  	v1 =	vshrl.u32 v1, $0x2  }
0x2fb: {  	[tilespmem:s23+$0x4010] =	vst v1  }
0x2fc: {  	v1 =	vld [tilespmem:s4+$0x20];
	_ =	sdelay $0x4  }
0x2fd: {  	v1 =	vshrl.u32 v1, $0x2  }
0x2fe: {  	[tilespmem:s23+$0x4020] =	vst v1  }
0x2ff: {  	v1 =	vld [tilespmem:s4+$0x30];
	_ =	sdelay $0x4  }
0x300: {  	v1 =	vshrl.u32 v1, $0x2  }
0x301: {  	[tilespmem:s23+$0x4030] =	vst v1  }
0x302: {  	v1 =	vld [tilespmem:s4+$0x40];
	_ =	sdelay $0x4  }
0x303: {  	v1 =	vshrl.u32 v1, $0x2  }
0x304: {  	[tilespmem:s23+$0x4040] =	vst v1  }
0x305: {  	v1 =	vld [tilespmem:s4+$0x50];
	_ =	sdelay $0x4  }
0x306: {  	v1 =	vshrl.u32 v1, $0x2  }
0x307: {  	[tilespmem:s23+$0x4050] =	vst v1  }
0x308: {  	v1 =	vld [tilespmem:s4+$0x60];
	_ =	sdelay $0x4  }
0x309: {  	v1 =	vshrl.u32 v1, $0x2  }
0x30a: {  	[tilespmem:s23+$0x4060] =	vst v1  }
0x30b: {  	v1 =	vld [tilespmem:s4+$0x70];
	_ =	sdelay $0x4  }
0x30c: {  	s6 =	sshll.u32 s9, $0xE;
	v1 =	vshrl.u32 v1, $0x2  }
0x30d: {  	s8 =	sor.u32 $0x4000, s23;
	s4 =	sadd.s32 $0x4200, s6;
	[tilespmem:s23+$0x4070] =	vst v1  }
0x30e: {  	[tilespmem:s4], [sflag:$0x2] =	stream.indirect.gather [hbm4b:s3+s13], $0x80, s8, s13, $0xb8;
	[tilespmem:$0x16200] =	vst v63  }
0x30f: {  	v1 =	vld [tilespmem:s14+$0x0];
	_ =	sdelay $0x2  }
0x310: {  	s9 =	simm.s32 $0x0  }
0x311: {  	v2 =	vmov s9  }
0x312: {  	v2 =	vshll.u32 v2, $0x7;
	v1 =	vshll.u32 v1, $0x5  }
0x313: {  	v2 =	vor.u32 v0, v2;
	v1 =	vand.u32 $0x60, v1  }
0x314: {  	v1 =	vor.u32 v2, v1  }
0x315: {  	s19 =	sadd.s32 $0x3, s16  }
0x316: {  	s4 =	sand.u32 $0x3, s19  }
0x317: {  	s23 =	sshll.u32 s4, $0xE  }
0x318: {  	s16 =	sadd.s32 $0x4200, s23  }
0x319: {  	v2 =	vld.idx.msk [tilespmem:v1+s16+$0x0], $0xffff  }
0x31a: {  	v3 =	vor.u32 $0x1, v1;
	_ =	sdelay $0x2  }
0x31b: {  	s6 =	simm.s32 $0x16180  }
0x31c: {  	[tilespmem:s6+$0xFFFFF080] =	vst v2  }
0x31d: {  	v2 =	vld.idx.msk [tilespmem:v3+s16+$0x0], $0xffff  }
0x31e: {  	v3 =	vor.u32 $0x2, v1;
	_ =	sdelay $0x3  }
0x31f: {  	[tilespmem:s6+$0xFFFFF100] =	vst v2  }
0x320: {  	v2 =	vld.idx.msk [tilespmem:v3+s16+$0x0], $0xffff  }
0x321: {  	v3 =	vor.u32 $0x3, v1;
	_ =	sdelay $0x3  }
0x322: {  	[tilespmem:s6+$0xFFFFF180] =	vst v2  }
0x323: {  	v2 =	vld.idx.msk [tilespmem:v3+s16+$0x0], $0xffff  }
0x324: {  	v3 =	vor.u32 $0x4, v1;
	_ =	sdelay $0x3  }
0x325: {  	[tilespmem:s6+$0xFFFFF200] =	vst v2  }
0x326: {  	v2 =	vld.idx.msk [tilespmem:v3+s16+$0x0], $0xffff  }
0x327: {  	v3 =	vor.u32 $0x5, v1;
	_ =	sdelay $0x3  }
0x328: {  	[tilespmem:s6+$0xFFFFF280] =	vst v2  }
0x329: {  	v2 =	vld.idx.msk [tilespmem:v3+s16+$0x0], $0xffff  }
0x32a: {  	v3 =	vor.u32 $0x6, v1;
	_ =	sdelay $0x3  }
0x32b: {  	[tilespmem:s6+$0xFFFFF300] =	vst v2  }
0x32c: {  	v2 =	vld.idx.msk [tilespmem:v3+s16+$0x0], $0xffff  }
0x32d: {  	v3 =	vor.u32 $0x7, v1;
	_ =	sdelay $0x3  }
0x32e: {  	[tilespmem:s6+$0xFFFFF380] =	vst v2  }
0x32f: {  	v2 =	vld.idx.msk [tilespmem:v3+s16+$0x0], $0xffff  }
0x330: {  	v3 =	vor.u32 $0x8, v1;
	_ =	sdelay $0x3  }
0x331: {  	[tilespmem:s6+$0xFFFFF400] =	vst v2  }
0x332: {  	v2 =	vld.idx.msk [tilespmem:v3+s16+$0x0], $0xffff  }
0x333: {  	v3 =	vor.u32 $0x9, v1;
	_ =	sdelay $0x3  }
0x334: {  	[tilespmem:s6+$0xFFFFF480] =	vst v2  }
0x335: {  	v2 =	vld.idx.msk [tilespmem:v3+s16+$0x0], $0xffff  }
0x336: {  	v3 =	vor.u32 $0xA, v1;
	_ =	sdelay $0x3  }
0x337: {  	[tilespmem:s6+$0xFFFFF500] =	vst v2  }
0x338: {  	v2 =	vld.idx.msk [tilespmem:v3+s16+$0x0], $0xffff  }
0x339: {  	v3 =	vor.u32 $0xB, v1;
	_ =	sdelay $0x3  }
0x33a: {  	[tilespmem:s6+$0xFFFFF580] =	vst v2  }
0x33b: {  	v2 =	vld.idx.msk [tilespmem:v3+s16+$0x0], $0xffff  }
0x33c: {  	v3 =	vor.u32 $0xC, v1;
	_ =	sdelay $0x3  }
0x33d: {  	[tilespmem:s6+$0xFFFFF600] =	vst v2  }
0x33e: {  	v2 =	vld.idx.msk [tilespmem:v3+s16+$0x0], $0xffff  }
0x33f: {  	v3 =	vor.u32 $0xD, v1;
	_ =	sdelay $0x3  }
0x340: {  	[tilespmem:s6+$0xFFFFF680] =	vst v2  }
0x341: {  	v2 =	vld.idx.msk [tilespmem:v3+s16+$0x0], $0xffff  }
0x342: {  	v3 =	vor.u32 $0xE, v1;
	_ =	sdelay $0x3  }
0x343: {  	[tilespmem:s6+$0xFFFFF700] =	vst v2  }
0x344: {  	v2 =	vld.idx.msk [tilespmem:v3+s16+$0x0], $0xffff  }
0x345: {  	v3 =	vor.u32 $0xF, v1;
	_ =	sdelay $0x3  }
0x346: {  	[tilespmem:s6+$0xFFFFF780] =	vst v2  }
0x347: {  	v2 =	vld.idx.msk [tilespmem:v3+s16+$0x0], $0xffff  }
0x348: {  	v3 =	vor.u32 $0x10, v1;
	_ =	sdelay $0x3  }
0x349: {  	[tilespmem:s6+$0xFFFFF800] =	vst v2  }
0x34a: {  	v2 =	vld.idx.msk [tilespmem:v3+s16+$0x0], $0xffff  }
0x34b: {  	v3 =	vor.u32 $0x11, v1;
	_ =	sdelay $0x3  }
0x34c: {  	[tilespmem:s6+$0xFFFFF880] =	vst v2  }
0x34d: {  	v2 =	vld.idx.msk [tilespmem:v3+s16+$0x0], $0xffff  }
0x34e: {  	v3 =	vor.u32 $0x12, v1;
	_ =	sdelay $0x3  }
0x34f: {  	[tilespmem:s6+$0xFFFFF900] =	vst v2  }
0x350: {  	v2 =	vld.idx.msk [tilespmem:v3+s16+$0x0], $0xffff  }
0x351: {  	v3 =	vor.u32 $0x13, v1;
	_ =	sdelay $0x3  }
0x352: {  	[tilespmem:s6+$0xFFFFF980] =	vst v2  }
0x353: {  	v2 =	vld.idx.msk [tilespmem:v3+s16+$0x0], $0xffff  }
0x354: {  	v3 =	vor.u32 $0x14, v1;
	_ =	sdelay $0x3  }
0x355: {  	[tilespmem:s6+$0xFFFFFA00] =	vst v2  }
0x356: {  	v2 =	vld.idx.msk [tilespmem:v3+s16+$0x0], $0xffff  }
0x357: {  	v3 =	vor.u32 $0x15, v1;
	_ =	sdelay $0x3  }
0x358: {  	[tilespmem:s6+$0xFFFFFA80] =	vst v2  }
0x359: {  	v2 =	vld.idx.msk [tilespmem:v3+s16+$0x0], $0xffff  }
0x35a: {  	v3 =	vor.u32 $0x16, v1;
	_ =	sdelay $0x3  }
0x35b: {  	[tilespmem:s6+$0xFFFFFB00] =	vst v2  }
0x35c: {  	v2 =	vld.idx.msk [tilespmem:v3+s16+$0x0], $0xffff  }
0x35d: {  	v3 =	vor.u32 $0x17, v1;
	_ =	sdelay $0x3  }
0x35e: {  	[tilespmem:s6+$0xFFFFFB80] =	vst v2  }
0x35f: {  	v2 =	vld.idx.msk [tilespmem:v3+s16+$0x0], $0xffff  }
0x360: {  	v3 =	vor.u32 $0x18, v1;
	_ =	sdelay $0x3  }
0x361: {  	[tilespmem:s6+$0xFFFFFC00] =	vst v2  }
0x362: {  	v2 =	vld.idx.msk [tilespmem:v3+s16+$0x0], $0xffff  }
0x363: {  	v3 =	vor.u32 $0x19, v1;
	_ =	sdelay $0x3  }
0x364: {  	[tilespmem:s6+$0xFFFFFC80] =	vst v2  }
0x365: {  	v2 =	vld.idx.msk [tilespmem:v3+s16+$0x0], $0xffff  }
0x366: {  	v3 =	vor.u32 $0x1A, v1;
	_ =	sdelay $0x3  }
0x367: {  	[tilespmem:s6+$0xFFFFFD00] =	vst v2  }
0x368: {  	v2 =	vld.idx.msk [tilespmem:v3+s16+$0x0], $0xffff  }
0x369: {  	v3 =	vor.u32 $0x1B, v1;
	_ =	sdelay $0x3  }
0x36a: {  	[tilespmem:s6+$0xFFFFFD80] =	vst v2  }
0x36b: {  	v2 =	vld.idx.msk [tilespmem:v3+s16+$0x0], $0xffff  }
0x36c: {  	v3 =	vor.u32 $0x1C, v1;
	_ =	sdelay $0x3  }
0x36d: {  	[tilespmem:s6+$0xFFFFFE00] =	vst v2  }
0x36e: {  	v2 =	vld.idx.msk [tilespmem:v3+s16+$0x0], $0xffff  }
0x36f: {  	v3 =	vor.u32 $0x1D, v1;
	_ =	sdelay $0x3  }
0x370: {  	[tilespmem:s6+$0xFFFFFE80] =	vst v2  }
0x371: {  	v2 =	vld.idx.msk [tilespmem:v3+s16+$0x0], $0xffff  }
0x372: {  	v3 =	vor.u32 $0x1E, v1;
	_ =	sdelay $0x3  }
0x373: {  	[tilespmem:s6+$0xFFFFFF00] =	vst v2  }
0x374: {  	v2 =	vld.idx.msk [tilespmem:v3+s16+$0x0], $0xffff  }
0x375: {  	v1 =	vor.u32 $0x1F, v1;
	_ =	sdelay $0x3  }
0x376: {  	[tilespmem:s6+$0xFFFFFF80] =	vst v2  }
0x377: {  	s7 =	sshrl.u32 s19, $0x2;
	s8 =	simm.s32 $0x10;
	v1 =	vld.idx.msk [tilespmem:v1+s16+$0x0], $0xffff  }
.LBB2_9:
0x378: {  	_ =	sdelay $0x3  }
0x379: {  	p1 =	sne.s32 s8, $0x70;
	s14 =	sadd.s32 $0x10, s14;
	[tilespmem:s6+$0x0] =	vst v1;
	s6 =	sadd.s32 $0x10, s6  }
0x37a: {  	s9 =	smov.u32 s8;
	s8 =	sadd.s32 $0x10, s8;
	v1 =	vld [tilespmem:s14+$0x0];
	_ =	sdelay $0x3  }
0x37b: {  	v2 =	vmov s9  }
0x37c: {  	v2 =	vshll.u32 v2, $0x7;
	v1 =	vshll.u32 v1, $0x5  }
0x37d: {  	v2 =	vor.u32 v0, v2;
	v1 =	vand.u32 $0x60, v1  }
0x37e: {  	v1 =	vor.u32 v2, v1;
	_ =	sdelay $0x4  }
0x37f: {  	v2 =	vld.idx.msk [tilespmem:v1+s16+$0x0], $0xffff;
	_ =	sdelay $0x1  }
0x380: {  	v3 =	vor.u32 $0x1, v1;
	_ =	sdelay $0x3  }
0x381: {  	[tilespmem:s6+$0xFFFFF080] =	vst v2  }
0x382: {  	v2 =	vld.idx.msk [tilespmem:v3+s16+$0x0], $0xffff;
	_ =	sdelay $0x1  }
0x383: {  	v3 =	vor.u32 $0x2, v1;
	_ =	sdelay $0x3  }
0x384: {  	[tilespmem:s6+$0xFFFFF100] =	vst v2  }
0x385: {  	v2 =	vld.idx.msk [tilespmem:v3+s16+$0x0], $0xffff;
	_ =	sdelay $0x1  }
0x386: {  	v3 =	vor.u32 $0x3, v1;
	_ =	sdelay $0x3  }
0x387: {  	[tilespmem:s6+$0xFFFFF180] =	vst v2  }
0x388: {  	v2 =	vld.idx.msk [tilespmem:v3+s16+$0x0], $0xffff;
	_ =	sdelay $0x1  }
0x389: {  	v3 =	vor.u32 $0x4, v1;
	_ =	sdelay $0x3  }
0x38a: {  	[tilespmem:s6+$0xFFFFF200] =	vst v2  }
0x38b: {  	v2 =	vld.idx.msk [tilespmem:v3+s16+$0x0], $0xffff;
	_ =	sdelay $0x1  }
0x38c: {  	v3 =	vor.u32 $0x5, v1;
	_ =	sdelay $0x3  }
0x38d: {  	[tilespmem:s6+$0xFFFFF280] =	vst v2  }
0x38e: {  	v2 =	vld.idx.msk [tilespmem:v3+s16+$0x0], $0xffff;
	_ =	sdelay $0x1  }
0x38f: {  	v3 =	vor.u32 $0x6, v1;
	_ =	sdelay $0x3  }
0x390: {  	[tilespmem:s6+$0xFFFFF300] =	vst v2  }
0x391: {  	v2 =	vld.idx.msk [tilespmem:v3+s16+$0x0], $0xffff;
	_ =	sdelay $0x1  }
0x392: {  	v3 =	vor.u32 $0x7, v1;
	_ =	sdelay $0x3  }
0x393: {  	[tilespmem:s6+$0xFFFFF380] =	vst v2  }
0x394: {  	v2 =	vld.idx.msk [tilespmem:v3+s16+$0x0], $0xffff;
	_ =	sdelay $0x1  }
0x395: {  	v3 =	vor.u32 $0x8, v1;
	_ =	sdelay $0x3  }
0x396: {  	[tilespmem:s6+$0xFFFFF400] =	vst v2  }
0x397: {  	v2 =	vld.idx.msk [tilespmem:v3+s16+$0x0], $0xffff;
	_ =	sdelay $0x1  }
0x398: {  	v3 =	vor.u32 $0x9, v1;
	_ =	sdelay $0x3  }
0x399: {  	[tilespmem:s6+$0xFFFFF480] =	vst v2  }
0x39a: {  	v2 =	vld.idx.msk [tilespmem:v3+s16+$0x0], $0xffff;
	_ =	sdelay $0x1  }
0x39b: {  	v3 =	vor.u32 $0xA, v1;
	_ =	sdelay $0x3  }
0x39c: {  	[tilespmem:s6+$0xFFFFF500] =	vst v2  }
0x39d: {  	v2 =	vld.idx.msk [tilespmem:v3+s16+$0x0], $0xffff;
	_ =	sdelay $0x1  }
0x39e: {  	v3 =	vor.u32 $0xB, v1;
	_ =	sdelay $0x3  }
0x39f: {  	[tilespmem:s6+$0xFFFFF580] =	vst v2  }
0x3a0: {  	v2 =	vld.idx.msk [tilespmem:v3+s16+$0x0], $0xffff;
	_ =	sdelay $0x1  }
0x3a1: {  	v3 =	vor.u32 $0xC, v1;
	_ =	sdelay $0x3  }
0x3a2: {  	[tilespmem:s6+$0xFFFFF600] =	vst v2  }
0x3a3: {  	v2 =	vld.idx.msk [tilespmem:v3+s16+$0x0], $0xffff;
	_ =	sdelay $0x1  }
0x3a4: {  	v3 =	vor.u32 $0xD, v1;
	_ =	sdelay $0x3  }
0x3a5: {  	[tilespmem:s6+$0xFFFFF680] =	vst v2  }
0x3a6: {  	v2 =	vld.idx.msk [tilespmem:v3+s16+$0x0], $0xffff;
	_ =	sdelay $0x1  }
0x3a7: {  	v3 =	vor.u32 $0xE, v1;
	_ =	sdelay $0x3  }
0x3a8: {  	[tilespmem:s6+$0xFFFFF700] =	vst v2  }
0x3a9: {  	v2 =	vld.idx.msk [tilespmem:v3+s16+$0x0], $0xffff;
	_ =	sdelay $0x1  }
0x3aa: {  	v3 =	vor.u32 $0xF, v1;
	_ =	sdelay $0x3  }
0x3ab: {  	[tilespmem:s6+$0xFFFFF780] =	vst v2  }
0x3ac: {  	v2 =	vld.idx.msk [tilespmem:v3+s16+$0x0], $0xffff;
	_ =	sdelay $0x1  }
0x3ad: {  	v3 =	vor.u32 $0x10, v1;
	_ =	sdelay $0x3  }
0x3ae: {  	[tilespmem:s6+$0xFFFFF800] =	vst v2  }
0x3af: {  	v2 =	vld.idx.msk [tilespmem:v3+s16+$0x0], $0xffff;
	_ =	sdelay $0x1  }
0x3b0: {  	v3 =	vor.u32 $0x11, v1;
	_ =	sdelay $0x3  }
0x3b1: {  	[tilespmem:s6+$0xFFFFF880] =	vst v2  }
0x3b2: {  	v2 =	vld.idx.msk [tilespmem:v3+s16+$0x0], $0xffff;
	_ =	sdelay $0x1  }
0x3b3: {  	v3 =	vor.u32 $0x12, v1;
	_ =	sdelay $0x3  }
0x3b4: {  	[tilespmem:s6+$0xFFFFF900] =	vst v2  }
0x3b5: {  	v2 =	vld.idx.msk [tilespmem:v3+s16+$0x0], $0xffff;
	_ =	sdelay $0x1  }
0x3b6: {  	v3 =	vor.u32 $0x13, v1;
	_ =	sdelay $0x3  }
0x3b7: {  	[tilespmem:s6+$0xFFFFF980] =	vst v2  }
0x3b8: {  	v2 =	vld.idx.msk [tilespmem:v3+s16+$0x0], $0xffff;
	_ =	sdelay $0x1  }
0x3b9: {  	v3 =	vor.u32 $0x14, v1;
	_ =	sdelay $0x3  }
0x3ba: {  	[tilespmem:s6+$0xFFFFFA00] =	vst v2  }
0x3bb: {  	v2 =	vld.idx.msk [tilespmem:v3+s16+$0x0], $0xffff;
	_ =	sdelay $0x1  }
0x3bc: {  	v3 =	vor.u32 $0x15, v1;
	_ =	sdelay $0x3  }
0x3bd: {  	[tilespmem:s6+$0xFFFFFA80] =	vst v2  }
0x3be: {  	v2 =	vld.idx.msk [tilespmem:v3+s16+$0x0], $0xffff;
	_ =	sdelay $0x1  }
0x3bf: {  	v3 =	vor.u32 $0x16, v1;
	_ =	sdelay $0x3  }
0x3c0: {  	[tilespmem:s6+$0xFFFFFB00] =	vst v2  }
0x3c1: {  	v2 =	vld.idx.msk [tilespmem:v3+s16+$0x0], $0xffff;
	_ =	sdelay $0x1  }
0x3c2: {  	v3 =	vor.u32 $0x17, v1;
	_ =	sdelay $0x3  }
0x3c3: {  	[tilespmem:s6+$0xFFFFFB80] =	vst v2  }
0x3c4: {  	v2 =	vld.idx.msk [tilespmem:v3+s16+$0x0], $0xffff;
	_ =	sdelay $0x1  }
0x3c5: {  	v3 =	vor.u32 $0x18, v1;
	_ =	sdelay $0x3  }
0x3c6: {  	[tilespmem:s6+$0xFFFFFC00] =	vst v2  }
0x3c7: {  	v2 =	vld.idx.msk [tilespmem:v3+s16+$0x0], $0xffff;
	_ =	sdelay $0x1  }
0x3c8: {  	v3 =	vor.u32 $0x19, v1;
	_ =	sdelay $0x3  }
0x3c9: {  	[tilespmem:s6+$0xFFFFFC80] =	vst v2  }
0x3ca: {  	v2 =	vld.idx.msk [tilespmem:v3+s16+$0x0], $0xffff;
	_ =	sdelay $0x1  }
0x3cb: {  	v3 =	vor.u32 $0x1A, v1;
	_ =	sdelay $0x3  }
0x3cc: {  	[tilespmem:s6+$0xFFFFFD00] =	vst v2  }
0x3cd: {  	v2 =	vld.idx.msk [tilespmem:v3+s16+$0x0], $0xffff;
	_ =	sdelay $0x1  }
0x3ce: {  	v3 =	vor.u32 $0x1B, v1;
	_ =	sdelay $0x3  }
0x3cf: {  	[tilespmem:s6+$0xFFFFFD80] =	vst v2  }
0x3d0: {  	v2 =	vld.idx.msk [tilespmem:v3+s16+$0x0], $0xffff;
	_ =	sdelay $0x1  }
0x3d1: {  	v3 =	vor.u32 $0x1C, v1;
	_ =	sdelay $0x3  }
0x3d2: {  	[tilespmem:s6+$0xFFFFFE00] =	vst v2  }
0x3d3: {  	v2 =	vld.idx.msk [tilespmem:v3+s16+$0x0], $0xffff;
	_ =	sdelay $0x1  }
0x3d4: {  	v3 =	vor.u32 $0x1D, v1;
	_ =	sdelay $0x3  }
0x3d5: {  	[tilespmem:s6+$0xFFFFFE80] =	vst v2  }
0x3d6: {  	v2 =	vld.idx.msk [tilespmem:v3+s16+$0x0], $0xffff;
	_ =	sdelay $0x1  }
0x3d7: {  	v3 =	vor.u32 $0x1E, v1;
	_ =	sdelay $0x3  }
0x3d8: {  	[tilespmem:s6+$0xFFFFFF00] =	vst v2  }
0x3d9: {  	v2 =	vld.idx.msk [tilespmem:v3+s16+$0x0], $0xffff;
	_ =	sdelay $0x1  }
0x3da: {  	v1 =	vor.u32 $0x1F, v1  }
.Ltmp3:
0x3db: {  	(pc) =	sbr.rel @p1 .LBB2_9-.Ltmp3, $3  }
0x3dc: {  	_ =	sdelay $0x1  }
0x3dd: {  	[tilespmem:s6+$0xFFFFFF80] =	vst v2  }
0x3de: {  	v1 =	vld.idx.msk [tilespmem:v1+s16+$0x0], $0xffff  }
0x3df: {  	s10 =	sadd.s32 $0x1, s10  }
0x3e0: {  	p1 =	sne.s32 s10, $0x32  }
.Ltmp4:
0x3e1: {  	_ = 	snop;
	(pc) =	sbr.rel @p1 .LBB2_6-.Ltmp4, $4  }
0x3e2: {  	s7 =	sshll.u32 s7, $0x10  }
0x3e3: {  	s4 =	sshll.u32 s4, $0x7;
	s1 =	sadd.s32 $0x2, s1;
	s7 =	sadd.s32 s7, s5  }
0x3e4: {  	p0 =	por !p0, !p0;
	s0 =	sadd.s32 $0x2, s0;
	s4 =	sadd.s32 s4, s7;
	[tilespmem:s6+$0x0] =	vst v1  }
0x3e5: {  	[hbm4b:s4+s25] =	stream.strided.scatter [tilespmem:s26], [sflag:$0x4], $0x1000, s11, s25, $0x38;
	[tilespmem:$0x16200] =	vst v63  }
0x3e6: {  	_ =	swait.ge [sflag:s18], $0x4000  }
0x3e7: {  	[sflag:s18] =	ssyncset.done $0x0  }
0x3e8: {  	[sflag:s18] =	ssyncadd.s32 $0xFFFFC000  }
0x3e9: {  	_ =	swait.ge [sflag:s28], $0x1000  }
0x3ea: {  	[sflag:s28] =	ssyncset.done $0x0  }
0x3eb: {  	s0 =	simm.s32 $0x3880;
	[sflag:s28] =	ssyncadd.s32 $0xFFFFF000  }
0x3ec: {  	v1 =	vld [tilespmem:s0+$0x0];
	_ =	sdelay $0x2  }
0x3ed: {  	s1 =	simm.s32 $0x0  }
0x3ee: {  	v2 =	vmov s1  }
0x3ef: {  	v2 =	vshll.u32 v2, $0x7;
	v1 =	vshll.u32 v1, $0x5  }
0x3f0: {  	v2 =	vor.u32 v0, v2;
	v1 =	vand.u32 $0x60, v1  }
0x3f1: {  	v1 =	vor.u32 v2, v1;
	_ =	sdelay $0x4  }
0x3f2: {  	v2 =	vld.idx.msk [tilespmem:v1+s20+$0x0], $0xffff  }
0x3f3: {  	v3 =	vor.u32 $0x1, v1;
	_ =	sdelay $0x2  }
0x3f4: {  	s1 =	simm.s32 $0x14A00  }
0x3f5: {  	[tilespmem:s1+$0xFFFFF800] =	vst v2  }
0x3f6: {  	v2 =	vld.idx.msk [tilespmem:v3+s20+$0x0], $0xffff  }
0x3f7: {  	v3 =	vor.u32 $0x2, v1;
	_ =	sdelay $0x3  }
0x3f8: {  	[tilespmem:s1+$0xFFFFF880] =	vst v2  }
0x3f9: {  	v2 =	vld.idx.msk [tilespmem:v3+s20+$0x0], $0xffff  }
0x3fa: {  	v3 =	vor.u32 $0x3, v1;
	_ =	sdelay $0x3  }
0x3fb: {  	[tilespmem:s1+$0xFFFFF900] =	vst v2  }
0x3fc: {  	v2 =	vld.idx.msk [tilespmem:v3+s20+$0x0], $0xffff  }
0x3fd: {  	v3 =	vor.u32 $0x4, v1;
	_ =	sdelay $0x3  }
0x3fe: {  	[tilespmem:s1+$0xFFFFF980] =	vst v2  }
0x3ff: {  	v2 =	vld.idx.msk [tilespmem:v3+s20+$0x0], $0xffff  }
0x400: {  	v3 =	vor.u32 $0x5, v1;
	_ =	sdelay $0x3  }
0x401: {  	[tilespmem:s1+$0xFFFFFA00] =	vst v2  }
0x402: {  	v2 =	vld.idx.msk [tilespmem:v3+s20+$0x0], $0xffff  }
0x403: {  	v3 =	vor.u32 $0x6, v1;
	_ =	sdelay $0x3  }
0x404: {  	[tilespmem:s1+$0xFFFFFA80] =	vst v2  }
0x405: {  	v2 =	vld.idx.msk [tilespmem:v3+s20+$0x0], $0xffff  }
0x406: {  	v3 =	vor.u32 $0x7, v1;
	_ =	sdelay $0x3  }
0x407: {  	[tilespmem:s1+$0xFFFFFB00] =	vst v2  }
0x408: {  	v2 =	vld.idx.msk [tilespmem:v3+s20+$0x0], $0xffff  }
0x409: {  	v3 =	vor.u32 $0x8, v1;
	_ =	sdelay $0x3  }
0x40a: {  	[tilespmem:s1+$0xFFFFFB80] =	vst v2  }
0x40b: {  	v2 =	vld.idx.msk [tilespmem:v3+s20+$0x0], $0xffff  }
0x40c: {  	v3 =	vor.u32 $0x9, v1;
	_ =	sdelay $0x3  }
0x40d: {  	[tilespmem:s1+$0xFFFFFC00] =	vst v2  }
0x40e: {  	v2 =	vld.idx.msk [tilespmem:v3+s20+$0x0], $0xffff  }
0x40f: {  	v3 =	vor.u32 $0xA, v1;
	_ =	sdelay $0x3  }
0x410: {  	[tilespmem:s1+$0xFFFFFC80] =	vst v2  }
0x411: {  	v2 =	vld.idx.msk [tilespmem:v3+s20+$0x0], $0xffff  }
0x412: {  	v3 =	vor.u32 $0xB, v1;
	_ =	sdelay $0x3  }
0x413: {  	[tilespmem:s1+$0xFFFFFD00] =	vst v2  }
0x414: {  	v2 =	vld.idx.msk [tilespmem:v3+s20+$0x0], $0xffff  }
0x415: {  	v3 =	vor.u32 $0xC, v1;
	_ =	sdelay $0x3  }
0x416: {  	[tilespmem:s1+$0xFFFFFD80] =	vst v2  }
0x417: {  	v2 =	vld.idx.msk [tilespmem:v3+s20+$0x0], $0xffff  }
0x418: {  	v3 =	vor.u32 $0xD, v1;
	_ =	sdelay $0x3  }
0x419: {  	[tilespmem:s1+$0xFFFFFE00] =	vst v2  }
0x41a: {  	v2 =	vld.idx.msk [tilespmem:v3+s20+$0x0], $0xffff  }
0x41b: {  	v3 =	vor.u32 $0xE, v1;
	_ =	sdelay $0x3  }
0x41c: {  	[tilespmem:s1+$0xFFFFFE80] =	vst v2  }
0x41d: {  	v2 =	vld.idx.msk [tilespmem:v3+s20+$0x0], $0xffff  }
0x41e: {  	v3 =	vor.u32 $0xF, v1;
	_ =	sdelay $0x3  }
0x41f: {  	[tilespmem:s1+$0xFFFFFF00] =	vst v2  }
0x420: {  	v2 =	vld.idx.msk [tilespmem:v3+s20+$0x0], $0xffff  }
0x421: {  	v3 =	vor.u32 $0x10, v1;
	_ =	sdelay $0x3  }
0x422: {  	[tilespmem:s1+$0xFFFFFF80] =	vst v2  }
0x423: {  	v2 =	vld.idx.msk [tilespmem:v3+s20+$0x0], $0xffff  }
0x424: {  	v3 =	vor.u32 $0x11, v1;
	_ =	sdelay $0x3  }
0x425: {  	[tilespmem:s1+$0x0] =	vst v2  }
0x426: {  	v2 =	vld.idx.msk [tilespmem:v3+s20+$0x0], $0xffff  }
0x427: {  	v3 =	vor.u32 $0x12, v1;
	_ =	sdelay $0x3  }
0x428: {  	[tilespmem:s1+$0x80] =	vst v2  }
0x429: {  	v2 =	vld.idx.msk [tilespmem:v3+s20+$0x0], $0xffff  }
0x42a: {  	v3 =	vor.u32 $0x13, v1;
	_ =	sdelay $0x3  }
0x42b: {  	[tilespmem:s1+$0x100] =	vst v2  }
0x42c: {  	v2 =	vld.idx.msk [tilespmem:v3+s20+$0x0], $0xffff  }
0x42d: {  	v3 =	vor.u32 $0x14, v1;
	_ =	sdelay $0x3  }
0x42e: {  	[tilespmem:s1+$0x180] =	vst v2  }
0x42f: {  	v2 =	vld.idx.msk [tilespmem:v3+s20+$0x0], $0xffff  }
0x430: {  	v3 =	vor.u32 $0x15, v1;
	_ =	sdelay $0x3  }
0x431: {  	[tilespmem:s1+$0x200] =	vst v2  }
0x432: {  	v2 =	vld.idx.msk [tilespmem:v3+s20+$0x0], $0xffff  }
0x433: {  	v3 =	vor.u32 $0x16, v1;
	_ =	sdelay $0x3  }
0x434: {  	[tilespmem:s1+$0x280] =	vst v2  }
0x435: {  	v2 =	vld.idx.msk [tilespmem:v3+s20+$0x0], $0xffff  }
0x436: {  	v3 =	vor.u32 $0x17, v1;
	_ =	sdelay $0x3  }
0x437: {  	[tilespmem:s1+$0x300] =	vst v2  }
0x438: {  	v2 =	vld.idx.msk [tilespmem:v3+s20+$0x0], $0xffff  }
0x439: {  	v3 =	vor.u32 $0x18, v1;
	_ =	sdelay $0x3  }
0x43a: {  	[tilespmem:s1+$0x380] =	vst v2  }
0x43b: {  	v2 =	vld.idx.msk [tilespmem:v3+s20+$0x0], $0xffff  }
0x43c: {  	v3 =	vor.u32 $0x19, v1;
	_ =	sdelay $0x3  }
0x43d: {  	[tilespmem:s1+$0x400] =	vst v2  }
0x43e: {  	v2 =	vld.idx.msk [tilespmem:v3+s20+$0x0], $0xffff  }
0x43f: {  	v3 =	vor.u32 $0x1A, v1;
	_ =	sdelay $0x3  }
0x440: {  	[tilespmem:s1+$0x480] =	vst v2  }
0x441: {  	v2 =	vld.idx.msk [tilespmem:v3+s20+$0x0], $0xffff  }
0x442: {  	v3 =	vor.u32 $0x1B, v1;
	_ =	sdelay $0x3  }
0x443: {  	[tilespmem:s1+$0x500] =	vst v2  }
0x444: {  	v2 =	vld.idx.msk [tilespmem:v3+s20+$0x0], $0xffff  }
0x445: {  	v3 =	vor.u32 $0x1C, v1;
	_ =	sdelay $0x3  }
0x446: {  	[tilespmem:s1+$0x580] =	vst v2  }
0x447: {  	v2 =	vld.idx.msk [tilespmem:v3+s20+$0x0], $0xffff  }
0x448: {  	v3 =	vor.u32 $0x1D, v1;
	_ =	sdelay $0x3  }
0x449: {  	[tilespmem:s1+$0x600] =	vst v2  }
0x44a: {  	v2 =	vld.idx.msk [tilespmem:v3+s20+$0x0], $0xffff  }
0x44b: {  	v3 =	vor.u32 $0x1E, v1;
	_ =	sdelay $0x3  }
0x44c: {  	[tilespmem:s1+$0x680] =	vst v2  }
0x44d: {  	v2 =	vld.idx.msk [tilespmem:v3+s20+$0x0], $0xffff  }
0x44e: {  	v1 =	vor.u32 $0x1F, v1;
	_ =	sdelay $0x3  }
0x44f: {  	[tilespmem:s1+$0x700] =	vst v2  }
0x450: {  	s4 =	simm.s32 $0x10;
	v1 =	vld.idx.msk [tilespmem:v1+s20+$0x0], $0xffff  }
.LBB2_12:
0x451: {  	_ =	sdelay $0x3  }
0x452: {  	p0 =	sne.s32 s4, $0x70;
	s0 =	sadd.s32 $0x10, s0;
	[tilespmem:s1+$0x780] =	vst v1;
	s1 =	sadd.s32 $0x10, s1  }
0x453: {  	s6 =	smov.u32 s4;
	s4 =	sadd.s32 $0x10, s4;
	v1 =	vld [tilespmem:s0+$0x0];
	_ =	sdelay $0x3  }
0x454: {  	v2 =	vmov s6  }
0x455: {  	v2 =	vshll.u32 v2, $0x7;
	v1 =	vshll.u32 v1, $0x5  }
0x456: {  	v2 =	vor.u32 v0, v2;
	v1 =	vand.u32 $0x60, v1  }
0x457: {  	v1 =	vor.u32 v2, v1;
	_ =	sdelay $0x4  }
0x458: {  	v2 =	vld.idx.msk [tilespmem:v1+s20+$0x0], $0xffff;
	_ =	sdelay $0x1  }
0x459: {  	v3 =	vor.u32 $0x1, v1;
	_ =	sdelay $0x3  }
0x45a: {  	[tilespmem:s1+$0xFFFFF800] =	vst v2  }
0x45b: {  	v2 =	vld.idx.msk [tilespmem:v3+s20+$0x0], $0xffff;
	_ =	sdelay $0x1  }
0x45c: {  	v3 =	vor.u32 $0x2, v1;
	_ =	sdelay $0x3  }
0x45d: {  	[tilespmem:s1+$0xFFFFF880] =	vst v2  }
0x45e: {  	v2 =	vld.idx.msk [tilespmem:v3+s20+$0x0], $0xffff;
	_ =	sdelay $0x1  }
0x45f: {  	v3 =	vor.u32 $0x3, v1;
	_ =	sdelay $0x3  }
0x460: {  	[tilespmem:s1+$0xFFFFF900] =	vst v2  }
0x461: {  	v2 =	vld.idx.msk [tilespmem:v3+s20+$0x0], $0xffff;
	_ =	sdelay $0x1  }
0x462: {  	v3 =	vor.u32 $0x4, v1;
	_ =	sdelay $0x3  }
0x463: {  	[tilespmem:s1+$0xFFFFF980] =	vst v2  }
0x464: {  	v2 =	vld.idx.msk [tilespmem:v3+s20+$0x0], $0xffff;
	_ =	sdelay $0x1  }
0x465: {  	v3 =	vor.u32 $0x5, v1;
	_ =	sdelay $0x3  }
0x466: {  	[tilespmem:s1+$0xFFFFFA00] =	vst v2  }
0x467: {  	v2 =	vld.idx.msk [tilespmem:v3+s20+$0x0], $0xffff;
	_ =	sdelay $0x1  }
0x468: {  	v3 =	vor.u32 $0x6, v1;
	_ =	sdelay $0x3  }
0x469: {  	[tilespmem:s1+$0xFFFFFA80] =	vst v2  }
0x46a: {  	v2 =	vld.idx.msk [tilespmem:v3+s20+$0x0], $0xffff;
	_ =	sdelay $0x1  }
0x46b: {  	v3 =	vor.u32 $0x7, v1;
	_ =	sdelay $0x3  }
0x46c: {  	[tilespmem:s1+$0xFFFFFB00] =	vst v2  }
0x46d: {  	v2 =	vld.idx.msk [tilespmem:v3+s20+$0x0], $0xffff;
	_ =	sdelay $0x1  }
0x46e: {  	v3 =	vor.u32 $0x8, v1;
	_ =	sdelay $0x3  }
0x46f: {  	[tilespmem:s1+$0xFFFFFB80] =	vst v2  }
0x470: {  	v2 =	vld.idx.msk [tilespmem:v3+s20+$0x0], $0xffff;
	_ =	sdelay $0x1  }
0x471: {  	v3 =	vor.u32 $0x9, v1;
	_ =	sdelay $0x3  }
0x472: {  	[tilespmem:s1+$0xFFFFFC00] =	vst v2  }
0x473: {  	v2 =	vld.idx.msk [tilespmem:v3+s20+$0x0], $0xffff;
	_ =	sdelay $0x1  }
0x474: {  	v3 =	vor.u32 $0xA, v1;
	_ =	sdelay $0x3  }
0x475: {  	[tilespmem:s1+$0xFFFFFC80] =	vst v2  }
0x476: {  	v2 =	vld.idx.msk [tilespmem:v3+s20+$0x0], $0xffff;
	_ =	sdelay $0x1  }
0x477: {  	v3 =	vor.u32 $0xB, v1;
	_ =	sdelay $0x3  }
0x478: {  	[tilespmem:s1+$0xFFFFFD00] =	vst v2  }
0x479: {  	v2 =	vld.idx.msk [tilespmem:v3+s20+$0x0], $0xffff;
	_ =	sdelay $0x1  }
0x47a: {  	v3 =	vor.u32 $0xC, v1;
	_ =	sdelay $0x3  }
0x47b: {  	[tilespmem:s1+$0xFFFFFD80] =	vst v2  }
0x47c: {  	v2 =	vld.idx.msk [tilespmem:v3+s20+$0x0], $0xffff;
	_ =	sdelay $0x1  }
0x47d: {  	v3 =	vor.u32 $0xD, v1;
	_ =	sdelay $0x3  }
0x47e: {  	[tilespmem:s1+$0xFFFFFE00] =	vst v2  }
0x47f: {  	v2 =	vld.idx.msk [tilespmem:v3+s20+$0x0], $0xffff;
	_ =	sdelay $0x1  }
0x480: {  	v3 =	vor.u32 $0xE, v1;
	_ =	sdelay $0x3  }
0x481: {  	[tilespmem:s1+$0xFFFFFE80] =	vst v2  }
0x482: {  	v2 =	vld.idx.msk [tilespmem:v3+s20+$0x0], $0xffff;
	_ =	sdelay $0x1  }
0x483: {  	v3 =	vor.u32 $0xF, v1;
	_ =	sdelay $0x3  }
0x484: {  	[tilespmem:s1+$0xFFFFFF00] =	vst v2  }
0x485: {  	v2 =	vld.idx.msk [tilespmem:v3+s20+$0x0], $0xffff;
	_ =	sdelay $0x1  }
0x486: {  	v3 =	vor.u32 $0x10, v1;
	_ =	sdelay $0x3  }
0x487: {  	[tilespmem:s1+$0xFFFFFF80] =	vst v2  }
0x488: {  	v2 =	vld.idx.msk [tilespmem:v3+s20+$0x0], $0xffff;
	_ =	sdelay $0x1  }
0x489: {  	v3 =	vor.u32 $0x11, v1;
	_ =	sdelay $0x3  }
0x48a: {  	[tilespmem:s1+$0x0] =	vst v2  }
0x48b: {  	v2 =	vld.idx.msk [tilespmem:v3+s20+$0x0], $0xffff;
	_ =	sdelay $0x1  }
0x48c: {  	v3 =	vor.u32 $0x12, v1;
	_ =	sdelay $0x3  }
0x48d: {  	[tilespmem:s1+$0x80] =	vst v2  }
0x48e: {  	v2 =	vld.idx.msk [tilespmem:v3+s20+$0x0], $0xffff;
	_ =	sdelay $0x1  }
0x48f: {  	v3 =	vor.u32 $0x13, v1;
	_ =	sdelay $0x3  }
0x490: {  	[tilespmem:s1+$0x100] =	vst v2  }
0x491: {  	v2 =	vld.idx.msk [tilespmem:v3+s20+$0x0], $0xffff;
	_ =	sdelay $0x1  }
0x492: {  	v3 =	vor.u32 $0x14, v1;
	_ =	sdelay $0x3  }
0x493: {  	[tilespmem:s1+$0x180] =	vst v2  }
0x494: {  	v2 =	vld.idx.msk [tilespmem:v3+s20+$0x0], $0xffff;
	_ =	sdelay $0x1  }
0x495: {  	v3 =	vor.u32 $0x15, v1;
	_ =	sdelay $0x3  }
0x496: {  	[tilespmem:s1+$0x200] =	vst v2  }
0x497: {  	v2 =	vld.idx.msk [tilespmem:v3+s20+$0x0], $0xffff;
	_ =	sdelay $0x1  }
0x498: {  	v3 =	vor.u32 $0x16, v1;
	_ =	sdelay $0x3  }
0x499: {  	[tilespmem:s1+$0x280] =	vst v2  }
0x49a: {  	v2 =	vld.idx.msk [tilespmem:v3+s20+$0x0], $0xffff;
	_ =	sdelay $0x1  }
0x49b: {  	v3 =	vor.u32 $0x17, v1;
	_ =	sdelay $0x3  }
0x49c: {  	[tilespmem:s1+$0x300] =	vst v2  }
0x49d: {  	v2 =	vld.idx.msk [tilespmem:v3+s20+$0x0], $0xffff;
	_ =	sdelay $0x1  }
0x49e: {  	v3 =	vor.u32 $0x18, v1;
	_ =	sdelay $0x3  }
0x49f: {  	[tilespmem:s1+$0x380] =	vst v2  }
0x4a0: {  	v2 =	vld.idx.msk [tilespmem:v3+s20+$0x0], $0xffff;
	_ =	sdelay $0x1  }
0x4a1: {  	v3 =	vor.u32 $0x19, v1;
	_ =	sdelay $0x3  }
0x4a2: {  	[tilespmem:s1+$0x400] =	vst v2  }
0x4a3: {  	v2 =	vld.idx.msk [tilespmem:v3+s20+$0x0], $0xffff;
	_ =	sdelay $0x1  }
0x4a4: {  	v3 =	vor.u32 $0x1A, v1;
	_ =	sdelay $0x3  }
0x4a5: {  	[tilespmem:s1+$0x480] =	vst v2  }
0x4a6: {  	v2 =	vld.idx.msk [tilespmem:v3+s20+$0x0], $0xffff;
	_ =	sdelay $0x1  }
0x4a7: {  	v3 =	vor.u32 $0x1B, v1;
	_ =	sdelay $0x3  }
0x4a8: {  	[tilespmem:s1+$0x500] =	vst v2  }
0x4a9: {  	v2 =	vld.idx.msk [tilespmem:v3+s20+$0x0], $0xffff;
	_ =	sdelay $0x1  }
0x4aa: {  	v3 =	vor.u32 $0x1C, v1;
	_ =	sdelay $0x3  }
0x4ab: {  	[tilespmem:s1+$0x580] =	vst v2  }
0x4ac: {  	v2 =	vld.idx.msk [tilespmem:v3+s20+$0x0], $0xffff;
	_ =	sdelay $0x1  }
0x4ad: {  	v3 =	vor.u32 $0x1D, v1;
	_ =	sdelay $0x3  }
0x4ae: {  	[tilespmem:s1+$0x600] =	vst v2  }
0x4af: {  	v2 =	vld.idx.msk [tilespmem:v3+s20+$0x0], $0xffff;
	_ =	sdelay $0x1  }
0x4b0: {  	v3 =	vor.u32 $0x1E, v1;
	_ =	sdelay $0x3  }
0x4b1: {  	[tilespmem:s1+$0x680] =	vst v2  }
0x4b2: {  	v2 =	vld.idx.msk [tilespmem:v3+s20+$0x0], $0xffff;
	_ =	sdelay $0x1  }
0x4b3: {  	v1 =	vor.u32 $0x1F, v1  }
.Ltmp5:
0x4b4: {  	(pc) =	sbr.rel @p0 .LBB2_12-.Ltmp5, $3  }
0x4b5: {  	_ =	sdelay $0x1  }
0x4b6: {  	[tilespmem:s1+$0x700] =	vst v2  }
0x4b7: {  	v1 =	vld.idx.msk [tilespmem:v1+s20+$0x0], $0xffff  }
0x4b8: {  	_ =	sdelay $0x3  }
0x4b9: {  	s0 =	rddreg [dreg:$0x6];
	[tilespmem:s1+$0x780] =	vst v1  }
0x4ba: {  	[hbm4b:s0+s25] =	stream.strided.scatter [tilespmem:s21], [sflag:$0x3], $0x1000, s11, s25, $0x38;
	[tilespmem:$0x16200] =	vst v63  }
0x4bb: {  	_ =	swait.ge [sflag:s22], $0x4000  }
0x4bc: {  	[sflag:s22] =	ssyncset.done $0x0  }
0x4bd: {  	[sflag:s22] =	ssyncadd.s32 $0xFFFFC000  }
0x4be: {  	_ =	swait.ge [sflag:s29], $0x1000  }
0x4bf: {  	[sflag:s29] =	ssyncset.done $0x0  }
0x4c0: {  	s0 =	simm.s32 $0x3C80;
	[sflag:s29] =	ssyncadd.s32 $0xFFFFF000  }
0x4c1: {  	v1 =	vld [tilespmem:s0+$0x0];
	_ =	sdelay $0x2  }
0x4c2: {  	s23 =	simm.s32 $0x0  }
0x4c3: {  	v2 =	vmov s23  }
0x4c4: {  	v2 =	vshll.u32 v2, $0x7;
	v1 =	vshll.u32 v1, $0x5  }
0x4c5: {  	v2 =	vor.u32 v0, v2;
	v1 =	vand.u32 $0x60, v1  }
0x4c6: {  	v1 =	vor.u32 v2, v1;
	_ =	sdelay $0x4  }
0x4c7: {  	v2 =	vld.idx.msk [tilespmem:v1+s24+$0x0], $0xffff  }
0x4c8: {  	v3 =	vor.u32 $0x1, v1;
	_ =	sdelay $0x2  }
0x4c9: {  	s1 =	simm.s32 $0x16180  }
0x4ca: {  	[tilespmem:s1+$0xFFFFF080] =	vst v2  }
0x4cb: {  	v2 =	vld.idx.msk [tilespmem:v3+s24+$0x0], $0xffff  }
0x4cc: {  	v3 =	vor.u32 $0x2, v1;
	_ =	sdelay $0x3  }
0x4cd: {  	[tilespmem:s1+$0xFFFFF100] =	vst v2  }
0x4ce: {  	v2 =	vld.idx.msk [tilespmem:v3+s24+$0x0], $0xffff  }
0x4cf: {  	v3 =	vor.u32 $0x3, v1;
	_ =	sdelay $0x3  }
0x4d0: {  	[tilespmem:s1+$0xFFFFF180] =	vst v2  }
0x4d1: {  	v2 =	vld.idx.msk [tilespmem:v3+s24+$0x0], $0xffff  }
0x4d2: {  	v3 =	vor.u32 $0x4, v1;
	_ =	sdelay $0x3  }
0x4d3: {  	[tilespmem:s1+$0xFFFFF200] =	vst v2  }
0x4d4: {  	v2 =	vld.idx.msk [tilespmem:v3+s24+$0x0], $0xffff  }
0x4d5: {  	v3 =	vor.u32 $0x5, v1;
	_ =	sdelay $0x3  }
0x4d6: {  	[tilespmem:s1+$0xFFFFF280] =	vst v2  }
0x4d7: {  	v2 =	vld.idx.msk [tilespmem:v3+s24+$0x0], $0xffff  }
0x4d8: {  	v3 =	vor.u32 $0x6, v1;
	_ =	sdelay $0x3  }
0x4d9: {  	[tilespmem:s1+$0xFFFFF300] =	vst v2  }
0x4da: {  	v2 =	vld.idx.msk [tilespmem:v3+s24+$0x0], $0xffff  }
0x4db: {  	v3 =	vor.u32 $0x7, v1;
	_ =	sdelay $0x3  }
0x4dc: {  	[tilespmem:s1+$0xFFFFF380] =	vst v2  }
0x4dd: {  	v2 =	vld.idx.msk [tilespmem:v3+s24+$0x0], $0xffff  }
0x4de: {  	v3 =	vor.u32 $0x8, v1;
	_ =	sdelay $0x3  }
0x4df: {  	[tilespmem:s1+$0xFFFFF400] =	vst v2  }
0x4e0: {  	v2 =	vld.idx.msk [tilespmem:v3+s24+$0x0], $0xffff  }
0x4e1: {  	v3 =	vor.u32 $0x9, v1;
	_ =	sdelay $0x3  }
0x4e2: {  	[tilespmem:s1+$0xFFFFF480] =	vst v2  }
0x4e3: {  	v2 =	vld.idx.msk [tilespmem:v3+s24+$0x0], $0xffff  }
0x4e4: {  	v3 =	vor.u32 $0xA, v1;
	_ =	sdelay $0x3  }
0x4e5: {  	[tilespmem:s1+$0xFFFFF500] =	vst v2  }
0x4e6: {  	v2 =	vld.idx.msk [tilespmem:v3+s24+$0x0], $0xffff  }
0x4e7: {  	v3 =	vor.u32 $0xB, v1;
	_ =	sdelay $0x3  }
0x4e8: {  	[tilespmem:s1+$0xFFFFF580] =	vst v2  }
0x4e9: {  	v2 =	vld.idx.msk [tilespmem:v3+s24+$0x0], $0xffff  }
0x4ea: {  	v3 =	vor.u32 $0xC, v1;
	_ =	sdelay $0x3  }
0x4eb: {  	[tilespmem:s1+$0xFFFFF600] =	vst v2  }
0x4ec: {  	v2 =	vld.idx.msk [tilespmem:v3+s24+$0x0], $0xffff  }
0x4ed: {  	v3 =	vor.u32 $0xD, v1;
	_ =	sdelay $0x3  }
0x4ee: {  	[tilespmem:s1+$0xFFFFF680] =	vst v2  }
0x4ef: {  	v2 =	vld.idx.msk [tilespmem:v3+s24+$0x0], $0xffff  }
0x4f0: {  	v3 =	vor.u32 $0xE, v1;
	_ =	sdelay $0x3  }
0x4f1: {  	[tilespmem:s1+$0xFFFFF700] =	vst v2  }
0x4f2: {  	v2 =	vld.idx.msk [tilespmem:v3+s24+$0x0], $0xffff  }
0x4f3: {  	v3 =	vor.u32 $0xF, v1;
	_ =	sdelay $0x3  }
0x4f4: {  	[tilespmem:s1+$0xFFFFF780] =	vst v2  }
0x4f5: {  	v2 =	vld.idx.msk [tilespmem:v3+s24+$0x0], $0xffff  }
0x4f6: {  	v3 =	vor.u32 $0x10, v1;
	_ =	sdelay $0x3  }
0x4f7: {  	[tilespmem:s1+$0xFFFFF800] =	vst v2  }
0x4f8: {  	v2 =	vld.idx.msk [tilespmem:v3+s24+$0x0], $0xffff  }
0x4f9: {  	v3 =	vor.u32 $0x11, v1;
	_ =	sdelay $0x3  }
0x4fa: {  	[tilespmem:s1+$0xFFFFF880] =	vst v2  }
0x4fb: {  	v2 =	vld.idx.msk [tilespmem:v3+s24+$0x0], $0xffff  }
0x4fc: {  	v3 =	vor.u32 $0x12, v1;
	_ =	sdelay $0x3  }
0x4fd: {  	[tilespmem:s1+$0xFFFFF900] =	vst v2  }
0x4fe: {  	v2 =	vld.idx.msk [tilespmem:v3+s24+$0x0], $0xffff  }
0x4ff: {  	v3 =	vor.u32 $0x13, v1;
	_ =	sdelay $0x3  }
0x500: {  	[tilespmem:s1+$0xFFFFF980] =	vst v2  }
0x501: {  	v2 =	vld.idx.msk [tilespmem:v3+s24+$0x0], $0xffff  }
0x502: {  	v3 =	vor.u32 $0x14, v1;
	_ =	sdelay $0x3  }
0x503: {  	[tilespmem:s1+$0xFFFFFA00] =	vst v2  }
0x504: {  	v2 =	vld.idx.msk [tilespmem:v3+s24+$0x0], $0xffff  }
0x505: {  	v3 =	vor.u32 $0x15, v1;
	_ =	sdelay $0x3  }
0x506: {  	[tilespmem:s1+$0xFFFFFA80] =	vst v2  }
0x507: {  	v2 =	vld.idx.msk [tilespmem:v3+s24+$0x0], $0xffff  }
0x508: {  	v3 =	vor.u32 $0x16, v1;
	_ =	sdelay $0x3  }
0x509: {  	[tilespmem:s1+$0xFFFFFB00] =	vst v2  }
0x50a: {  	v2 =	vld.idx.msk [tilespmem:v3+s24+$0x0], $0xffff  }
0x50b: {  	v3 =	vor.u32 $0x17, v1;
	_ =	sdelay $0x3  }
0x50c: {  	[tilespmem:s1+$0xFFFFFB80] =	vst v2  }
0x50d: {  	v2 =	vld.idx.msk [tilespmem:v3+s24+$0x0], $0xffff  }
0x50e: {  	v3 =	vor.u32 $0x18, v1;
	_ =	sdelay $0x3  }
0x50f: {  	[tilespmem:s1+$0xFFFFFC00] =	vst v2  }
0x510: {  	v2 =	vld.idx.msk [tilespmem:v3+s24+$0x0], $0xffff  }
0x511: {  	v3 =	vor.u32 $0x19, v1;
	_ =	sdelay $0x3  }
0x512: {  	[tilespmem:s1+$0xFFFFFC80] =	vst v2  }
0x513: {  	v2 =	vld.idx.msk [tilespmem:v3+s24+$0x0], $0xffff  }
0x514: {  	v3 =	vor.u32 $0x1A, v1;
	_ =	sdelay $0x3  }
0x515: {  	[tilespmem:s1+$0xFFFFFD00] =	vst v2  }
0x516: {  	v2 =	vld.idx.msk [tilespmem:v3+s24+$0x0], $0xffff  }
0x517: {  	v3 =	vor.u32 $0x1B, v1;
	_ =	sdelay $0x3  }
0x518: {  	[tilespmem:s1+$0xFFFFFD80] =	vst v2  }
0x519: {  	v2 =	vld.idx.msk [tilespmem:v3+s24+$0x0], $0xffff  }
0x51a: {  	v3 =	vor.u32 $0x1C, v1;
	_ =	sdelay $0x3  }
0x51b: {  	[tilespmem:s1+$0xFFFFFE00] =	vst v2  }
0x51c: {  	v2 =	vld.idx.msk [tilespmem:v3+s24+$0x0], $0xffff  }
0x51d: {  	v3 =	vor.u32 $0x1D, v1;
	_ =	sdelay $0x3  }
0x51e: {  	[tilespmem:s1+$0xFFFFFE80] =	vst v2  }
0x51f: {  	v2 =	vld.idx.msk [tilespmem:v3+s24+$0x0], $0xffff  }
0x520: {  	v3 =	vor.u32 $0x1E, v1;
	_ =	sdelay $0x3  }
0x521: {  	[tilespmem:s1+$0xFFFFFF00] =	vst v2  }
0x522: {  	v2 =	vld.idx.msk [tilespmem:v3+s24+$0x0], $0xffff  }
0x523: {  	v1 =	vor.u32 $0x1F, v1;
	_ =	sdelay $0x3  }
0x524: {  	[tilespmem:s1+$0xFFFFFF80] =	vst v2  }
0x525: {  	s4 =	simm.s32 $0x10;
	v1 =	vld.idx.msk [tilespmem:v1+s24+$0x0], $0xffff  }
.LBB2_14:
0x526: {  	_ =	sdelay $0x3  }
0x527: {  	p0 =	sne.s32 s4, $0x70;
	s0 =	sadd.s32 $0x10, s0;
	[tilespmem:s1+$0x0] =	vst v1;
	s1 =	sadd.s32 $0x10, s1  }
0x528: {  	s6 =	smov.u32 s4;
	s4 =	sadd.s32 $0x10, s4;
	v1 =	vld [tilespmem:s0+$0x0];
	_ =	sdelay $0x3  }
0x529: {  	v2 =	vmov s6  }
0x52a: {  	v2 =	vshll.u32 v2, $0x7;
	v1 =	vshll.u32 v1, $0x5  }
0x52b: {  	v2 =	vor.u32 v0, v2;
	v1 =	vand.u32 $0x60, v1  }
0x52c: {  	v1 =	vor.u32 v2, v1;
	_ =	sdelay $0x4  }
0x52d: {  	v2 =	vld.idx.msk [tilespmem:v1+s24+$0x0], $0xffff;
	_ =	sdelay $0x1  }
0x52e: {  	v3 =	vor.u32 $0x1, v1;
	_ =	sdelay $0x3  }
0x52f: {  	[tilespmem:s1+$0xFFFFF080] =	vst v2  }
0x530: {  	v2 =	vld.idx.msk [tilespmem:v3+s24+$0x0], $0xffff;
	_ =	sdelay $0x1  }
0x531: {  	v3 =	vor.u32 $0x2, v1;
	_ =	sdelay $0x3  }
0x532: {  	[tilespmem:s1+$0xFFFFF100] =	vst v2  }
0x533: {  	v2 =	vld.idx.msk [tilespmem:v3+s24+$0x0], $0xffff;
	_ =	sdelay $0x1  }
0x534: {  	v3 =	vor.u32 $0x3, v1;
	_ =	sdelay $0x3  }
0x535: {  	[tilespmem:s1+$0xFFFFF180] =	vst v2  }
0x536: {  	v2 =	vld.idx.msk [tilespmem:v3+s24+$0x0], $0xffff;
	_ =	sdelay $0x1  }
0x537: {  	v3 =	vor.u32 $0x4, v1;
	_ =	sdelay $0x3  }
0x538: {  	[tilespmem:s1+$0xFFFFF200] =	vst v2  }
0x539: {  	v2 =	vld.idx.msk [tilespmem:v3+s24+$0x0], $0xffff;
	_ =	sdelay $0x1  }
0x53a: {  	v3 =	vor.u32 $0x5, v1;
	_ =	sdelay $0x3  }
0x53b: {  	[tilespmem:s1+$0xFFFFF280] =	vst v2  }
0x53c: {  	v2 =	vld.idx.msk [tilespmem:v3+s24+$0x0], $0xffff;
	_ =	sdelay $0x1  }
0x53d: {  	v3 =	vor.u32 $0x6, v1;
	_ =	sdelay $0x3  }
0x53e: {  	[tilespmem:s1+$0xFFFFF300] =	vst v2  }
0x53f: {  	v2 =	vld.idx.msk [tilespmem:v3+s24+$0x0], $0xffff;
	_ =	sdelay $0x1  }
0x540: {  	v3 =	vor.u32 $0x7, v1;
	_ =	sdelay $0x3  }
0x541: {  	[tilespmem:s1+$0xFFFFF380] =	vst v2  }
0x542: {  	v2 =	vld.idx.msk [tilespmem:v3+s24+$0x0], $0xffff;
	_ =	sdelay $0x1  }
0x543: {  	v3 =	vor.u32 $0x8, v1;
	_ =	sdelay $0x3  }
0x544: {  	[tilespmem:s1+$0xFFFFF400] =	vst v2  }
0x545: {  	v2 =	vld.idx.msk [tilespmem:v3+s24+$0x0], $0xffff;
	_ =	sdelay $0x1  }
0x546: {  	v3 =	vor.u32 $0x9, v1;
	_ =	sdelay $0x3  }
0x547: {  	[tilespmem:s1+$0xFFFFF480] =	vst v2  }
0x548: {  	v2 =	vld.idx.msk [tilespmem:v3+s24+$0x0], $0xffff;
	_ =	sdelay $0x1  }
0x549: {  	v3 =	vor.u32 $0xA, v1;
	_ =	sdelay $0x3  }
0x54a: {  	[tilespmem:s1+$0xFFFFF500] =	vst v2  }
0x54b: {  	v2 =	vld.idx.msk [tilespmem:v3+s24+$0x0], $0xffff;
	_ =	sdelay $0x1  }
0x54c: {  	v3 =	vor.u32 $0xB, v1;
	_ =	sdelay $0x3  }
0x54d: {  	[tilespmem:s1+$0xFFFFF580] =	vst v2  }
0x54e: {  	v2 =	vld.idx.msk [tilespmem:v3+s24+$0x0], $0xffff;
	_ =	sdelay $0x1  }
0x54f: {  	v3 =	vor.u32 $0xC, v1;
	_ =	sdelay $0x3  }
0x550: {  	[tilespmem:s1+$0xFFFFF600] =	vst v2  }
0x551: {  	v2 =	vld.idx.msk [tilespmem:v3+s24+$0x0], $0xffff;
	_ =	sdelay $0x1  }
0x552: {  	v3 =	vor.u32 $0xD, v1;
	_ =	sdelay $0x3  }
0x553: {  	[tilespmem:s1+$0xFFFFF680] =	vst v2  }
0x554: {  	v2 =	vld.idx.msk [tilespmem:v3+s24+$0x0], $0xffff;
	_ =	sdelay $0x1  }
0x555: {  	v3 =	vor.u32 $0xE, v1;
	_ =	sdelay $0x3  }
0x556: {  	[tilespmem:s1+$0xFFFFF700] =	vst v2  }
0x557: {  	v2 =	vld.idx.msk [tilespmem:v3+s24+$0x0], $0xffff;
	_ =	sdelay $0x1  }
0x558: {  	v3 =	vor.u32 $0xF, v1;
	_ =	sdelay $0x3  }
0x559: {  	[tilespmem:s1+$0xFFFFF780] =	vst v2  }
0x55a: {  	v2 =	vld.idx.msk [tilespmem:v3+s24+$0x0], $0xffff;
	_ =	sdelay $0x1  }
0x55b: {  	v3 =	vor.u32 $0x10, v1;
	_ =	sdelay $0x3  }
0x55c: {  	[tilespmem:s1+$0xFFFFF800] =	vst v2  }
0x55d: {  	v2 =	vld.idx.msk [tilespmem:v3+s24+$0x0], $0xffff;
	_ =	sdelay $0x1  }
0x55e: {  	v3 =	vor.u32 $0x11, v1;
	_ =	sdelay $0x3  }
0x55f: {  	[tilespmem:s1+$0xFFFFF880] =	vst v2  }
0x560: {  	v2 =	vld.idx.msk [tilespmem:v3+s24+$0x0], $0xffff;
	_ =	sdelay $0x1  }
0x561: {  	v3 =	vor.u32 $0x12, v1;
	_ =	sdelay $0x3  }
0x562: {  	[tilespmem:s1+$0xFFFFF900] =	vst v2  }
0x563: {  	v2 =	vld.idx.msk [tilespmem:v3+s24+$0x0], $0xffff;
	_ =	sdelay $0x1  }
0x564: {  	v3 =	vor.u32 $0x13, v1;
	_ =	sdelay $0x3  }
0x565: {  	[tilespmem:s1+$0xFFFFF980] =	vst v2  }
0x566: {  	v2 =	vld.idx.msk [tilespmem:v3+s24+$0x0], $0xffff;
	_ =	sdelay $0x1  }
0x567: {  	v3 =	vor.u32 $0x14, v1;
	_ =	sdelay $0x3  }
0x568: {  	[tilespmem:s1+$0xFFFFFA00] =	vst v2  }
0x569: {  	v2 =	vld.idx.msk [tilespmem:v3+s24+$0x0], $0xffff;
	_ =	sdelay $0x1  }
0x56a: {  	v3 =	vor.u32 $0x15, v1;
	_ =	sdelay $0x3  }
0x56b: {  	[tilespmem:s1+$0xFFFFFA80] =	vst v2  }
0x56c: {  	v2 =	vld.idx.msk [tilespmem:v3+s24+$0x0], $0xffff;
	_ =	sdelay $0x1  }
0x56d: {  	v3 =	vor.u32 $0x16, v1;
	_ =	sdelay $0x3  }
0x56e: {  	[tilespmem:s1+$0xFFFFFB00] =	vst v2  }
0x56f: {  	v2 =	vld.idx.msk [tilespmem:v3+s24+$0x0], $0xffff;
	_ =	sdelay $0x1  }
0x570: {  	v3 =	vor.u32 $0x17, v1;
	_ =	sdelay $0x3  }
0x571: {  	[tilespmem:s1+$0xFFFFFB80] =	vst v2  }
0x572: {  	v2 =	vld.idx.msk [tilespmem:v3+s24+$0x0], $0xffff;
	_ =	sdelay $0x1  }
0x573: {  	v3 =	vor.u32 $0x18, v1;
	_ =	sdelay $0x3  }
0x574: {  	[tilespmem:s1+$0xFFFFFC00] =	vst v2  }
0x575: {  	v2 =	vld.idx.msk [tilespmem:v3+s24+$0x0], $0xffff;
	_ =	sdelay $0x1  }
0x576: {  	v3 =	vor.u32 $0x19, v1;
	_ =	sdelay $0x3  }
0x577: {  	[tilespmem:s1+$0xFFFFFC80] =	vst v2  }
0x578: {  	v2 =	vld.idx.msk [tilespmem:v3+s24+$0x0], $0xffff;
	_ =	sdelay $0x1  }
0x579: {  	v3 =	vor.u32 $0x1A, v1;
	_ =	sdelay $0x3  }
0x57a: {  	[tilespmem:s1+$0xFFFFFD00] =	vst v2  }
0x57b: {  	v2 =	vld.idx.msk [tilespmem:v3+s24+$0x0], $0xffff;
	_ =	sdelay $0x1  }
0x57c: {  	v3 =	vor.u32 $0x1B, v1;
	_ =	sdelay $0x3  }
0x57d: {  	[tilespmem:s1+$0xFFFFFD80] =	vst v2  }
0x57e: {  	v2 =	vld.idx.msk [tilespmem:v3+s24+$0x0], $0xffff;
	_ =	sdelay $0x1  }
0x57f: {  	v3 =	vor.u32 $0x1C, v1;
	_ =	sdelay $0x3  }
0x580: {  	[tilespmem:s1+$0xFFFFFE00] =	vst v2  }
0x581: {  	v2 =	vld.idx.msk [tilespmem:v3+s24+$0x0], $0xffff;
	_ =	sdelay $0x1  }
0x582: {  	v3 =	vor.u32 $0x1D, v1;
	_ =	sdelay $0x3  }
0x583: {  	[tilespmem:s1+$0xFFFFFE80] =	vst v2  }
0x584: {  	v2 =	vld.idx.msk [tilespmem:v3+s24+$0x0], $0xffff;
	_ =	sdelay $0x1  }
0x585: {  	v3 =	vor.u32 $0x1E, v1;
	_ =	sdelay $0x3  }
0x586: {  	[tilespmem:s1+$0xFFFFFF00] =	vst v2  }
0x587: {  	v2 =	vld.idx.msk [tilespmem:v3+s24+$0x0], $0xffff;
	_ =	sdelay $0x1  }
0x588: {  	v1 =	vor.u32 $0x1F, v1  }
.Ltmp6:
0x589: {  	(pc) =	sbr.rel @p0 .LBB2_14-.Ltmp6, $3  }
0x58a: {  	_ =	sdelay $0x1  }
0x58b: {  	[tilespmem:s1+$0xFFFFFF80] =	vst v2  }
0x58c: {  	v1 =	vld.idx.msk [tilespmem:v1+s24+$0x0], $0xffff  }
0x58d: {  	_ =	sdelay $0x3  }
0x58e: {  	s0 =	rddreg [dreg:$0x7];
	[tilespmem:s1+$0x0] =	vst v1  }
0x58f: {  	[hbm4b:s0+s25] =	stream.strided.scatter [tilespmem:s26], [sflag:$0x4], $0x1000, s11, s25, $0x38;
	[tilespmem:$0x16200] =	vst v63  }
0x590: {  	_ =	swait.ge [sflag:s28], $0x1000  }
0x591: {  	[sflag:s28] =	ssyncset.done $0x0  }
0x592: {  	[sflag:s28] =	ssyncadd.s32 $0xFFFFF000  }
0x593: {  	_ =	swait.ge [sflag:s29], $0x1000  }
0x594: {  	s30 =	sadd.s32 $0x1, s30;
	s23 =	rddreg [dreg:$0x8]  }
0x595: {  	p0 =	sne.s32 s30, s23  }
.Ltmp7:
0x596: {  	_ = 	snop;
	(pc) =	sbr.rel @p0 .LBB2_1-.Ltmp7, $3  }
0x597: {  	_ =	sdelay $0x1  }
0x598: {  	[sflag:s29] =	ssyncset.done $0x0  }
0x599: {  	[sflag:s29] =	ssyncadd.s32 $0xFFFFF000  }
0x59a: {  	_ =	sfence.sel $0x180000  }
0x59b: {  	[bflag:$0x0] =	sbarrier.arrive $0xFFFF  }
0x59c: {  	_ =	strace $0x90000047  }
0x59d: {  	s0 =	stileid.u32;
	[bflag:$0x2] =	sbarrier.arrive $0xFFFF  }
0x59e: {  	p0 =	sne.s32 s0, $0x0;
	s0 =	rddreg [dreg:$0x3]  }
0x59f: {  	s0 =	sadd.s32 @!p0 $0x100000, s0  }
0x5a0: {  	[sflag:s0] =	ssyncadd.tile.s32 @!p0 $0x1;
	_ =	shalt  }
.Lfunc_end2:
_tile_overlayer_lowered:
.L_overlay_start_2:
0x5a1: {  	(tag) =	ssettag $0x2  }
0x5a2: {  	s0 =	rddreg [dreg:$0x0];
	s2 =	stileid.u32  }
0x5a3: {  	s1 =	rddreg [dreg:$0x1];
	p0 =	sne.s32 s2, $0x0  }
0x5a4: {  	s3 =	rddreg [dreg:$0x2];
	[bflag:$0x3] =	sbarrier.arrive $0xFFFF;
	s2 =	simm.s32 @!p0 $0x1C05  }
0x5a5: {  	[timem:s3], [sflag:s2] =	dma.local @!p0 [hbm:s0], s1  }
0x5a6: {  	s0 =	simm.s32 @!p0 $0x5  }
0x5a7: {  	_ =	swait.ge @!p0 [sflag:s0], s1  }
0x5a8: {  	s1 =	ssub.s32 @!p0 $0x0, s1;
	[sflag:s0] =	ssyncset.done @!p0 $0x0  }
0x5a9: {  	[sflag:s0] =	ssyncadd.s32 @!p0 s1  }
0x5aa: {  	[bflag:$0x3] =	sbarrier.arrive $0xFFFF  }
0x5ab: {  	_ =	shalt  }

</sc_bundles>
